<compile_context>
chip_gen: v7x
topology: tpu7x:2x2x1
jax: 0.10.2.dev20260603
libtpu: 0.0.44.dev20260713+nightly
codegen_flags: <defaults>
</compile_context>

<pallas_src>
import dataclasses
import functools

import jax
import jax.numpy as jnp
from jax import lax
from jax.experimental import pallas as pl
from jax.experimental.pallas import tpu as pltpu
from jax.experimental.pallas import tpu_sc as plsc

NC = 2
NS = 16
L = 16
IB = 128
CHUNK = 256
KI = CHUNK // IB


def _round_up(x, m):
    return (x + m - 1) // m * m


def _zero_block(rows_sub):
    for cand in range(min(512, rows_sub), 7, -1):
        if rows_sub % cand == 0 and cand % 8 == 0:
            return cand
    return 8


def _sc_params():
    cp = pltpu.CompilerParams()
    fields = pltpu.CompilerParams.__dataclass_fields__
    if "needs_layout_passes" in fields:
        cp = dataclasses.replace(cp, needs_layout_passes=False)
    if "use_tc_tiling_on_sc" in fields:
        cp = dataclasses.replace(cp, use_tc_tiling_on_sc=False)
    return cp


def _phase_a(NP, EP):
    ea = EP // (NC * NS)
    nchunks = ea // CHUNK
    assert nchunks % 2 == 0
    rows_sub = NP // NS
    zb = _zero_block(rows_sub)
    nz = rows_sub // zb

    mesh = plsc.VectorSubcoreMesh(core_axis_name="c", subcore_axis_name="s")

    @functools.partial(
        pl.kernel,
        out_type=jax.ShapeDtypeStruct((NC, NP, 16), jnp.float32),
        mesh=mesh,
        scratch_types=(
            [pltpu.VMEM((IB,), jnp.int32) for _ in range(2 * KI)]
            + [pltpu.VMEM((IB,), jnp.int32) for _ in range(2 * KI)]
            + [pltpu.VMEM((IB, 16), jnp.float32) for _ in range(2 * KI)]
            + [pltpu.VMEM((CHUNK, 16), jnp.float32) for _ in range(2)]
            + [
                pltpu.VMEM((zb, 16), jnp.float32),
                pltpu.VMEM_SHARED((NP, 16), jnp.float32),
                pltpu.SemaphoreType.DMA,
                pltpu.SemaphoreType.DMA,
                pltpu.SemaphoreType.DMA,
                pltpu.SemaphoreType.DMA,
            ]
        ),
        compiler_params=_sc_params(),
    )
    def phase_a(src_hbm, dst_hbm, pe_hbm, nf_hbm, out_hbm, *refs):
        sidx = [refs[0:KI], refs[KI:2 * KI]]
        didx = [refs[2 * KI:3 * KI], refs[3 * KI:4 * KI]]
        rows = [refs[4 * KI:5 * KI], refs[5 * KI:6 * KI]]
        pe_v = refs[6 * KI:6 * KI + 2]
        zb_v, acc_sh, ls0, ls1, gs0, gs1 = refs[6 * KI + 2:]
        lsem = [ls0, ls1]
        gsem = [gs0, gs1]
        cid = lax.axis_index("c")
        sid = lax.axis_index("s")
        wid = sid * NC + cid

        @pl.loop(0, zb)
        def _(i):
            zb_v[i, :] = jnp.zeros((16,), jnp.float32)

        row0 = sid * rows_sub

        @pl.loop(0, nz)
        def _(k):
            pltpu.sync_copy(zb_v.at[pl.ds(0, zb), :],
                            acc_sh.at[pl.ds(row0 + k * zb, zb), :])

        plsc.subcore_barrier()

        base0 = wid * ea

        def start_loads(b, base):
            pltpu.async_copy(pe_hbm.at[pl.ds(base, CHUNK), :],
                             pe_v[b], lsem[b])
            for j in range(KI):
                pltpu.async_copy(src_hbm.at[pl.ds(base + j * IB, IB)],
                                 sidx[b][j], lsem[b])
                pltpu.async_copy(dst_hbm.at[pl.ds(base + j * IB, IB)],
                                 didx[b][j], lsem[b])

        def wait_loads(b):
            pltpu.make_async_copy(pe_hbm.at[pl.ds(0, CHUNK), :],
                                  pe_v[b], lsem[b]).wait()
            for j in range(KI):
                pltpu.make_async_copy(src_hbm.at[pl.ds(0, IB)],
                                      sidx[b][j], lsem[b]).wait()
                pltpu.make_async_copy(dst_hbm.at[pl.ds(0, IB)],
                                      didx[b][j], lsem[b]).wait()

        def start_gathers(b):
            for j in range(KI):
                pltpu.async_copy(nf_hbm.at[sidx[b][j]], rows[b][j], gsem[b])

        def wait_gathers(b):
            for j in range(KI):
                pltpu.make_async_copy(nf_hbm.at[sidx[b][j]],
                                      rows[b][j], gsem[b]).wait()

        def compute(b):
            for j in range(KI):
                @pl.loop(0, IB, unroll=8)
                def _(i):
                    mrow = jnp.full((L,), j * IB + i, jnp.int32)
                    mcol = jnp.full((L,), 15, jnp.int32)
                    mb = plsc.load_gather(pe_v[b], [mrow, mcol])
                    rows[b][j][i, :] = (mb * rows[b][j][i, :]
                                        + pe_v[b][j * IB + i, :])

        def scatter(b):
            for j in range(KI):
                pltpu.sync_copy(rows[b][j], acc_sh.at[didx[b][j]], add=True)

        start_loads(0, pl.multiple_of(base0, IB))

        @pl.loop(0, nchunks, step=2)
        def _(ci):
            base = pl.multiple_of(base0 + ci * CHUNK, IB)
            wait_loads(0)
            start_gathers(0)
            start_loads(1, base + CHUNK)
            wait_gathers(0)
            compute(0)
            wait_loads(1)
            start_gathers(1)
            scatter(0)

            @pl.when(ci + 2 < nchunks)
            def _():
                start_loads(0, base + 2 * CHUNK)

            wait_gathers(1)
            compute(1)
            scatter(1)

        plsc.subcore_barrier()
        pltpu.sync_copy(acc_sh.at[pl.ds(row0, rows_sub), :],
                        out_hbm.at[cid, pl.ds(row0, rows_sub), :])

    return phase_a


def _phase_b(NP, EP):
    eb = EP // NS
    nchunks = eb // CHUNK
    assert nchunks % 2 == 0
    rows_sub = NP // NS
    zb = _zero_block(rows_sub)
    nz = rows_sub // zb

    mesh = plsc.VectorSubcoreMesh(core_axis_name="c", subcore_axis_name="s")

    @functools.partial(
        pl.kernel,
        out_type=jax.ShapeDtypeStruct((NC, NP, 16), jnp.float32),
        mesh=mesh,
        scratch_types=(
            [pltpu.VMEM((IB,), jnp.int32) for _ in range(2 * KI)]
            + [pltpu.VMEM((IB,), jnp.int32) for _ in range(2 * KI)]
            + [pltpu.VMEM((IB, 16), jnp.float32) for _ in range(2 * KI)]
            + [pltpu.VMEM((CHUNK,), jnp.float32) for _ in range(2)]
            + [
                pltpu.VMEM((zb, 16), jnp.float32),
                pltpu.VMEM_SHARED((NP, 16), jnp.float32),
                pltpu.SemaphoreType.DMA,
                pltpu.SemaphoreType.DMA,
                pltpu.SemaphoreType.DMA,
                pltpu.SemaphoreType.DMA,
            ]
        ),
        compiler_params=_sc_params(),
    )
    def phase_b(src_hbm, dst_hbm, mask_hbm, h_hbm, out_hbm, *refs):
        sidx = [refs[0:KI], refs[KI:2 * KI]]
        didx = [refs[2 * KI:3 * KI], refs[3 * KI:4 * KI]]
        rows = [refs[4 * KI:5 * KI], refs[5 * KI:6 * KI]]
        mask_v = refs[6 * KI:6 * KI + 2]
        zb_v, acc_sh, ls0, ls1, gs0, gs1 = refs[6 * KI + 2:]
        lsem = [ls0, ls1]
        gsem = [gs0, gs1]
        cid = lax.axis_index("c")
        sid = lax.axis_index("s")

        @pl.loop(0, zb)
        def _(i):
            zb_v[i, :] = jnp.zeros((16,), jnp.float32)

        row0 = sid * rows_sub

        @pl.loop(0, nz)
        def _(k):
            pltpu.sync_copy(zb_v.at[pl.ds(0, zb), :],
                            acc_sh.at[pl.ds(row0 + k * zb, zb), :])

        plsc.subcore_barrier()

        base0 = sid * eb
        goff = cid * NP

        def start_loads(b, base):
            pltpu.async_copy(mask_hbm.at[pl.ds(base, CHUNK)],
                             mask_v[b], lsem[b])
            for j in range(KI):
                pltpu.async_copy(src_hbm.at[pl.ds(base + j * IB, IB)],
                                 sidx[b][j], lsem[b])
                pltpu.async_copy(dst_hbm.at[pl.ds(base + j * IB, IB)],
                                 didx[b][j], lsem[b])

        def wait_loads(b):
            pltpu.make_async_copy(mask_hbm.at[pl.ds(0, CHUNK)],
                                  mask_v[b], lsem[b]).wait()
            for j in range(KI):
                pltpu.make_async_copy(src_hbm.at[pl.ds(0, IB)],
                                      sidx[b][j], lsem[b]).wait()
                pltpu.make_async_copy(dst_hbm.at[pl.ds(0, IB)],
                                      didx[b][j], lsem[b]).wait()

        def start_gathers(b):
            for j in range(KI):
                @pl.loop(0, IB, step=L)
                def _(k):
                    sidx[b][j][pl.ds(k, L)] = sidx[b][j][pl.ds(k, L)] + goff
            for j in range(KI):
                pltpu.async_copy(h_hbm.at[sidx[b][j]], rows[b][j], gsem[b])

        def wait_gathers(b):
            for j in range(KI):
                pltpu.make_async_copy(h_hbm.at[sidx[b][j]],
                                      rows[b][j], gsem[b]).wait()

        def compute(b):
            for j in range(KI):
                @pl.loop(0, IB, unroll=8)
                def _(i):
                    mb = plsc.load_gather(
                        mask_v[b], [jnp.full((L,), j * IB + i, jnp.int32)])
                    rows[b][j][i, :] = mb * rows[b][j][i, :]

        def scatter(b):
            for j in range(KI):
                pltpu.sync_copy(rows[b][j], acc_sh.at[didx[b][j]], add=True)

        start_loads(0, pl.multiple_of(base0, IB))

        @pl.loop(0, nchunks, step=2)
        def _(ci):
            base = pl.multiple_of(base0 + ci * CHUNK, IB)
            wait_loads(0)
            start_gathers(0)
            start_loads(1, base + CHUNK)
            wait_gathers(0)
            compute(0)
            wait_loads(1)
            start_gathers(1)
            scatter(0)

            @pl.when(ci + 2 < nchunks)
            def _():
                start_loads(0, base + 2 * CHUNK)

            wait_gathers(1)
            compute(1)
            scatter(1)

        plsc.subcore_barrier()
        pltpu.sync_copy(acc_sh.at[pl.ds(row0, rows_sub), :],
                        out_hbm.at[cid, pl.ds(row0, rows_sub), :])

    return phase_b


def _prep_call(ef_p, mask_p, E, EP):
    BE = 2048
    grid = EP // BE

    def prep(ef_ref, m_ref, o_ref):
        i = pl.program_id(0)
        m = m_ref[...]
        valid = ((lax.broadcasted_iota(jnp.int32, (BE, 1), 0) + i * BE)
                 < E).astype(jnp.float32)
        o_ref[...] = jnp.concatenate(
            [ef_ref[...] * m,
             jnp.zeros((BE, 7), jnp.float32),
             valid,
             jnp.zeros((BE, 3), jnp.float32),
             m], axis=1)

    return pl.pallas_call(
        prep,
        grid=(grid,),
        in_specs=[pl.BlockSpec((BE, 4), lambda i: (i, 0)),
                  pl.BlockSpec((BE, 1), lambda i: (i, 0))],
        out_specs=pl.BlockSpec((BE, 16), lambda i: (i, 0)),
        out_shape=jax.ShapeDtypeStruct((EP, 16), jnp.float32),
    )(ef_p, mask_p)


def _dense1_call(pA, W1p, b1, W2, b2, NP):
    BN = NP // 32
    grid = NP // BN

    def dense1(pa_ref, w1_ref, b1_ref, w2_ref, b2_ref, h_ref, dinv_ref):
        s = pa_ref[0] + pa_ref[1]
        deg = jnp.maximum(s[:, 11:12], 1.0)
        dinv = 1.0 / deg
        hn = s * dinv
        z = jnp.dot(hn, w1_ref[...], preferred_element_type=jnp.float32)
        z = jnp.maximum(z + b1_ref[...], 0.0)
        h = jnp.dot(z, w2_ref[...], preferred_element_type=jnp.float32)
        h = jnp.maximum(h + b2_ref[...], 0.0)
        h_ref[0] = h[:, :16]
        h_ref[1] = h[:, 16:]
        dinv_ref[...] = dinv

    return pl.pallas_call(
        dense1,
        grid=(grid,),
        in_specs=[pl.BlockSpec((2, BN, 16), lambda i: (0, i, 0)),
                  pl.BlockSpec((16, 32), lambda i: (0, 0)),
                  pl.BlockSpec((1, 32), lambda i: (0, 0)),
                  pl.BlockSpec((32, 32), lambda i: (0, 0)),
                  pl.BlockSpec((1, 32), lambda i: (0, 0))],
        out_specs=[pl.BlockSpec((2, BN, 16), lambda i: (0, i, 0)),
                   pl.BlockSpec((BN, 1), lambda i: (i, 0))],
        out_shape=[jax.ShapeDtypeStruct((2, NP, 16), jnp.float32),
                   jax.ShapeDtypeStruct((NP, 1), jnp.float32)],
    )(pA, W1p, b1, W2, b2)


def _dense2_call(s2, dinv, W3, b3, W4, b4, W5, b5, W6, b6, N, NP):
    BN = NP // 32
    grid = NP // BN

    def dense2(s2_ref, dinv_ref, w3_ref, b3_ref, w4_ref, b4_ref,
               w5_ref, b5_ref, w6_ref, b6_ref, out_ref, mscr):
        i = pl.program_id(0)
        hcat = jnp.concatenate([s2_ref[0], s2_ref[1]], axis=1)
        hn = hcat * dinv_ref[...]
        h = jnp.dot(hn, w3_ref[...], preferred_element_type=jnp.float32)
        h = jnp.maximum(h + b3_ref[...], 0.0)
        h = jnp.dot(h, w4_ref[...], preferred_element_type=jnp.float32)
        h = jnp.maximum(h + b4_ref[...], 0.0)
        valid = (lax.broadcasted_iota(jnp.int32, (BN, 1), 0) + i * BN) < N
        h = jnp.where(valid, h, -jnp.inf)
        bmax = jnp.max(h, axis=0, keepdims=True)

        @pl.when(i == 0)
        def _():
            mscr[...] = bmax

        @pl.when(i > 0)
        def _():
            mscr[...] = jnp.maximum(mscr[...], bmax)

        @pl.when(i == grid - 1)
        def _():
            pooled = mscr[...]
            t = jnp.dot(pooled, w5_ref[...], preferred_element_type=jnp.float32)
            t = jnp.maximum(t + b5_ref[...], 0.0)
            logits = jnp.dot(t, w6_ref[...],
                             preferred_element_type=jnp.float32) + b6_ref[...]
            z = logits - jnp.max(logits, axis=1, keepdims=True)
            ez = jnp.exp(z)
            out_ref[...] = ez / jnp.sum(ez, axis=1, keepdims=True)

    return pl.pallas_call(
        dense2,
        grid=(grid,),
        in_specs=[pl.BlockSpec((2, BN, 16), lambda i: (0, i, 0)),
                  pl.BlockSpec((BN, 1), lambda i: (i, 0)),
                  pl.BlockSpec((32, 32), lambda i: (0, 0)),
                  pl.BlockSpec((1, 32), lambda i: (0, 0)),
                  pl.BlockSpec((32, 32), lambda i: (0, 0)),
                  pl.BlockSpec((1, 32), lambda i: (0, 0)),
                  pl.BlockSpec((32, 16), lambda i: (0, 0)),
                  pl.BlockSpec((1, 16), lambda i: (0, 0)),
                  pl.BlockSpec((16, 2), lambda i: (0, 0)),
                  pl.BlockSpec((1, 2), lambda i: (0, 0))],
        out_specs=pl.BlockSpec((1, 2), lambda i: (0, 0)),
        out_shape=jax.ShapeDtypeStruct((1, 2), jnp.float32),
        scratch_shapes=[pltpu.VMEM((1, 32), jnp.float32)],
    )(s2, dinv, W3, b3, W4, b4, W5, b5, W6, b6)


def kernel(node_feat, edge_feat, edge_mask, edge_index,
           W1, b1, W2, b2, W3, b3, W4, b4, W5, b5, W6, b6):
    N, FN = node_feat.shape
    NP = _round_up(N, 128)
    E = edge_index.shape[1]
    EP = _round_up(E, NC * NS * CHUNK)

    src_p = jnp.pad(edge_index[0], (0, EP - E))
    dst_p = jnp.pad(edge_index[1], (0, EP - E))
    mask_p = jnp.pad(edge_mask, ((0, EP - E), (0, 0)))
    ef_p = jnp.pad(edge_feat, ((0, EP - E), (0, 0)))
    src2 = src_p
    dst2 = dst_p
    nf16 = jnp.pad(node_feat, ((0, 0), (4, 16 - 4 - FN)))
    W1p = jnp.pad(W1, ((0, 16 - W1.shape[0]), (0, 0)))

    pe16 = _prep_call(ef_p, mask_p, E, EP)
    pA = _phase_a(NP, EP)(src2, dst2, pe16, nf16)
    h2, dinv = _dense1_call(pA, W1p, b1.reshape(1, -1), W2,
                            b2.reshape(1, -1), NP)
    h2flat = h2.reshape(NC * NP, 16)
    s2 = _phase_b(NP, EP)(src2, dst2, mask_p.reshape(EP), h2flat)
    pred = _dense2_call(s2, dinv, W3, b3.reshape(1, -1), W4,
                        b4.reshape(1, -1), W5, b5.reshape(1, -1),
                        W6, b6.reshape(1, -1), N, NP)
    return pred

# --- scband reference (transcript-rebuilt; emitter-appended) ---
"""Pipeline reference for scband-mutag-gcn-masked-87041807221072 (READ-ONLY COPY).

The authoritative reference and input builder live on the scoring server;
editing this copy changes nothing except your own understanding.
"""

import jax, jax.numpy as jnp
import numpy as np

N = 100000
E = 1600000

def _linear_params(k, fin, fout):
    bound = 1.0 / np.sqrt(fin)
    kw, kb = jax.random.split(k)
    W = jax.random.uniform(kw, (fin, fout), minval=-bound, maxval=bound, dtype=jnp.float32)
    b = jax.random.uniform(kb, (fout,), minval=-bound, maxval=bound, dtype=jnp.float32)
    return W, b

def setup_inputs(seed: int = 0):
    key = jax.random.key(seed)
    ks = jax.random.split(key, 10)
    W1, b1 = _linear_params(ks[0], 11, 32)
    W2, b2 = _linear_params(ks[1], 32, 32)
    W3, b3 = _linear_params(ks[2], 32, 32)
    W4, b4 = _linear_params(ks[3], 32, 32)
    W5, b5 = _linear_params(ks[4], 32, 16)
    W6, b6 = _linear_params(ks[5], 16, 2)
    node_feat = jax.random.normal(ks[6], (N, 7), dtype=jnp.float32)
    edge_feat = jax.random.normal(ks[7], (E, 4), dtype=jnp.float32)
    edge_mask = jax.random.uniform(ks[8], (E, 1), dtype=jnp.float32)
    edge_index = jax.random.randint(ks[9], (2, E), 0, N).astype(jnp.int32)
    return {"node_feat": node_feat, "edge_feat": edge_feat, "edge_mask": edge_mask,
            "edge_index": edge_index,
            "W1": W1, "b1": b1, "W2": W2, "b2": b2, "W3": W3, "b3": b3,
            "W4": W4, "b4": b4, "W5": W5, "b5": b5, "W6": W6, "b6": b6}

def reference(node_feat, edge_feat, edge_mask, edge_index,
              W1, b1, W2, b2, W3, b3, W4, b4, W5, b5, W6, b6):
    src = edge_index[0]
    dst = edge_index[1]
    n = node_feat.shape[0]
    e = edge_index.shape[1]
    # in-degree for fn.mean (degree-0 nodes get 0 message, guard divide)
    deg = jax.ops.segment_sum(jnp.ones((e,), jnp.float32), dst, num_segments=n)
    deg = jnp.maximum(deg, 1.0)[:, None]
    # layer 1 message: edge_mask * cat(edge_feat, src_feat) -> mean over dst
    m1 = edge_mask * jnp.concatenate([edge_feat, node_feat[src]], axis=1)
    h_neigh = jax.ops.segment_sum(m1, dst, num_segments=n) / deg
    h = jax.nn.relu(h_neigh @ W1 + b1)
    h = jax.nn.relu(h @ W2 + b2)
    # layer 2 message: edge_mask * src_h -> mean over dst
    m2 = edge_mask * h[src]
    h_neigh2 = jax.ops.segment_sum(m2, dst, num_segments=n) / deg
    h = jax.nn.relu(h_neigh2 @ W3 + b3)
    h = jax.nn.relu(h @ W4 + b4)
    # batch_size == 1 path: global max pool over nodes, MLP, softmax over dim 0
    pooled = jnp.max(h, axis=0)
    logits = jax.nn.relu(pooled @ W5 + b5) @ W6 + b6
    pred = jax.nn.softmax(logits, axis=0)
    return pred[None, :]

if __name__ == "__main__":
    import jax
    _d = setup_inputs()
    print(jax.jit(kernel)(*tuple(_d.values())))

</pallas_src>

<mosaic_0001>
#map = affine_map<(d0, d1) -> (0)>
#map1 = affine_map<(d0, d1) -> (0, 0)>
#map2 = affine_map<(d0, d1) -> (0, 0, 0)>
module attributes {stable_mosaic.version = 14 : i64} {
  func.func @phase_b(%arg0: i32, %arg1: i32, %arg2: memref<1605632xi32, #tpu.memory_space<hbm>>, %arg3: memref<1605632xi32, #tpu.memory_space<hbm>>, %arg4: memref<1605632xf32, #tpu.memory_space<hbm>>, %arg5: memref<200192x16xf32, #tpu.memory_space<hbm>>, %arg6: memref<2x100096x16xf32, #tpu.memory_space<hbm>>, %arg7: memref<128xi32, #tpu.memory_space<vmem>>, %arg8: memref<128xi32, #tpu.memory_space<vmem>>, %arg9: memref<128xi32, #tpu.memory_space<vmem>>, %arg10: memref<128xi32, #tpu.memory_space<vmem>>, %arg11: memref<128xi32, #tpu.memory_space<vmem>>, %arg12: memref<128xi32, #tpu.memory_space<vmem>>, %arg13: memref<128xi32, #tpu.memory_space<vmem>>, %arg14: memref<128xi32, #tpu.memory_space<vmem>>, %arg15: memref<128x16xf32, #tpu.memory_space<vmem>>, %arg16: memref<128x16xf32, #tpu.memory_space<vmem>>, %arg17: memref<128x16xf32, #tpu.memory_space<vmem>>, %arg18: memref<128x16xf32, #tpu.memory_space<vmem>>, %arg19: memref<256xf32, #tpu.memory_space<vmem>>, %arg20: memref<256xf32, #tpu.memory_space<vmem>>, %arg21: memref<368x16xf32, #tpu.memory_space<vmem>>, %arg22: memref<100096x16xf32, #tpu.memory_space<vmem_shared>>, %arg23: memref<!tpu.dma_semaphore, #tpu.memory_space<semaphore_mem>>, %arg24: memref<!tpu.dma_semaphore, #tpu.memory_space<semaphore_mem>>, %arg25: memref<!tpu.dma_semaphore, #tpu.memory_space<semaphore_mem>>, %arg26: memref<!tpu.dma_semaphore, #tpu.memory_space<semaphore_mem>>) attributes {dimension_semantics = [#tpu.dimension_semantics<core_parallel>, #tpu.dimension_semantics<subcore_parallel>], iteration_bounds = array<i64: 2, 16>, scalar_prefetch = 0 : i64, scratch_operands = 20 : i64, tpu.core_type = #tpu.core_type<sc_vector_subcore>, window_params = [{transform_indices = #map}, {transform_indices = #map}, {transform_indices = #map}, {transform_indices = #map1}, {transform_indices = #map2}]} {
    %scan3A = arith.constant 0 : i32
    %scan3A_0 = arith.constant 368 : i32
    %scan3A_1 = arith.addi %scan3A, %scan3A_0 : i32
    %scan3A_2 = arith.constant 1 : i32
    scf.for %scan3A_36 = %scan3A to %scan3A_1 step %scan3A_2  : i32 {
      %mul3A_37 = arith.constant 1 : i32
      %mul3A_38 = arith.muli %scan3A_36, %mul3A_37 : i32
      %add3A_39 = arith.constant 0 : i32
      %add3A_40 = arith.addi %add3A_39, %mul3A_38 : i32
      %broadcast_in_dim3A = arith.constant 0.000000e+00 : f32
      %broadcast_in_dim3A_41 = vector.broadcast %broadcast_in_dim3A : f32 to vector<16xf32>
      %swap3A = arith.index_cast %add3A_40 : i32 to index
      %swap3A_42 = arith.constant 0 : index
      %swap3A_43 = tpu.vector_load %arg21[%swap3A, %swap3A_42] {strides = array<i32>} : memref<368x16xf32, #tpu.memory_space<vmem>>, vector<16xf32>,
      tpu.vector_store %arg21[%swap3A, %swap3A_42], %broadcast_in_dim3A_41 {strides = array<i32>} : memref<368x16xf32, #tpu.memory_space<vmem>>, vector<16xf32>,
    }
    %scan3A_3 = arith.constant 368 : i32
    %mul3A = arith.constant 6256 : i32
    %mul3A_4 = arith.muli %arg1, %mul3A : i32
    %scan3A_5 = arith.constant 0 : i32
    %scan3A_6 = arith.constant 17 : i32
    %scan3A_7 = arith.addi %scan3A_5, %scan3A_6 : i32
    %scan3A_8 = arith.constant 1 : i32
    scf.for %scan3A_36 = %scan3A_5 to %scan3A_7 step %scan3A_8  : i32 {
      %mul3A_37 = arith.constant 1 : i32
      %mul3A_38 = arith.muli %scan3A_36, %mul3A_37 : i32
      %add3A_39 = arith.constant 0 : i32
      %add3A_40 = arith.addi %add3A_39, %mul3A_38 : i32
      %mul3A_41 = arith.constant 368 : i32
      %mul3A_42 = arith.muli %add3A_40, %mul3A_41 : i32
      %add3A_43 = arith.addi %mul3A_4, %mul3A_42 : i32
      "tpu.region"() ({
        %run_scoped3A = tpu.sem_alloc : memref<!tpu.dma_semaphore, #tpu.memory_space<semaphore_mem>>
        %dma_start3A_44 = arith.constant 0 : i32
        %dma_start3A_45 = arith.constant 0 : i32
        %dma_start3A_46 = tpu.memref_slice %arg21[%dma_start3A_44, %dma_start3A_45] : memref<368x16xf32, #tpu.memory_space<vmem>> -> memref<368x16xf32, #tpu.memory_space<vmem>>
        %dma_start3A_47 = arith.constant 0 : i32
        %dma_start3A_48 = tpu.memref_slice %arg22[%add3A_43, %dma_start3A_47] : memref<100096x16xf32, #tpu.memory_space<vmem_shared>> -> memref<368x16xf32, #tpu.memory_space<vmem_shared>>
        %dma_start3A_49 = arith.constant 0 : i32
        %dma_start3A_50 = tpu.memref_slice %arg22[%add3A_43, %dma_start3A_49] : memref<100096x16xf32, #tpu.memory_space<vmem_shared>> -> memref<368x16xf32, #tpu.memory_space<vmem_shared>>
        %dma_start3A_51 = arith.constant 0 : i32
        %dma_start3A_52 = arith.constant 0 : i32
        %dma_start3A_53 = tpu.memref_slice %arg21[%dma_start3A_51, %dma_start3A_52] : memref<368x16xf32, #tpu.memory_space<vmem>> -> memref<368x16xf32, #tpu.memory_space<vmem>>
        tpu.enqueue_dma source(%dma_start3A_53 : memref<368x16xf32, #tpu.memory_space<vmem>>) target(%dma_start3A_50 : memref<368x16xf32, #tpu.memory_space<vmem_shared>>) target_semaphore(%run_scoped3A : memref<!tpu.dma_semaphore, #tpu.memory_space<semaphore_mem>>)
        %dma_wait3A = arith.constant 0 : i32
        %dma_wait3A_54 = arith.constant 0 : i32
        %dma_wait3A_55 = tpu.memref_slice %arg21[%dma_wait3A, %dma_wait3A_54] : memref<368x16xf32, #tpu.memory_space<vmem>> -> memref<368x16xf32, #tpu.memory_space<vmem>>
        %dma_wait3A_56 = arith.constant 0 : i32
        %dma_wait3A_57 = tpu.memref_slice %arg22[%add3A_43, %dma_wait3A_56] : memref<100096x16xf32, #tpu.memory_space<vmem_shared>> -> memref<368x16xf32, #tpu.memory_space<vmem_shared>>
        %dma_wait3A_58 = arith.constant 0 : i32
        %dma_wait3A_59 = tpu.memref_slice %arg22[%add3A_43, %dma_wait3A_58] : memref<100096x16xf32, #tpu.memory_space<vmem_shared>> -> memref<368x16xf32, #tpu.memory_space<vmem_shared>>
        %dma_wait3A_60 = arith.constant 0 : i32
        %dma_wait3A_61 = arith.constant 0 : i32
        %dma_wait3A_62 = tpu.memref_slice %arg21[%dma_wait3A_60, %dma_wait3A_61] : memref<368x16xf32, #tpu.memory_space<vmem>> -> memref<368x16xf32, #tpu.memory_space<vmem>>
        tpu.wait_dma2 semaphore(%run_scoped3A : memref<!tpu.dma_semaphore, #tpu.memory_space<semaphore_mem>>) src(%dma_wait3A_62 : memref<368x16xf32, #tpu.memory_space<vmem>>) dst(%dma_wait3A_59 : memref<368x16xf32, #tpu.memory_space<vmem_shared>>)
        tpu.yield
      }) : () -> ()
    }
    %scan3A_9 = arith.constant 17 : i32
    %barrier3A = arith.constant 0 : index
    tpu.barrier barrier_id(%barrier3A)
    %mul3A_10 = arith.constant 100352 : i32
    %mul3A_11 = arith.muli %arg1, %mul3A_10 : i32
    %mul3A_12 = arith.constant 100096 : i32
    %mul3A_13 = arith.muli %arg0, %mul3A_12 : i32
    %multiple_of3A = tpu.assume_multiple %mul3A_11, 128 : i32
    %dma_start3A = tpu.memref_slice %arg4[%multiple_of3A] : memref<1605632xf32, #tpu.memory_space<hbm>> -> memref<256xf32, #tpu.memory_space<hbm>>
    %dma_start3A_14 = tpu.memref_slice %arg4[%multiple_of3A] : memref<1605632xf32, #tpu.memory_space<hbm>> -> memref<256xf32, #tpu.memory_space<hbm>>
    tpu.enqueue_dma source(%dma_start3A_14 : memref<256xf32, #tpu.memory_space<hbm>>) target(%arg19 : memref<256xf32, #tpu.memory_space<vmem>>) target_semaphore(%arg23 : memref<!tpu.dma_semaphore, #tpu.memory_space<semaphore_mem>>)
    %add3A = arith.constant 0 : i32
    %add3A_15 = arith.addi %multiple_of3A, %add3A : i32
    %dma_start3A_16 = tpu.memref_slice %arg2[%add3A_15] : memref<1605632xi32, #tpu.memory_space<hbm>> -> memref<128xi32, #tpu.memory_space<hbm>>
    %dma_start3A_17 = tpu.memref_slice %arg2[%add3A_15] : memref<1605632xi32, #tpu.memory_space<hbm>> -> memref<128xi32, #tpu.memory_space<hbm>>
    tpu.enqueue_dma source(%dma_start3A_17 : memref<128xi32, #tpu.memory_space<hbm>>) target(%arg7 : memref<128xi32, #tpu.memory_space<vmem>>) target_semaphore(%arg23 : memref<!tpu.dma_semaphore, #tpu.memory_space<semaphore_mem>>)
    %add3A_18 = arith.constant 0 : i32
    %add3A_19 = arith.addi %multiple_of3A, %add3A_18 : i32
    %dma_start3A_20 = tpu.memref_slice %arg3[%add3A_19] : memref<1605632xi32, #tpu.memory_space<hbm>> -> memref<128xi32, #tpu.memory_space<hbm>>
    %dma_start3A_21 = tpu.memref_slice %arg3[%add3A_19] : memref<1605632xi32, #tpu.memory_space<hbm>> -> memref<128xi32, #tpu.memory_space<hbm>>
    tpu.enqueue_dma source(%dma_start3A_21 : memref<128xi32, #tpu.memory_space<hbm>>) target(%arg11 : memref<128xi32, #tpu.memory_space<vmem>>) target_semaphore(%arg23 : memref<!tpu.dma_semaphore, #tpu.memory_space<semaphore_mem>>)
    %add3A_22 = arith.constant 128 : i32
    %add3A_23 = arith.addi %multiple_of3A, %add3A_22 : i32
    %dma_start3A_24 = tpu.memref_slice %arg2[%add3A_23] : memref<1605632xi32, #tpu.memory_space<hbm>> -> memref<128xi32, #tpu.memory_space<hbm>>
    %dma_start3A_25 = tpu.memref_slice %arg2[%add3A_23] : memref<1605632xi32, #tpu.memory_space<hbm>> -> memref<128xi32, #tpu.memory_space<hbm>>
    tpu.enqueue_dma source(%dma_start3A_25 : memref<128xi32, #tpu.memory_space<hbm>>) target(%arg8 : memref<128xi32, #tpu.memory_space<vmem>>) target_semaphore(%arg23 : memref<!tpu.dma_semaphore, #tpu.memory_space<semaphore_mem>>)
    %add3A_26 = arith.constant 128 : i32
    %add3A_27 = arith.addi %multiple_of3A, %add3A_26 : i32
    %dma_start3A_28 = tpu.memref_slice %arg3[%add3A_27] : memref<1605632xi32, #tpu.memory_space<hbm>> -> memref<128xi32, #tpu.memory_space<hbm>>
    %dma_start3A_29 = tpu.memref_slice %arg3[%add3A_27] : memref<1605632xi32, #tpu.memory_space<hbm>> -> memref<128xi32, #tpu.memory_space<hbm>>
    tpu.enqueue_dma source(%dma_start3A_29 : memref<128xi32, #tpu.memory_space<hbm>>) target(%arg12 : memref<128xi32, #tpu.memory_space<vmem>>) target_semaphore(%arg23 : memref<!tpu.dma_semaphore, #tpu.memory_space<semaphore_mem>>)
    %scan3A_30 = arith.constant 0 : i32
    %scan3A_31 = arith.constant 196 : i32
    %scan3A_32 = arith.addi %scan3A_30, %scan3A_31 : i32
    %scan3A_33 = arith.constant 1 : i32
    scf.for %scan3A_36 = %scan3A_30 to %scan3A_32 step %scan3A_33  : i32 {
      %mul3A_37 = arith.constant 2 : i32
      %mul3A_38 = arith.muli %scan3A_36, %mul3A_37 : i32
      %add3A_39 = arith.constant 0 : i32
      %add3A_40 = arith.addi %add3A_39, %mul3A_38 : i32
      %mul3A_41 = arith.constant 256 : i32
      %mul3A_42 = arith.muli %add3A_40, %mul3A_41 : i32
      %add3A_43 = arith.addi %mul3A_11, %mul3A_42 : i32
      %multiple_of3A_44 = tpu.assume_multiple %add3A_43, 128 : i32
      %dma_wait3A = arith.constant 0 : i32
      %dma_wait3A_45 = tpu.memref_slice %arg4[%dma_wait3A] : memref<1605632xf32, #tpu.memory_space<hbm>> -> memref<256xf32, #tpu.memory_space<hbm>>
      %dma_wait3A_46 = arith.constant 0 : i32
      %dma_wait3A_47 = tpu.memref_slice %arg4[%dma_wait3A_46] : memref<1605632xf32, #tpu.memory_space<hbm>> -> memref<256xf32, #tpu.memory_space<hbm>>
      tpu.wait_dma2 semaphore(%arg23 : memref<!tpu.dma_semaphore, #tpu.memory_space<semaphore_mem>>) src(%dma_wait3A_47 : memref<256xf32, #tpu.memory_space<hbm>>) dst(%arg19 : memref<256xf32, #tpu.memory_space<vmem>>)
      %dma_wait3A_48 = arith.constant 0 : i32
      %dma_wait3A_49 = tpu.memref_slice %arg2[%dma_wait3A_48] : memref<1605632xi32, #tpu.memory_space<hbm>> -> memref<128xi32, #tpu.memory_space<hbm>>
      %dma_wait3A_50 = arith.constant 0 : i32
      %dma_wait3A_51 = tpu.memref_slice %arg2[%dma_wait3A_50] : memref<1605632xi32, #tpu.memory_space<hbm>> -> memref<128xi32, #tpu.memory_space<hbm>>
      tpu.wait_dma2 semaphore(%arg23 : memref<!tpu.dma_semaphore, #tpu.memory_space<semaphore_mem>>) src(%dma_wait3A_51 : memref<128xi32, #tpu.memory_space<hbm>>) dst(%arg7 : memref<128xi32, #tpu.memory_space<vmem>>)
      %dma_wait3A_52 = arith.constant 0 : i32
      %dma_wait3A_53 = tpu.memref_slice %arg3[%dma_wait3A_52] : memref<1605632xi32, #tpu.memory_space<hbm>> -> memref<128xi32, #tpu.memory_space<hbm>>
      %dma_wait3A_54 = arith.constant 0 : i32
      %dma_wait3A_55 = tpu.memref_slice %arg3[%dma_wait3A_54] : memref<1605632xi32, #tpu.memory_space<hbm>> -> memref<128xi32, #tpu.memory_space<hbm>>
      tpu.wait_dma2 semaphore(%arg23 : memref<!tpu.dma_semaphore, #tpu.memory_space<semaphore_mem>>) src(%dma_wait3A_55 : memref<128xi32, #tpu.memory_space<hbm>>) dst(%arg11 : memref<128xi32, #tpu.memory_space<vmem>>)
      %dma_wait3A_56 = arith.constant 0 : i32
      %dma_wait3A_57 = tpu.memref_slice %arg2[%dma_wait3A_56] : memref<1605632xi32, #tpu.memory_space<hbm>> -> memref<128xi32, #tpu.memory_space<hbm>>
      %dma_wait3A_58 = arith.constant 0 : i32
      %dma_wait3A_59 = tpu.memref_slice %arg2[%dma_wait3A_58] : memref<1605632xi32, #tpu.memory_space<hbm>> -> memref<128xi32, #tpu.memory_space<hbm>>
      tpu.wait_dma2 semaphore(%arg23 : memref<!tpu.dma_semaphore, #tpu.memory_space<semaphore_mem>>) src(%dma_wait3A_59 : memref<128xi32, #tpu.memory_space<hbm>>) dst(%arg8 : memref<128xi32, #tpu.memory_space<vmem>>)
      %dma_wait3A_60 = arith.constant 0 : i32
      %dma_wait3A_61 = tpu.memref_slice %arg3[%dma_wait3A_60] : memref<1605632xi32, #tpu.memory_space<hbm>> -> memref<128xi32, #tpu.memory_space<hbm>>
      %dma_wait3A_62 = arith.constant 0 : i32
      %dma_wait3A_63 = tpu.memref_slice %arg3[%dma_wait3A_62] : memref<1605632xi32, #tpu.memory_space<hbm>> -> memref<128xi32, #tpu.memory_space<hbm>>
      tpu.wait_dma2 semaphore(%arg23 : memref<!tpu.dma_semaphore, #tpu.memory_space<semaphore_mem>>) src(%dma_wait3A_63 : memref<128xi32, #tpu.memory_space<hbm>>) dst(%arg12 : memref<128xi32, #tpu.memory_space<vmem>>)
      %scan3A_64 = arith.constant 0 : i32
      %scan3A_65 = arith.constant 8 : i32
      %scan3A_66 = arith.addi %scan3A_64, %scan3A_65 : i32
      %scan3A_67 = arith.constant 1 : i32
      scf.for %scan3A_172 = %scan3A_64 to %scan3A_66 step %scan3A_67  : i32 {
        %mul3A_173 = arith.constant 16 : i32
        %mul3A_174 = arith.muli %scan3A_172, %mul3A_173 : i32
        %add3A_175 = arith.constant 0 : i32
        %add3A_176 = arith.addi %add3A_175, %mul3A_174 : i32
        %get3A = arith.index_cast %add3A_176 : i32 to index
        %get3A_177 = tpu.vector_load %arg7[%get3A] {strides = array<i32>} : memref<128xi32, #tpu.memory_space<vmem>>, vector<16xi32>,
        %add3A_178 = vector.broadcast %mul3A_13 : i32 to vector<16xi32>
        %add3A_179 = arith.addi %get3A_177, %add3A_178 : vector<16xi32>
        %swap3A = arith.index_cast %add3A_176 : i32 to index
        %swap3A_180 = tpu.vector_load %arg7[%swap3A] {strides = array<i32>} : memref<128xi32, #tpu.memory_space<vmem>>, vector<16xi32>,
        tpu.vector_store %arg7[%swap3A], %add3A_179 {strides = array<i32>} : memref<128xi32, #tpu.memory_space<vmem>>, vector<16xi32>,
      }
      %scan3A_68 = arith.constant 8 : i32
      %scan3A_69 = arith.constant 0 : i32
      %scan3A_70 = arith.constant 8 : i32
      %scan3A_71 = arith.addi %scan3A_69, %scan3A_70 : i32
      %scan3A_72 = arith.constant 1 : i32
      scf.for %scan3A_172 = %scan3A_69 to %scan3A_71 step %scan3A_72  : i32 {
        %mul3A_173 = arith.constant 16 : i32
        %mul3A_174 = arith.muli %scan3A_172, %mul3A_173 : i32
        %add3A_175 = arith.constant 0 : i32
        %add3A_176 = arith.addi %add3A_175, %mul3A_174 : i32
        %get3A = arith.index_cast %add3A_176 : i32 to index
        %get3A_177 = tpu.vector_load %arg8[%get3A] {strides = array<i32>} : memref<128xi32, #tpu.memory_space<vmem>>, vector<16xi32>,
        %add3A_178 = vector.broadcast %mul3A_13 : i32 to vector<16xi32>
        %add3A_179 = arith.addi %get3A_177, %add3A_178 : vector<16xi32>
        %swap3A = arith.index_cast %add3A_176 : i32 to index
        %swap3A_180 = tpu.vector_load %arg8[%swap3A] {strides = array<i32>} : memref<128xi32, #tpu.memory_space<vmem>>, vector<16xi32>,
        tpu.vector_store %arg8[%swap3A], %add3A_179 {strides = array<i32>} : memref<128xi32, #tpu.memory_space<vmem>>, vector<16xi32>,
      }
      %scan3A_73 = arith.constant 8 : i32
      %dma_start3A_74 = arith.constant 0 : i32
      %dma_start3A_75 = arith.constant 0 : i32
      %dma_start3A_76 = tpu.memref_slice %arg5[%dma_start3A_74, %dma_start3A_75] : memref<200192x16xf32, #tpu.memory_space<hbm>> -> memref<200192x16xf32, #tpu.memory_space<hbm>>
      tpu.enqueue_indirect_dma source(%dma_start3A_76 : memref<200192x16xf32, #tpu.memory_space<hbm>>) target(%arg15 : memref<128x16xf32, #tpu.memory_space<vmem>>) offsets(%arg7 : memref<128xi32, #tpu.memory_space<vmem>>) semaphore(%arg25 : memref<!tpu.dma_semaphore, #tpu.memory_space<semaphore_mem>>)
      %dma_start3A_77 = arith.constant 0 : i32
      %dma_start3A_78 = arith.constant 0 : i32
      %dma_start3A_79 = tpu.memref_slice %arg5[%dma_start3A_77, %dma_start3A_78] : memref<200192x16xf32, #tpu.memory_space<hbm>> -> memref<200192x16xf32, #tpu.memory_space<hbm>>
      tpu.enqueue_indirect_dma source(%dma_start3A_79 : memref<200192x16xf32, #tpu.memory_space<hbm>>) target(%arg16 : memref<128x16xf32, #tpu.memory_space<vmem>>) offsets(%arg8 : memref<128xi32, #tpu.memory_space<vmem>>) semaphore(%arg25 : memref<!tpu.dma_semaphore, #tpu.memory_space<semaphore_mem>>)
      %add3A_80 = arith.constant 256 : i32
      %add3A_81 = arith.addi %multiple_of3A_44, %add3A_80 : i32
      %dma_start3A_82 = tpu.memref_slice %arg4[%add3A_81] : memref<1605632xf32, #tpu.memory_space<hbm>> -> memref<256xf32, #tpu.memory_space<hbm>>
      %dma_start3A_83 = tpu.memref_slice %arg4[%add3A_81] : memref<1605632xf32, #tpu.memory_space<hbm>> -> memref<256xf32, #tpu.memory_space<hbm>>
      tpu.enqueue_dma source(%dma_start3A_83 : memref<256xf32, #tpu.memory_space<hbm>>) target(%arg20 : memref<256xf32, #tpu.memory_space<vmem>>) target_semaphore(%arg24 : memref<!tpu.dma_semaphore, #tpu.memory_space<semaphore_mem>>)
      %add3A_84 = arith.constant 0 : i32
      %add3A_85 = arith.addi %add3A_81, %add3A_84 : i32
      %dma_start3A_86 = tpu.memref_slice %arg2[%add3A_85] : memref<1605632xi32, #tpu.memory_space<hbm>> -> memref<128xi32, #tpu.memory_space<hbm>>
      %dma_start3A_87 = tpu.memref_slice %arg2[%add3A_85] : memref<1605632xi32, #tpu.memory_space<hbm>> -> memref<128xi32, #tpu.memory_space<hbm>>
      tpu.enqueue_dma source(%dma_start3A_87 : memref<128xi32, #tpu.memory_space<hbm>>) target(%arg9 : memref<128xi32, #tpu.memory_space<vmem>>) target_semaphore(%arg24 : memref<!tpu.dma_semaphore, #tpu.memory_space<semaphore_mem>>)
      %add3A_88 = arith.constant 0 : i32
      %add3A_89 = arith.addi %add3A_81, %add3A_88 : i32
      %dma_start3A_90 = tpu.memref_slice %arg3[%add3A_89] : memref<1605632xi32, #tpu.memory_space<hbm>> -> memref<128xi32, #tpu.memory_space<hbm>>
      %dma_start3A_91 = tpu.memref_slice %arg3[%add3A_89] : memref<1605632xi32, #tpu.memory_space<hbm>> -> memref<128xi32, #tpu.memory_space<hbm>>
      tpu.enqueue_dma source(%dma_start3A_91 : memref<128xi32, #tpu.memory_space<hbm>>) target(%arg13 : memref<128xi32, #tpu.memory_space<vmem>>) target_semaphore(%arg24 : memref<!tpu.dma_semaphore, #tpu.memory_space<semaphore_mem>>)
      %add3A_92 = arith.constant 128 : i32
      %add3A_93 = arith.addi %add3A_81, %add3A_92 : i32
      %dma_start3A_94 = tpu.memref_slice %arg2[%add3A_93] : memref<1605632xi32, #tpu.memory_space<hbm>> -> memref<128xi32, #tpu.memory_space<hbm>>
      %dma_start3A_95 = tpu.memref_slice %arg2[%add3A_93] : memref<1605632xi32, #tpu.memory_space<hbm>> -> memref<128xi32, #tpu.memory_space<hbm>>
      tpu.enqueue_dma source(%dma_start3A_95 : memref<128xi32, #tpu.memory_space<hbm>>) target(%arg10 : memref<128xi32, #tpu.memory_space<vmem>>) target_semaphore(%arg24 : memref<!tpu.dma_semaphore, #tpu.memory_space<semaphore_mem>>)
      %add3A_96 = arith.constant 128 : i32
      %add3A_97 = arith.addi %add3A_81, %add3A_96 : i32
      %dma_start3A_98 = tpu.memref_slice %arg3[%add3A_97] : memref<1605632xi32, #tpu.memory_space<hbm>> -> memref<128xi32, #tpu.memory_space<hbm>>
      %dma_start3A_99 = tpu.memref_slice %arg3[%add3A_97] : memref<1605632xi32, #tpu.memory_space<hbm>> -> memref<128xi32, #tpu.memory_space<hbm>>
      tpu.enqueue_dma source(%dma_start3A_99 : memref<128xi32, #tpu.memory_space<hbm>>) target(%arg14 : memref<128xi32, #tpu.memory_space<vmem>>) target_semaphore(%arg24 : memref<!tpu.dma_semaphore, #tpu.memory_space<semaphore_mem>>)
      %dma_wait3A_100 = arith.constant 0 : i32
      %dma_wait3A_101 = arith.constant 0 : i32
      %dma_wait3A_102 = tpu.memref_slice %arg5[%dma_wait3A_100, %dma_wait3A_101] : memref<200192x16xf32, #tpu.memory_space<hbm>> -> memref<200192x16xf32, #tpu.memory_space<hbm>>
      tpu.wait_indirect_dma semaphore(%arg25 : memref<!tpu.dma_semaphore, #tpu.memory_space<semaphore_mem>>) src(%dma_wait3A_102 : memref<200192x16xf32, #tpu.memory_space<hbm>>) dst(%arg15 : memref<128x16xf32, #tpu.memory_space<vmem>>)
      %dma_wait3A_103 = arith.constant 0 : i32
      %dma_wait3A_104 = arith.constant 0 : i32
      %dma_wait3A_105 = tpu.memref_slice %arg5[%dma_wait3A_103, %dma_wait3A_104] : memref<200192x16xf32, #tpu.memory_space<hbm>> -> memref<200192x16xf32, #tpu.memory_space<hbm>>
      tpu.wait_indirect_dma semaphore(%arg25 : memref<!tpu.dma_semaphore, #tpu.memory_space<semaphore_mem>>) src(%dma_wait3A_105 : memref<200192x16xf32, #tpu.memory_space<hbm>>) dst(%arg16 : memref<128x16xf32, #tpu.memory_space<vmem>>)
      %scan3A_106 = arith.constant 0 : i32
      %scan3A_107 = arith.constant 128 : i32
      %scan3A_108 = arith.addi %scan3A_106, %scan3A_107 : i32
      %scan3A_109 = arith.constant 8 : i32
      scf.for %scan3A_172 = %scan3A_106 to %scan3A_108 step %scan3A_109  : i32 {
        %mul3A_173 = arith.constant 1 : i32
        %mul3A_174 = arith.muli %scan3A_172, %mul3A_173 : i32
        %add3A_175 = arith.constant 0 : i32
        %add3A_176 = arith.addi %add3A_175, %mul3A_174 : i32
        %add3A_177 = arith.constant 0 : i32
        %add3A_178 = arith.addi %add3A_177, %add3A_176 : i32
        %broadcast_in_dim3A = vector.broadcast %add3A_178 : i32 to vector<16xi32>
        %gather3A = tpu.vector_load_idx %arg19[%broadcast_in_dim3A] : memref<256xf32, #tpu.memory_space<vmem>>[vector<16xi32>], vector<16xf32>,
        %get3A = arith.index_cast %add3A_176 : i32 to index
        %get3A_179 = arith.constant 0 : index
        %get3A_180 = tpu.vector_load %arg15[%get3A, %get3A_179] {strides = array<i32>} : memref<128x16xf32, #tpu.memory_space<vmem>>, vector<16xf32>,
        %mul3A_181 = arith.mulf %gather3A, %get3A_180 : vector<16xf32>
        %swap3A = arith.index_cast %add3A_176 : i32 to index
        %swap3A_182 = arith.constant 0 : index
        %swap3A_183 = tpu.vector_load %arg15[%swap3A, %swap3A_182] {strides = array<i32>} : memref<128x16xf32, #tpu.memory_space<vmem>>, vector<16xf32>,
        tpu.vector_store %arg15[%swap3A, %swap3A_182], %mul3A_181 {strides = array<i32>} : memref<128x16xf32, #tpu.memory_space<vmem>>, vector<16xf32>,
        %scan3A_184 = arith.constant 1 : i32
        %scan3A_185 = arith.addi %scan3A_172, %scan3A_184 : i32
        %mul3A_186 = arith.constant 1 : i32
        %mul3A_187 = arith.muli %scan3A_185, %mul3A_186 : i32
        %add3A_188 = arith.constant 0 : i32
        %add3A_189 = arith.addi %add3A_188, %mul3A_187 : i32
        %add3A_190 = arith.constant 0 : i32
        %add3A_191 = arith.addi %add3A_190, %add3A_189 : i32
        %broadcast_in_dim3A_192 = vector.broadcast %add3A_191 : i32 to vector<16xi32>
        %gather3A_193 = tpu.vector_load_idx %arg19[%broadcast_in_dim3A_192] : memref<256xf32, #tpu.memory_space<vmem>>[vector<16xi32>], vector<16xf32>,
        %get3A_194 = arith.index_cast %add3A_189 : i32 to index
        %get3A_195 = arith.constant 0 : index
        %get3A_196 = tpu.vector_load %arg15[%get3A_194, %get3A_195] {strides = array<i32>} : memref<128x16xf32, #tpu.memory_space<vmem>>, vector<16xf32>,
        %mul3A_197 = arith.mulf %gather3A_193, %get3A_196 : vector<16xf32>
        %swap3A_198 = arith.index_cast %add3A_189 : i32 to index
        %swap3A_199 = arith.constant 0 : index
        %swap3A_200 = tpu.vector_load %arg15[%swap3A_198, %swap3A_199] {strides = array<i32>} : memref<128x16xf32, #tpu.memory_space<vmem>>, vector<16xf32>,
        tpu.vector_store %arg15[%swap3A_198, %swap3A_199], %mul3A_197 {strides = array<i32>} : memref<128x16xf32, #tpu.memory_space<vmem>>, vector<16xf32>,
        %scan3A_201 = arith.constant 2 : i32
        %scan3A_202 = arith.addi %scan3A_172, %scan3A_201 : i32
        %mul3A_203 = arith.constant 1 : i32
        %mul3A_204 = arith.muli %scan3A_202, %mul3A_203 : i32
        %add3A_205 = arith.constant 0 : i32
        %add3A_206 = arith.addi %add3A_205, %mul3A_204 : i32
        %add3A_207 = arith.constant 0 : i32
        %add3A_208 = arith.addi %add3A_207, %add3A_206 : i32
        %broadcast_in_dim3A_209 = vector.broadcast %add3A_208 : i32 to vector<16xi32>
        %gather3A_210 = tpu.vector_load_idx %arg19[%broadcast_in_dim3A_209] : memref<256xf32, #tpu.memory_space<vmem>>[vector<16xi32>], vector<16xf32>,
        %get3A_211 = arith.index_cast %add3A_206 : i32 to index
        %get3A_212 = arith.constant 0 : index
        %get3A_213 = tpu.vector_load %arg15[%get3A_211, %get3A_212] {strides = array<i32>} : memref<128x16xf32, #tpu.memory_space<vmem>>, vector<16xf32>,
        %mul3A_214 = arith.mulf %gather3A_210, %get3A_213 : vector<16xf32>
        %swap3A_215 = arith.index_cast %add3A_206 : i32 to index
        %swap3A_216 = arith.constant 0 : index
        %swap3A_217 = tpu.vector_load %arg15[%swap3A_215, %swap3A_216] {strides = array<i32>} : memref<128x16xf32, #tpu.memory_space<vmem>>, vector<16xf32>,
        tpu.vector_store %arg15[%swap3A_215, %swap3A_216], %mul3A_214 {strides = array<i32>} : memref<128x16xf32, #tpu.memory_space<vmem>>, vector<16xf32>,
        %scan3A_218 = arith.constant 3 : i32
        %scan3A_219 = arith.addi %scan3A_172, %scan3A_218 : i32
        %mul3A_220 = arith.constant 1 : i32
        %mul3A_221 = arith.muli %scan3A_219, %mul3A_220 : i32
        %add3A_222 = arith.constant 0 : i32
        %add3A_223 = arith.addi %add3A_222, %mul3A_221 : i32
        %add3A_224 = arith.constant 0 : i32
        %add3A_225 = arith.addi %add3A_224, %add3A_223 : i32
        %broadcast_in_dim3A_226 = vector.broadcast %add3A_225 : i32 to vector<16xi32>
        %gather3A_227 = tpu.vector_load_idx %arg19[%broadcast_in_dim3A_226] : memref<256xf32, #tpu.memory_space<vmem>>[vector<16xi32>], vector<16xf32>,
        %get3A_228 = arith.index_cast %add3A_223 : i32 to index
        %get3A_229 = arith.constant 0 : index
        %get3A_230 = tpu.vector_load %arg15[%get3A_228, %get3A_229] {strides = array<i32>} : memref<128x16xf32, #tpu.memory_space<vmem>>, vector<16xf32>,
        %mul3A_231 = arith.mulf %gather3A_227, %get3A_230 : vector<16xf32>
        %swap3A_232 = arith.index_cast %add3A_223 : i32 to index
        %swap3A_233 = arith.constant 0 : index
        %swap3A_234 = tpu.vector_load %arg15[%swap3A_232, %swap3A_233] {strides = array<i32>} : memref<128x16xf32, #tpu.memory_space<vmem>>, vector<16xf32>,
        tpu.vector_store %arg15[%swap3A_232, %swap3A_233], %mul3A_231 {strides = array<i32>} : memref<128x16xf32, #tpu.memory_space<vmem>>, vector<16xf32>,
        %scan3A_235 = arith.constant 4 : i32
        %scan3A_236 = arith.addi %scan3A_172, %scan3A_235 : i32
        %mul3A_237 = arith.constant 1 : i32
        %mul3A_238 = arith.muli %scan3A_236, %mul3A_237 : i32
        %add3A_239 = arith.constant 0 : i32
        %add3A_240 = arith.addi %add3A_239, %mul3A_238 : i32
        %add3A_241 = arith.constant 0 : i32
        %add3A_242 = arith.addi %add3A_241, %add3A_240 : i32
        %broadcast_in_dim3A_243 = vector.broadcast %add3A_242 : i32 to vector<16xi32>
        %gather3A_244 = tpu.vector_load_idx %arg19[%broadcast_in_dim3A_243] : memref<256xf32, #tpu.memory_space<vmem>>[vector<16xi32>], vector<16xf32>,
        %get3A_245 = arith.index_cast %add3A_240 : i32 to index
        %get3A_246 = arith.constant 0 : index
        %get3A_247 = tpu.vector_load %arg15[%get3A_245, %get3A_246] {strides = array<i32>} : memref<128x16xf32, #tpu.memory_space<vmem>>, vector<16xf32>,
        %mul3A_248 = arith.mulf %gather3A_244, %get3A_247 : vector<16xf32>
        %swap3A_249 = arith.index_cast %add3A_240 : i32 to index
        %swap3A_250 = arith.constant 0 : index
        %swap3A_251 = tpu.vector_load %arg15[%swap3A_249, %swap3A_250] {strides = array<i32>} : memref<128x16xf32, #tpu.memory_space<vmem>>, vector<16xf32>,
        tpu.vector_store %arg15[%swap3A_249, %swap3A_250], %mul3A_248 {strides = array<i32>} : memref<128x16xf32, #tpu.memory_space<vmem>>, vector<16xf32>,
        %scan3A_252 = arith.constant 5 : i32
        %scan3A_253 = arith.addi %scan3A_172, %scan3A_252 : i32
        %mul3A_254 = arith.constant 1 : i32
        %mul3A_255 = arith.muli %scan3A_253, %mul3A_254 : i32
        %add3A_256 = arith.constant 0 : i32
        %add3A_257 = arith.addi %add3A_256, %mul3A_255 : i32
        %add3A_258 = arith.constant 0 : i32
        %add3A_259 = arith.addi %add3A_258, %add3A_257 : i32
        %broadcast_in_dim3A_260 = vector.broadcast %add3A_259 : i32 to vector<16xi32>
        %gather3A_261 = tpu.vector_load_idx %arg19[%broadcast_in_dim3A_260] : memref<256xf32, #tpu.memory_space<vmem>>[vector<16xi32>], vector<16xf32>,
        %get3A_262 = arith.index_cast %add3A_257 : i32 to index
        %get3A_263 = arith.constant 0 : index
        %get3A_264 = tpu.vector_load %arg15[%get3A_262, %get3A_263] {strides = array<i32>} : memref<128x16xf32, #tpu.memory_space<vmem>>, vector<16xf32>,
        %mul3A_265 = arith.mulf %gather3A_261, %get3A_264 : vector<16xf32>
        %swap3A_266 = arith.index_cast %add3A_257 : i32 to index
        %swap3A_267 = arith.constant 0 : index
        %swap3A_268 = tpu.vector_load %arg15[%swap3A_266, %swap3A_267] {strides = array<i32>} : memref<128x16xf32, #tpu.memory_space<vmem>>, vector<16xf32>,
        tpu.vector_store %arg15[%swap3A_266, %swap3A_267], %mul3A_265 {strides = array<i32>} : memref<128x16xf32, #tpu.memory_space<vmem>>, vector<16xf32>,
        %scan3A_269 = arith.constant 6 : i32
        %scan3A_270 = arith.addi %scan3A_172, %scan3A_269 : i32
        %mul3A_271 = arith.constant 1 : i32
        %mul3A_272 = arith.muli %scan3A_270, %mul3A_271 : i32
        %add3A_273 = arith.constant 0 : i32
        %add3A_274 = arith.addi %add3A_273, %mul3A_272 : i32
        %add3A_275 = arith.constant 0 : i32
        %add3A_276 = arith.addi %add3A_275, %add3A_274 : i32
        %broadcast_in_dim3A_277 = vector.broadcast %add3A_276 : i32 to vector<16xi32>
        %gather3A_278 = tpu.vector_load_idx %arg19[%broadcast_in_dim3A_277] : memref<256xf32, #tpu.memory_space<vmem>>[vector<16xi32>], vector<16xf32>,
        %get3A_279 = arith.index_cast %add3A_274 : i32 to index
        %get3A_280 = arith.constant 0 : index
        %get3A_281 = tpu.vector_load %arg15[%get3A_279, %get3A_280] {strides = array<i32>} : memref<128x16xf32, #tpu.memory_space<vmem>>, vector<16xf32>,
        %mul3A_282 = arith.mulf %gather3A_278, %get3A_281 : vector<16xf32>
        %swap3A_283 = arith.index_cast %add3A_274 : i32 to index
        %swap3A_284 = arith.constant 0 : index
        %swap3A_285 = tpu.vector_load %arg15[%swap3A_283, %swap3A_284] {strides = array<i32>} : memref<128x16xf32, #tpu.memory_space<vmem>>, vector<16xf32>,
        tpu.vector_store %arg15[%swap3A_283, %swap3A_284], %mul3A_282 {strides = array<i32>} : memref<128x16xf32, #tpu.memory_space<vmem>>, vector<16xf32>,
        %scan3A_286 = arith.constant 7 : i32
        %scan3A_287 = arith.addi %scan3A_172, %scan3A_286 : i32
        %mul3A_288 = arith.constant 1 : i32
        %mul3A_289 = arith.muli %scan3A_287, %mul3A_288 : i32
        %add3A_290 = arith.constant 0 : i32
        %add3A_291 = arith.addi %add3A_290, %mul3A_289 : i32
        %add3A_292 = arith.constant 0 : i32
        %add3A_293 = arith.addi %add3A_292, %add3A_291 : i32
        %broadcast_in_dim3A_294 = vector.broadcast %add3A_293 : i32 to vector<16xi32>
        %gather3A_295 = tpu.vector_load_idx %arg19[%broadcast_in_dim3A_294] : memref<256xf32, #tpu.memory_space<vmem>>[vector<16xi32>], vector<16xf32>,
        %get3A_296 = arith.index_cast %add3A_291 : i32 to index
        %get3A_297 = arith.constant 0 : index
        %get3A_298 = tpu.vector_load %arg15[%get3A_296, %get3A_297] {strides = array<i32>} : memref<128x16xf32, #tpu.memory_space<vmem>>, vector<16xf32>,
        %mul3A_299 = arith.mulf %gather3A_295, %get3A_298 : vector<16xf32>
        %swap3A_300 = arith.index_cast %add3A_291 : i32 to index
        %swap3A_301 = arith.constant 0 : index
        %swap3A_302 = tpu.vector_load %arg15[%swap3A_300, %swap3A_301] {strides = array<i32>} : memref<128x16xf32, #tpu.memory_space<vmem>>, vector<16xf32>,
        tpu.vector_store %arg15[%swap3A_300, %swap3A_301], %mul3A_299 {strides = array<i32>} : memref<128x16xf32, #tpu.memory_space<vmem>>, vector<16xf32>,
      }
      %scan3A_110 = arith.constant 128 : i32
      %scan3A_111 = arith.constant 0 : i32
      %scan3A_112 = arith.constant 128 : i32
      %scan3A_113 = arith.addi %scan3A_111, %scan3A_112 : i32
      %scan3A_114 = arith.constant 8 : i32
      scf.for %scan3A_172 = %scan3A_111 to %scan3A_113 step %scan3A_114  : i32 {
        %mul3A_173 = arith.constant 1 : i32
        %mul3A_174 = arith.muli %scan3A_172, %mul3A_173 : i32
        %add3A_175 = arith.constant 0 : i32
        %add3A_176 = arith.addi %add3A_175, %mul3A_174 : i32
        %add3A_177 = arith.constant 128 : i32
        %add3A_178 = arith.addi %add3A_177, %add3A_176 : i32
        %broadcast_in_dim3A = vector.broadcast %add3A_178 : i32 to vector<16xi32>
        %gather3A = tpu.vector_load_idx %arg19[%broadcast_in_dim3A] : memref<256xf32, #tpu.memory_space<vmem>>[vector<16xi32>], vector<16xf32>,
        %get3A = arith.index_cast %add3A_176 : i32 to index
        %get3A_179 = arith.constant 0 : index
        %get3A_180 = tpu.vector_load %arg16[%get3A, %get3A_179] {strides = array<i32>} : memref<128x16xf32, #tpu.memory_space<vmem>>, vector<16xf32>,
        %mul3A_181 = arith.mulf %gather3A, %get3A_180 : vector<16xf32>
        %swap3A = arith.index_cast %add3A_176 : i32 to index
        %swap3A_182 = arith.constant 0 : index
        %swap3A_183 = tpu.vector_load %arg16[%swap3A, %swap3A_182] {strides = array<i32>} : memref<128x16xf32, #tpu.memory_space<vmem>>, vector<16xf32>,
        tpu.vector_store %arg16[%swap3A, %swap3A_182], %mul3A_181 {strides = array<i32>} : memref<128x16xf32, #tpu.memory_space<vmem>>, vector<16xf32>,
        %scan3A_184 = arith.constant 1 : i32
        %scan3A_185 = arith.addi %scan3A_172, %scan3A_184 : i32
        %mul3A_186 = arith.constant 1 : i32
        %mul3A_187 = arith.muli %scan3A_185, %mul3A_186 : i32
        %add3A_188 = arith.constant 0 : i32
        %add3A_189 = arith.addi %add3A_188, %mul3A_187 : i32
        %add3A_190 = arith.constant 128 : i32
        %add3A_191 = arith.addi %add3A_190, %add3A_189 : i32
        %broadcast_in_dim3A_192 = vector.broadcast %add3A_191 : i32 to vector<16xi32>
        %gather3A_193 = tpu.vector_load_idx %arg19[%broadcast_in_dim3A_192] : memref<256xf32, #tpu.memory_space<vmem>>[vector<16xi32>], vector<16xf32>,
        %get3A_194 = arith.index_cast %add3A_189 : i32 to index
        %get3A_195 = arith.constant 0 : index
        %get3A_196 = tpu.vector_load %arg16[%get3A_194, %get3A_195] {strides = array<i32>} : memref<128x16xf32, #tpu.memory_space<vmem>>, vector<16xf32>,
        %mul3A_197 = arith.mulf %gather3A_193, %get3A_196 : vector<16xf32>
        %swap3A_198 = arith.index_cast %add3A_189 : i32 to index
        %swap3A_199 = arith.constant 0 : index
        %swap3A_200 = tpu.vector_load %arg16[%swap3A_198, %swap3A_199] {strides = array<i32>} : memref<128x16xf32, #tpu.memory_space<vmem>>, vector<16xf32>,
        tpu.vector_store %arg16[%swap3A_198, %swap3A_199], %mul3A_197 {strides = array<i32>} : memref<128x16xf32, #tpu.memory_space<vmem>>, vector<16xf32>,
        %scan3A_201 = arith.constant 2 : i32
        %scan3A_202 = arith.addi %scan3A_172, %scan3A_201 : i32
        %mul3A_203 = arith.constant 1 : i32
        %mul3A_204 = arith.muli %scan3A_202, %mul3A_203 : i32
        %add3A_205 = arith.constant 0 : i32
        %add3A_206 = arith.addi %add3A_205, %mul3A_204 : i32
        %add3A_207 = arith.constant 128 : i32
        %add3A_208 = arith.addi %add3A_207, %add3A_206 : i32
        %broadcast_in_dim3A_209 = vector.broadcast %add3A_208 : i32 to vector<16xi32>
        %gather3A_210 = tpu.vector_load_idx %arg19[%broadcast_in_dim3A_209] : memref<256xf32, #tpu.memory_space<vmem>>[vector<16xi32>], vector<16xf32>,
        %get3A_211 = arith.index_cast %add3A_206 : i32 to index
        %get3A_212 = arith.constant 0 : index
        %get3A_213 = tpu.vector_load %arg16[%get3A_211, %get3A_212] {strides = array<i32>} : memref<128x16xf32, #tpu.memory_space<vmem>>, vector<16xf32>,
        %mul3A_214 = arith.mulf %gather3A_210, %get3A_213 : vector<16xf32>
        %swap3A_215 = arith.index_cast %add3A_206 : i32 to index
        %swap3A_216 = arith.constant 0 : index
        %swap3A_217 = tpu.vector_load %arg16[%swap3A_215, %swap3A_216] {strides = array<i32>} : memref<128x16xf32, #tpu.memory_space<vmem>>, vector<16xf32>,
        tpu.vector_store %arg16[%swap3A_215, %swap3A_216], %mul3A_214 {strides = array<i32>} : memref<128x16xf32, #tpu.memory_space<vmem>>, vector<16xf32>,
        %scan3A_218 = arith.constant 3 : i32
        %scan3A_219 = arith.addi %scan3A_172, %scan3A_218 : i32
        %mul3A_220 = arith.constant 1 : i32
        %mul3A_221 = arith.muli %scan3A_219, %mul3A_220 : i32
        %add3A_222 = arith.constant 0 : i32
        %add3A_223 = arith.addi %add3A_222, %mul3A_221 : i32
        %add3A_224 = arith.constant 128 : i32
        %add3A_225 = arith.addi %add3A_224, %add3A_223 : i32
        %broadcast_in_dim3A_226 = vector.broadcast %add3A_225 : i32 to vector<16xi32>
        %gather3A_227 = tpu.vector_load_idx %arg19[%broadcast_in_dim3A_226] : memref<256xf32, #tpu.memory_space<vmem>>[vector<16xi32>], vector<16xf32>,
        %get3A_228 = arith.index_cast %add3A_223 : i32 to index
        %get3A_229 = arith.constant 0 : index
        %get3A_230 = tpu.vector_load %arg16[%get3A_228, %get3A_229] {strides = array<i32>} : memref<128x16xf32, #tpu.memory_space<vmem>>, vector<16xf32>,
        %mul3A_231 = arith.mulf %gather3A_227, %get3A_230 : vector<16xf32>
        %swap3A_232 = arith.index_cast %add3A_223 : i32 to index
        %swap3A_233 = arith.constant 0 : index
        %swap3A_234 = tpu.vector_load %arg16[%swap3A_232, %swap3A_233] {strides = array<i32>} : memref<128x16xf32, #tpu.memory_space<vmem>>, vector<16xf32>,
        tpu.vector_store %arg16[%swap3A_232, %swap3A_233], %mul3A_231 {strides = array<i32>} : memref<128x16xf32, #tpu.memory_space<vmem>>, vector<16xf32>,
        %scan3A_235 = arith.constant 4 : i32
        %scan3A_236 = arith.addi %scan3A_172, %scan3A_235 : i32
        %mul3A_237 = arith.constant 1 : i32
        %mul3A_238 = arith.muli %scan3A_236, %mul3A_237 : i32
        %add3A_239 = arith.constant 0 : i32
        %add3A_240 = arith.addi %add3A_239, %mul3A_238 : i32
        %add3A_241 = arith.constant 128 : i32
        %add3A_242 = arith.addi %add3A_241, %add3A_240 : i32
        %broadcast_in_dim3A_243 = vector.broadcast %add3A_242 : i32 to vector<16xi32>
        %gather3A_244 = tpu.vector_load_idx %arg19[%broadcast_in_dim3A_243] : memref<256xf32, #tpu.memory_space<vmem>>[vector<16xi32>], vector<16xf32>,
        %get3A_245 = arith.index_cast %add3A_240 : i32 to index
        %get3A_246 = arith.constant 0 : index
        %get3A_247 = tpu.vector_load %arg16[%get3A_245, %get3A_246] {strides = array<i32>} : memref<128x16xf32, #tpu.memory_space<vmem>>, vector<16xf32>,
        %mul3A_248 = arith.mulf %gather3A_244, %get3A_247 : vector<16xf32>
        %swap3A_249 = arith.index_cast %add3A_240 : i32 to index
        %swap3A_250 = arith.constant 0 : index
        %swap3A_251 = tpu.vector_load %arg16[%swap3A_249, %swap3A_250] {strides = array<i32>} : memref<128x16xf32, #tpu.memory_space<vmem>>, vector<16xf32>,
        tpu.vector_store %arg16[%swap3A_249, %swap3A_250], %mul3A_248 {strides = array<i32>} : memref<128x16xf32, #tpu.memory_space<vmem>>, vector<16xf32>,
        %scan3A_252 = arith.constant 5 : i32
        %scan3A_253 = arith.addi %scan3A_172, %scan3A_252 : i32
        %mul3A_254 = arith.constant 1 : i32
        %mul3A_255 = arith.muli %scan3A_253, %mul3A_254 : i32
        %add3A_256 = arith.constant 0 : i32
        %add3A_257 = arith.addi %add3A_256, %mul3A_255 : i32
        %add3A_258 = arith.constant 128 : i32
        %add3A_259 = arith.addi %add3A_258, %add3A_257 : i32
        %broadcast_in_dim3A_260 = vector.broadcast %add3A_259 : i32 to vector<16xi32>
        %gather3A_261 = tpu.vector_load_idx %arg19[%broadcast_in_dim3A_260] : memref<256xf32, #tpu.memory_space<vmem>>[vector<16xi32>], vector<16xf32>,
        %get3A_262 = arith.index_cast %add3A_257 : i32 to index
        %get3A_263 = arith.constant 0 : index
        %get3A_264 = tpu.vector_load %arg16[%get3A_262, %get3A_263] {strides = array<i32>} : memref<128x16xf32, #tpu.memory_space<vmem>>, vector<16xf32>,
        %mul3A_265 = arith.mulf %gather3A_261, %get3A_264 : vector<16xf32>
        %swap3A_266 = arith.index_cast %add3A_257 : i32 to index
        %swap3A_267 = arith.constant 0 : index
        %swap3A_268 = tpu.vector_load %arg16[%swap3A_266, %swap3A_267] {strides = array<i32>} : memref<128x16xf32, #tpu.memory_space<vmem>>, vector<16xf32>,
        tpu.vector_store %arg16[%swap3A_266, %swap3A_267], %mul3A_265 {strides = array<i32>} : memref<128x16xf32, #tpu.memory_space<vmem>>, vector<16xf32>,
        %scan3A_269 = arith.constant 6 : i32
        %scan3A_270 = arith.addi %scan3A_172, %scan3A_269 : i32
        %mul3A_271 = arith.constant 1 : i32
        %mul3A_272 = arith.muli %scan3A_270, %mul3A_271 : i32
        %add3A_273 = arith.constant 0 : i32
        %add3A_274 = arith.addi %add3A_273, %mul3A_272 : i32
        %add3A_275 = arith.constant 128 : i32
        %add3A_276 = arith.addi %add3A_275, %add3A_274 : i32
        %broadcast_in_dim3A_277 = vector.broadcast %add3A_276 : i32 to vector<16xi32>
        %gather3A_278 = tpu.vector_load_idx %arg19[%broadcast_in_dim3A_277] : memref<256xf32, #tpu.memory_space<vmem>>[vector<16xi32>], vector<16xf32>,
        %get3A_279 = arith.index_cast %add3A_274 : i32 to index
        %get3A_280 = arith.constant 0 : index
        %get3A_281 = tpu.vector_load %arg16[%get3A_279, %get3A_280] {strides = array<i32>} : memref<128x16xf32, #tpu.memory_space<vmem>>, vector<16xf32>,
        %mul3A_282 = arith.mulf %gather3A_278, %get3A_281 : vector<16xf32>
        %swap3A_283 = arith.index_cast %add3A_274 : i32 to index
        %swap3A_284 = arith.constant 0 : index
        %swap3A_285 = tpu.vector_load %arg16[%swap3A_283, %swap3A_284] {strides = array<i32>} : memref<128x16xf32, #tpu.memory_space<vmem>>, vector<16xf32>,
        tpu.vector_store %arg16[%swap3A_283, %swap3A_284], %mul3A_282 {strides = array<i32>} : memref<128x16xf32, #tpu.memory_space<vmem>>, vector<16xf32>,
        %scan3A_286 = arith.constant 7 : i32
        %scan3A_287 = arith.addi %scan3A_172, %scan3A_286 : i32
        %mul3A_288 = arith.constant 1 : i32
        %mul3A_289 = arith.muli %scan3A_287, %mul3A_288 : i32
        %add3A_290 = arith.constant 0 : i32
        %add3A_291 = arith.addi %add3A_290, %mul3A_289 : i32
        %add3A_292 = arith.constant 128 : i32
        %add3A_293 = arith.addi %add3A_292, %add3A_291 : i32
        %broadcast_in_dim3A_294 = vector.broadcast %add3A_293 : i32 to vector<16xi32>
        %gather3A_295 = tpu.vector_load_idx %arg19[%broadcast_in_dim3A_294] : memref<256xf32, #tpu.memory_space<vmem>>[vector<16xi32>], vector<16xf32>,
        %get3A_296 = arith.index_cast %add3A_291 : i32 to index
        %get3A_297 = arith.constant 0 : index
        %get3A_298 = tpu.vector_load %arg16[%get3A_296, %get3A_297] {strides = array<i32>} : memref<128x16xf32, #tpu.memory_space<vmem>>, vector<16xf32>,
        %mul3A_299 = arith.mulf %gather3A_295, %get3A_298 : vector<16xf32>
        %swap3A_300 = arith.index_cast %add3A_291 : i32 to index
        %swap3A_301 = arith.constant 0 : index
        %swap3A_302 = tpu.vector_load %arg16[%swap3A_300, %swap3A_301] {strides = array<i32>} : memref<128x16xf32, #tpu.memory_space<vmem>>, vector<16xf32>,
        tpu.vector_store %arg16[%swap3A_300, %swap3A_301], %mul3A_299 {strides = array<i32>} : memref<128x16xf32, #tpu.memory_space<vmem>>, vector<16xf32>,
      }
      %scan3A_115 = arith.constant 128 : i32
      %dma_wait3A_116 = arith.constant 0 : i32
      %dma_wait3A_117 = tpu.memref_slice %arg4[%dma_wait3A_116] : memref<1605632xf32, #tpu.memory_space<hbm>> -> memref<256xf32, #tpu.memory_space<hbm>>
      %dma_wait3A_118 = arith.constant 0 : i32
      %dma_wait3A_119 = tpu.memref_slice %arg4[%dma_wait3A_118] : memref<1605632xf32, #tpu.memory_space<hbm>> -> memref<256xf32, #tpu.memory_space<hbm>>
      tpu.wait_dma2 semaphore(%arg24 : memref<!tpu.dma_semaphore, #tpu.memory_space<semaphore_mem>>) src(%dma_wait3A_119 : memref<256xf32, #tpu.memory_space<hbm>>) dst(%arg20 : memref<256xf32, #tpu.memory_space<vmem>>)
      %dma_wait3A_120 = arith.constant 0 : i32
      %dma_wait3A_121 = tpu.memref_slice %arg2[%dma_wait3A_120] : memref<1605632xi32, #tpu.memory_space<hbm>> -> memref<128xi32, #tpu.memory_space<hbm>>
      %dma_wait3A_122 = arith.constant 0 : i32
      %dma_wait3A_123 = tpu.memref_slice %arg2[%dma_wait3A_122] : memref<1605632xi32, #tpu.memory_space<hbm>> -> memref<128xi32, #tpu.memory_space<hbm>>
      tpu.wait_dma2 semaphore(%arg24 : memref<!tpu.dma_semaphore, #tpu.memory_space<semaphore_mem>>) src(%dma_wait3A_123 : memref<128xi32, #tpu.memory_space<hbm>>) dst(%arg9 : memref<128xi32, #tpu.memory_space<vmem>>)
      %dma_wait3A_124 = arith.constant 0 : i32
      %dma_wait3A_125 = tpu.memref_slice %arg3[%dma_wait3A_124] : memref<1605632xi32, #tpu.memory_space<hbm>> -> memref<128xi32, #tpu.memory_space<hbm>>
      %dma_wait3A_126 = arith.constant 0 : i32
      %dma_wait3A_127 = tpu.memref_slice %arg3[%dma_wait3A_126] : memref<1605632xi32, #tpu.memory_space<hbm>> -> memref<128xi32, #tpu.memory_space<hbm>>
      tpu.wait_dma2 semaphore(%arg24 : memref<!tpu.dma_semaphore, #tpu.memory_space<semaphore_mem>>) src(%dma_wait3A_127 : memref<128xi32, #tpu.memory_space<hbm>>) dst(%arg13 : memref<128xi32, #tpu.memory_space<vmem>>)
      %dma_wait3A_128 = arith.constant 0 : i32
      %dma_wait3A_129 = tpu.memref_slice %arg2[%dma_wait3A_128] : memref<1605632xi32, #tpu.memory_space<hbm>> -> memref<128xi32, #tpu.memory_space<hbm>>
      %dma_wait3A_130 = arith.constant 0 : i32
      %dma_wait3A_131 = tpu.memref_slice %arg2[%dma_wait3A_130] : memref<1605632xi32, #tpu.memory_space<hbm>> -> memref<128xi32, #tpu.memory_space<hbm>>
      tpu.wait_dma2 semaphore(%arg24 : memref<!tpu.dma_semaphore, #tpu.memory_space<semaphore_mem>>) src(%dma_wait3A_131 : memref<128xi32, #tpu.memory_space<hbm>>) dst(%arg10 : memref<128xi32, #tpu.memory_space<vmem>>)
      %dma_wait3A_132 = arith.constant 0 : i32
      %dma_wait3A_133 = tpu.memref_slice %arg3[%dma_wait3A_132] : memref<1605632xi32, #tpu.memory_space<hbm>> -> memref<128xi32, #tpu.memory_space<hbm>>
      %dma_wait3A_134 = arith.constant 0 : i32
      %dma_wait3A_135 = tpu.memref_slice %arg3[%dma_wait3A_134] : memref<1605632xi32, #tpu.memory_space<hbm>> -> memref<128xi32, #tpu.memory_space<hbm>>
      tpu.wait_dma2 semaphore(%arg24 : memref<!tpu.dma_semaphore, #tpu.memory_space<semaphore_mem>>) src(%dma_wait3A_135 : memref<128xi32, #tpu.memory_space<hbm>>) dst(%arg14 : memref<128xi32, #tpu.memory_space<vmem>>)
      %scan3A_136 = arith.constant 0 : i32
      %scan3A_137 = arith.constant 8 : i32
      %scan3A_138 = arith.addi %scan3A_136, %scan3A_137 : i32
      %scan3A_139 = arith.constant 1 : i32
      scf.for %scan3A_172 = %scan3A_136 to %scan3A_138 step %scan3A_139  : i32 {
        %mul3A_173 = arith.constant 16 : i32
        %mul3A_174 = arith.muli %scan3A_172, %mul3A_173 : i32
        %add3A_175 = arith.constant 0 : i32
        %add3A_176 = arith.addi %add3A_175, %mul3A_174 : i32
        %get3A = arith.index_cast %add3A_176 : i32 to index
        %get3A_177 = tpu.vector_load %arg9[%get3A] {strides = array<i32>} : memref<128xi32, #tpu.memory_space<vmem>>, vector<16xi32>,
        %add3A_178 = vector.broadcast %mul3A_13 : i32 to vector<16xi32>
        %add3A_179 = arith.addi %get3A_177, %add3A_178 : vector<16xi32>
        %swap3A = arith.index_cast %add3A_176 : i32 to index
        %swap3A_180 = tpu.vector_load %arg9[%swap3A] {strides = array<i32>} : memref<128xi32, #tpu.memory_space<vmem>>, vector<16xi32>,
        tpu.vector_store %arg9[%swap3A], %add3A_179 {strides = array<i32>} : memref<128xi32, #tpu.memory_space<vmem>>, vector<16xi32>,
      }
      %scan3A_140 = arith.constant 8 : i32
      %scan3A_141 = arith.constant 0 : i32
      %scan3A_142 = arith.constant 8 : i32
      %scan3A_143 = arith.addi %scan3A_141, %scan3A_142 : i32
      %scan3A_144 = arith.constant 1 : i32
      scf.for %scan3A_172 = %scan3A_141 to %scan3A_143 step %scan3A_144  : i32 {
        %mul3A_173 = arith.constant 16 : i32
        %mul3A_174 = arith.muli %scan3A_172, %mul3A_173 : i32
        %add3A_175 = arith.constant 0 : i32
        %add3A_176 = arith.addi %add3A_175, %mul3A_174 : i32
        %get3A = arith.index_cast %add3A_176 : i32 to index
        %get3A_177 = tpu.vector_load %arg10[%get3A] {strides = array<i32>} : memref<128xi32, #tpu.memory_space<vmem>>, vector<16xi32>,
        %add3A_178 = vector.broadcast %mul3A_13 : i32 to vector<16xi32>
        %add3A_179 = arith.addi %get3A_177, %add3A_178 : vector<16xi32>
        %swap3A = arith.index_cast %add3A_176 : i32 to index
        %swap3A_180 = tpu.vector_load %arg10[%swap3A] {strides = array<i32>} : memref<128xi32, #tpu.memory_space<vmem>>, vector<16xi32>,
        tpu.vector_store %arg10[%swap3A], %add3A_179 {strides = array<i32>} : memref<128xi32, #tpu.memory_space<vmem>>, vector<16xi32>,
      }
      %scan3A_145 = arith.constant 8 : i32
      %dma_start3A_146 = arith.constant 0 : i32
      %dma_start3A_147 = arith.constant 0 : i32
      %dma_start3A_148 = tpu.memref_slice %arg5[%dma_start3A_146, %dma_start3A_147] : memref<200192x16xf32, #tpu.memory_space<hbm>> -> memref<200192x16xf32, #tpu.memory_space<hbm>>
      tpu.enqueue_indirect_dma source(%dma_start3A_148 : memref<200192x16xf32, #tpu.memory_space<hbm>>) target(%arg17 : memref<128x16xf32, #tpu.memory_space<vmem>>) offsets(%arg9 : memref<128xi32, #tpu.memory_space<vmem>>) semaphore(%arg26 : memref<!tpu.dma_semaphore, #tpu.memory_space<semaphore_mem>>)
      %dma_start3A_149 = arith.constant 0 : i32
      %dma_start3A_150 = arith.constant 0 : i32
      %dma_start3A_151 = tpu.memref_slice %arg5[%dma_start3A_149, %dma_start3A_150] : memref<200192x16xf32, #tpu.memory_space<hbm>> -> memref<200192x16xf32, #tpu.memory_space<hbm>>
      tpu.enqueue_indirect_dma source(%dma_start3A_151 : memref<200192x16xf32, #tpu.memory_space<hbm>>) target(%arg18 : memref<128x16xf32, #tpu.memory_space<vmem>>) offsets(%arg10 : memref<128xi32, #tpu.memory_space<vmem>>) semaphore(%arg26 : memref<!tpu.dma_semaphore, #tpu.memory_space<semaphore_mem>>)
      "tpu.region"() ({
        %run_scoped3A = tpu.sem_alloc : memref<!tpu.dma_semaphore, #tpu.memory_space<semaphore_mem>>
        %dma_start3A_172 = arith.constant 0 : i32
        %dma_start3A_173 = arith.constant 0 : i32
        %dma_start3A_174 = tpu.memref_slice %arg22[%dma_start3A_172, %dma_start3A_173] : memref<100096x16xf32, #tpu.memory_space<vmem_shared>> -> memref<100096x16xf32, #tpu.memory_space<vmem_shared>>
        tpu.enqueue_indirect_dma source(%arg15 : memref<128x16xf32, #tpu.memory_space<vmem>>) target(%dma_start3A_174 : memref<100096x16xf32, #tpu.memory_space<vmem_shared>>) offsets(%arg11 : memref<128xi32, #tpu.memory_space<vmem>>) semaphore(%run_scoped3A : memref<!tpu.dma_semaphore, #tpu.memory_space<semaphore_mem>>) {add = true}
        %dma_wait3A_175 = arith.constant 0 : i32
        %dma_wait3A_176 = arith.constant 0 : i32
        %dma_wait3A_177 = tpu.memref_slice %arg22[%dma_wait3A_175, %dma_wait3A_176] : memref<100096x16xf32, #tpu.memory_space<vmem_shared>> -> memref<100096x16xf32, #tpu.memory_space<vmem_shared>>
        tpu.wait_indirect_dma semaphore(%run_scoped3A : memref<!tpu.dma_semaphore, #tpu.memory_space<semaphore_mem>>) src(%arg15 : memref<128x16xf32, #tpu.memory_space<vmem>>) dst(%dma_wait3A_177 : memref<100096x16xf32, #tpu.memory_space<vmem_shared>>)
        tpu.yield
      }) : () -> ()
      "tpu.region"() ({
        %run_scoped3A = tpu.sem_alloc : memref<!tpu.dma_semaphore, #tpu.memory_space<semaphore_mem>>
        %dma_start3A_172 = arith.constant 0 : i32
        %dma_start3A_173 = arith.constant 0 : i32
        %dma_start3A_174 = tpu.memref_slice %arg22[%dma_start3A_172, %dma_start3A_173] : memref<100096x16xf32, #tpu.memory_space<vmem_shared>> -> memref<100096x16xf32, #tpu.memory_space<vmem_shared>>
        tpu.enqueue_indirect_dma source(%arg16 : memref<128x16xf32, #tpu.memory_space<vmem>>) target(%dma_start3A_174 : memref<100096x16xf32, #tpu.memory_space<vmem_shared>>) offsets(%arg12 : memref<128xi32, #tpu.memory_space<vmem>>) semaphore(%run_scoped3A : memref<!tpu.dma_semaphore, #tpu.memory_space<semaphore_mem>>) {add = true}
        %dma_wait3A_175 = arith.constant 0 : i32
        %dma_wait3A_176 = arith.constant 0 : i32
        %dma_wait3A_177 = tpu.memref_slice %arg22[%dma_wait3A_175, %dma_wait3A_176] : memref<100096x16xf32, #tpu.memory_space<vmem_shared>> -> memref<100096x16xf32, #tpu.memory_space<vmem_shared>>
        tpu.wait_indirect_dma semaphore(%run_scoped3A : memref<!tpu.dma_semaphore, #tpu.memory_space<semaphore_mem>>) src(%arg16 : memref<128x16xf32, #tpu.memory_space<vmem>>) dst(%dma_wait3A_177 : memref<100096x16xf32, #tpu.memory_space<vmem_shared>>)
        tpu.yield
      }) : () -> ()
      %add3A_152 = arith.constant 2 : i32
      %add3A_153 = arith.addi %add3A_40, %add3A_152 : i32
      %lt3A = arith.constant 392 : i32
      %lt3A_154 = arith.cmpi slt, %add3A_153, %lt3A : i32
      %convert_element_type3A = arith.extui %lt3A_154 : i1 to i32
      %cond3A = arith.constant 0 : i32
      %cond3A_155 = arith.cmpi ne, %convert_element_type3A, %cond3A : i32
      scf.if %cond3A_155 {
        %add3A_172 = arith.constant 512 : i32
        %add3A_173 = arith.addi %multiple_of3A_44, %add3A_172 : i32
        %dma_start3A_174 = tpu.memref_slice %arg4[%add3A_173] : memref<1605632xf32, #tpu.memory_space<hbm>> -> memref<256xf32, #tpu.memory_space<hbm>>
        %dma_start3A_175 = tpu.memref_slice %arg4[%add3A_173] : memref<1605632xf32, #tpu.memory_space<hbm>> -> memref<256xf32, #tpu.memory_space<hbm>>
        tpu.enqueue_dma source(%dma_start3A_175 : memref<256xf32, #tpu.memory_space<hbm>>) target(%arg19 : memref<256xf32, #tpu.memory_space<vmem>>) target_semaphore(%arg23 : memref<!tpu.dma_semaphore, #tpu.memory_space<semaphore_mem>>)
        %add3A_176 = arith.constant 0 : i32
        %add3A_177 = arith.addi %add3A_173, %add3A_176 : i32
        %dma_start3A_178 = tpu.memref_slice %arg2[%add3A_177] : memref<1605632xi32, #tpu.memory_space<hbm>> -> memref<128xi32, #tpu.memory_space<hbm>>
        %dma_start3A_179 = tpu.memref_slice %arg2[%add3A_177] : memref<1605632xi32, #tpu.memory_space<hbm>> -> memref<128xi32, #tpu.memory_space<hbm>>
        tpu.enqueue_dma source(%dma_start3A_179 : memref<128xi32, #tpu.memory_space<hbm>>) target(%arg7 : memref<128xi32, #tpu.memory_space<vmem>>) target_semaphore(%arg23 : memref<!tpu.dma_semaphore, #tpu.memory_space<semaphore_mem>>)
        %add3A_180 = arith.constant 0 : i32
        %add3A_181 = arith.addi %add3A_173, %add3A_180 : i32
        %dma_start3A_182 = tpu.memref_slice %arg3[%add3A_181] : memref<1605632xi32, #tpu.memory_space<hbm>> -> memref<128xi32, #tpu.memory_space<hbm>>
        %dma_start3A_183 = tpu.memref_slice %arg3[%add3A_181] : memref<1605632xi32, #tpu.memory_space<hbm>> -> memref<128xi32, #tpu.memory_space<hbm>>
        tpu.enqueue_dma source(%dma_start3A_183 : memref<128xi32, #tpu.memory_space<hbm>>) target(%arg11 : memref<128xi32, #tpu.memory_space<vmem>>) target_semaphore(%arg23 : memref<!tpu.dma_semaphore, #tpu.memory_space<semaphore_mem>>)
        %add3A_184 = arith.constant 128 : i32
        %add3A_185 = arith.addi %add3A_173, %add3A_184 : i32
        %dma_start3A_186 = tpu.memref_slice %arg2[%add3A_185] : memref<1605632xi32, #tpu.memory_space<hbm>> -> memref<128xi32, #tpu.memory_space<hbm>>
        %dma_start3A_187 = tpu.memref_slice %arg2[%add3A_185] : memref<1605632xi32, #tpu.memory_space<hbm>> -> memref<128xi32, #tpu.memory_space<hbm>>
        tpu.enqueue_dma source(%dma_start3A_187 : memref<128xi32, #tpu.memory_space<hbm>>) target(%arg8 : memref<128xi32, #tpu.memory_space<vmem>>) target_semaphore(%arg23 : memref<!tpu.dma_semaphore, #tpu.memory_space<semaphore_mem>>)
        %add3A_188 = arith.constant 128 : i32
        %add3A_189 = arith.addi %add3A_173, %add3A_188 : i32
        %dma_start3A_190 = tpu.memref_slice %arg3[%add3A_189] : memref<1605632xi32, #tpu.memory_space<hbm>> -> memref<128xi32, #tpu.memory_space<hbm>>
        %dma_start3A_191 = tpu.memref_slice %arg3[%add3A_189] : memref<1605632xi32, #tpu.memory_space<hbm>> -> memref<128xi32, #tpu.memory_space<hbm>>
        tpu.enqueue_dma source(%dma_start3A_191 : memref<128xi32, #tpu.memory_space<hbm>>) target(%arg12 : memref<128xi32, #tpu.memory_space<vmem>>) target_semaphore(%arg23 : memref<!tpu.dma_semaphore, #tpu.memory_space<semaphore_mem>>)
      } else {
      }
      %dma_wait3A_156 = arith.constant 0 : i32
      %dma_wait3A_157 = arith.constant 0 : i32
      %dma_wait3A_158 = tpu.memref_slice %arg5[%dma_wait3A_156, %dma_wait3A_157] : memref<200192x16xf32, #tpu.memory_space<hbm>> -> memref<200192x16xf32, #tpu.memory_space<hbm>>
      tpu.wait_indirect_dma semaphore(%arg26 : memref<!tpu.dma_semaphore, #tpu.memory_space<semaphore_mem>>) src(%dma_wait3A_158 : memref<200192x16xf32, #tpu.memory_space<hbm>>) dst(%arg17 : memref<128x16xf32, #tpu.memory_space<vmem>>)
      %dma_wait3A_159 = arith.constant 0 : i32
      %dma_wait3A_160 = arith.constant 0 : i32
      %dma_wait3A_161 = tpu.memref_slice %arg5[%dma_wait3A_159, %dma_wait3A_160] : memref<200192x16xf32, #tpu.memory_space<hbm>> -> memref<200192x16xf32, #tpu.memory_space<hbm>>
      tpu.wait_indirect_dma semaphore(%arg26 : memref<!tpu.dma_semaphore, #tpu.memory_space<semaphore_mem>>) src(%dma_wait3A_161 : memref<200192x16xf32, #tpu.memory_space<hbm>>) dst(%arg18 : memref<128x16xf32, #tpu.memory_space<vmem>>)
      %scan3A_162 = arith.constant 0 : i32
      %scan3A_163 = arith.constant 128 : i32
      %scan3A_164 = arith.addi %scan3A_162, %scan3A_163 : i32
      %scan3A_165 = arith.constant 8 : i32
      scf.for %scan3A_172 = %scan3A_162 to %scan3A_164 step %scan3A_165  : i32 {
        %mul3A_173 = arith.constant 1 : i32
        %mul3A_174 = arith.muli %scan3A_172, %mul3A_173 : i32
        %add3A_175 = arith.constant 0 : i32
        %add3A_176 = arith.addi %add3A_175, %mul3A_174 : i32
        %add3A_177 = arith.constant 0 : i32
        %add3A_178 = arith.addi %add3A_177, %add3A_176 : i32
        %broadcast_in_dim3A = vector.broadcast %add3A_178 : i32 to vector<16xi32>
        %gather3A = tpu.vector_load_idx %arg20[%broadcast_in_dim3A] : memref<256xf32, #tpu.memory_space<vmem>>[vector<16xi32>], vector<16xf32>,
        %get3A = arith.index_cast %add3A_176 : i32 to index
        %get3A_179 = arith.constant 0 : index
        %get3A_180 = tpu.vector_load %arg17[%get3A, %get3A_179] {strides = array<i32>} : memref<128x16xf32, #tpu.memory_space<vmem>>, vector<16xf32>,
        %mul3A_181 = arith.mulf %gather3A, %get3A_180 : vector<16xf32>
        %swap3A = arith.index_cast %add3A_176 : i32 to index
        %swap3A_182 = arith.constant 0 : index
        %swap3A_183 = tpu.vector_load %arg17[%swap3A, %swap3A_182] {strides = array<i32>} : memref<128x16xf32, #tpu.memory_space<vmem>>, vector<16xf32>,
        tpu.vector_store %arg17[%swap3A, %swap3A_182], %mul3A_181 {strides = array<i32>} : memref<128x16xf32, #tpu.memory_space<vmem>>, vector<16xf32>,
        %scan3A_184 = arith.constant 1 : i32
        %scan3A_185 = arith.addi %scan3A_172, %scan3A_184 : i32
        %mul3A_186 = arith.constant 1 : i32
        %mul3A_187 = arith.muli %scan3A_185, %mul3A_186 : i32
        %add3A_188 = arith.constant 0 : i32
        %add3A_189 = arith.addi %add3A_188, %mul3A_187 : i32
        %add3A_190 = arith.constant 0 : i32
        %add3A_191 = arith.addi %add3A_190, %add3A_189 : i32
        %broadcast_in_dim3A_192 = vector.broadcast %add3A_191 : i32 to vector<16xi32>
        %gather3A_193 = tpu.vector_load_idx %arg20[%broadcast_in_dim3A_192] : memref<256xf32, #tpu.memory_space<vmem>>[vector<16xi32>], vector<16xf32>,
        %get3A_194 = arith.index_cast %add3A_189 : i32 to index
        %get3A_195 = arith.constant 0 : index
        %get3A_196 = tpu.vector_load %arg17[%get3A_194, %get3A_195] {strides = array<i32>} : memref<128x16xf32, #tpu.memory_space<vmem>>, vector<16xf32>,
        %mul3A_197 = arith.mulf %gather3A_193, %get3A_196 : vector<16xf32>
        %swap3A_198 = arith.index_cast %add3A_189 : i32 to index
        %swap3A_199 = arith.constant 0 : index
        %swap3A_200 = tpu.vector_load %arg17[%swap3A_198, %swap3A_199] {strides = array<i32>} : memref<128x16xf32, #tpu.memory_space<vmem>>, vector<16xf32>,
        tpu.vector_store %arg17[%swap3A_198, %swap3A_199], %mul3A_197 {strides = array<i32>} : memref<128x16xf32, #tpu.memory_space<vmem>>, vector<16xf32>,
        %scan3A_201 = arith.constant 2 : i32
        %scan3A_202 = arith.addi %scan3A_172, %scan3A_201 : i32
        %mul3A_203 = arith.constant 1 : i32
        %mul3A_204 = arith.muli %scan3A_202, %mul3A_203 : i32
        %add3A_205 = arith.constant 0 : i32
        %add3A_206 = arith.addi %add3A_205, %mul3A_204 : i32
        %add3A_207 = arith.constant 0 : i32
        %add3A_208 = arith.addi %add3A_207, %add3A_206 : i32
        %broadcast_in_dim3A_209 = vector.broadcast %add3A_208 : i32 to vector<16xi32>
        %gather3A_210 = tpu.vector_load_idx %arg20[%broadcast_in_dim3A_209] : memref<256xf32, #tpu.memory_space<vmem>>[vector<16xi32>], vector<16xf32>,
        %get3A_211 = arith.index_cast %add3A_206 : i32 to index
        %get3A_212 = arith.constant 0 : index
        %get3A_213 = tpu.vector_load %arg17[%get3A_211, %get3A_212] {strides = array<i32>} : memref<128x16xf32, #tpu.memory_space<vmem>>, vector<16xf32>,
        %mul3A_214 = arith.mulf %gather3A_210, %get3A_213 : vector<16xf32>
        %swap3A_215 = arith.index_cast %add3A_206 : i32 to index
        %swap3A_216 = arith.constant 0 : index
        %swap3A_217 = tpu.vector_load %arg17[%swap3A_215, %swap3A_216] {strides = array<i32>} : memref<128x16xf32, #tpu.memory_space<vmem>>, vector<16xf32>,
        tpu.vector_store %arg17[%swap3A_215, %swap3A_216], %mul3A_214 {strides = array<i32>} : memref<128x16xf32, #tpu.memory_space<vmem>>, vector<16xf32>,
        %scan3A_218 = arith.constant 3 : i32
        %scan3A_219 = arith.addi %scan3A_172, %scan3A_218 : i32
        %mul3A_220 = arith.constant 1 : i32
        %mul3A_221 = arith.muli %scan3A_219, %mul3A_220 : i32
        %add3A_222 = arith.constant 0 : i32
        %add3A_223 = arith.addi %add3A_222, %mul3A_221 : i32
        %add3A_224 = arith.constant 0 : i32
        %add3A_225 = arith.addi %add3A_224, %add3A_223 : i32
        %broadcast_in_dim3A_226 = vector.broadcast %add3A_225 : i32 to vector<16xi32>
        %gather3A_227 = tpu.vector_load_idx %arg20[%broadcast_in_dim3A_226] : memref<256xf32, #tpu.memory_space<vmem>>[vector<16xi32>], vector<16xf32>,
        %get3A_228 = arith.index_cast %add3A_223 : i32 to index
        %get3A_229 = arith.constant 0 : index
        %get3A_230 = tpu.vector_load %arg17[%get3A_228, %get3A_229] {strides = array<i32>} : memref<128x16xf32, #tpu.memory_space<vmem>>, vector<16xf32>,
        %mul3A_231 = arith.mulf %gather3A_227, %get3A_230 : vector<16xf32>
        %swap3A_232 = arith.index_cast %add3A_223 : i32 to index
        %swap3A_233 = arith.constant 0 : index
        %swap3A_234 = tpu.vector_load %arg17[%swap3A_232, %swap3A_233] {strides = array<i32>} : memref<128x16xf32, #tpu.memory_space<vmem>>, vector<16xf32>,
        tpu.vector_store %arg17[%swap3A_232, %swap3A_233], %mul3A_231 {strides = array<i32>} : memref<128x16xf32, #tpu.memory_space<vmem>>, vector<16xf32>,
        %scan3A_235 = arith.constant 4 : i32
        %scan3A_236 = arith.addi %scan3A_172, %scan3A_235 : i32
        %mul3A_237 = arith.constant 1 : i32
        %mul3A_238 = arith.muli %scan3A_236, %mul3A_237 : i32
        %add3A_239 = arith.constant 0 : i32
        %add3A_240 = arith.addi %add3A_239, %mul3A_238 : i32
        %add3A_241 = arith.constant 0 : i32
        %add3A_242 = arith.addi %add3A_241, %add3A_240 : i32
        %broadcast_in_dim3A_243 = vector.broadcast %add3A_242 : i32 to vector<16xi32>
        %gather3A_244 = tpu.vector_load_idx %arg20[%broadcast_in_dim3A_243] : memref<256xf32, #tpu.memory_space<vmem>>[vector<16xi32>], vector<16xf32>,
        %get3A_245 = arith.index_cast %add3A_240 : i32 to index
        %get3A_246 = arith.constant 0 : index
        %get3A_247 = tpu.vector_load %arg17[%get3A_245, %get3A_246] {strides = array<i32>} : memref<128x16xf32, #tpu.memory_space<vmem>>, vector<16xf32>,
        %mul3A_248 = arith.mulf %gather3A_244, %get3A_247 : vector<16xf32>
        %swap3A_249 = arith.index_cast %add3A_240 : i32 to index
        %swap3A_250 = arith.constant 0 : index
        %swap3A_251 = tpu.vector_load %arg17[%swap3A_249, %swap3A_250] {strides = array<i32>} : memref<128x16xf32, #tpu.memory_space<vmem>>, vector<16xf32>,
        tpu.vector_store %arg17[%swap3A_249, %swap3A_250], %mul3A_248 {strides = array<i32>} : memref<128x16xf32, #tpu.memory_space<vmem>>, vector<16xf32>,
        %scan3A_252 = arith.constant 5 : i32
        %scan3A_253 = arith.addi %scan3A_172, %scan3A_252 : i32
        %mul3A_254 = arith.constant 1 : i32
        %mul3A_255 = arith.muli %scan3A_253, %mul3A_254 : i32
        %add3A_256 = arith.constant 0 : i32
        %add3A_257 = arith.addi %add3A_256, %mul3A_255 : i32
        %add3A_258 = arith.constant 0 : i32
        %add3A_259 = arith.addi %add3A_258, %add3A_257 : i32
        %broadcast_in_dim3A_260 = vector.broadcast %add3A_259 : i32 to vector<16xi32>
        %gather3A_261 = tpu.vector_load_idx %arg20[%broadcast_in_dim3A_260] : memref<256xf32, #tpu.memory_space<vmem>>[vector<16xi32>], vector<16xf32>,
        %get3A_262 = arith.index_cast %add3A_257 : i32 to index
        %get3A_263 = arith.constant 0 : index
        %get3A_264 = tpu.vector_load %arg17[%get3A_262, %get3A_263] {strides = array<i32>} : memref<128x16xf32, #tpu.memory_space<vmem>>, vector<16xf32>,
        %mul3A_265 = arith.mulf %gather3A_261, %get3A_264 : vector<16xf32>
        %swap3A_266 = arith.index_cast %add3A_257 : i32 to index
        %swap3A_267 = arith.constant 0 : index
        %swap3A_268 = tpu.vector_load %arg17[%swap3A_266, %swap3A_267] {strides = array<i32>} : memref<128x16xf32, #tpu.memory_space<vmem>>, vector<16xf32>,
        tpu.vector_store %arg17[%swap3A_266, %swap3A_267], %mul3A_265 {strides = array<i32>} : memref<128x16xf32, #tpu.memory_space<vmem>>, vector<16xf32>,
        %scan3A_269 = arith.constant 6 : i32
        %scan3A_270 = arith.addi %scan3A_172, %scan3A_269 : i32
        %mul3A_271 = arith.constant 1 : i32
        %mul3A_272 = arith.muli %scan3A_270, %mul3A_271 : i32
        %add3A_273 = arith.constant 0 : i32
        %add3A_274 = arith.addi %add3A_273, %mul3A_272 : i32
        %add3A_275 = arith.constant 0 : i32
        %add3A_276 = arith.addi %add3A_275, %add3A_274 : i32
        %broadcast_in_dim3A_277 = vector.broadcast %add3A_276 : i32 to vector<16xi32>
        %gather3A_278 = tpu.vector_load_idx %arg20[%broadcast_in_dim3A_277] : memref<256xf32, #tpu.memory_space<vmem>>[vector<16xi32>], vector<16xf32>,
        %get3A_279 = arith.index_cast %add3A_274 : i32 to index
        %get3A_280 = arith.constant 0 : index
        %get3A_281 = tpu.vector_load %arg17[%get3A_279, %get3A_280] {strides = array<i32>} : memref<128x16xf32, #tpu.memory_space<vmem>>, vector<16xf32>,
        %mul3A_282 = arith.mulf %gather3A_278, %get3A_281 : vector<16xf32>
        %swap3A_283 = arith.index_cast %add3A_274 : i32 to index
        %swap3A_284 = arith.constant 0 : index
        %swap3A_285 = tpu.vector_load %arg17[%swap3A_283, %swap3A_284] {strides = array<i32>} : memref<128x16xf32, #tpu.memory_space<vmem>>, vector<16xf32>,
        tpu.vector_store %arg17[%swap3A_283, %swap3A_284], %mul3A_282 {strides = array<i32>} : memref<128x16xf32, #tpu.memory_space<vmem>>, vector<16xf32>,
        %scan3A_286 = arith.constant 7 : i32
        %scan3A_287 = arith.addi %scan3A_172, %scan3A_286 : i32
        %mul3A_288 = arith.constant 1 : i32
        %mul3A_289 = arith.muli %scan3A_287, %mul3A_288 : i32
        %add3A_290 = arith.constant 0 : i32
        %add3A_291 = arith.addi %add3A_290, %mul3A_289 : i32
        %add3A_292 = arith.constant 0 : i32
        %add3A_293 = arith.addi %add3A_292, %add3A_291 : i32
        %broadcast_in_dim3A_294 = vector.broadcast %add3A_293 : i32 to vector<16xi32>
        %gather3A_295 = tpu.vector_load_idx %arg20[%broadcast_in_dim3A_294] : memref<256xf32, #tpu.memory_space<vmem>>[vector<16xi32>], vector<16xf32>,
        %get3A_296 = arith.index_cast %add3A_291 : i32 to index
        %get3A_297 = arith.constant 0 : index
        %get3A_298 = tpu.vector_load %arg17[%get3A_296, %get3A_297] {strides = array<i32>} : memref<128x16xf32, #tpu.memory_space<vmem>>, vector<16xf32>,
        %mul3A_299 = arith.mulf %gather3A_295, %get3A_298 : vector<16xf32>
        %swap3A_300 = arith.index_cast %add3A_291 : i32 to index
        %swap3A_301 = arith.constant 0 : index
        %swap3A_302 = tpu.vector_load %arg17[%swap3A_300, %swap3A_301] {strides = array<i32>} : memref<128x16xf32, #tpu.memory_space<vmem>>, vector<16xf32>,
        tpu.vector_store %arg17[%swap3A_300, %swap3A_301], %mul3A_299 {strides = array<i32>} : memref<128x16xf32, #tpu.memory_space<vmem>>, vector<16xf32>,
      }
      %scan3A_166 = arith.constant 128 : i32
      %scan3A_167 = arith.constant 0 : i32
      %scan3A_168 = arith.constant 128 : i32
      %scan3A_169 = arith.addi %scan3A_167, %scan3A_168 : i32
      %scan3A_170 = arith.constant 8 : i32
      scf.for %scan3A_172 = %scan3A_167 to %scan3A_169 step %scan3A_170  : i32 {
        %mul3A_173 = arith.constant 1 : i32
        %mul3A_174 = arith.muli %scan3A_172, %mul3A_173 : i32
        %add3A_175 = arith.constant 0 : i32
        %add3A_176 = arith.addi %add3A_175, %mul3A_174 : i32
        %add3A_177 = arith.constant 128 : i32
        %add3A_178 = arith.addi %add3A_177, %add3A_176 : i32
        %broadcast_in_dim3A = vector.broadcast %add3A_178 : i32 to vector<16xi32>
        %gather3A = tpu.vector_load_idx %arg20[%broadcast_in_dim3A] : memref<256xf32, #tpu.memory_space<vmem>>[vector<16xi32>], vector<16xf32>,
        %get3A = arith.index_cast %add3A_176 : i32 to index
        %get3A_179 = arith.constant 0 : index
        %get3A_180 = tpu.vector_load %arg18[%get3A, %get3A_179] {strides = array<i32>} : memref<128x16xf32, #tpu.memory_space<vmem>>, vector<16xf32>,
        %mul3A_181 = arith.mulf %gather3A, %get3A_180 : vector<16xf32>
        %swap3A = arith.index_cast %add3A_176 : i32 to index
        %swap3A_182 = arith.constant 0 : index
        %swap3A_183 = tpu.vector_load %arg18[%swap3A, %swap3A_182] {strides = array<i32>} : memref<128x16xf32, #tpu.memory_space<vmem>>, vector<16xf32>,
        tpu.vector_store %arg18[%swap3A, %swap3A_182], %mul3A_181 {strides = array<i32>} : memref<128x16xf32, #tpu.memory_space<vmem>>, vector<16xf32>,
        %scan3A_184 = arith.constant 1 : i32
        %scan3A_185 = arith.addi %scan3A_172, %scan3A_184 : i32
        %mul3A_186 = arith.constant 1 : i32
        %mul3A_187 = arith.muli %scan3A_185, %mul3A_186 : i32
        %add3A_188 = arith.constant 0 : i32
        %add3A_189 = arith.addi %add3A_188, %mul3A_187 : i32
        %add3A_190 = arith.constant 128 : i32
        %add3A_191 = arith.addi %add3A_190, %add3A_189 : i32
        %broadcast_in_dim3A_192 = vector.broadcast %add3A_191 : i32 to vector<16xi32>
        %gather3A_193 = tpu.vector_load_idx %arg20[%broadcast_in_dim3A_192] : memref<256xf32, #tpu.memory_space<vmem>>[vector<16xi32>], vector<16xf32>,
        %get3A_194 = arith.index_cast %add3A_189 : i32 to index
        %get3A_195 = arith.constant 0 : index
        %get3A_196 = tpu.vector_load %arg18[%get3A_194, %get3A_195] {strides = array<i32>} : memref<128x16xf32, #tpu.memory_space<vmem>>, vector<16xf32>,
        %mul3A_197 = arith.mulf %gather3A_193, %get3A_196 : vector<16xf32>
        %swap3A_198 = arith.index_cast %add3A_189 : i32 to index
        %swap3A_199 = arith.constant 0 : index
        %swap3A_200 = tpu.vector_load %arg18[%swap3A_198, %swap3A_199] {strides = array<i32>} : memref<128x16xf32, #tpu.memory_space<vmem>>, vector<16xf32>,
        tpu.vector_store %arg18[%swap3A_198, %swap3A_199], %mul3A_197 {strides = array<i32>} : memref<128x16xf32, #tpu.memory_space<vmem>>, vector<16xf32>,
        %scan3A_201 = arith.constant 2 : i32
        %scan3A_202 = arith.addi %scan3A_172, %scan3A_201 : i32
        %mul3A_203 = arith.constant 1 : i32
        %mul3A_204 = arith.muli %scan3A_202, %mul3A_203 : i32
        %add3A_205 = arith.constant 0 : i32
        %add3A_206 = arith.addi %add3A_205, %mul3A_204 : i32
        %add3A_207 = arith.constant 128 : i32
        %add3A_208 = arith.addi %add3A_207, %add3A_206 : i32
        %broadcast_in_dim3A_209 = vector.broadcast %add3A_208 : i32 to vector<16xi32>
        %gather3A_210 = tpu.vector_load_idx %arg20[%broadcast_in_dim3A_209] : memref<256xf32, #tpu.memory_space<vmem>>[vector<16xi32>], vector<16xf32>,
        %get3A_211 = arith.index_cast %add3A_206 : i32 to index
        %get3A_212 = arith.constant 0 : index
        %get3A_213 = tpu.vector_load %arg18[%get3A_211, %get3A_212] {strides = array<i32>} : memref<128x16xf32, #tpu.memory_space<vmem>>, vector<16xf32>,
        %mul3A_214 = arith.mulf %gather3A_210, %get3A_213 : vector<16xf32>
        %swap3A_215 = arith.index_cast %add3A_206 : i32 to index
        %swap3A_216 = arith.constant 0 : index
        %swap3A_217 = tpu.vector_load %arg18[%swap3A_215, %swap3A_216] {strides = array<i32>} : memref<128x16xf32, #tpu.memory_space<vmem>>, vector<16xf32>,
        tpu.vector_store %arg18[%swap3A_215, %swap3A_216], %mul3A_214 {strides = array<i32>} : memref<128x16xf32, #tpu.memory_space<vmem>>, vector<16xf32>,
        %scan3A_218 = arith.constant 3 : i32
        %scan3A_219 = arith.addi %scan3A_172, %scan3A_218 : i32
        %mul3A_220 = arith.constant 1 : i32
        %mul3A_221 = arith.muli %scan3A_219, %mul3A_220 : i32
        %add3A_222 = arith.constant 0 : i32
        %add3A_223 = arith.addi %add3A_222, %mul3A_221 : i32
        %add3A_224 = arith.constant 128 : i32
        %add3A_225 = arith.addi %add3A_224, %add3A_223 : i32
        %broadcast_in_dim3A_226 = vector.broadcast %add3A_225 : i32 to vector<16xi32>
        %gather3A_227 = tpu.vector_load_idx %arg20[%broadcast_in_dim3A_226] : memref<256xf32, #tpu.memory_space<vmem>>[vector<16xi32>], vector<16xf32>,
        %get3A_228 = arith.index_cast %add3A_223 : i32 to index
        %get3A_229 = arith.constant 0 : index
        %get3A_230 = tpu.vector_load %arg18[%get3A_228, %get3A_229] {strides = array<i32>} : memref<128x16xf32, #tpu.memory_space<vmem>>, vector<16xf32>,
        %mul3A_231 = arith.mulf %gather3A_227, %get3A_230 : vector<16xf32>
        %swap3A_232 = arith.index_cast %add3A_223 : i32 to index
        %swap3A_233 = arith.constant 0 : index
        %swap3A_234 = tpu.vector_load %arg18[%swap3A_232, %swap3A_233] {strides = array<i32>} : memref<128x16xf32, #tpu.memory_space<vmem>>, vector<16xf32>,
        tpu.vector_store %arg18[%swap3A_232, %swap3A_233], %mul3A_231 {strides = array<i32>} : memref<128x16xf32, #tpu.memory_space<vmem>>, vector<16xf32>,
        %scan3A_235 = arith.constant 4 : i32
        %scan3A_236 = arith.addi %scan3A_172, %scan3A_235 : i32
        %mul3A_237 = arith.constant 1 : i32
        %mul3A_238 = arith.muli %scan3A_236, %mul3A_237 : i32
        %add3A_239 = arith.constant 0 : i32
        %add3A_240 = arith.addi %add3A_239, %mul3A_238 : i32
        %add3A_241 = arith.constant 128 : i32
        %add3A_242 = arith.addi %add3A_241, %add3A_240 : i32
        %broadcast_in_dim3A_243 = vector.broadcast %add3A_242 : i32 to vector<16xi32>
        %gather3A_244 = tpu.vector_load_idx %arg20[%broadcast_in_dim3A_243] : memref<256xf32, #tpu.memory_space<vmem>>[vector<16xi32>], vector<16xf32>,
        %get3A_245 = arith.index_cast %add3A_240 : i32 to index
        %get3A_246 = arith.constant 0 : index
        %get3A_247 = tpu.vector_load %arg18[%get3A_245, %get3A_246] {strides = array<i32>} : memref<128x16xf32, #tpu.memory_space<vmem>>, vector<16xf32>,
        %mul3A_248 = arith.mulf %gather3A_244, %get3A_247 : vector<16xf32>
        %swap3A_249 = arith.index_cast %add3A_240 : i32 to index
        %swap3A_250 = arith.constant 0 : index
        %swap3A_251 = tpu.vector_load %arg18[%swap3A_249, %swap3A_250] {strides = array<i32>} : memref<128x16xf32, #tpu.memory_space<vmem>>, vector<16xf32>,
        tpu.vector_store %arg18[%swap3A_249, %swap3A_250], %mul3A_248 {strides = array<i32>} : memref<128x16xf32, #tpu.memory_space<vmem>>, vector<16xf32>,
        %scan3A_252 = arith.constant 5 : i32
        %scan3A_253 = arith.addi %scan3A_172, %scan3A_252 : i32
        %mul3A_254 = arith.constant 1 : i32
        %mul3A_255 = arith.muli %scan3A_253, %mul3A_254 : i32
        %add3A_256 = arith.constant 0 : i32
        %add3A_257 = arith.addi %add3A_256, %mul3A_255 : i32
        %add3A_258 = arith.constant 128 : i32
        %add3A_259 = arith.addi %add3A_258, %add3A_257 : i32
        %broadcast_in_dim3A_260 = vector.broadcast %add3A_259 : i32 to vector<16xi32>
        %gather3A_261 = tpu.vector_load_idx %arg20[%broadcast_in_dim3A_260] : memref<256xf32, #tpu.memory_space<vmem>>[vector<16xi32>], vector<16xf32>,
        %get3A_262 = arith.index_cast %add3A_257 : i32 to index
        %get3A_263 = arith.constant 0 : index
        %get3A_264 = tpu.vector_load %arg18[%get3A_262, %get3A_263] {strides = array<i32>} : memref<128x16xf32, #tpu.memory_space<vmem>>, vector<16xf32>,
        %mul3A_265 = arith.mulf %gather3A_261, %get3A_264 : vector<16xf32>
        %swap3A_266 = arith.index_cast %add3A_257 : i32 to index
        %swap3A_267 = arith.constant 0 : index
        %swap3A_268 = tpu.vector_load %arg18[%swap3A_266, %swap3A_267] {strides = array<i32>} : memref<128x16xf32, #tpu.memory_space<vmem>>, vector<16xf32>,
        tpu.vector_store %arg18[%swap3A_266, %swap3A_267], %mul3A_265 {strides = array<i32>} : memref<128x16xf32, #tpu.memory_space<vmem>>, vector<16xf32>,
        %scan3A_269 = arith.constant 6 : i32
        %scan3A_270 = arith.addi %scan3A_172, %scan3A_269 : i32
        %mul3A_271 = arith.constant 1 : i32
        %mul3A_272 = arith.muli %scan3A_270, %mul3A_271 : i32
        %add3A_273 = arith.constant 0 : i32
        %add3A_274 = arith.addi %add3A_273, %mul3A_272 : i32
        %add3A_275 = arith.constant 128 : i32
        %add3A_276 = arith.addi %add3A_275, %add3A_274 : i32
        %broadcast_in_dim3A_277 = vector.broadcast %add3A_276 : i32 to vector<16xi32>
        %gather3A_278 = tpu.vector_load_idx %arg20[%broadcast_in_dim3A_277] : memref<256xf32, #tpu.memory_space<vmem>>[vector<16xi32>], vector<16xf32>,
        %get3A_279 = arith.index_cast %add3A_274 : i32 to index
        %get3A_280 = arith.constant 0 : index
        %get3A_281 = tpu.vector_load %arg18[%get3A_279, %get3A_280] {strides = array<i32>} : memref<128x16xf32, #tpu.memory_space<vmem>>, vector<16xf32>,
        %mul3A_282 = arith.mulf %gather3A_278, %get3A_281 : vector<16xf32>
        %swap3A_283 = arith.index_cast %add3A_274 : i32 to index
        %swap3A_284 = arith.constant 0 : index
        %swap3A_285 = tpu.vector_load %arg18[%swap3A_283, %swap3A_284] {strides = array<i32>} : memref<128x16xf32, #tpu.memory_space<vmem>>, vector<16xf32>,
        tpu.vector_store %arg18[%swap3A_283, %swap3A_284], %mul3A_282 {strides = array<i32>} : memref<128x16xf32, #tpu.memory_space<vmem>>, vector<16xf32>,
        %scan3A_286 = arith.constant 7 : i32
        %scan3A_287 = arith.addi %scan3A_172, %scan3A_286 : i32
        %mul3A_288 = arith.constant 1 : i32
        %mul3A_289 = arith.muli %scan3A_287, %mul3A_288 : i32
        %add3A_290 = arith.constant 0 : i32
        %add3A_291 = arith.addi %add3A_290, %mul3A_289 : i32
        %add3A_292 = arith.constant 128 : i32
        %add3A_293 = arith.addi %add3A_292, %add3A_291 : i32
        %broadcast_in_dim3A_294 = vector.broadcast %add3A_293 : i32 to vector<16xi32>
        %gather3A_295 = tpu.vector_load_idx %arg20[%broadcast_in_dim3A_294] : memref<256xf32, #tpu.memory_space<vmem>>[vector<16xi32>], vector<16xf32>,
        %get3A_296 = arith.index_cast %add3A_291 : i32 to index
        %get3A_297 = arith.constant 0 : index
        %get3A_298 = tpu.vector_load %arg18[%get3A_296, %get3A_297] {strides = array<i32>} : memref<128x16xf32, #tpu.memory_space<vmem>>, vector<16xf32>,
        %mul3A_299 = arith.mulf %gather3A_295, %get3A_298 : vector<16xf32>
        %swap3A_300 = arith.index_cast %add3A_291 : i32 to index
        %swap3A_301 = arith.constant 0 : index
        %swap3A_302 = tpu.vector_load %arg18[%swap3A_300, %swap3A_301] {strides = array<i32>} : memref<128x16xf32, #tpu.memory_space<vmem>>, vector<16xf32>,
        tpu.vector_store %arg18[%swap3A_300, %swap3A_301], %mul3A_299 {strides = array<i32>} : memref<128x16xf32, #tpu.memory_space<vmem>>, vector<16xf32>,
      }
      %scan3A_171 = arith.constant 128 : i32
      "tpu.region"() ({
        %run_scoped3A = tpu.sem_alloc : memref<!tpu.dma_semaphore, #tpu.memory_space<semaphore_mem>>
        %dma_start3A_172 = arith.constant 0 : i32
        %dma_start3A_173 = arith.constant 0 : i32
        %dma_start3A_174 = tpu.memref_slice %arg22[%dma_start3A_172, %dma_start3A_173] : memref<100096x16xf32, #tpu.memory_space<vmem_shared>> -> memref<100096x16xf32, #tpu.memory_space<vmem_shared>>
        tpu.enqueue_indirect_dma source(%arg17 : memref<128x16xf32, #tpu.memory_space<vmem>>) target(%dma_start3A_174 : memref<100096x16xf32, #tpu.memory_space<vmem_shared>>) offsets(%arg13 : memref<128xi32, #tpu.memory_space<vmem>>) semaphore(%run_scoped3A : memref<!tpu.dma_semaphore, #tpu.memory_space<semaphore_mem>>) {add = true}
        %dma_wait3A_175 = arith.constant 0 : i32
        %dma_wait3A_176 = arith.constant 0 : i32
        %dma_wait3A_177 = tpu.memref_slice %arg22[%dma_wait3A_175, %dma_wait3A_176] : memref<100096x16xf32, #tpu.memory_space<vmem_shared>> -> memref<100096x16xf32, #tpu.memory_space<vmem_shared>>
        tpu.wait_indirect_dma semaphore(%run_scoped3A : memref<!tpu.dma_semaphore, #tpu.memory_space<semaphore_mem>>) src(%arg17 : memref<128x16xf32, #tpu.memory_space<vmem>>) dst(%dma_wait3A_177 : memref<100096x16xf32, #tpu.memory_space<vmem_shared>>)
        tpu.yield
      }) : () -> ()
      "tpu.region"() ({
        %run_scoped3A = tpu.sem_alloc : memref<!tpu.dma_semaphore, #tpu.memory_space<semaphore_mem>>
        %dma_start3A_172 = arith.constant 0 : i32
        %dma_start3A_173 = arith.constant 0 : i32
        %dma_start3A_174 = tpu.memref_slice %arg22[%dma_start3A_172, %dma_start3A_173] : memref<100096x16xf32, #tpu.memory_space<vmem_shared>> -> memref<100096x16xf32, #tpu.memory_space<vmem_shared>>
        tpu.enqueue_indirect_dma source(%arg18 : memref<128x16xf32, #tpu.memory_space<vmem>>) target(%dma_start3A_174 : memref<100096x16xf32, #tpu.memory_space<vmem_shared>>) offsets(%arg14 : memref<128xi32, #tpu.memory_space<vmem>>) semaphore(%run_scoped3A : memref<!tpu.dma_semaphore, #tpu.memory_space<semaphore_mem>>) {add = true}
        %dma_wait3A_175 = arith.constant 0 : i32
        %dma_wait3A_176 = arith.constant 0 : i32
        %dma_wait3A_177 = tpu.memref_slice %arg22[%dma_wait3A_175, %dma_wait3A_176] : memref<100096x16xf32, #tpu.memory_space<vmem_shared>> -> memref<100096x16xf32, #tpu.memory_space<vmem_shared>>
        tpu.wait_indirect_dma semaphore(%run_scoped3A : memref<!tpu.dma_semaphore, #tpu.memory_space<semaphore_mem>>) src(%arg18 : memref<128x16xf32, #tpu.memory_space<vmem>>) dst(%dma_wait3A_177 : memref<100096x16xf32, #tpu.memory_space<vmem_shared>>)
        tpu.yield
      }) : () -> ()
    }
    %scan3A_34 = arith.constant 196 : i32
    %barrier3A_35 = arith.constant 0 : index
    tpu.barrier barrier_id(%barrier3A_35)
    "tpu.region"() ({
      %run_scoped3A = tpu.sem_alloc : memref<!tpu.dma_semaphore, #tpu.memory_space<semaphore_mem>>
      %dma_start3A_36 = arith.constant 0 : i32
      %dma_start3A_37 = tpu.memref_slice %arg6[%arg0, %mul3A_4, %dma_start3A_36] : memref<2x100096x16xf32, #tpu.memory_space<hbm>> -> memref<1x6256x16xf32, #tpu.memory_space<hbm>>
      %dma_start3A_38 = tpu.memref_squeeze %dma_start3A_37 : memref<1x6256x16xf32, #tpu.memory_space<hbm>> -> memref<6256x16xf32, #tpu.memory_space<hbm>>
      %dma_start3A_39 = arith.constant 0 : i32
      %dma_start3A_40 = tpu.memref_slice %arg22[%mul3A_4, %dma_start3A_39] : memref<100096x16xf32, #tpu.memory_space<vmem_shared>> -> memref<6256x16xf32, #tpu.memory_space<vmem_shared>>
      tpu.enqueue_dma source(%dma_start3A_40 : memref<6256x16xf32, #tpu.memory_space<vmem_shared>>) target(%dma_start3A_38 : memref<6256x16xf32, #tpu.memory_space<hbm>>) target_semaphore(%run_scoped3A : memref<!tpu.dma_semaphore, #tpu.memory_space<semaphore_mem>>)
      %dma_wait3A = arith.constant 0 : i32
      %dma_wait3A_41 = tpu.memref_slice %arg6[%arg0, %mul3A_4, %dma_wait3A] : memref<2x100096x16xf32, #tpu.memory_space<hbm>> -> memref<1x6256x16xf32, #tpu.memory_space<hbm>>
      %dma_wait3A_42 = tpu.memref_squeeze %dma_wait3A_41 : memref<1x6256x16xf32, #tpu.memory_space<hbm>> -> memref<6256x16xf32, #tpu.memory_space<hbm>>
      %dma_wait3A_43 = arith.constant 0 : i32
      %dma_wait3A_44 = tpu.memref_slice %arg22[%mul3A_4, %dma_wait3A_43] : memref<100096x16xf32, #tpu.memory_space<vmem_shared>> -> memref<6256x16xf32, #tpu.memory_space<vmem_shared>>
      tpu.wait_dma2 semaphore(%run_scoped3A : memref<!tpu.dma_semaphore, #tpu.memory_space<semaphore_mem>>) src(%dma_wait3A_44 : memref<6256x16xf32, #tpu.memory_space<vmem_shared>>) dst(%dma_wait3A_42 : memref<6256x16xf32, #tpu.memory_space<hbm>>)
      tpu.yield
    }) : () -> ()
    return
  }
}

#map = affine_map<(d0, d1) -> (0)>
#map1 = affine_map<(d0, d1) -> (0, 0)>
#map2 = affine_map<(d0, d1) -> (0, 0, 0)>
module attributes {stable_mosaic.version = 14 : i64} {
  func.func @phase_a(%arg0: i32, %arg1: i32, %arg2: memref<1605632xi32, #tpu.memory_space<hbm>>, %arg3: memref<1605632xi32, #tpu.memory_space<hbm>>, %arg4: memref<1605632x16xf32, #tpu.memory_space<hbm>>, %arg5: memref<100000x16xf32, #tpu.memory_space<hbm>>, %arg6: memref<2x100096x16xf32, #tpu.memory_space<hbm>>, %arg7: memref<128xi32, #tpu.memory_space<vmem>>, %arg8: memref<128xi32, #tpu.memory_space<vmem>>, %arg9: memref<128xi32, #tpu.memory_space<vmem>>, %arg10: memref<128xi32, #tpu.memory_space<vmem>>, %arg11: memref<128xi32, #tpu.memory_space<vmem>>, %arg12: memref<128xi32, #tpu.memory_space<vmem>>, %arg13: memref<128xi32, #tpu.memory_space<vmem>>, %arg14: memref<128xi32, #tpu.memory_space<vmem>>, %arg15: memref<128x16xf32, #tpu.memory_space<vmem>>, %arg16: memref<128x16xf32, #tpu.memory_space<vmem>>, %arg17: memref<128x16xf32, #tpu.memory_space<vmem>>, %arg18: memref<128x16xf32, #tpu.memory_space<vmem>>, %arg19: memref<256x16xf32, #tpu.memory_space<vmem>>, %arg20: memref<256x16xf32, #tpu.memory_space<vmem>>, %arg21: memref<368x16xf32, #tpu.memory_space<vmem>>, %arg22: memref<100096x16xf32, #tpu.memory_space<vmem_shared>>, %arg23: memref<!tpu.dma_semaphore, #tpu.memory_space<semaphore_mem>>, %arg24: memref<!tpu.dma_semaphore, #tpu.memory_space<semaphore_mem>>, %arg25: memref<!tpu.dma_semaphore, #tpu.memory_space<semaphore_mem>>, %arg26: memref<!tpu.dma_semaphore, #tpu.memory_space<semaphore_mem>>) attributes {dimension_semantics = [#tpu.dimension_semantics<core_parallel>, #tpu.dimension_semantics<subcore_parallel>], iteration_bounds = array<i64: 2, 16>, scalar_prefetch = 0 : i64, scratch_operands = 20 : i64, tpu.core_type = #tpu.core_type<sc_vector_subcore>, window_params = [{transform_indices = #map}, {transform_indices = #map}, {transform_indices = #map1}, {transform_indices = #map1}, {transform_indices = #map2}]} {
    %mul3A = arith.constant 2 : i32
    %mul3A_0 = arith.muli %arg1, %mul3A : i32
    %add3A = arith.addi %mul3A_0, %arg0 : i32
    %scan3A = arith.constant 0 : i32
    %scan3A_1 = arith.constant 368 : i32
    %scan3A_2 = arith.addi %scan3A, %scan3A_1 : i32
    %scan3A_3 = arith.constant 1 : i32
    scf.for %scan3A_39 = %scan3A to %scan3A_2 step %scan3A_3  : i32 {
      %mul3A_40 = arith.constant 1 : i32
      %mul3A_41 = arith.muli %scan3A_39, %mul3A_40 : i32
      %add3A_42 = arith.constant 0 : i32
      %add3A_43 = arith.addi %add3A_42, %mul3A_41 : i32
      %broadcast_in_dim3A = arith.constant 0.000000e+00 : f32
      %broadcast_in_dim3A_44 = vector.broadcast %broadcast_in_dim3A : f32 to vector<16xf32>
      %swap3A = arith.index_cast %add3A_43 : i32 to index
      %swap3A_45 = arith.constant 0 : index
      %swap3A_46 = tpu.vector_load %arg21[%swap3A, %swap3A_45] {strides = array<i32>} : memref<368x16xf32, #tpu.memory_space<vmem>>, vector<16xf32>,
      tpu.vector_store %arg21[%swap3A, %swap3A_45], %broadcast_in_dim3A_44 {strides = array<i32>} : memref<368x16xf32, #tpu.memory_space<vmem>>, vector<16xf32>,
    }
    %scan3A_4 = arith.constant 368 : i32
    %mul3A_5 = arith.constant 6256 : i32
    %mul3A_6 = arith.muli %arg1, %mul3A_5 : i32
    %scan3A_7 = arith.constant 0 : i32
    %scan3A_8 = arith.constant 17 : i32
    %scan3A_9 = arith.addi %scan3A_7, %scan3A_8 : i32
    %scan3A_10 = arith.constant 1 : i32
    scf.for %scan3A_39 = %scan3A_7 to %scan3A_9 step %scan3A_10  : i32 {
      %mul3A_40 = arith.constant 1 : i32
      %mul3A_41 = arith.muli %scan3A_39, %mul3A_40 : i32
      %add3A_42 = arith.constant 0 : i32
      %add3A_43 = arith.addi %add3A_42, %mul3A_41 : i32
      %mul3A_44 = arith.constant 368 : i32
      %mul3A_45 = arith.muli %add3A_43, %mul3A_44 : i32
      %add3A_46 = arith.addi %mul3A_6, %mul3A_45 : i32
      "tpu.region"() ({
        %run_scoped3A = tpu.sem_alloc : memref<!tpu.dma_semaphore, #tpu.memory_space<semaphore_mem>>
        %dma_start3A_47 = arith.constant 0 : i32
        %dma_start3A_48 = arith.constant 0 : i32
        %dma_start3A_49 = tpu.memref_slice %arg21[%dma_start3A_47, %dma_start3A_48] : memref<368x16xf32, #tpu.memory_space<vmem>> -> memref<368x16xf32, #tpu.memory_space<vmem>>
        %dma_start3A_50 = arith.constant 0 : i32
        %dma_start3A_51 = tpu.memref_slice %arg22[%add3A_46, %dma_start3A_50] : memref<100096x16xf32, #tpu.memory_space<vmem_shared>> -> memref<368x16xf32, #tpu.memory_space<vmem_shared>>
        %dma_start3A_52 = arith.constant 0 : i32
        %dma_start3A_53 = tpu.memref_slice %arg22[%add3A_46, %dma_start3A_52] : memref<100096x16xf32, #tpu.memory_space<vmem_shared>> -> memref<368x16xf32, #tpu.memory_space<vmem_shared>>
        %dma_start3A_54 = arith.constant 0 : i32
        %dma_start3A_55 = arith.constant 0 : i32
        %dma_start3A_56 = tpu.memref_slice %arg21[%dma_start3A_54, %dma_start3A_55] : memref<368x16xf32, #tpu.memory_space<vmem>> -> memref<368x16xf32, #tpu.memory_space<vmem>>
        tpu.enqueue_dma source(%dma_start3A_56 : memref<368x16xf32, #tpu.memory_space<vmem>>) target(%dma_start3A_53 : memref<368x16xf32, #tpu.memory_space<vmem_shared>>) target_semaphore(%run_scoped3A : memref<!tpu.dma_semaphore, #tpu.memory_space<semaphore_mem>>)
        %dma_wait3A = arith.constant 0 : i32
        %dma_wait3A_57 = arith.constant 0 : i32
        %dma_wait3A_58 = tpu.memref_slice %arg21[%dma_wait3A, %dma_wait3A_57] : memref<368x16xf32, #tpu.memory_space<vmem>> -> memref<368x16xf32, #tpu.memory_space<vmem>>
        %dma_wait3A_59 = arith.constant 0 : i32
        %dma_wait3A_60 = tpu.memref_slice %arg22[%add3A_46, %dma_wait3A_59] : memref<100096x16xf32, #tpu.memory_space<vmem_shared>> -> memref<368x16xf32, #tpu.memory_space<vmem_shared>>
        %dma_wait3A_61 = arith.constant 0 : i32
        %dma_wait3A_62 = tpu.memref_slice %arg22[%add3A_46, %dma_wait3A_61] : memref<100096x16xf32, #tpu.memory_space<vmem_shared>> -> memref<368x16xf32, #tpu.memory_space<vmem_shared>>
        %dma_wait3A_63 = arith.constant 0 : i32
        %dma_wait3A_64 = arith.constant 0 : i32
        %dma_wait3A_65 = tpu.memref_slice %arg21[%dma_wait3A_63, %dma_wait3A_64] : memref<368x16xf32, #tpu.memory_space<vmem>> -> memref<368x16xf32, #tpu.memory_space<vmem>>
        tpu.wait_dma2 semaphore(%run_scoped3A : memref<!tpu.dma_semaphore, #tpu.memory_space<semaphore_mem>>) src(%dma_wait3A_65 : memref<368x16xf32, #tpu.memory_space<vmem>>) dst(%dma_wait3A_62 : memref<368x16xf32, #tpu.memory_space<vmem_shared>>)
        tpu.yield
      }) : () -> ()
    }
    %scan3A_11 = arith.constant 17 : i32
    %barrier3A = arith.constant 0 : index
    tpu.barrier barrier_id(%barrier3A)
    %mul3A_12 = arith.constant 50176 : i32
    %mul3A_13 = arith.muli %add3A, %mul3A_12 : i32
    %multiple_of3A = tpu.assume_multiple %mul3A_13, 128 : i32
    %dma_start3A = arith.constant 0 : i32
    %dma_start3A_14 = tpu.memref_slice %arg4[%multiple_of3A, %dma_start3A] : memref<1605632x16xf32, #tpu.memory_space<hbm>> -> memref<256x16xf32, #tpu.memory_space<hbm>>
    %dma_start3A_15 = arith.constant 0 : i32
    %dma_start3A_16 = tpu.memref_slice %arg4[%multiple_of3A, %dma_start3A_15] : memref<1605632x16xf32, #tpu.memory_space<hbm>> -> memref<256x16xf32, #tpu.memory_space<hbm>>
    tpu.enqueue_dma source(%dma_start3A_16 : memref<256x16xf32, #tpu.memory_space<hbm>>) target(%arg19 : memref<256x16xf32, #tpu.memory_space<vmem>>) target_semaphore(%arg23 : memref<!tpu.dma_semaphore, #tpu.memory_space<semaphore_mem>>)
    %add3A_17 = arith.constant 0 : i32
    %add3A_18 = arith.addi %multiple_of3A, %add3A_17 : i32
    %dma_start3A_19 = tpu.memref_slice %arg2[%add3A_18] : memref<1605632xi32, #tpu.memory_space<hbm>> -> memref<128xi32, #tpu.memory_space<hbm>>
    %dma_start3A_20 = tpu.memref_slice %arg2[%add3A_18] : memref<1605632xi32, #tpu.memory_space<hbm>> -> memref<128xi32, #tpu.memory_space<hbm>>
    tpu.enqueue_dma source(%dma_start3A_20 : memref<128xi32, #tpu.memory_space<hbm>>) target(%arg7 : memref<128xi32, #tpu.memory_space<vmem>>) target_semaphore(%arg23 : memref<!tpu.dma_semaphore, #tpu.memory_space<semaphore_mem>>)
    %add3A_21 = arith.constant 0 : i32
    %add3A_22 = arith.addi %multiple_of3A, %add3A_21 : i32
    %dma_start3A_23 = tpu.memref_slice %arg3[%add3A_22] : memref<1605632xi32, #tpu.memory_space<hbm>> -> memref<128xi32, #tpu.memory_space<hbm>>
    %dma_start3A_24 = tpu.memref_slice %arg3[%add3A_22] : memref<1605632xi32, #tpu.memory_space<hbm>> -> memref<128xi32, #tpu.memory_space<hbm>>
    tpu.enqueue_dma source(%dma_start3A_24 : memref<128xi32, #tpu.memory_space<hbm>>) target(%arg11 : memref<128xi32, #tpu.memory_space<vmem>>) target_semaphore(%arg23 : memref<!tpu.dma_semaphore, #tpu.memory_space<semaphore_mem>>)
    %add3A_25 = arith.constant 128 : i32
    %add3A_26 = arith.addi %multiple_of3A, %add3A_25 : i32
    %dma_start3A_27 = tpu.memref_slice %arg2[%add3A_26] : memref<1605632xi32, #tpu.memory_space<hbm>> -> memref<128xi32, #tpu.memory_space<hbm>>
    %dma_start3A_28 = tpu.memref_slice %arg2[%add3A_26] : memref<1605632xi32, #tpu.memory_space<hbm>> -> memref<128xi32, #tpu.memory_space<hbm>>
    tpu.enqueue_dma source(%dma_start3A_28 : memref<128xi32, #tpu.memory_space<hbm>>) target(%arg8 : memref<128xi32, #tpu.memory_space<vmem>>) target_semaphore(%arg23 : memref<!tpu.dma_semaphore, #tpu.memory_space<semaphore_mem>>)
    %add3A_29 = arith.constant 128 : i32
    %add3A_30 = arith.addi %multiple_of3A, %add3A_29 : i32
    %dma_start3A_31 = tpu.memref_slice %arg3[%add3A_30] : memref<1605632xi32, #tpu.memory_space<hbm>> -> memref<128xi32, #tpu.memory_space<hbm>>
    %dma_start3A_32 = tpu.memref_slice %arg3[%add3A_30] : memref<1605632xi32, #tpu.memory_space<hbm>> -> memref<128xi32, #tpu.memory_space<hbm>>
    tpu.enqueue_dma source(%dma_start3A_32 : memref<128xi32, #tpu.memory_space<hbm>>) target(%arg12 : memref<128xi32, #tpu.memory_space<vmem>>) target_semaphore(%arg23 : memref<!tpu.dma_semaphore, #tpu.memory_space<semaphore_mem>>)
    %scan3A_33 = arith.constant 0 : i32
    %scan3A_34 = arith.constant 98 : i32
    %scan3A_35 = arith.addi %scan3A_33, %scan3A_34 : i32
    %scan3A_36 = arith.constant 1 : i32
    scf.for %scan3A_39 = %scan3A_33 to %scan3A_35 step %scan3A_36  : i32 {
      %mul3A_40 = arith.constant 2 : i32
      %mul3A_41 = arith.muli %scan3A_39, %mul3A_40 : i32
      %add3A_42 = arith.constant 0 : i32
      %add3A_43 = arith.addi %add3A_42, %mul3A_41 : i32
      %mul3A_44 = arith.constant 256 : i32
      %mul3A_45 = arith.muli %add3A_43, %mul3A_44 : i32
      %add3A_46 = arith.addi %mul3A_13, %mul3A_45 : i32
      %multiple_of3A_47 = tpu.assume_multiple %add3A_46, 128 : i32
      %dma_wait3A = arith.constant 0 : i32
      %dma_wait3A_48 = arith.constant 0 : i32
      %dma_wait3A_49 = tpu.memref_slice %arg4[%dma_wait3A, %dma_wait3A_48] : memref<1605632x16xf32, #tpu.memory_space<hbm>> -> memref<256x16xf32, #tpu.memory_space<hbm>>
      %dma_wait3A_50 = arith.constant 0 : i32
      %dma_wait3A_51 = arith.constant 0 : i32
      %dma_wait3A_52 = tpu.memref_slice %arg4[%dma_wait3A_50, %dma_wait3A_51] : memref<1605632x16xf32, #tpu.memory_space<hbm>> -> memref<256x16xf32, #tpu.memory_space<hbm>>
      tpu.wait_dma2 semaphore(%arg23 : memref<!tpu.dma_semaphore, #tpu.memory_space<semaphore_mem>>) src(%dma_wait3A_52 : memref<256x16xf32, #tpu.memory_space<hbm>>) dst(%arg19 : memref<256x16xf32, #tpu.memory_space<vmem>>)
      %dma_wait3A_53 = arith.constant 0 : i32
      %dma_wait3A_54 = tpu.memref_slice %arg2[%dma_wait3A_53] : memref<1605632xi32, #tpu.memory_space<hbm>> -> memref<128xi32, #tpu.memory_space<hbm>>
      %dma_wait3A_55 = arith.constant 0 : i32
      %dma_wait3A_56 = tpu.memref_slice %arg2[%dma_wait3A_55] : memref<1605632xi32, #tpu.memory_space<hbm>> -> memref<128xi32, #tpu.memory_space<hbm>>
      tpu.wait_dma2 semaphore(%arg23 : memref<!tpu.dma_semaphore, #tpu.memory_space<semaphore_mem>>) src(%dma_wait3A_56 : memref<128xi32, #tpu.memory_space<hbm>>) dst(%arg7 : memref<128xi32, #tpu.memory_space<vmem>>)
      %dma_wait3A_57 = arith.constant 0 : i32
      %dma_wait3A_58 = tpu.memref_slice %arg3[%dma_wait3A_57] : memref<1605632xi32, #tpu.memory_space<hbm>> -> memref<128xi32, #tpu.memory_space<hbm>>
      %dma_wait3A_59 = arith.constant 0 : i32
      %dma_wait3A_60 = tpu.memref_slice %arg3[%dma_wait3A_59] : memref<1605632xi32, #tpu.memory_space<hbm>> -> memref<128xi32, #tpu.memory_space<hbm>>
      tpu.wait_dma2 semaphore(%arg23 : memref<!tpu.dma_semaphore, #tpu.memory_space<semaphore_mem>>) src(%dma_wait3A_60 : memref<128xi32, #tpu.memory_space<hbm>>) dst(%arg11 : memref<128xi32, #tpu.memory_space<vmem>>)
      %dma_wait3A_61 = arith.constant 0 : i32
      %dma_wait3A_62 = tpu.memref_slice %arg2[%dma_wait3A_61] : memref<1605632xi32, #tpu.memory_space<hbm>> -> memref<128xi32, #tpu.memory_space<hbm>>
      %dma_wait3A_63 = arith.constant 0 : i32
      %dma_wait3A_64 = tpu.memref_slice %arg2[%dma_wait3A_63] : memref<1605632xi32, #tpu.memory_space<hbm>> -> memref<128xi32, #tpu.memory_space<hbm>>
      tpu.wait_dma2 semaphore(%arg23 : memref<!tpu.dma_semaphore, #tpu.memory_space<semaphore_mem>>) src(%dma_wait3A_64 : memref<128xi32, #tpu.memory_space<hbm>>) dst(%arg8 : memref<128xi32, #tpu.memory_space<vmem>>)
      %dma_wait3A_65 = arith.constant 0 : i32
      %dma_wait3A_66 = tpu.memref_slice %arg3[%dma_wait3A_65] : memref<1605632xi32, #tpu.memory_space<hbm>> -> memref<128xi32, #tpu.memory_space<hbm>>
      %dma_wait3A_67 = arith.constant 0 : i32
      %dma_wait3A_68 = tpu.memref_slice %arg3[%dma_wait3A_67] : memref<1605632xi32, #tpu.memory_space<hbm>> -> memref<128xi32, #tpu.memory_space<hbm>>
      tpu.wait_dma2 semaphore(%arg23 : memref<!tpu.dma_semaphore, #tpu.memory_space<semaphore_mem>>) src(%dma_wait3A_68 : memref<128xi32, #tpu.memory_space<hbm>>) dst(%arg12 : memref<128xi32, #tpu.memory_space<vmem>>)
      %dma_start3A_69 = arith.constant 0 : i32
      %dma_start3A_70 = arith.constant 0 : i32
      %dma_start3A_71 = tpu.memref_slice %arg5[%dma_start3A_69, %dma_start3A_70] : memref<100000x16xf32, #tpu.memory_space<hbm>> -> memref<100000x16xf32, #tpu.memory_space<hbm>>
      tpu.enqueue_indirect_dma source(%dma_start3A_71 : memref<100000x16xf32, #tpu.memory_space<hbm>>) target(%arg15 : memref<128x16xf32, #tpu.memory_space<vmem>>) offsets(%arg7 : memref<128xi32, #tpu.memory_space<vmem>>) semaphore(%arg25 : memref<!tpu.dma_semaphore, #tpu.memory_space<semaphore_mem>>)
      %dma_start3A_72 = arith.constant 0 : i32
      %dma_start3A_73 = arith.constant 0 : i32
      %dma_start3A_74 = tpu.memref_slice %arg5[%dma_start3A_72, %dma_start3A_73] : memref<100000x16xf32, #tpu.memory_space<hbm>> -> memref<100000x16xf32, #tpu.memory_space<hbm>>
      tpu.enqueue_indirect_dma source(%dma_start3A_74 : memref<100000x16xf32, #tpu.memory_space<hbm>>) target(%arg16 : memref<128x16xf32, #tpu.memory_space<vmem>>) offsets(%arg8 : memref<128xi32, #tpu.memory_space<vmem>>) semaphore(%arg25 : memref<!tpu.dma_semaphore, #tpu.memory_space<semaphore_mem>>)
      %add3A_75 = arith.constant 256 : i32
      %add3A_76 = arith.addi %multiple_of3A_47, %add3A_75 : i32
      %dma_start3A_77 = arith.constant 0 : i32
      %dma_start3A_78 = tpu.memref_slice %arg4[%add3A_76, %dma_start3A_77] : memref<1605632x16xf32, #tpu.memory_space<hbm>> -> memref<256x16xf32, #tpu.memory_space<hbm>>
      %dma_start3A_79 = arith.constant 0 : i32
      %dma_start3A_80 = tpu.memref_slice %arg4[%add3A_76, %dma_start3A_79] : memref<1605632x16xf32, #tpu.memory_space<hbm>> -> memref<256x16xf32, #tpu.memory_space<hbm>>
      tpu.enqueue_dma source(%dma_start3A_80 : memref<256x16xf32, #tpu.memory_space<hbm>>) target(%arg20 : memref<256x16xf32, #tpu.memory_space<vmem>>) target_semaphore(%arg24 : memref<!tpu.dma_semaphore, #tpu.memory_space<semaphore_mem>>)
      %add3A_81 = arith.constant 0 : i32
      %add3A_82 = arith.addi %add3A_76, %add3A_81 : i32
      %dma_start3A_83 = tpu.memref_slice %arg2[%add3A_82] : memref<1605632xi32, #tpu.memory_space<hbm>> -> memref<128xi32, #tpu.memory_space<hbm>>
      %dma_start3A_84 = tpu.memref_slice %arg2[%add3A_82] : memref<1605632xi32, #tpu.memory_space<hbm>> -> memref<128xi32, #tpu.memory_space<hbm>>
      tpu.enqueue_dma source(%dma_start3A_84 : memref<128xi32, #tpu.memory_space<hbm>>) target(%arg9 : memref<128xi32, #tpu.memory_space<vmem>>) target_semaphore(%arg24 : memref<!tpu.dma_semaphore, #tpu.memory_space<semaphore_mem>>)
      %add3A_85 = arith.constant 0 : i32
      %add3A_86 = arith.addi %add3A_76, %add3A_85 : i32
      %dma_start3A_87 = tpu.memref_slice %arg3[%add3A_86] : memref<1605632xi32, #tpu.memory_space<hbm>> -> memref<128xi32, #tpu.memory_space<hbm>>
      %dma_start3A_88 = tpu.memref_slice %arg3[%add3A_86] : memref<1605632xi32, #tpu.memory_space<hbm>> -> memref<128xi32, #tpu.memory_space<hbm>>
      tpu.enqueue_dma source(%dma_start3A_88 : memref<128xi32, #tpu.memory_space<hbm>>) target(%arg13 : memref<128xi32, #tpu.memory_space<vmem>>) target_semaphore(%arg24 : memref<!tpu.dma_semaphore, #tpu.memory_space<semaphore_mem>>)
      %add3A_89 = arith.constant 128 : i32
      %add3A_90 = arith.addi %add3A_76, %add3A_89 : i32
      %dma_start3A_91 = tpu.memref_slice %arg2[%add3A_90] : memref<1605632xi32, #tpu.memory_space<hbm>> -> memref<128xi32, #tpu.memory_space<hbm>>
      %dma_start3A_92 = tpu.memref_slice %arg2[%add3A_90] : memref<1605632xi32, #tpu.memory_space<hbm>> -> memref<128xi32, #tpu.memory_space<hbm>>
      tpu.enqueue_dma source(%dma_start3A_92 : memref<128xi32, #tpu.memory_space<hbm>>) target(%arg10 : memref<128xi32, #tpu.memory_space<vmem>>) target_semaphore(%arg24 : memref<!tpu.dma_semaphore, #tpu.memory_space<semaphore_mem>>)
      %add3A_93 = arith.constant 128 : i32
      %add3A_94 = arith.addi %add3A_76, %add3A_93 : i32
      %dma_start3A_95 = tpu.memref_slice %arg3[%add3A_94] : memref<1605632xi32, #tpu.memory_space<hbm>> -> memref<128xi32, #tpu.memory_space<hbm>>
      %dma_start3A_96 = tpu.memref_slice %arg3[%add3A_94] : memref<1605632xi32, #tpu.memory_space<hbm>> -> memref<128xi32, #tpu.memory_space<hbm>>
      tpu.enqueue_dma source(%dma_start3A_96 : memref<128xi32, #tpu.memory_space<hbm>>) target(%arg14 : memref<128xi32, #tpu.memory_space<vmem>>) target_semaphore(%arg24 : memref<!tpu.dma_semaphore, #tpu.memory_space<semaphore_mem>>)
      %dma_wait3A_97 = arith.constant 0 : i32
      %dma_wait3A_98 = arith.constant 0 : i32
      %dma_wait3A_99 = tpu.memref_slice %arg5[%dma_wait3A_97, %dma_wait3A_98] : memref<100000x16xf32, #tpu.memory_space<hbm>> -> memref<100000x16xf32, #tpu.memory_space<hbm>>
      tpu.wait_indirect_dma semaphore(%arg25 : memref<!tpu.dma_semaphore, #tpu.memory_space<semaphore_mem>>) src(%dma_wait3A_99 : memref<100000x16xf32, #tpu.memory_space<hbm>>) dst(%arg15 : memref<128x16xf32, #tpu.memory_space<vmem>>)
      %dma_wait3A_100 = arith.constant 0 : i32
      %dma_wait3A_101 = arith.constant 0 : i32
      %dma_wait3A_102 = tpu.memref_slice %arg5[%dma_wait3A_100, %dma_wait3A_101] : memref<100000x16xf32, #tpu.memory_space<hbm>> -> memref<100000x16xf32, #tpu.memory_space<hbm>>
      tpu.wait_indirect_dma semaphore(%arg25 : memref<!tpu.dma_semaphore, #tpu.memory_space<semaphore_mem>>) src(%dma_wait3A_102 : memref<100000x16xf32, #tpu.memory_space<hbm>>) dst(%arg16 : memref<128x16xf32, #tpu.memory_space<vmem>>)
      %scan3A_103 = arith.constant 0 : i32
      %scan3A_104 = arith.constant 128 : i32
      %scan3A_105 = arith.addi %scan3A_103, %scan3A_104 : i32
      %scan3A_106 = arith.constant 8 : i32
      scf.for %scan3A_161 = %scan3A_103 to %scan3A_105 step %scan3A_106  : i32 {
        %mul3A_162 = arith.constant 1 : i32
        %mul3A_163 = arith.muli %scan3A_161, %mul3A_162 : i32
        %add3A_164 = arith.constant 0 : i32
        %add3A_165 = arith.addi %add3A_164, %mul3A_163 : i32
        %add3A_166 = arith.constant 0 : i32
        %add3A_167 = arith.addi %add3A_166, %add3A_165 : i32
        %broadcast_in_dim3A = vector.broadcast %add3A_167 : i32 to vector<16xi32>
        %broadcast_in_dim3A_168 = arith.constant 15 : i32
        %broadcast_in_dim3A_169 = vector.broadcast %broadcast_in_dim3A_168 : i32 to vector<16xi32>
        %gather3A = tpu.vector_load_idx %arg19[%broadcast_in_dim3A, %broadcast_in_dim3A_169] : memref<256x16xf32, #tpu.memory_space<vmem>>[vector<16xi32>, vector<16xi32>], vector<16xf32>,
        %get3A = arith.index_cast %add3A_165 : i32 to index
        %get3A_170 = arith.constant 0 : index
        %get3A_171 = tpu.vector_load %arg15[%get3A, %get3A_170] {strides = array<i32>} : memref<128x16xf32, #tpu.memory_space<vmem>>, vector<16xf32>,
        %mul3A_172 = arith.mulf %gather3A, %get3A_171 : vector<16xf32>
        %add3A_173 = arith.constant 0 : i32
        %add3A_174 = arith.addi %add3A_173, %add3A_165 : i32
        %get3A_175 = arith.index_cast %add3A_174 : i32 to index
        %get3A_176 = arith.constant 0 : index
        %get3A_177 = tpu.vector_load %arg19[%get3A_175, %get3A_176] {strides = array<i32>} : memref<256x16xf32, #tpu.memory_space<vmem>>, vector<16xf32>,
        %add3A_178 = arith.addf %mul3A_172, %get3A_177 : vector<16xf32>
        %swap3A = arith.index_cast %add3A_165 : i32 to index
        %swap3A_179 = arith.constant 0 : index
        %swap3A_180 = tpu.vector_load %arg15[%swap3A, %swap3A_179] {strides = array<i32>} : memref<128x16xf32, #tpu.memory_space<vmem>>, vector<16xf32>,
        tpu.vector_store %arg15[%swap3A, %swap3A_179], %add3A_178 {strides = array<i32>} : memref<128x16xf32, #tpu.memory_space<vmem>>, vector<16xf32>,
        %scan3A_181 = arith.constant 1 : i32
        %scan3A_182 = arith.addi %scan3A_161, %scan3A_181 : i32
        %mul3A_183 = arith.constant 1 : i32
        %mul3A_184 = arith.muli %scan3A_182, %mul3A_183 : i32
        %add3A_185 = arith.constant 0 : i32
        %add3A_186 = arith.addi %add3A_185, %mul3A_184 : i32
        %add3A_187 = arith.constant 0 : i32
        %add3A_188 = arith.addi %add3A_187, %add3A_186 : i32
        %broadcast_in_dim3A_189 = vector.broadcast %add3A_188 : i32 to vector<16xi32>
        %broadcast_in_dim3A_190 = arith.constant 15 : i32
        %broadcast_in_dim3A_191 = vector.broadcast %broadcast_in_dim3A_190 : i32 to vector<16xi32>
        %gather3A_192 = tpu.vector_load_idx %arg19[%broadcast_in_dim3A_189, %broadcast_in_dim3A_191] : memref<256x16xf32, #tpu.memory_space<vmem>>[vector<16xi32>, vector<16xi32>], vector<16xf32>,
        %get3A_193 = arith.index_cast %add3A_186 : i32 to index
        %get3A_194 = arith.constant 0 : index
        %get3A_195 = tpu.vector_load %arg15[%get3A_193, %get3A_194] {strides = array<i32>} : memref<128x16xf32, #tpu.memory_space<vmem>>, vector<16xf32>,
        %mul3A_196 = arith.mulf %gather3A_192, %get3A_195 : vector<16xf32>
        %add3A_197 = arith.constant 0 : i32
        %add3A_198 = arith.addi %add3A_197, %add3A_186 : i32
        %get3A_199 = arith.index_cast %add3A_198 : i32 to index
        %get3A_200 = arith.constant 0 : index
        %get3A_201 = tpu.vector_load %arg19[%get3A_199, %get3A_200] {strides = array<i32>} : memref<256x16xf32, #tpu.memory_space<vmem>>, vector<16xf32>,
        %add3A_202 = arith.addf %mul3A_196, %get3A_201 : vector<16xf32>
        %swap3A_203 = arith.index_cast %add3A_186 : i32 to index
        %swap3A_204 = arith.constant 0 : index
        %swap3A_205 = tpu.vector_load %arg15[%swap3A_203, %swap3A_204] {strides = array<i32>} : memref<128x16xf32, #tpu.memory_space<vmem>>, vector<16xf32>,
        tpu.vector_store %arg15[%swap3A_203, %swap3A_204], %add3A_202 {strides = array<i32>} : memref<128x16xf32, #tpu.memory_space<vmem>>, vector<16xf32>,
        %scan3A_206 = arith.constant 2 : i32
        %scan3A_207 = arith.addi %scan3A_161, %scan3A_206 : i32
        %mul3A_208 = arith.constant 1 : i32
        %mul3A_209 = arith.muli %scan3A_207, %mul3A_208 : i32
        %add3A_210 = arith.constant 0 : i32
        %add3A_211 = arith.addi %add3A_210, %mul3A_209 : i32
        %add3A_212 = arith.constant 0 : i32
        %add3A_213 = arith.addi %add3A_212, %add3A_211 : i32
        %broadcast_in_dim3A_214 = vector.broadcast %add3A_213 : i32 to vector<16xi32>
        %broadcast_in_dim3A_215 = arith.constant 15 : i32
        %broadcast_in_dim3A_216 = vector.broadcast %broadcast_in_dim3A_215 : i32 to vector<16xi32>
        %gather3A_217 = tpu.vector_load_idx %arg19[%broadcast_in_dim3A_214, %broadcast_in_dim3A_216] : memref<256x16xf32, #tpu.memory_space<vmem>>[vector<16xi32>, vector<16xi32>], vector<16xf32>,
        %get3A_218 = arith.index_cast %add3A_211 : i32 to index
        %get3A_219 = arith.constant 0 : index
        %get3A_220 = tpu.vector_load %arg15[%get3A_218, %get3A_219] {strides = array<i32>} : memref<128x16xf32, #tpu.memory_space<vmem>>, vector<16xf32>,
        %mul3A_221 = arith.mulf %gather3A_217, %get3A_220 : vector<16xf32>
        %add3A_222 = arith.constant 0 : i32
        %add3A_223 = arith.addi %add3A_222, %add3A_211 : i32
        %get3A_224 = arith.index_cast %add3A_223 : i32 to index
        %get3A_225 = arith.constant 0 : index
        %get3A_226 = tpu.vector_load %arg19[%get3A_224, %get3A_225] {strides = array<i32>} : memref<256x16xf32, #tpu.memory_space<vmem>>, vector<16xf32>,
        %add3A_227 = arith.addf %mul3A_221, %get3A_226 : vector<16xf32>
        %swap3A_228 = arith.index_cast %add3A_211 : i32 to index
        %swap3A_229 = arith.constant 0 : index
        %swap3A_230 = tpu.vector_load %arg15[%swap3A_228, %swap3A_229] {strides = array<i32>} : memref<128x16xf32, #tpu.memory_space<vmem>>, vector<16xf32>,
        tpu.vector_store %arg15[%swap3A_228, %swap3A_229], %add3A_227 {strides = array<i32>} : memref<128x16xf32, #tpu.memory_space<vmem>>, vector<16xf32>,
        %scan3A_231 = arith.constant 3 : i32
        %scan3A_232 = arith.addi %scan3A_161, %scan3A_231 : i32
        %mul3A_233 = arith.constant 1 : i32
        %mul3A_234 = arith.muli %scan3A_232, %mul3A_233 : i32
        %add3A_235 = arith.constant 0 : i32
        %add3A_236 = arith.addi %add3A_235, %mul3A_234 : i32
        %add3A_237 = arith.constant 0 : i32
        %add3A_238 = arith.addi %add3A_237, %add3A_236 : i32
        %broadcast_in_dim3A_239 = vector.broadcast %add3A_238 : i32 to vector<16xi32>
        %broadcast_in_dim3A_240 = arith.constant 15 : i32
        %broadcast_in_dim3A_241 = vector.broadcast %broadcast_in_dim3A_240 : i32 to vector<16xi32>
        %gather3A_242 = tpu.vector_load_idx %arg19[%broadcast_in_dim3A_239, %broadcast_in_dim3A_241] : memref<256x16xf32, #tpu.memory_space<vmem>>[vector<16xi32>, vector<16xi32>], vector<16xf32>,
        %get3A_243 = arith.index_cast %add3A_236 : i32 to index
        %get3A_244 = arith.constant 0 : index
        %get3A_245 = tpu.vector_load %arg15[%get3A_243, %get3A_244] {strides = array<i32>} : memref<128x16xf32, #tpu.memory_space<vmem>>, vector<16xf32>,
        %mul3A_246 = arith.mulf %gather3A_242, %get3A_245 : vector<16xf32>
        %add3A_247 = arith.constant 0 : i32
        %add3A_248 = arith.addi %add3A_247, %add3A_236 : i32
        %get3A_249 = arith.index_cast %add3A_248 : i32 to index
        %get3A_250 = arith.constant 0 : index
        %get3A_251 = tpu.vector_load %arg19[%get3A_249, %get3A_250] {strides = array<i32>} : memref<256x16xf32, #tpu.memory_space<vmem>>, vector<16xf32>,
        %add3A_252 = arith.addf %mul3A_246, %get3A_251 : vector<16xf32>
        %swap3A_253 = arith.index_cast %add3A_236 : i32 to index
        %swap3A_254 = arith.constant 0 : index
        %swap3A_255 = tpu.vector_load %arg15[%swap3A_253, %swap3A_254] {strides = array<i32>} : memref<128x16xf32, #tpu.memory_space<vmem>>, vector<16xf32>,
        tpu.vector_store %arg15[%swap3A_253, %swap3A_254], %add3A_252 {strides = array<i32>} : memref<128x16xf32, #tpu.memory_space<vmem>>, vector<16xf32>,
        %scan3A_256 = arith.constant 4 : i32
        %scan3A_257 = arith.addi %scan3A_161, %scan3A_256 : i32
        %mul3A_258 = arith.constant 1 : i32
        %mul3A_259 = arith.muli %scan3A_257, %mul3A_258 : i32
        %add3A_260 = arith.constant 0 : i32
        %add3A_261 = arith.addi %add3A_260, %mul3A_259 : i32
        %add3A_262 = arith.constant 0 : i32
        %add3A_263 = arith.addi %add3A_262, %add3A_261 : i32
        %broadcast_in_dim3A_264 = vector.broadcast %add3A_263 : i32 to vector<16xi32>
        %broadcast_in_dim3A_265 = arith.constant 15 : i32
        %broadcast_in_dim3A_266 = vector.broadcast %broadcast_in_dim3A_265 : i32 to vector<16xi32>
        %gather3A_267 = tpu.vector_load_idx %arg19[%broadcast_in_dim3A_264, %broadcast_in_dim3A_266] : memref<256x16xf32, #tpu.memory_space<vmem>>[vector<16xi32>, vector<16xi32>], vector<16xf32>,
        %get3A_268 = arith.index_cast %add3A_261 : i32 to index
        %get3A_269 = arith.constant 0 : index
        %get3A_270 = tpu.vector_load %arg15[%get3A_268, %get3A_269] {strides = array<i32>} : memref<128x16xf32, #tpu.memory_space<vmem>>, vector<16xf32>,
        %mul3A_271 = arith.mulf %gather3A_267, %get3A_270 : vector<16xf32>
        %add3A_272 = arith.constant 0 : i32
        %add3A_273 = arith.addi %add3A_272, %add3A_261 : i32
        %get3A_274 = arith.index_cast %add3A_273 : i32 to index
        %get3A_275 = arith.constant 0 : index
        %get3A_276 = tpu.vector_load %arg19[%get3A_274, %get3A_275] {strides = array<i32>} : memref<256x16xf32, #tpu.memory_space<vmem>>, vector<16xf32>,
        %add3A_277 = arith.addf %mul3A_271, %get3A_276 : vector<16xf32>
        %swap3A_278 = arith.index_cast %add3A_261 : i32 to index
        %swap3A_279 = arith.constant 0 : index
        %swap3A_280 = tpu.vector_load %arg15[%swap3A_278, %swap3A_279] {strides = array<i32>} : memref<128x16xf32, #tpu.memory_space<vmem>>, vector<16xf32>,
        tpu.vector_store %arg15[%swap3A_278, %swap3A_279], %add3A_277 {strides = array<i32>} : memref<128x16xf32, #tpu.memory_space<vmem>>, vector<16xf32>,
        %scan3A_281 = arith.constant 5 : i32
        %scan3A_282 = arith.addi %scan3A_161, %scan3A_281 : i32
        %mul3A_283 = arith.constant 1 : i32
        %mul3A_284 = arith.muli %scan3A_282, %mul3A_283 : i32
        %add3A_285 = arith.constant 0 : i32
        %add3A_286 = arith.addi %add3A_285, %mul3A_284 : i32
        %add3A_287 = arith.constant 0 : i32
        %add3A_288 = arith.addi %add3A_287, %add3A_286 : i32
        %broadcast_in_dim3A_289 = vector.broadcast %add3A_288 : i32 to vector<16xi32>
        %broadcast_in_dim3A_290 = arith.constant 15 : i32
        %broadcast_in_dim3A_291 = vector.broadcast %broadcast_in_dim3A_290 : i32 to vector<16xi32>
        %gather3A_292 = tpu.vector_load_idx %arg19[%broadcast_in_dim3A_289, %broadcast_in_dim3A_291] : memref<256x16xf32, #tpu.memory_space<vmem>>[vector<16xi32>, vector<16xi32>], vector<16xf32>,
        %get3A_293 = arith.index_cast %add3A_286 : i32 to index
        %get3A_294 = arith.constant 0 : index
        %get3A_295 = tpu.vector_load %arg15[%get3A_293, %get3A_294] {strides = array<i32>} : memref<128x16xf32, #tpu.memory_space<vmem>>, vector<16xf32>,
        %mul3A_296 = arith.mulf %gather3A_292, %get3A_295 : vector<16xf32>
        %add3A_297 = arith.constant 0 : i32
        %add3A_298 = arith.addi %add3A_297, %add3A_286 : i32
        %get3A_299 = arith.index_cast %add3A_298 : i32 to index
        %get3A_300 = arith.constant 0 : index
        %get3A_301 = tpu.vector_load %arg19[%get3A_299, %get3A_300] {strides = array<i32>} : memref<256x16xf32, #tpu.memory_space<vmem>>, vector<16xf32>,
        %add3A_302 = arith.addf %mul3A_296, %get3A_301 : vector<16xf32>
        %swap3A_303 = arith.index_cast %add3A_286 : i32 to index
        %swap3A_304 = arith.constant 0 : index
        %swap3A_305 = tpu.vector_load %arg15[%swap3A_303, %swap3A_304] {strides = array<i32>} : memref<128x16xf32, #tpu.memory_space<vmem>>, vector<16xf32>,
        tpu.vector_store %arg15[%swap3A_303, %swap3A_304], %add3A_302 {strides = array<i32>} : memref<128x16xf32, #tpu.memory_space<vmem>>, vector<16xf32>,
        %scan3A_306 = arith.constant 6 : i32
        %scan3A_307 = arith.addi %scan3A_161, %scan3A_306 : i32
        %mul3A_308 = arith.constant 1 : i32
        %mul3A_309 = arith.muli %scan3A_307, %mul3A_308 : i32
        %add3A_310 = arith.constant 0 : i32
        %add3A_311 = arith.addi %add3A_310, %mul3A_309 : i32
        %add3A_312 = arith.constant 0 : i32
        %add3A_313 = arith.addi %add3A_312, %add3A_311 : i32
        %broadcast_in_dim3A_314 = vector.broadcast %add3A_313 : i32 to vector<16xi32>
        %broadcast_in_dim3A_315 = arith.constant 15 : i32
        %broadcast_in_dim3A_316 = vector.broadcast %broadcast_in_dim3A_315 : i32 to vector<16xi32>
        %gather3A_317 = tpu.vector_load_idx %arg19[%broadcast_in_dim3A_314, %broadcast_in_dim3A_316] : memref<256x16xf32, #tpu.memory_space<vmem>>[vector<16xi32>, vector<16xi32>], vector<16xf32>,
        %get3A_318 = arith.index_cast %add3A_311 : i32 to index
        %get3A_319 = arith.constant 0 : index
        %get3A_320 = tpu.vector_load %arg15[%get3A_318, %get3A_319] {strides = array<i32>} : memref<128x16xf32, #tpu.memory_space<vmem>>, vector<16xf32>,
        %mul3A_321 = arith.mulf %gather3A_317, %get3A_320 : vector<16xf32>
        %add3A_322 = arith.constant 0 : i32
        %add3A_323 = arith.addi %add3A_322, %add3A_311 : i32
        %get3A_324 = arith.index_cast %add3A_323 : i32 to index
        %get3A_325 = arith.constant 0 : index
        %get3A_326 = tpu.vector_load %arg19[%get3A_324, %get3A_325] {strides = array<i32>} : memref<256x16xf32, #tpu.memory_space<vmem>>, vector<16xf32>,
        %add3A_327 = arith.addf %mul3A_321, %get3A_326 : vector<16xf32>
        %swap3A_328 = arith.index_cast %add3A_311 : i32 to index
        %swap3A_329 = arith.constant 0 : index
        %swap3A_330 = tpu.vector_load %arg15[%swap3A_328, %swap3A_329] {strides = array<i32>} : memref<128x16xf32, #tpu.memory_space<vmem>>, vector<16xf32>,
        tpu.vector_store %arg15[%swap3A_328, %swap3A_329], %add3A_327 {strides = array<i32>} : memref<128x16xf32, #tpu.memory_space<vmem>>, vector<16xf32>,
        %scan3A_331 = arith.constant 7 : i32
        %scan3A_332 = arith.addi %scan3A_161, %scan3A_331 : i32
        %mul3A_333 = arith.constant 1 : i32
        %mul3A_334 = arith.muli %scan3A_332, %mul3A_333 : i32
        %add3A_335 = arith.constant 0 : i32
        %add3A_336 = arith.addi %add3A_335, %mul3A_334 : i32
        %add3A_337 = arith.constant 0 : i32
        %add3A_338 = arith.addi %add3A_337, %add3A_336 : i32
        %broadcast_in_dim3A_339 = vector.broadcast %add3A_338 : i32 to vector<16xi32>
        %broadcast_in_dim3A_340 = arith.constant 15 : i32
        %broadcast_in_dim3A_341 = vector.broadcast %broadcast_in_dim3A_340 : i32 to vector<16xi32>
        %gather3A_342 = tpu.vector_load_idx %arg19[%broadcast_in_dim3A_339, %broadcast_in_dim3A_341] : memref<256x16xf32, #tpu.memory_space<vmem>>[vector<16xi32>, vector<16xi32>], vector<16xf32>,
        %get3A_343 = arith.index_cast %add3A_336 : i32 to index
        %get3A_344 = arith.constant 0 : index
        %get3A_345 = tpu.vector_load %arg15[%get3A_343, %get3A_344] {strides = array<i32>} : memref<128x16xf32, #tpu.memory_space<vmem>>, vector<16xf32>,
        %mul3A_346 = arith.mulf %gather3A_342, %get3A_345 : vector<16xf32>
        %add3A_347 = arith.constant 0 : i32
        %add3A_348 = arith.addi %add3A_347, %add3A_336 : i32
        %get3A_349 = arith.index_cast %add3A_348 : i32 to index
        %get3A_350 = arith.constant 0 : index
        %get3A_351 = tpu.vector_load %arg19[%get3A_349, %get3A_350] {strides = array<i32>} : memref<256x16xf32, #tpu.memory_space<vmem>>, vector<16xf32>,
        %add3A_352 = arith.addf %mul3A_346, %get3A_351 : vector<16xf32>
        %swap3A_353 = arith.index_cast %add3A_336 : i32 to index
        %swap3A_354 = arith.constant 0 : index
        %swap3A_355 = tpu.vector_load %arg15[%swap3A_353, %swap3A_354] {strides = array<i32>} : memref<128x16xf32, #tpu.memory_space<vmem>>, vector<16xf32>,
        tpu.vector_store %arg15[%swap3A_353, %swap3A_354], %add3A_352 {strides = array<i32>} : memref<128x16xf32, #tpu.memory_space<vmem>>, vector<16xf32>,
      }
      %scan3A_107 = arith.constant 128 : i32
      %scan3A_108 = arith.constant 0 : i32
      %scan3A_109 = arith.constant 128 : i32
      %scan3A_110 = arith.addi %scan3A_108, %scan3A_109 : i32
      %scan3A_111 = arith.constant 8 : i32
      scf.for %scan3A_161 = %scan3A_108 to %scan3A_110 step %scan3A_111  : i32 {
        %mul3A_162 = arith.constant 1 : i32
        %mul3A_163 = arith.muli %scan3A_161, %mul3A_162 : i32
        %add3A_164 = arith.constant 0 : i32
        %add3A_165 = arith.addi %add3A_164, %mul3A_163 : i32
        %add3A_166 = arith.constant 128 : i32
        %add3A_167 = arith.addi %add3A_166, %add3A_165 : i32
        %broadcast_in_dim3A = vector.broadcast %add3A_167 : i32 to vector<16xi32>
        %broadcast_in_dim3A_168 = arith.constant 15 : i32
        %broadcast_in_dim3A_169 = vector.broadcast %broadcast_in_dim3A_168 : i32 to vector<16xi32>
        %gather3A = tpu.vector_load_idx %arg19[%broadcast_in_dim3A, %broadcast_in_dim3A_169] : memref<256x16xf32, #tpu.memory_space<vmem>>[vector<16xi32>, vector<16xi32>], vector<16xf32>,
        %get3A = arith.index_cast %add3A_165 : i32 to index
        %get3A_170 = arith.constant 0 : index
        %get3A_171 = tpu.vector_load %arg16[%get3A, %get3A_170] {strides = array<i32>} : memref<128x16xf32, #tpu.memory_space<vmem>>, vector<16xf32>,
        %mul3A_172 = arith.mulf %gather3A, %get3A_171 : vector<16xf32>
        %add3A_173 = arith.constant 128 : i32
        %add3A_174 = arith.addi %add3A_173, %add3A_165 : i32
        %get3A_175 = arith.index_cast %add3A_174 : i32 to index
        %get3A_176 = arith.constant 0 : index
        %get3A_177 = tpu.vector_load %arg19[%get3A_175, %get3A_176] {strides = array<i32>} : memref<256x16xf32, #tpu.memory_space<vmem>>, vector<16xf32>,
        %add3A_178 = arith.addf %mul3A_172, %get3A_177 : vector<16xf32>
        %swap3A = arith.index_cast %add3A_165 : i32 to index
        %swap3A_179 = arith.constant 0 : index
        %swap3A_180 = tpu.vector_load %arg16[%swap3A, %swap3A_179] {strides = array<i32>} : memref<128x16xf32, #tpu.memory_space<vmem>>, vector<16xf32>,
        tpu.vector_store %arg16[%swap3A, %swap3A_179], %add3A_178 {strides = array<i32>} : memref<128x16xf32, #tpu.memory_space<vmem>>, vector<16xf32>,
        %scan3A_181 = arith.constant 1 : i32
        %scan3A_182 = arith.addi %scan3A_161, %scan3A_181 : i32
        %mul3A_183 = arith.constant 1 : i32
        %mul3A_184 = arith.muli %scan3A_182, %mul3A_183 : i32
        %add3A_185 = arith.constant 0 : i32
        %add3A_186 = arith.addi %add3A_185, %mul3A_184 : i32
        %add3A_187 = arith.constant 128 : i32
        %add3A_188 = arith.addi %add3A_187, %add3A_186 : i32
        %broadcast_in_dim3A_189 = vector.broadcast %add3A_188 : i32 to vector<16xi32>
        %broadcast_in_dim3A_190 = arith.constant 15 : i32
        %broadcast_in_dim3A_191 = vector.broadcast %broadcast_in_dim3A_190 : i32 to vector<16xi32>
        %gather3A_192 = tpu.vector_load_idx %arg19[%broadcast_in_dim3A_189, %broadcast_in_dim3A_191] : memref<256x16xf32, #tpu.memory_space<vmem>>[vector<16xi32>, vector<16xi32>], vector<16xf32>,
        %get3A_193 = arith.index_cast %add3A_186 : i32 to index
        %get3A_194 = arith.constant 0 : index
        %get3A_195 = tpu.vector_load %arg16[%get3A_193, %get3A_194] {strides = array<i32>} : memref<128x16xf32, #tpu.memory_space<vmem>>, vector<16xf32>,
        %mul3A_196 = arith.mulf %gather3A_192, %get3A_195 : vector<16xf32>
        %add3A_197 = arith.constant 128 : i32
        %add3A_198 = arith.addi %add3A_197, %add3A_186 : i32
        %get3A_199 = arith.index_cast %add3A_198 : i32 to index
        %get3A_200 = arith.constant 0 : index
        %get3A_201 = tpu.vector_load %arg19[%get3A_199, %get3A_200] {strides = array<i32>} : memref<256x16xf32, #tpu.memory_space<vmem>>, vector<16xf32>,
        %add3A_202 = arith.addf %mul3A_196, %get3A_201 : vector<16xf32>
        %swap3A_203 = arith.index_cast %add3A_186 : i32 to index
        %swap3A_204 = arith.constant 0 : index
        %swap3A_205 = tpu.vector_load %arg16[%swap3A_203, %swap3A_204] {strides = array<i32>} : memref<128x16xf32, #tpu.memory_space<vmem>>, vector<16xf32>,
        tpu.vector_store %arg16[%swap3A_203, %swap3A_204], %add3A_202 {strides = array<i32>} : memref<128x16xf32, #tpu.memory_space<vmem>>, vector<16xf32>,
        %scan3A_206 = arith.constant 2 : i32
        %scan3A_207 = arith.addi %scan3A_161, %scan3A_206 : i32
        %mul3A_208 = arith.constant 1 : i32
        %mul3A_209 = arith.muli %scan3A_207, %mul3A_208 : i32
        %add3A_210 = arith.constant 0 : i32
        %add3A_211 = arith.addi %add3A_210, %mul3A_209 : i32
        %add3A_212 = arith.constant 128 : i32
        %add3A_213 = arith.addi %add3A_212, %add3A_211 : i32
        %broadcast_in_dim3A_214 = vector.broadcast %add3A_213 : i32 to vector<16xi32>
        %broadcast_in_dim3A_215 = arith.constant 15 : i32
        %broadcast_in_dim3A_216 = vector.broadcast %broadcast_in_dim3A_215 : i32 to vector<16xi32>
        %gather3A_217 = tpu.vector_load_idx %arg19[%broadcast_in_dim3A_214, %broadcast_in_dim3A_216] : memref<256x16xf32, #tpu.memory_space<vmem>>[vector<16xi32>, vector<16xi32>], vector<16xf32>,
        %get3A_218 = arith.index_cast %add3A_211 : i32 to index
        %get3A_219 = arith.constant 0 : index
        %get3A_220 = tpu.vector_load %arg16[%get3A_218, %get3A_219] {strides = array<i32>} : memref<128x16xf32, #tpu.memory_space<vmem>>, vector<16xf32>,
        %mul3A_221 = arith.mulf %gather3A_217, %get3A_220 : vector<16xf32>
        %add3A_222 = arith.constant 128 : i32
        %add3A_223 = arith.addi %add3A_222, %add3A_211 : i32
        %get3A_224 = arith.index_cast %add3A_223 : i32 to index
        %get3A_225 = arith.constant 0 : index
        %get3A_226 = tpu.vector_load %arg19[%get3A_224, %get3A_225] {strides = array<i32>} : memref<256x16xf32, #tpu.memory_space<vmem>>, vector<16xf32>,
        %add3A_227 = arith.addf %mul3A_221, %get3A_226 : vector<16xf32>
        %swap3A_228 = arith.index_cast %add3A_211 : i32 to index
        %swap3A_229 = arith.constant 0 : index
        %swap3A_230 = tpu.vector_load %arg16[%swap3A_228, %swap3A_229] {strides = array<i32>} : memref<128x16xf32, #tpu.memory_space<vmem>>, vector<16xf32>,
        tpu.vector_store %arg16[%swap3A_228, %swap3A_229], %add3A_227 {strides = array<i32>} : memref<128x16xf32, #tpu.memory_space<vmem>>, vector<16xf32>,
        %scan3A_231 = arith.constant 3 : i32
        %scan3A_232 = arith.addi %scan3A_161, %scan3A_231 : i32
        %mul3A_233 = arith.constant 1 : i32
        %mul3A_234 = arith.muli %scan3A_232, %mul3A_233 : i32
        %add3A_235 = arith.constant 0 : i32
        %add3A_236 = arith.addi %add3A_235, %mul3A_234 : i32
        %add3A_237 = arith.constant 128 : i32
        %add3A_238 = arith.addi %add3A_237, %add3A_236 : i32
        %broadcast_in_dim3A_239 = vector.broadcast %add3A_238 : i32 to vector<16xi32>
        %broadcast_in_dim3A_240 = arith.constant 15 : i32
        %broadcast_in_dim3A_241 = vector.broadcast %broadcast_in_dim3A_240 : i32 to vector<16xi32>
        %gather3A_242 = tpu.vector_load_idx %arg19[%broadcast_in_dim3A_239, %broadcast_in_dim3A_241] : memref<256x16xf32, #tpu.memory_space<vmem>>[vector<16xi32>, vector<16xi32>], vector<16xf32>,
        %get3A_243 = arith.index_cast %add3A_236 : i32 to index
        %get3A_244 = arith.constant 0 : index
        %get3A_245 = tpu.vector_load %arg16[%get3A_243, %get3A_244] {strides = array<i32>} : memref<128x16xf32, #tpu.memory_space<vmem>>, vector<16xf32>,
        %mul3A_246 = arith.mulf %gather3A_242, %get3A_245 : vector<16xf32>
        %add3A_247 = arith.constant 128 : i32
        %add3A_248 = arith.addi %add3A_247, %add3A_236 : i32
        %get3A_249 = arith.index_cast %add3A_248 : i32 to index
        %get3A_250 = arith.constant 0 : index
        %get3A_251 = tpu.vector_load %arg19[%get3A_249, %get3A_250] {strides = array<i32>} : memref<256x16xf32, #tpu.memory_space<vmem>>, vector<16xf32>,
        %add3A_252 = arith.addf %mul3A_246, %get3A_251 : vector<16xf32>
        %swap3A_253 = arith.index_cast %add3A_236 : i32 to index
        %swap3A_254 = arith.constant 0 : index
        %swap3A_255 = tpu.vector_load %arg16[%swap3A_253, %swap3A_254] {strides = array<i32>} : memref<128x16xf32, #tpu.memory_space<vmem>>, vector<16xf32>,
        tpu.vector_store %arg16[%swap3A_253, %swap3A_254], %add3A_252 {strides = array<i32>} : memref<128x16xf32, #tpu.memory_space<vmem>>, vector<16xf32>,
        %scan3A_256 = arith.constant 4 : i32
        %scan3A_257 = arith.addi %scan3A_161, %scan3A_256 : i32
        %mul3A_258 = arith.constant 1 : i32
        %mul3A_259 = arith.muli %scan3A_257, %mul3A_258 : i32
        %add3A_260 = arith.constant 0 : i32
        %add3A_261 = arith.addi %add3A_260, %mul3A_259 : i32
        %add3A_262 = arith.constant 128 : i32
        %add3A_263 = arith.addi %add3A_262, %add3A_261 : i32
        %broadcast_in_dim3A_264 = vector.broadcast %add3A_263 : i32 to vector<16xi32>
        %broadcast_in_dim3A_265 = arith.constant 15 : i32
        %broadcast_in_dim3A_266 = vector.broadcast %broadcast_in_dim3A_265 : i32 to vector<16xi32>
        %gather3A_267 = tpu.vector_load_idx %arg19[%broadcast_in_dim3A_264, %broadcast_in_dim3A_266] : memref<256x16xf32, #tpu.memory_space<vmem>>[vector<16xi32>, vector<16xi32>], vector<16xf32>,
        %get3A_268 = arith.index_cast %add3A_261 : i32 to index
        %get3A_269 = arith.constant 0 : index
        %get3A_270 = tpu.vector_load %arg16[%get3A_268, %get3A_269] {strides = array<i32>} : memref<128x16xf32, #tpu.memory_space<vmem>>, vector<16xf32>,
        %mul3A_271 = arith.mulf %gather3A_267, %get3A_270 : vector<16xf32>
        %add3A_272 = arith.constant 128 : i32
        %add3A_273 = arith.addi %add3A_272, %add3A_261 : i32
        %get3A_274 = arith.index_cast %add3A_273 : i32 to index
        %get3A_275 = arith.constant 0 : index
        %get3A_276 = tpu.vector_load %arg19[%get3A_274, %get3A_275] {strides = array<i32>} : memref<256x16xf32, #tpu.memory_space<vmem>>, vector<16xf32>,
        %add3A_277 = arith.addf %mul3A_271, %get3A_276 : vector<16xf32>
        %swap3A_278 = arith.index_cast %add3A_261 : i32 to index
        %swap3A_279 = arith.constant 0 : index
        %swap3A_280 = tpu.vector_load %arg16[%swap3A_278, %swap3A_279] {strides = array<i32>} : memref<128x16xf32, #tpu.memory_space<vmem>>, vector<16xf32>,
        tpu.vector_store %arg16[%swap3A_278, %swap3A_279], %add3A_277 {strides = array<i32>} : memref<128x16xf32, #tpu.memory_space<vmem>>, vector<16xf32>,
        %scan3A_281 = arith.constant 5 : i32
        %scan3A_282 = arith.addi %scan3A_161, %scan3A_281 : i32
        %mul3A_283 = arith.constant 1 : i32
        %mul3A_284 = arith.muli %scan3A_282, %mul3A_283 : i32
        %add3A_285 = arith.constant 0 : i32
        %add3A_286 = arith.addi %add3A_285, %mul3A_284 : i32
        %add3A_287 = arith.constant 128 : i32
        %add3A_288 = arith.addi %add3A_287, %add3A_286 : i32
        %broadcast_in_dim3A_289 = vector.broadcast %add3A_288 : i32 to vector<16xi32>
        %broadcast_in_dim3A_290 = arith.constant 15 : i32
        %broadcast_in_dim3A_291 = vector.broadcast %broadcast_in_dim3A_290 : i32 to vector<16xi32>
        %gather3A_292 = tpu.vector_load_idx %arg19[%broadcast_in_dim3A_289, %broadcast_in_dim3A_291] : memref<256x16xf32, #tpu.memory_space<vmem>>[vector<16xi32>, vector<16xi32>], vector<16xf32>,
        %get3A_293 = arith.index_cast %add3A_286 : i32 to index
        %get3A_294 = arith.constant 0 : index
        %get3A_295 = tpu.vector_load %arg16[%get3A_293, %get3A_294] {strides = array<i32>} : memref<128x16xf32, #tpu.memory_space<vmem>>, vector<16xf32>,
        %mul3A_296 = arith.mulf %gather3A_292, %get3A_295 : vector<16xf32>
        %add3A_297 = arith.constant 128 : i32
        %add3A_298 = arith.addi %add3A_297, %add3A_286 : i32
        %get3A_299 = arith.index_cast %add3A_298 : i32 to index
        %get3A_300 = arith.constant 0 : index
        %get3A_301 = tpu.vector_load %arg19[%get3A_299, %get3A_300] {strides = array<i32>} : memref<256x16xf32, #tpu.memory_space<vmem>>, vector<16xf32>,
        %add3A_302 = arith.addf %mul3A_296, %get3A_301 : vector<16xf32>
        %swap3A_303 = arith.index_cast %add3A_286 : i32 to index
        %swap3A_304 = arith.constant 0 : index
        %swap3A_305 = tpu.vector_load %arg16[%swap3A_303, %swap3A_304] {strides = array<i32>} : memref<128x16xf32, #tpu.memory_space<vmem>>, vector<16xf32>,
        tpu.vector_store %arg16[%swap3A_303, %swap3A_304], %add3A_302 {strides = array<i32>} : memref<128x16xf32, #tpu.memory_space<vmem>>, vector<16xf32>,
        %scan3A_306 = arith.constant 6 : i32
        %scan3A_307 = arith.addi %scan3A_161, %scan3A_306 : i32
        %mul3A_308 = arith.constant 1 : i32
        %mul3A_309 = arith.muli %scan3A_307, %mul3A_308 : i32
        %add3A_310 = arith.constant 0 : i32
        %add3A_311 = arith.addi %add3A_310, %mul3A_309 : i32
        %add3A_312 = arith.constant 128 : i32
        %add3A_313 = arith.addi %add3A_312, %add3A_311 : i32
        %broadcast_in_dim3A_314 = vector.broadcast %add3A_313 : i32 to vector<16xi32>
        %broadcast_in_dim3A_315 = arith.constant 15 : i32
        %broadcast_in_dim3A_316 = vector.broadcast %broadcast_in_dim3A_315 : i32 to vector<16xi32>
        %gather3A_317 = tpu.vector_load_idx %arg19[%broadcast_in_dim3A_314, %broadcast_in_dim3A_316] : memref<256x16xf32, #tpu.memory_space<vmem>>[vector<16xi32>, vector<16xi32>], vector<16xf32>,
        %get3A_318 = arith.index_cast %add3A_311 : i32 to index
        %get3A_319 = arith.constant 0 : index
        %get3A_320 = tpu.vector_load %arg16[%get3A_318, %get3A_319] {strides = array<i32>} : memref<128x16xf32, #tpu.memory_space<vmem>>, vector<16xf32>,
        %mul3A_321 = arith.mulf %gather3A_317, %get3A_320 : vector<16xf32>
        %add3A_322 = arith.constant 128 : i32
        %add3A_323 = arith.addi %add3A_322, %add3A_311 : i32
        %get3A_324 = arith.index_cast %add3A_323 : i32 to index
        %get3A_325 = arith.constant 0 : index
        %get3A_326 = tpu.vector_load %arg19[%get3A_324, %get3A_325] {strides = array<i32>} : memref<256x16xf32, #tpu.memory_space<vmem>>, vector<16xf32>,
        %add3A_327 = arith.addf %mul3A_321, %get3A_326 : vector<16xf32>
        %swap3A_328 = arith.index_cast %add3A_311 : i32 to index
        %swap3A_329 = arith.constant 0 : index
        %swap3A_330 = tpu.vector_load %arg16[%swap3A_328, %swap3A_329] {strides = array<i32>} : memref<128x16xf32, #tpu.memory_space<vmem>>, vector<16xf32>,
        tpu.vector_store %arg16[%swap3A_328, %swap3A_329], %add3A_327 {strides = array<i32>} : memref<128x16xf32, #tpu.memory_space<vmem>>, vector<16xf32>,
        %scan3A_331 = arith.constant 7 : i32
        %scan3A_332 = arith.addi %scan3A_161, %scan3A_331 : i32
        %mul3A_333 = arith.constant 1 : i32
        %mul3A_334 = arith.muli %scan3A_332, %mul3A_333 : i32
        %add3A_335 = arith.constant 0 : i32
        %add3A_336 = arith.addi %add3A_335, %mul3A_334 : i32
        %add3A_337 = arith.constant 128 : i32
        %add3A_338 = arith.addi %add3A_337, %add3A_336 : i32
        %broadcast_in_dim3A_339 = vector.broadcast %add3A_338 : i32 to vector<16xi32>
        %broadcast_in_dim3A_340 = arith.constant 15 : i32
        %broadcast_in_dim3A_341 = vector.broadcast %broadcast_in_dim3A_340 : i32 to vector<16xi32>
        %gather3A_342 = tpu.vector_load_idx %arg19[%broadcast_in_dim3A_339, %broadcast_in_dim3A_341] : memref<256x16xf32, #tpu.memory_space<vmem>>[vector<16xi32>, vector<16xi32>], vector<16xf32>,
        %get3A_343 = arith.index_cast %add3A_336 : i32 to index
        %get3A_344 = arith.constant 0 : index
        %get3A_345 = tpu.vector_load %arg16[%get3A_343, %get3A_344] {strides = array<i32>} : memref<128x16xf32, #tpu.memory_space<vmem>>, vector<16xf32>,
        %mul3A_346 = arith.mulf %gather3A_342, %get3A_345 : vector<16xf32>
        %add3A_347 = arith.constant 128 : i32
        %add3A_348 = arith.addi %add3A_347, %add3A_336 : i32
        %get3A_349 = arith.index_cast %add3A_348 : i32 to index
        %get3A_350 = arith.constant 0 : index
        %get3A_351 = tpu.vector_load %arg19[%get3A_349, %get3A_350] {strides = array<i32>} : memref<256x16xf32, #tpu.memory_space<vmem>>, vector<16xf32>,
        %add3A_352 = arith.addf %mul3A_346, %get3A_351 : vector<16xf32>
        %swap3A_353 = arith.index_cast %add3A_336 : i32 to index
        %swap3A_354 = arith.constant 0 : index
        %swap3A_355 = tpu.vector_load %arg16[%swap3A_353, %swap3A_354] {strides = array<i32>} : memref<128x16xf32, #tpu.memory_space<vmem>>, vector<16xf32>,
        tpu.vector_store %arg16[%swap3A_353, %swap3A_354], %add3A_352 {strides = array<i32>} : memref<128x16xf32, #tpu.memory_space<vmem>>, vector<16xf32>,
      }
      %scan3A_112 = arith.constant 128 : i32
      %dma_wait3A_113 = arith.constant 0 : i32
      %dma_wait3A_114 = arith.constant 0 : i32
      %dma_wait3A_115 = tpu.memref_slice %arg4[%dma_wait3A_113, %dma_wait3A_114] : memref<1605632x16xf32, #tpu.memory_space<hbm>> -> memref<256x16xf32, #tpu.memory_space<hbm>>
      %dma_wait3A_116 = arith.constant 0 : i32
      %dma_wait3A_117 = arith.constant 0 : i32
      %dma_wait3A_118 = tpu.memref_slice %arg4[%dma_wait3A_116, %dma_wait3A_117] : memref<1605632x16xf32, #tpu.memory_space<hbm>> -> memref<256x16xf32, #tpu.memory_space<hbm>>
      tpu.wait_dma2 semaphore(%arg24 : memref<!tpu.dma_semaphore, #tpu.memory_space<semaphore_mem>>) src(%dma_wait3A_118 : memref<256x16xf32, #tpu.memory_space<hbm>>) dst(%arg20 : memref<256x16xf32, #tpu.memory_space<vmem>>)
      %dma_wait3A_119 = arith.constant 0 : i32
      %dma_wait3A_120 = tpu.memref_slice %arg2[%dma_wait3A_119] : memref<1605632xi32, #tpu.memory_space<hbm>> -> memref<128xi32, #tpu.memory_space<hbm>>
      %dma_wait3A_121 = arith.constant 0 : i32
      %dma_wait3A_122 = tpu.memref_slice %arg2[%dma_wait3A_121] : memref<1605632xi32, #tpu.memory_space<hbm>> -> memref<128xi32, #tpu.memory_space<hbm>>
      tpu.wait_dma2 semaphore(%arg24 : memref<!tpu.dma_semaphore, #tpu.memory_space<semaphore_mem>>) src(%dma_wait3A_122 : memref<128xi32, #tpu.memory_space<hbm>>) dst(%arg9 : memref<128xi32, #tpu.memory_space<vmem>>)
      %dma_wait3A_123 = arith.constant 0 : i32
      %dma_wait3A_124 = tpu.memref_slice %arg3[%dma_wait3A_123] : memref<1605632xi32, #tpu.memory_space<hbm>> -> memref<128xi32, #tpu.memory_space<hbm>>
      %dma_wait3A_125 = arith.constant 0 : i32
      %dma_wait3A_126 = tpu.memref_slice %arg3[%dma_wait3A_125] : memref<1605632xi32, #tpu.memory_space<hbm>> -> memref<128xi32, #tpu.memory_space<hbm>>
      tpu.wait_dma2 semaphore(%arg24 : memref<!tpu.dma_semaphore, #tpu.memory_space<semaphore_mem>>) src(%dma_wait3A_126 : memref<128xi32, #tpu.memory_space<hbm>>) dst(%arg13 : memref<128xi32, #tpu.memory_space<vmem>>)
      %dma_wait3A_127 = arith.constant 0 : i32
      %dma_wait3A_128 = tpu.memref_slice %arg2[%dma_wait3A_127] : memref<1605632xi32, #tpu.memory_space<hbm>> -> memref<128xi32, #tpu.memory_space<hbm>>
      %dma_wait3A_129 = arith.constant 0 : i32
      %dma_wait3A_130 = tpu.memref_slice %arg2[%dma_wait3A_129] : memref<1605632xi32, #tpu.memory_space<hbm>> -> memref<128xi32, #tpu.memory_space<hbm>>
      tpu.wait_dma2 semaphore(%arg24 : memref<!tpu.dma_semaphore, #tpu.memory_space<semaphore_mem>>) src(%dma_wait3A_130 : memref<128xi32, #tpu.memory_space<hbm>>) dst(%arg10 : memref<128xi32, #tpu.memory_space<vmem>>)
      %dma_wait3A_131 = arith.constant 0 : i32
      %dma_wait3A_132 = tpu.memref_slice %arg3[%dma_wait3A_131] : memref<1605632xi32, #tpu.memory_space<hbm>> -> memref<128xi32, #tpu.memory_space<hbm>>
      %dma_wait3A_133 = arith.constant 0 : i32
      %dma_wait3A_134 = tpu.memref_slice %arg3[%dma_wait3A_133] : memref<1605632xi32, #tpu.memory_space<hbm>> -> memref<128xi32, #tpu.memory_space<hbm>>
      tpu.wait_dma2 semaphore(%arg24 : memref<!tpu.dma_semaphore, #tpu.memory_space<semaphore_mem>>) src(%dma_wait3A_134 : memref<128xi32, #tpu.memory_space<hbm>>) dst(%arg14 : memref<128xi32, #tpu.memory_space<vmem>>)
      %dma_start3A_135 = arith.constant 0 : i32
      %dma_start3A_136 = arith.constant 0 : i32
      %dma_start3A_137 = tpu.memref_slice %arg5[%dma_start3A_135, %dma_start3A_136] : memref<100000x16xf32, #tpu.memory_space<hbm>> -> memref<100000x16xf32, #tpu.memory_space<hbm>>
      tpu.enqueue_indirect_dma source(%dma_start3A_137 : memref<100000x16xf32, #tpu.memory_space<hbm>>) target(%arg17 : memref<128x16xf32, #tpu.memory_space<vmem>>) offsets(%arg9 : memref<128xi32, #tpu.memory_space<vmem>>) semaphore(%arg26 : memref<!tpu.dma_semaphore, #tpu.memory_space<semaphore_mem>>)
      %dma_start3A_138 = arith.constant 0 : i32
      %dma_start3A_139 = arith.constant 0 : i32
      %dma_start3A_140 = tpu.memref_slice %arg5[%dma_start3A_138, %dma_start3A_139] : memref<100000x16xf32, #tpu.memory_space<hbm>> -> memref<100000x16xf32, #tpu.memory_space<hbm>>
      tpu.enqueue_indirect_dma source(%dma_start3A_140 : memref<100000x16xf32, #tpu.memory_space<hbm>>) target(%arg18 : memref<128x16xf32, #tpu.memory_space<vmem>>) offsets(%arg10 : memref<128xi32, #tpu.memory_space<vmem>>) semaphore(%arg26 : memref<!tpu.dma_semaphore, #tpu.memory_space<semaphore_mem>>)
      "tpu.region"() ({
        %run_scoped3A = tpu.sem_alloc : memref<!tpu.dma_semaphore, #tpu.memory_space<semaphore_mem>>
        %dma_start3A_161 = arith.constant 0 : i32
        %dma_start3A_162 = arith.constant 0 : i32
        %dma_start3A_163 = tpu.memref_slice %arg22[%dma_start3A_161, %dma_start3A_162] : memref<100096x16xf32, #tpu.memory_space<vmem_shared>> -> memref<100096x16xf32, #tpu.memory_space<vmem_shared>>
        tpu.enqueue_indirect_dma source(%arg15 : memref<128x16xf32, #tpu.memory_space<vmem>>) target(%dma_start3A_163 : memref<100096x16xf32, #tpu.memory_space<vmem_shared>>) offsets(%arg11 : memref<128xi32, #tpu.memory_space<vmem>>) semaphore(%run_scoped3A : memref<!tpu.dma_semaphore, #tpu.memory_space<semaphore_mem>>) {add = true}
        %dma_wait3A_164 = arith.constant 0 : i32
        %dma_wait3A_165 = arith.constant 0 : i32
        %dma_wait3A_166 = tpu.memref_slice %arg22[%dma_wait3A_164, %dma_wait3A_165] : memref<100096x16xf32, #tpu.memory_space<vmem_shared>> -> memref<100096x16xf32, #tpu.memory_space<vmem_shared>>
        tpu.wait_indirect_dma semaphore(%run_scoped3A : memref<!tpu.dma_semaphore, #tpu.memory_space<semaphore_mem>>) src(%arg15 : memref<128x16xf32, #tpu.memory_space<vmem>>) dst(%dma_wait3A_166 : memref<100096x16xf32, #tpu.memory_space<vmem_shared>>)
        tpu.yield
      }) : () -> ()
      "tpu.region"() ({
        %run_scoped3A = tpu.sem_alloc : memref<!tpu.dma_semaphore, #tpu.memory_space<semaphore_mem>>
        %dma_start3A_161 = arith.constant 0 : i32
        %dma_start3A_162 = arith.constant 0 : i32
        %dma_start3A_163 = tpu.memref_slice %arg22[%dma_start3A_161, %dma_start3A_162] : memref<100096x16xf32, #tpu.memory_space<vmem_shared>> -> memref<100096x16xf32, #tpu.memory_space<vmem_shared>>
        tpu.enqueue_indirect_dma source(%arg16 : memref<128x16xf32, #tpu.memory_space<vmem>>) target(%dma_start3A_163 : memref<100096x16xf32, #tpu.memory_space<vmem_shared>>) offsets(%arg12 : memref<128xi32, #tpu.memory_space<vmem>>) semaphore(%run_scoped3A : memref<!tpu.dma_semaphore, #tpu.memory_space<semaphore_mem>>) {add = true}
        %dma_wait3A_164 = arith.constant 0 : i32
        %dma_wait3A_165 = arith.constant 0 : i32
        %dma_wait3A_166 = tpu.memref_slice %arg22[%dma_wait3A_164, %dma_wait3A_165] : memref<100096x16xf32, #tpu.memory_space<vmem_shared>> -> memref<100096x16xf32, #tpu.memory_space<vmem_shared>>
        tpu.wait_indirect_dma semaphore(%run_scoped3A : memref<!tpu.dma_semaphore, #tpu.memory_space<semaphore_mem>>) src(%arg16 : memref<128x16xf32, #tpu.memory_space<vmem>>) dst(%dma_wait3A_166 : memref<100096x16xf32, #tpu.memory_space<vmem_shared>>)
        tpu.yield
      }) : () -> ()
      %add3A_141 = arith.constant 2 : i32
      %add3A_142 = arith.addi %add3A_43, %add3A_141 : i32
      %lt3A = arith.constant 196 : i32
      %lt3A_143 = arith.cmpi slt, %add3A_142, %lt3A : i32
      %convert_element_type3A = arith.extui %lt3A_143 : i1 to i32
      %cond3A = arith.constant 0 : i32
      %cond3A_144 = arith.cmpi ne, %convert_element_type3A, %cond3A : i32
      scf.if %cond3A_144 {
        %add3A_161 = arith.constant 512 : i32
        %add3A_162 = arith.addi %multiple_of3A_47, %add3A_161 : i32
        %dma_start3A_163 = arith.constant 0 : i32
        %dma_start3A_164 = tpu.memref_slice %arg4[%add3A_162, %dma_start3A_163] : memref<1605632x16xf32, #tpu.memory_space<hbm>> -> memref<256x16xf32, #tpu.memory_space<hbm>>
        %dma_start3A_165 = arith.constant 0 : i32
        %dma_start3A_166 = tpu.memref_slice %arg4[%add3A_162, %dma_start3A_165] : memref<1605632x16xf32, #tpu.memory_space<hbm>> -> memref<256x16xf32, #tpu.memory_space<hbm>>
        tpu.enqueue_dma source(%dma_start3A_166 : memref<256x16xf32, #tpu.memory_space<hbm>>) target(%arg19 : memref<256x16xf32, #tpu.memory_space<vmem>>) target_semaphore(%arg23 : memref<!tpu.dma_semaphore, #tpu.memory_space<semaphore_mem>>)
        %add3A_167 = arith.constant 0 : i32
        %add3A_168 = arith.addi %add3A_162, %add3A_167 : i32
        %dma_start3A_169 = tpu.memref_slice %arg2[%add3A_168] : memref<1605632xi32, #tpu.memory_space<hbm>> -> memref<128xi32, #tpu.memory_space<hbm>>
        %dma_start3A_170 = tpu.memref_slice %arg2[%add3A_168] : memref<1605632xi32, #tpu.memory_space<hbm>> -> memref<128xi32, #tpu.memory_space<hbm>>
        tpu.enqueue_dma source(%dma_start3A_170 : memref<128xi32, #tpu.memory_space<hbm>>) target(%arg7 : memref<128xi32, #tpu.memory_space<vmem>>) target_semaphore(%arg23 : memref<!tpu.dma_semaphore, #tpu.memory_space<semaphore_mem>>)
        %add3A_171 = arith.constant 0 : i32
        %add3A_172 = arith.addi %add3A_162, %add3A_171 : i32
        %dma_start3A_173 = tpu.memref_slice %arg3[%add3A_172] : memref<1605632xi32, #tpu.memory_space<hbm>> -> memref<128xi32, #tpu.memory_space<hbm>>
        %dma_start3A_174 = tpu.memref_slice %arg3[%add3A_172] : memref<1605632xi32, #tpu.memory_space<hbm>> -> memref<128xi32, #tpu.memory_space<hbm>>
        tpu.enqueue_dma source(%dma_start3A_174 : memref<128xi32, #tpu.memory_space<hbm>>) target(%arg11 : memref<128xi32, #tpu.memory_space<vmem>>) target_semaphore(%arg23 : memref<!tpu.dma_semaphore, #tpu.memory_space<semaphore_mem>>)
        %add3A_175 = arith.constant 128 : i32
        %add3A_176 = arith.addi %add3A_162, %add3A_175 : i32
        %dma_start3A_177 = tpu.memref_slice %arg2[%add3A_176] : memref<1605632xi32, #tpu.memory_space<hbm>> -> memref<128xi32, #tpu.memory_space<hbm>>
        %dma_start3A_178 = tpu.memref_slice %arg2[%add3A_176] : memref<1605632xi32, #tpu.memory_space<hbm>> -> memref<128xi32, #tpu.memory_space<hbm>>
        tpu.enqueue_dma source(%dma_start3A_178 : memref<128xi32, #tpu.memory_space<hbm>>) target(%arg8 : memref<128xi32, #tpu.memory_space<vmem>>) target_semaphore(%arg23 : memref<!tpu.dma_semaphore, #tpu.memory_space<semaphore_mem>>)
        %add3A_179 = arith.constant 128 : i32
        %add3A_180 = arith.addi %add3A_162, %add3A_179 : i32
        %dma_start3A_181 = tpu.memref_slice %arg3[%add3A_180] : memref<1605632xi32, #tpu.memory_space<hbm>> -> memref<128xi32, #tpu.memory_space<hbm>>
        %dma_start3A_182 = tpu.memref_slice %arg3[%add3A_180] : memref<1605632xi32, #tpu.memory_space<hbm>> -> memref<128xi32, #tpu.memory_space<hbm>>
        tpu.enqueue_dma source(%dma_start3A_182 : memref<128xi32, #tpu.memory_space<hbm>>) target(%arg12 : memref<128xi32, #tpu.memory_space<vmem>>) target_semaphore(%arg23 : memref<!tpu.dma_semaphore, #tpu.memory_space<semaphore_mem>>)
      } else {
      }
      %dma_wait3A_145 = arith.constant 0 : i32
      %dma_wait3A_146 = arith.constant 0 : i32
      %dma_wait3A_147 = tpu.memref_slice %arg5[%dma_wait3A_145, %dma_wait3A_146] : memref<100000x16xf32, #tpu.memory_space<hbm>> -> memref<100000x16xf32, #tpu.memory_space<hbm>>
      tpu.wait_indirect_dma semaphore(%arg26 : memref<!tpu.dma_semaphore, #tpu.memory_space<semaphore_mem>>) src(%dma_wait3A_147 : memref<100000x16xf32, #tpu.memory_space<hbm>>) dst(%arg17 : memref<128x16xf32, #tpu.memory_space<vmem>>)
      %dma_wait3A_148 = arith.constant 0 : i32
      %dma_wait3A_149 = arith.constant 0 : i32
      %dma_wait3A_150 = tpu.memref_slice %arg5[%dma_wait3A_148, %dma_wait3A_149] : memref<100000x16xf32, #tpu.memory_space<hbm>> -> memref<100000x16xf32, #tpu.memory_space<hbm>>
      tpu.wait_indirect_dma semaphore(%arg26 : memref<!tpu.dma_semaphore, #tpu.memory_space<semaphore_mem>>) src(%dma_wait3A_150 : memref<100000x16xf32, #tpu.memory_space<hbm>>) dst(%arg18 : memref<128x16xf32, #tpu.memory_space<vmem>>)
      %scan3A_151 = arith.constant 0 : i32
      %scan3A_152 = arith.constant 128 : i32
      %scan3A_153 = arith.addi %scan3A_151, %scan3A_152 : i32
      %scan3A_154 = arith.constant 8 : i32
      scf.for %scan3A_161 = %scan3A_151 to %scan3A_153 step %scan3A_154  : i32 {
        %mul3A_162 = arith.constant 1 : i32
        %mul3A_163 = arith.muli %scan3A_161, %mul3A_162 : i32
        %add3A_164 = arith.constant 0 : i32
        %add3A_165 = arith.addi %add3A_164, %mul3A_163 : i32
        %add3A_166 = arith.constant 0 : i32
        %add3A_167 = arith.addi %add3A_166, %add3A_165 : i32
        %broadcast_in_dim3A = vector.broadcast %add3A_167 : i32 to vector<16xi32>
        %broadcast_in_dim3A_168 = arith.constant 15 : i32
        %broadcast_in_dim3A_169 = vector.broadcast %broadcast_in_dim3A_168 : i32 to vector<16xi32>
        %gather3A = tpu.vector_load_idx %arg20[%broadcast_in_dim3A, %broadcast_in_dim3A_169] : memref<256x16xf32, #tpu.memory_space<vmem>>[vector<16xi32>, vector<16xi32>], vector<16xf32>,
        %get3A = arith.index_cast %add3A_165 : i32 to index
        %get3A_170 = arith.constant 0 : index
        %get3A_171 = tpu.vector_load %arg17[%get3A, %get3A_170] {strides = array<i32>} : memref<128x16xf32, #tpu.memory_space<vmem>>, vector<16xf32>,
        %mul3A_172 = arith.mulf %gather3A, %get3A_171 : vector<16xf32>
        %add3A_173 = arith.constant 0 : i32
        %add3A_174 = arith.addi %add3A_173, %add3A_165 : i32
        %get3A_175 = arith.index_cast %add3A_174 : i32 to index
        %get3A_176 = arith.constant 0 : index
        %get3A_177 = tpu.vector_load %arg20[%get3A_175, %get3A_176] {strides = array<i32>} : memref<256x16xf32, #tpu.memory_space<vmem>>, vector<16xf32>,
        %add3A_178 = arith.addf %mul3A_172, %get3A_177 : vector<16xf32>
        %swap3A = arith.index_cast %add3A_165 : i32 to index
        %swap3A_179 = arith.constant 0 : index
        %swap3A_180 = tpu.vector_load %arg17[%swap3A, %swap3A_179] {strides = array<i32>} : memref<128x16xf32, #tpu.memory_space<vmem>>, vector<16xf32>,
        tpu.vector_store %arg17[%swap3A, %swap3A_179], %add3A_178 {strides = array<i32>} : memref<128x16xf32, #tpu.memory_space<vmem>>, vector<16xf32>,
        %scan3A_181 = arith.constant 1 : i32
        %scan3A_182 = arith.addi %scan3A_161, %scan3A_181 : i32
        %mul3A_183 = arith.constant 1 : i32
        %mul3A_184 = arith.muli %scan3A_182, %mul3A_183 : i32
        %add3A_185 = arith.constant 0 : i32
        %add3A_186 = arith.addi %add3A_185, %mul3A_184 : i32
        %add3A_187 = arith.constant 0 : i32
        %add3A_188 = arith.addi %add3A_187, %add3A_186 : i32
        %broadcast_in_dim3A_189 = vector.broadcast %add3A_188 : i32 to vector<16xi32>
        %broadcast_in_dim3A_190 = arith.constant 15 : i32
        %broadcast_in_dim3A_191 = vector.broadcast %broadcast_in_dim3A_190 : i32 to vector<16xi32>
        %gather3A_192 = tpu.vector_load_idx %arg20[%broadcast_in_dim3A_189, %broadcast_in_dim3A_191] : memref<256x16xf32, #tpu.memory_space<vmem>>[vector<16xi32>, vector<16xi32>], vector<16xf32>,
        %get3A_193 = arith.index_cast %add3A_186 : i32 to index
        %get3A_194 = arith.constant 0 : index
        %get3A_195 = tpu.vector_load %arg17[%get3A_193, %get3A_194] {strides = array<i32>} : memref<128x16xf32, #tpu.memory_space<vmem>>, vector<16xf32>,
        %mul3A_196 = arith.mulf %gather3A_192, %get3A_195 : vector<16xf32>
        %add3A_197 = arith.constant 0 : i32
        %add3A_198 = arith.addi %add3A_197, %add3A_186 : i32
        %get3A_199 = arith.index_cast %add3A_198 : i32 to index
        %get3A_200 = arith.constant 0 : index
        %get3A_201 = tpu.vector_load %arg20[%get3A_199, %get3A_200] {strides = array<i32>} : memref<256x16xf32, #tpu.memory_space<vmem>>, vector<16xf32>,
        %add3A_202 = arith.addf %mul3A_196, %get3A_201 : vector<16xf32>
        %swap3A_203 = arith.index_cast %add3A_186 : i32 to index
        %swap3A_204 = arith.constant 0 : index
        %swap3A_205 = tpu.vector_load %arg17[%swap3A_203, %swap3A_204] {strides = array<i32>} : memref<128x16xf32, #tpu.memory_space<vmem>>, vector<16xf32>,
        tpu.vector_store %arg17[%swap3A_203, %swap3A_204], %add3A_202 {strides = array<i32>} : memref<128x16xf32, #tpu.memory_space<vmem>>, vector<16xf32>,
        %scan3A_206 = arith.constant 2 : i32
        %scan3A_207 = arith.addi %scan3A_161, %scan3A_206 : i32
        %mul3A_208 = arith.constant 1 : i32
        %mul3A_209 = arith.muli %scan3A_207, %mul3A_208 : i32
        %add3A_210 = arith.constant 0 : i32
        %add3A_211 = arith.addi %add3A_210, %mul3A_209 : i32
        %add3A_212 = arith.constant 0 : i32
        %add3A_213 = arith.addi %add3A_212, %add3A_211 : i32
        %broadcast_in_dim3A_214 = vector.broadcast %add3A_213 : i32 to vector<16xi32>
        %broadcast_in_dim3A_215 = arith.constant 15 : i32
        %broadcast_in_dim3A_216 = vector.broadcast %broadcast_in_dim3A_215 : i32 to vector<16xi32>
        %gather3A_217 = tpu.vector_load_idx %arg20[%broadcast_in_dim3A_214, %broadcast_in_dim3A_216] : memref<256x16xf32, #tpu.memory_space<vmem>>[vector<16xi32>, vector<16xi32>], vector<16xf32>,
        %get3A_218 = arith.index_cast %add3A_211 : i32 to index
        %get3A_219 = arith.constant 0 : index
        %get3A_220 = tpu.vector_load %arg17[%get3A_218, %get3A_219] {strides = array<i32>} : memref<128x16xf32, #tpu.memory_space<vmem>>, vector<16xf32>,
        %mul3A_221 = arith.mulf %gather3A_217, %get3A_220 : vector<16xf32>
        %add3A_222 = arith.constant 0 : i32
        %add3A_223 = arith.addi %add3A_222, %add3A_211 : i32
        %get3A_224 = arith.index_cast %add3A_223 : i32 to index
        %get3A_225 = arith.constant 0 : index
        %get3A_226 = tpu.vector_load %arg20[%get3A_224, %get3A_225] {strides = array<i32>} : memref<256x16xf32, #tpu.memory_space<vmem>>, vector<16xf32>,
        %add3A_227 = arith.addf %mul3A_221, %get3A_226 : vector<16xf32>
        %swap3A_228 = arith.index_cast %add3A_211 : i32 to index
        %swap3A_229 = arith.constant 0 : index
        %swap3A_230 = tpu.vector_load %arg17[%swap3A_228, %swap3A_229] {strides = array<i32>} : memref<128x16xf32, #tpu.memory_space<vmem>>, vector<16xf32>,
        tpu.vector_store %arg17[%swap3A_228, %swap3A_229], %add3A_227 {strides = array<i32>} : memref<128x16xf32, #tpu.memory_space<vmem>>, vector<16xf32>,
        %scan3A_231 = arith.constant 3 : i32
        %scan3A_232 = arith.addi %scan3A_161, %scan3A_231 : i32
        %mul3A_233 = arith.constant 1 : i32
        %mul3A_234 = arith.muli %scan3A_232, %mul3A_233 : i32
        %add3A_235 = arith.constant 0 : i32
        %add3A_236 = arith.addi %add3A_235, %mul3A_234 : i32
        %add3A_237 = arith.constant 0 : i32
        %add3A_238 = arith.addi %add3A_237, %add3A_236 : i32
        %broadcast_in_dim3A_239 = vector.broadcast %add3A_238 : i32 to vector<16xi32>
        %broadcast_in_dim3A_240 = arith.constant 15 : i32
        %broadcast_in_dim3A_241 = vector.broadcast %broadcast_in_dim3A_240 : i32 to vector<16xi32>
        %gather3A_242 = tpu.vector_load_idx %arg20[%broadcast_in_dim3A_239, %broadcast_in_dim3A_241] : memref<256x16xf32, #tpu.memory_space<vmem>>[vector<16xi32>, vector<16xi32>], vector<16xf32>,
        %get3A_243 = arith.index_cast %add3A_236 : i32 to index
        %get3A_244 = arith.constant 0 : index
        %get3A_245 = tpu.vector_load %arg17[%get3A_243, %get3A_244] {strides = array<i32>} : memref<128x16xf32, #tpu.memory_space<vmem>>, vector<16xf32>,
        %mul3A_246 = arith.mulf %gather3A_242, %get3A_245 : vector<16xf32>
        %add3A_247 = arith.constant 0 : i32
        %add3A_248 = arith.addi %add3A_247, %add3A_236 : i32
        %get3A_249 = arith.index_cast %add3A_248 : i32 to index
        %get3A_250 = arith.constant 0 : index
        %get3A_251 = tpu.vector_load %arg20[%get3A_249, %get3A_250] {strides = array<i32>} : memref<256x16xf32, #tpu.memory_space<vmem>>, vector<16xf32>,
        %add3A_252 = arith.addf %mul3A_246, %get3A_251 : vector<16xf32>
        %swap3A_253 = arith.index_cast %add3A_236 : i32 to index
        %swap3A_254 = arith.constant 0 : index
        %swap3A_255 = tpu.vector_load %arg17[%swap3A_253, %swap3A_254] {strides = array<i32>} : memref<128x16xf32, #tpu.memory_space<vmem>>, vector<16xf32>,
        tpu.vector_store %arg17[%swap3A_253, %swap3A_254], %add3A_252 {strides = array<i32>} : memref<128x16xf32, #tpu.memory_space<vmem>>, vector<16xf32>,
        %scan3A_256 = arith.constant 4 : i32
        %scan3A_257 = arith.addi %scan3A_161, %scan3A_256 : i32
        %mul3A_258 = arith.constant 1 : i32
        %mul3A_259 = arith.muli %scan3A_257, %mul3A_258 : i32
        %add3A_260 = arith.constant 0 : i32
        %add3A_261 = arith.addi %add3A_260, %mul3A_259 : i32
        %add3A_262 = arith.constant 0 : i32
        %add3A_263 = arith.addi %add3A_262, %add3A_261 : i32
        %broadcast_in_dim3A_264 = vector.broadcast %add3A_263 : i32 to vector<16xi32>
        %broadcast_in_dim3A_265 = arith.constant 15 : i32
        %broadcast_in_dim3A_266 = vector.broadcast %broadcast_in_dim3A_265 : i32 to vector<16xi32>
        %gather3A_267 = tpu.vector_load_idx %arg20[%broadcast_in_dim3A_264, %broadcast_in_dim3A_266] : memref<256x16xf32, #tpu.memory_space<vmem>>[vector<16xi32>, vector<16xi32>], vector<16xf32>,
        %get3A_268 = arith.index_cast %add3A_261 : i32 to index
        %get3A_269 = arith.constant 0 : index
        %get3A_270 = tpu.vector_load %arg17[%get3A_268, %get3A_269] {strides = array<i32>} : memref<128x16xf32, #tpu.memory_space<vmem>>, vector<16xf32>,
        %mul3A_271 = arith.mulf %gather3A_267, %get3A_270 : vector<16xf32>
        %add3A_272 = arith.constant 0 : i32
        %add3A_273 = arith.addi %add3A_272, %add3A_261 : i32
        %get3A_274 = arith.index_cast %add3A_273 : i32 to index
        %get3A_275 = arith.constant 0 : index
        %get3A_276 = tpu.vector_load %arg20[%get3A_274, %get3A_275] {strides = array<i32>} : memref<256x16xf32, #tpu.memory_space<vmem>>, vector<16xf32>,
        %add3A_277 = arith.addf %mul3A_271, %get3A_276 : vector<16xf32>
        %swap3A_278 = arith.index_cast %add3A_261 : i32 to index
        %swap3A_279 = arith.constant 0 : index
        %swap3A_280 = tpu.vector_load %arg17[%swap3A_278, %swap3A_279] {strides = array<i32>} : memref<128x16xf32, #tpu.memory_space<vmem>>, vector<16xf32>,
        tpu.vector_store %arg17[%swap3A_278, %swap3A_279], %add3A_277 {strides = array<i32>} : memref<128x16xf32, #tpu.memory_space<vmem>>, vector<16xf32>,
        %scan3A_281 = arith.constant 5 : i32
        %scan3A_282 = arith.addi %scan3A_161, %scan3A_281 : i32
        %mul3A_283 = arith.constant 1 : i32
        %mul3A_284 = arith.muli %scan3A_282, %mul3A_283 : i32
        %add3A_285 = arith.constant 0 : i32
        %add3A_286 = arith.addi %add3A_285, %mul3A_284 : i32
        %add3A_287 = arith.constant 0 : i32
        %add3A_288 = arith.addi %add3A_287, %add3A_286 : i32
        %broadcast_in_dim3A_289 = vector.broadcast %add3A_288 : i32 to vector<16xi32>
        %broadcast_in_dim3A_290 = arith.constant 15 : i32
        %broadcast_in_dim3A_291 = vector.broadcast %broadcast_in_dim3A_290 : i32 to vector<16xi32>
        %gather3A_292 = tpu.vector_load_idx %arg20[%broadcast_in_dim3A_289, %broadcast_in_dim3A_291] : memref<256x16xf32, #tpu.memory_space<vmem>>[vector<16xi32>, vector<16xi32>], vector<16xf32>,
        %get3A_293 = arith.index_cast %add3A_286 : i32 to index
        %get3A_294 = arith.constant 0 : index
        %get3A_295 = tpu.vector_load %arg17[%get3A_293, %get3A_294] {strides = array<i32>} : memref<128x16xf32, #tpu.memory_space<vmem>>, vector<16xf32>,
        %mul3A_296 = arith.mulf %gather3A_292, %get3A_295 : vector<16xf32>
        %add3A_297 = arith.constant 0 : i32
        %add3A_298 = arith.addi %add3A_297, %add3A_286 : i32
        %get3A_299 = arith.index_cast %add3A_298 : i32 to index
        %get3A_300 = arith.constant 0 : index
        %get3A_301 = tpu.vector_load %arg20[%get3A_299, %get3A_300] {strides = array<i32>} : memref<256x16xf32, #tpu.memory_space<vmem>>, vector<16xf32>,
        %add3A_302 = arith.addf %mul3A_296, %get3A_301 : vector<16xf32>
        %swap3A_303 = arith.index_cast %add3A_286 : i32 to index
        %swap3A_304 = arith.constant 0 : index
        %swap3A_305 = tpu.vector_load %arg17[%swap3A_303, %swap3A_304] {strides = array<i32>} : memref<128x16xf32, #tpu.memory_space<vmem>>, vector<16xf32>,
        tpu.vector_store %arg17[%swap3A_303, %swap3A_304], %add3A_302 {strides = array<i32>} : memref<128x16xf32, #tpu.memory_space<vmem>>, vector<16xf32>,
        %scan3A_306 = arith.constant 6 : i32
        %scan3A_307 = arith.addi %scan3A_161, %scan3A_306 : i32
        %mul3A_308 = arith.constant 1 : i32
        %mul3A_309 = arith.muli %scan3A_307, %mul3A_308 : i32
        %add3A_310 = arith.constant 0 : i32
        %add3A_311 = arith.addi %add3A_310, %mul3A_309 : i32
        %add3A_312 = arith.constant 0 : i32
        %add3A_313 = arith.addi %add3A_312, %add3A_311 : i32
        %broadcast_in_dim3A_314 = vector.broadcast %add3A_313 : i32 to vector<16xi32>
        %broadcast_in_dim3A_315 = arith.constant 15 : i32
        %broadcast_in_dim3A_316 = vector.broadcast %broadcast_in_dim3A_315 : i32 to vector<16xi32>
        %gather3A_317 = tpu.vector_load_idx %arg20[%broadcast_in_dim3A_314, %broadcast_in_dim3A_316] : memref<256x16xf32, #tpu.memory_space<vmem>>[vector<16xi32>, vector<16xi32>], vector<16xf32>,
        %get3A_318 = arith.index_cast %add3A_311 : i32 to index
        %get3A_319 = arith.constant 0 : index
        %get3A_320 = tpu.vector_load %arg17[%get3A_318, %get3A_319] {strides = array<i32>} : memref<128x16xf32, #tpu.memory_space<vmem>>, vector<16xf32>,
        %mul3A_321 = arith.mulf %gather3A_317, %get3A_320 : vector<16xf32>
        %add3A_322 = arith.constant 0 : i32
        %add3A_323 = arith.addi %add3A_322, %add3A_311 : i32
        %get3A_324 = arith.index_cast %add3A_323 : i32 to index
        %get3A_325 = arith.constant 0 : index
        %get3A_326 = tpu.vector_load %arg20[%get3A_324, %get3A_325] {strides = array<i32>} : memref<256x16xf32, #tpu.memory_space<vmem>>, vector<16xf32>,
        %add3A_327 = arith.addf %mul3A_321, %get3A_326 : vector<16xf32>
        %swap3A_328 = arith.index_cast %add3A_311 : i32 to index
        %swap3A_329 = arith.constant 0 : index
        %swap3A_330 = tpu.vector_load %arg17[%swap3A_328, %swap3A_329] {strides = array<i32>} : memref<128x16xf32, #tpu.memory_space<vmem>>, vector<16xf32>,
        tpu.vector_store %arg17[%swap3A_328, %swap3A_329], %add3A_327 {strides = array<i32>} : memref<128x16xf32, #tpu.memory_space<vmem>>, vector<16xf32>,
        %scan3A_331 = arith.constant 7 : i32
        %scan3A_332 = arith.addi %scan3A_161, %scan3A_331 : i32
        %mul3A_333 = arith.constant 1 : i32
        %mul3A_334 = arith.muli %scan3A_332, %mul3A_333 : i32
        %add3A_335 = arith.constant 0 : i32
        %add3A_336 = arith.addi %add3A_335, %mul3A_334 : i32
        %add3A_337 = arith.constant 0 : i32
        %add3A_338 = arith.addi %add3A_337, %add3A_336 : i32
        %broadcast_in_dim3A_339 = vector.broadcast %add3A_338 : i32 to vector<16xi32>
        %broadcast_in_dim3A_340 = arith.constant 15 : i32
        %broadcast_in_dim3A_341 = vector.broadcast %broadcast_in_dim3A_340 : i32 to vector<16xi32>
        %gather3A_342 = tpu.vector_load_idx %arg20[%broadcast_in_dim3A_339, %broadcast_in_dim3A_341] : memref<256x16xf32, #tpu.memory_space<vmem>>[vector<16xi32>, vector<16xi32>], vector<16xf32>,
        %get3A_343 = arith.index_cast %add3A_336 : i32 to index
        %get3A_344 = arith.constant 0 : index
        %get3A_345 = tpu.vector_load %arg17[%get3A_343, %get3A_344] {strides = array<i32>} : memref<128x16xf32, #tpu.memory_space<vmem>>, vector<16xf32>,
        %mul3A_346 = arith.mulf %gather3A_342, %get3A_345 : vector<16xf32>
        %add3A_347 = arith.constant 0 : i32
        %add3A_348 = arith.addi %add3A_347, %add3A_336 : i32
        %get3A_349 = arith.index_cast %add3A_348 : i32 to index
        %get3A_350 = arith.constant 0 : index
        %get3A_351 = tpu.vector_load %arg20[%get3A_349, %get3A_350] {strides = array<i32>} : memref<256x16xf32, #tpu.memory_space<vmem>>, vector<16xf32>,
        %add3A_352 = arith.addf %mul3A_346, %get3A_351 : vector<16xf32>
        %swap3A_353 = arith.index_cast %add3A_336 : i32 to index
        %swap3A_354 = arith.constant 0 : index
        %swap3A_355 = tpu.vector_load %arg17[%swap3A_353, %swap3A_354] {strides = array<i32>} : memref<128x16xf32, #tpu.memory_space<vmem>>, vector<16xf32>,
        tpu.vector_store %arg17[%swap3A_353, %swap3A_354], %add3A_352 {strides = array<i32>} : memref<128x16xf32, #tpu.memory_space<vmem>>, vector<16xf32>,
      }
      %scan3A_155 = arith.constant 128 : i32
      %scan3A_156 = arith.constant 0 : i32
      %scan3A_157 = arith.constant 128 : i32
      %scan3A_158 = arith.addi %scan3A_156, %scan3A_157 : i32
      %scan3A_159 = arith.constant 8 : i32
      scf.for %scan3A_161 = %scan3A_156 to %scan3A_158 step %scan3A_159  : i32 {
        %mul3A_162 = arith.constant 1 : i32
        %mul3A_163 = arith.muli %scan3A_161, %mul3A_162 : i32
        %add3A_164 = arith.constant 0 : i32
        %add3A_165 = arith.addi %add3A_164, %mul3A_163 : i32
        %add3A_166 = arith.constant 128 : i32
        %add3A_167 = arith.addi %add3A_166, %add3A_165 : i32
        %broadcast_in_dim3A = vector.broadcast %add3A_167 : i32 to vector<16xi32>
        %broadcast_in_dim3A_168 = arith.constant 15 : i32
        %broadcast_in_dim3A_169 = vector.broadcast %broadcast_in_dim3A_168 : i32 to vector<16xi32>
        %gather3A = tpu.vector_load_idx %arg20[%broadcast_in_dim3A, %broadcast_in_dim3A_169] : memref<256x16xf32, #tpu.memory_space<vmem>>[vector<16xi32>, vector<16xi32>], vector<16xf32>,
        %get3A = arith.index_cast %add3A_165 : i32 to index
        %get3A_170 = arith.constant 0 : index
        %get3A_171 = tpu.vector_load %arg18[%get3A, %get3A_170] {strides = array<i32>} : memref<128x16xf32, #tpu.memory_space<vmem>>, vector<16xf32>,
        %mul3A_172 = arith.mulf %gather3A, %get3A_171 : vector<16xf32>
        %add3A_173 = arith.constant 128 : i32
        %add3A_174 = arith.addi %add3A_173, %add3A_165 : i32
        %get3A_175 = arith.index_cast %add3A_174 : i32 to index
        %get3A_176 = arith.constant 0 : index
        %get3A_177 = tpu.vector_load %arg20[%get3A_175, %get3A_176] {strides = array<i32>} : memref<256x16xf32, #tpu.memory_space<vmem>>, vector<16xf32>,
        %add3A_178 = arith.addf %mul3A_172, %get3A_177 : vector<16xf32>
        %swap3A = arith.index_cast %add3A_165 : i32 to index
        %swap3A_179 = arith.constant 0 : index
        %swap3A_180 = tpu.vector_load %arg18[%swap3A, %swap3A_179] {strides = array<i32>} : memref<128x16xf32, #tpu.memory_space<vmem>>, vector<16xf32>,
        tpu.vector_store %arg18[%swap3A, %swap3A_179], %add3A_178 {strides = array<i32>} : memref<128x16xf32, #tpu.memory_space<vmem>>, vector<16xf32>,
        %scan3A_181 = arith.constant 1 : i32
        %scan3A_182 = arith.addi %scan3A_161, %scan3A_181 : i32
        %mul3A_183 = arith.constant 1 : i32
        %mul3A_184 = arith.muli %scan3A_182, %mul3A_183 : i32
        %add3A_185 = arith.constant 0 : i32
        %add3A_186 = arith.addi %add3A_185, %mul3A_184 : i32
        %add3A_187 = arith.constant 128 : i32
        %add3A_188 = arith.addi %add3A_187, %add3A_186 : i32
        %broadcast_in_dim3A_189 = vector.broadcast %add3A_188 : i32 to vector<16xi32>
        %broadcast_in_dim3A_190 = arith.constant 15 : i32
        %broadcast_in_dim3A_191 = vector.broadcast %broadcast_in_dim3A_190 : i32 to vector<16xi32>
        %gather3A_192 = tpu.vector_load_idx %arg20[%broadcast_in_dim3A_189, %broadcast_in_dim3A_191] : memref<256x16xf32, #tpu.memory_space<vmem>>[vector<16xi32>, vector<16xi32>], vector<16xf32>,
        %get3A_193 = arith.index_cast %add3A_186 : i32 to index
        %get3A_194 = arith.constant 0 : index
        %get3A_195 = tpu.vector_load %arg18[%get3A_193, %get3A_194] {strides = array<i32>} : memref<128x16xf32, #tpu.memory_space<vmem>>, vector<16xf32>,
        %mul3A_196 = arith.mulf %gather3A_192, %get3A_195 : vector<16xf32>
        %add3A_197 = arith.constant 128 : i32
        %add3A_198 = arith.addi %add3A_197, %add3A_186 : i32
        %get3A_199 = arith.index_cast %add3A_198 : i32 to index
        %get3A_200 = arith.constant 0 : index
        %get3A_201 = tpu.vector_load %arg20[%get3A_199, %get3A_200] {strides = array<i32>} : memref<256x16xf32, #tpu.memory_space<vmem>>, vector<16xf32>,
        %add3A_202 = arith.addf %mul3A_196, %get3A_201 : vector<16xf32>
        %swap3A_203 = arith.index_cast %add3A_186 : i32 to index
        %swap3A_204 = arith.constant 0 : index
        %swap3A_205 = tpu.vector_load %arg18[%swap3A_203, %swap3A_204] {strides = array<i32>} : memref<128x16xf32, #tpu.memory_space<vmem>>, vector<16xf32>,
        tpu.vector_store %arg18[%swap3A_203, %swap3A_204], %add3A_202 {strides = array<i32>} : memref<128x16xf32, #tpu.memory_space<vmem>>, vector<16xf32>,
        %scan3A_206 = arith.constant 2 : i32
        %scan3A_207 = arith.addi %scan3A_161, %scan3A_206 : i32
        %mul3A_208 = arith.constant 1 : i32
        %mul3A_209 = arith.muli %scan3A_207, %mul3A_208 : i32
        %add3A_210 = arith.constant 0 : i32
        %add3A_211 = arith.addi %add3A_210, %mul3A_209 : i32
        %add3A_212 = arith.constant 128 : i32
        %add3A_213 = arith.addi %add3A_212, %add3A_211 : i32
        %broadcast_in_dim3A_214 = vector.broadcast %add3A_213 : i32 to vector<16xi32>
        %broadcast_in_dim3A_215 = arith.constant 15 : i32
        %broadcast_in_dim3A_216 = vector.broadcast %broadcast_in_dim3A_215 : i32 to vector<16xi32>
        %gather3A_217 = tpu.vector_load_idx %arg20[%broadcast_in_dim3A_214, %broadcast_in_dim3A_216] : memref<256x16xf32, #tpu.memory_space<vmem>>[vector<16xi32>, vector<16xi32>], vector<16xf32>,
        %get3A_218 = arith.index_cast %add3A_211 : i32 to index
        %get3A_219 = arith.constant 0 : index
        %get3A_220 = tpu.vector_load %arg18[%get3A_218, %get3A_219] {strides = array<i32>} : memref<128x16xf32, #tpu.memory_space<vmem>>, vector<16xf32>,
        %mul3A_221 = arith.mulf %gather3A_217, %get3A_220 : vector<16xf32>
        %add3A_222 = arith.constant 128 : i32
        %add3A_223 = arith.addi %add3A_222, %add3A_211 : i32
        %get3A_224 = arith.index_cast %add3A_223 : i32 to index
        %get3A_225 = arith.constant 0 : index
        %get3A_226 = tpu.vector_load %arg20[%get3A_224, %get3A_225] {strides = array<i32>} : memref<256x16xf32, #tpu.memory_space<vmem>>, vector<16xf32>,
        %add3A_227 = arith.addf %mul3A_221, %get3A_226 : vector<16xf32>
        %swap3A_228 = arith.index_cast %add3A_211 : i32 to index
        %swap3A_229 = arith.constant 0 : index
        %swap3A_230 = tpu.vector_load %arg18[%swap3A_228, %swap3A_229] {strides = array<i32>} : memref<128x16xf32, #tpu.memory_space<vmem>>, vector<16xf32>,
        tpu.vector_store %arg18[%swap3A_228, %swap3A_229], %add3A_227 {strides = array<i32>} : memref<128x16xf32, #tpu.memory_space<vmem>>, vector<16xf32>,
        %scan3A_231 = arith.constant 3 : i32
        %scan3A_232 = arith.addi %scan3A_161, %scan3A_231 : i32
        %mul3A_233 = arith.constant 1 : i32
        %mul3A_234 = arith.muli %scan3A_232, %mul3A_233 : i32
        %add3A_235 = arith.constant 0 : i32
        %add3A_236 = arith.addi %add3A_235, %mul3A_234 : i32
        %add3A_237 = arith.constant 128 : i32
        %add3A_238 = arith.addi %add3A_237, %add3A_236 : i32
        %broadcast_in_dim3A_239 = vector.broadcast %add3A_238 : i32 to vector<16xi32>
        %broadcast_in_dim3A_240 = arith.constant 15 : i32
        %broadcast_in_dim3A_241 = vector.broadcast %broadcast_in_dim3A_240 : i32 to vector<16xi32>
        %gather3A_242 = tpu.vector_load_idx %arg20[%broadcast_in_dim3A_239, %broadcast_in_dim3A_241] : memref<256x16xf32, #tpu.memory_space<vmem>>[vector<16xi32>, vector<16xi32>], vector<16xf32>,
        %get3A_243 = arith.index_cast %add3A_236 : i32 to index
        %get3A_244 = arith.constant 0 : index
        %get3A_245 = tpu.vector_load %arg18[%get3A_243, %get3A_244] {strides = array<i32>} : memref<128x16xf32, #tpu.memory_space<vmem>>, vector<16xf32>,
        %mul3A_246 = arith.mulf %gather3A_242, %get3A_245 : vector<16xf32>
        %add3A_247 = arith.constant 128 : i32
        %add3A_248 = arith.addi %add3A_247, %add3A_236 : i32
        %get3A_249 = arith.index_cast %add3A_248 : i32 to index
        %get3A_250 = arith.constant 0 : index
        %get3A_251 = tpu.vector_load %arg20[%get3A_249, %get3A_250] {strides = array<i32>} : memref<256x16xf32, #tpu.memory_space<vmem>>, vector<16xf32>,
        %add3A_252 = arith.addf %mul3A_246, %get3A_251 : vector<16xf32>
        %swap3A_253 = arith.index_cast %add3A_236 : i32 to index
        %swap3A_254 = arith.constant 0 : index
        %swap3A_255 = tpu.vector_load %arg18[%swap3A_253, %swap3A_254] {strides = array<i32>} : memref<128x16xf32, #tpu.memory_space<vmem>>, vector<16xf32>,
        tpu.vector_store %arg18[%swap3A_253, %swap3A_254], %add3A_252 {strides = array<i32>} : memref<128x16xf32, #tpu.memory_space<vmem>>, vector<16xf32>,
        %scan3A_256 = arith.constant 4 : i32
        %scan3A_257 = arith.addi %scan3A_161, %scan3A_256 : i32
        %mul3A_258 = arith.constant 1 : i32
        %mul3A_259 = arith.muli %scan3A_257, %mul3A_258 : i32
        %add3A_260 = arith.constant 0 : i32
        %add3A_261 = arith.addi %add3A_260, %mul3A_259 : i32
        %add3A_262 = arith.constant 128 : i32
        %add3A_263 = arith.addi %add3A_262, %add3A_261 : i32
        %broadcast_in_dim3A_264 = vector.broadcast %add3A_263 : i32 to vector<16xi32>
        %broadcast_in_dim3A_265 = arith.constant 15 : i32
        %broadcast_in_dim3A_266 = vector.broadcast %broadcast_in_dim3A_265 : i32 to vector<16xi32>
        %gather3A_267 = tpu.vector_load_idx %arg20[%broadcast_in_dim3A_264, %broadcast_in_dim3A_266] : memref<256x16xf32, #tpu.memory_space<vmem>>[vector<16xi32>, vector<16xi32>], vector<16xf32>,
        %get3A_268 = arith.index_cast %add3A_261 : i32 to index
        %get3A_269 = arith.constant 0 : index
        %get3A_270 = tpu.vector_load %arg18[%get3A_268, %get3A_269] {strides = array<i32>} : memref<128x16xf32, #tpu.memory_space<vmem>>, vector<16xf32>,
        %mul3A_271 = arith.mulf %gather3A_267, %get3A_270 : vector<16xf32>
        %add3A_272 = arith.constant 128 : i32
        %add3A_273 = arith.addi %add3A_272, %add3A_261 : i32
        %get3A_274 = arith.index_cast %add3A_273 : i32 to index
        %get3A_275 = arith.constant 0 : index
        %get3A_276 = tpu.vector_load %arg20[%get3A_274, %get3A_275] {strides = array<i32>} : memref<256x16xf32, #tpu.memory_space<vmem>>, vector<16xf32>,
        %add3A_277 = arith.addf %mul3A_271, %get3A_276 : vector<16xf32>
        %swap3A_278 = arith.index_cast %add3A_261 : i32 to index
        %swap3A_279 = arith.constant 0 : index
        %swap3A_280 = tpu.vector_load %arg18[%swap3A_278, %swap3A_279] {strides = array<i32>} : memref<128x16xf32, #tpu.memory_space<vmem>>, vector<16xf32>,
        tpu.vector_store %arg18[%swap3A_278, %swap3A_279], %add3A_277 {strides = array<i32>} : memref<128x16xf32, #tpu.memory_space<vmem>>, vector<16xf32>,
        %scan3A_281 = arith.constant 5 : i32
        %scan3A_282 = arith.addi %scan3A_161, %scan3A_281 : i32
        %mul3A_283 = arith.constant 1 : i32
        %mul3A_284 = arith.muli %scan3A_282, %mul3A_283 : i32
        %add3A_285 = arith.constant 0 : i32
        %add3A_286 = arith.addi %add3A_285, %mul3A_284 : i32
        %add3A_287 = arith.constant 128 : i32
        %add3A_288 = arith.addi %add3A_287, %add3A_286 : i32
        %broadcast_in_dim3A_289 = vector.broadcast %add3A_288 : i32 to vector<16xi32>
        %broadcast_in_dim3A_290 = arith.constant 15 : i32
        %broadcast_in_dim3A_291 = vector.broadcast %broadcast_in_dim3A_290 : i32 to vector<16xi32>
        %gather3A_292 = tpu.vector_load_idx %arg20[%broadcast_in_dim3A_289, %broadcast_in_dim3A_291] : memref<256x16xf32, #tpu.memory_space<vmem>>[vector<16xi32>, vector<16xi32>], vector<16xf32>,
        %get3A_293 = arith.index_cast %add3A_286 : i32 to index
        %get3A_294 = arith.constant 0 : index
        %get3A_295 = tpu.vector_load %arg18[%get3A_293, %get3A_294] {strides = array<i32>} : memref<128x16xf32, #tpu.memory_space<vmem>>, vector<16xf32>,
        %mul3A_296 = arith.mulf %gather3A_292, %get3A_295 : vector<16xf32>
        %add3A_297 = arith.constant 128 : i32
        %add3A_298 = arith.addi %add3A_297, %add3A_286 : i32
        %get3A_299 = arith.index_cast %add3A_298 : i32 to index
        %get3A_300 = arith.constant 0 : index
        %get3A_301 = tpu.vector_load %arg20[%get3A_299, %get3A_300] {strides = array<i32>} : memref<256x16xf32, #tpu.memory_space<vmem>>, vector<16xf32>,
        %add3A_302 = arith.addf %mul3A_296, %get3A_301 : vector<16xf32>
        %swap3A_303 = arith.index_cast %add3A_286 : i32 to index
        %swap3A_304 = arith.constant 0 : index
        %swap3A_305 = tpu.vector_load %arg18[%swap3A_303, %swap3A_304] {strides = array<i32>} : memref<128x16xf32, #tpu.memory_space<vmem>>, vector<16xf32>,
        tpu.vector_store %arg18[%swap3A_303, %swap3A_304], %add3A_302 {strides = array<i32>} : memref<128x16xf32, #tpu.memory_space<vmem>>, vector<16xf32>,
        %scan3A_306 = arith.constant 6 : i32
        %scan3A_307 = arith.addi %scan3A_161, %scan3A_306 : i32
        %mul3A_308 = arith.constant 1 : i32
        %mul3A_309 = arith.muli %scan3A_307, %mul3A_308 : i32
        %add3A_310 = arith.constant 0 : i32
        %add3A_311 = arith.addi %add3A_310, %mul3A_309 : i32
        %add3A_312 = arith.constant 128 : i32
        %add3A_313 = arith.addi %add3A_312, %add3A_311 : i32
        %broadcast_in_dim3A_314 = vector.broadcast %add3A_313 : i32 to vector<16xi32>
        %broadcast_in_dim3A_315 = arith.constant 15 : i32
        %broadcast_in_dim3A_316 = vector.broadcast %broadcast_in_dim3A_315 : i32 to vector<16xi32>
        %gather3A_317 = tpu.vector_load_idx %arg20[%broadcast_in_dim3A_314, %broadcast_in_dim3A_316] : memref<256x16xf32, #tpu.memory_space<vmem>>[vector<16xi32>, vector<16xi32>], vector<16xf32>,
        %get3A_318 = arith.index_cast %add3A_311 : i32 to index
        %get3A_319 = arith.constant 0 : index
        %get3A_320 = tpu.vector_load %arg18[%get3A_318, %get3A_319] {strides = array<i32>} : memref<128x16xf32, #tpu.memory_space<vmem>>, vector<16xf32>,
        %mul3A_321 = arith.mulf %gather3A_317, %get3A_320 : vector<16xf32>
        %add3A_322 = arith.constant 128 : i32
        %add3A_323 = arith.addi %add3A_322, %add3A_311 : i32
        %get3A_324 = arith.index_cast %add3A_323 : i32 to index
        %get3A_325 = arith.constant 0 : index
        %get3A_326 = tpu.vector_load %arg20[%get3A_324, %get3A_325] {strides = array<i32>} : memref<256x16xf32, #tpu.memory_space<vmem>>, vector<16xf32>,
        %add3A_327 = arith.addf %mul3A_321, %get3A_326 : vector<16xf32>
        %swap3A_328 = arith.index_cast %add3A_311 : i32 to index
        %swap3A_329 = arith.constant 0 : index
        %swap3A_330 = tpu.vector_load %arg18[%swap3A_328, %swap3A_329] {strides = array<i32>} : memref<128x16xf32, #tpu.memory_space<vmem>>, vector<16xf32>,
        tpu.vector_store %arg18[%swap3A_328, %swap3A_329], %add3A_327 {strides = array<i32>} : memref<128x16xf32, #tpu.memory_space<vmem>>, vector<16xf32>,
        %scan3A_331 = arith.constant 7 : i32
        %scan3A_332 = arith.addi %scan3A_161, %scan3A_331 : i32
        %mul3A_333 = arith.constant 1 : i32
        %mul3A_334 = arith.muli %scan3A_332, %mul3A_333 : i32
        %add3A_335 = arith.constant 0 : i32
        %add3A_336 = arith.addi %add3A_335, %mul3A_334 : i32
        %add3A_337 = arith.constant 128 : i32
        %add3A_338 = arith.addi %add3A_337, %add3A_336 : i32
        %broadcast_in_dim3A_339 = vector.broadcast %add3A_338 : i32 to vector<16xi32>
        %broadcast_in_dim3A_340 = arith.constant 15 : i32
        %broadcast_in_dim3A_341 = vector.broadcast %broadcast_in_dim3A_340 : i32 to vector<16xi32>
        %gather3A_342 = tpu.vector_load_idx %arg20[%broadcast_in_dim3A_339, %broadcast_in_dim3A_341] : memref<256x16xf32, #tpu.memory_space<vmem>>[vector<16xi32>, vector<16xi32>], vector<16xf32>,
        %get3A_343 = arith.index_cast %add3A_336 : i32 to index
        %get3A_344 = arith.constant 0 : index
        %get3A_345 = tpu.vector_load %arg18[%get3A_343, %get3A_344] {strides = array<i32>} : memref<128x16xf32, #tpu.memory_space<vmem>>, vector<16xf32>,
        %mul3A_346 = arith.mulf %gather3A_342, %get3A_345 : vector<16xf32>
        %add3A_347 = arith.constant 128 : i32
        %add3A_348 = arith.addi %add3A_347, %add3A_336 : i32
        %get3A_349 = arith.index_cast %add3A_348 : i32 to index
        %get3A_350 = arith.constant 0 : index
        %get3A_351 = tpu.vector_load %arg20[%get3A_349, %get3A_350] {strides = array<i32>} : memref<256x16xf32, #tpu.memory_space<vmem>>, vector<16xf32>,
        %add3A_352 = arith.addf %mul3A_346, %get3A_351 : vector<16xf32>
        %swap3A_353 = arith.index_cast %add3A_336 : i32 to index
        %swap3A_354 = arith.constant 0 : index
        %swap3A_355 = tpu.vector_load %arg18[%swap3A_353, %swap3A_354] {strides = array<i32>} : memref<128x16xf32, #tpu.memory_space<vmem>>, vector<16xf32>,
        tpu.vector_store %arg18[%swap3A_353, %swap3A_354], %add3A_352 {strides = array<i32>} : memref<128x16xf32, #tpu.memory_space<vmem>>, vector<16xf32>,
      }
      %scan3A_160 = arith.constant 128 : i32
      "tpu.region"() ({
        %run_scoped3A = tpu.sem_alloc : memref<!tpu.dma_semaphore, #tpu.memory_space<semaphore_mem>>
        %dma_start3A_161 = arith.constant 0 : i32
        %dma_start3A_162 = arith.constant 0 : i32
        %dma_start3A_163 = tpu.memref_slice %arg22[%dma_start3A_161, %dma_start3A_162] : memref<100096x16xf32, #tpu.memory_space<vmem_shared>> -> memref<100096x16xf32, #tpu.memory_space<vmem_shared>>
        tpu.enqueue_indirect_dma source(%arg17 : memref<128x16xf32, #tpu.memory_space<vmem>>) target(%dma_start3A_163 : memref<100096x16xf32, #tpu.memory_space<vmem_shared>>) offsets(%arg13 : memref<128xi32, #tpu.memory_space<vmem>>) semaphore(%run_scoped3A : memref<!tpu.dma_semaphore, #tpu.memory_space<semaphore_mem>>) {add = true}
        %dma_wait3A_164 = arith.constant 0 : i32
        %dma_wait3A_165 = arith.constant 0 : i32
        %dma_wait3A_166 = tpu.memref_slice %arg22[%dma_wait3A_164, %dma_wait3A_165] : memref<100096x16xf32, #tpu.memory_space<vmem_shared>> -> memref<100096x16xf32, #tpu.memory_space<vmem_shared>>
        tpu.wait_indirect_dma semaphore(%run_scoped3A : memref<!tpu.dma_semaphore, #tpu.memory_space<semaphore_mem>>) src(%arg17 : memref<128x16xf32, #tpu.memory_space<vmem>>) dst(%dma_wait3A_166 : memref<100096x16xf32, #tpu.memory_space<vmem_shared>>)
        tpu.yield
      }) : () -> ()
      "tpu.region"() ({
        %run_scoped3A = tpu.sem_alloc : memref<!tpu.dma_semaphore, #tpu.memory_space<semaphore_mem>>
        %dma_start3A_161 = arith.constant 0 : i32
        %dma_start3A_162 = arith.constant 0 : i32
        %dma_start3A_163 = tpu.memref_slice %arg22[%dma_start3A_161, %dma_start3A_162] : memref<100096x16xf32, #tpu.memory_space<vmem_shared>> -> memref<100096x16xf32, #tpu.memory_space<vmem_shared>>
        tpu.enqueue_indirect_dma source(%arg18 : memref<128x16xf32, #tpu.memory_space<vmem>>) target(%dma_start3A_163 : memref<100096x16xf32, #tpu.memory_space<vmem_shared>>) offsets(%arg14 : memref<128xi32, #tpu.memory_space<vmem>>) semaphore(%run_scoped3A : memref<!tpu.dma_semaphore, #tpu.memory_space<semaphore_mem>>) {add = true}
        %dma_wait3A_164 = arith.constant 0 : i32
        %dma_wait3A_165 = arith.constant 0 : i32
        %dma_wait3A_166 = tpu.memref_slice %arg22[%dma_wait3A_164, %dma_wait3A_165] : memref<100096x16xf32, #tpu.memory_space<vmem_shared>> -> memref<100096x16xf32, #tpu.memory_space<vmem_shared>>
        tpu.wait_indirect_dma semaphore(%run_scoped3A : memref<!tpu.dma_semaphore, #tpu.memory_space<semaphore_mem>>) src(%arg18 : memref<128x16xf32, #tpu.memory_space<vmem>>) dst(%dma_wait3A_166 : memref<100096x16xf32, #tpu.memory_space<vmem_shared>>)
        tpu.yield
      }) : () -> ()
    }
    %scan3A_37 = arith.constant 98 : i32
    %barrier3A_38 = arith.constant 0 : index
    tpu.barrier barrier_id(%barrier3A_38)
    "tpu.region"() ({
      %run_scoped3A = tpu.sem_alloc : memref<!tpu.dma_semaphore, #tpu.memory_space<semaphore_mem>>
      %dma_start3A_39 = arith.constant 0 : i32
      %dma_start3A_40 = tpu.memref_slice %arg6[%arg0, %mul3A_6, %dma_start3A_39] : memref<2x100096x16xf32, #tpu.memory_space<hbm>> -> memref<1x6256x16xf32, #tpu.memory_space<hbm>>
      %dma_start3A_41 = tpu.memref_squeeze %dma_start3A_40 : memref<1x6256x16xf32, #tpu.memory_space<hbm>> -> memref<6256x16xf32, #tpu.memory_space<hbm>>
      %dma_start3A_42 = arith.constant 0 : i32
      %dma_start3A_43 = tpu.memref_slice %arg22[%mul3A_6, %dma_start3A_42] : memref<100096x16xf32, #tpu.memory_space<vmem_shared>> -> memref<6256x16xf32, #tpu.memory_space<vmem_shared>>
      tpu.enqueue_dma source(%dma_start3A_43 : memref<6256x16xf32, #tpu.memory_space<vmem_shared>>) target(%dma_start3A_41 : memref<6256x16xf32, #tpu.memory_space<hbm>>) target_semaphore(%run_scoped3A : memref<!tpu.dma_semaphore, #tpu.memory_space<semaphore_mem>>)
      %dma_wait3A = arith.constant 0 : i32
      %dma_wait3A_44 = tpu.memref_slice %arg6[%arg0, %mul3A_6, %dma_wait3A] : memref<2x100096x16xf32, #tpu.memory_space<hbm>> -> memref<1x6256x16xf32, #tpu.memory_space<hbm>>
      %dma_wait3A_45 = tpu.memref_squeeze %dma_wait3A_44 : memref<1x6256x16xf32, #tpu.memory_space<hbm>> -> memref<6256x16xf32, #tpu.memory_space<hbm>>
      %dma_wait3A_46 = arith.constant 0 : i32
      %dma_wait3A_47 = tpu.memref_slice %arg22[%mul3A_6, %dma_wait3A_46] : memref<100096x16xf32, #tpu.memory_space<vmem_shared>> -> memref<6256x16xf32, #tpu.memory_space<vmem_shared>>
      tpu.wait_dma2 semaphore(%run_scoped3A : memref<!tpu.dma_semaphore, #tpu.memory_space<semaphore_mem>>) src(%dma_wait3A_47 : memref<6256x16xf32, #tpu.memory_space<vmem_shared>>) dst(%dma_wait3A_45 : memref<6256x16xf32, #tpu.memory_space<hbm>>)
      tpu.yield
    }) : () -> ()
    return
  }
}

module attributes {stable_mosaic.version = 14 : i64} {
  func.func @prep(%arg0: i32, %arg1: memref<2048x4xf32, #tpu.memory_space<vmem>>, %arg2: memref<2048x1xf32, #tpu.memory_space<vmem>>, %arg3: memref<2048x16xf32, #tpu.memory_space<vmem>>) attributes {dimension_semantics = [#tpu.dimension_semantics<arbitrary>], iteration_bounds = array<i64: 784>, scalar_prefetch = 0 : i64, scratch_operands = 0 : i64, tpu.core_type = #tpu.core_type<tc>, window_params = [{transform_indices = @transform_0, window_bounds = array<i64: 2048, 4>}, {transform_indices = @transform_1, window_bounds = array<i64: 2048, 1>}, {transform_indices = @transform_2, window_bounds = array<i64: 2048, 16>}]} {
    %get3A = arith.constant 0 : index
    %get3A_0 = arith.constant 0 : index
    %get3A_1 = vector.load %arg2[%get3A, %get3A_0] : memref<2048x1xf32, #tpu.memory_space<vmem>>, vector<2048x1xf32>
    %iota3A = tpu.iota {dimensions = array<i32: 0>} : vector<2048x1xi32>
    %mul3A = arith.constant 2048 : i32
    %mul3A_2 = arith.muli %arg0, %mul3A : i32
    %add3A = vector.broadcast %mul3A_2 : i32 to vector<2048x1xi32>
    %add3A_3 = arith.addi %iota3A, %add3A : vector<2048x1xi32>
    %lt3A = arith.constant 1600000 : i32
    %lt3A_4 = vector.broadcast %lt3A : i32 to vector<2048x1xi32>
    %lt3A_5 = arith.cmpi slt, %add3A_3, %lt3A_4 : vector<2048x1xi32>
    %convert_element_type3A = arith.extui %lt3A_5 : vector<2048x1xi1> to vector<2048x1xi32>
    %convert_element_type3A_6 = arith.sitofp %convert_element_type3A : vector<2048x1xi32> to vector<2048x1xf32>
    %get3A_7 = arith.constant 0 : index
    %get3A_8 = arith.constant 0 : index
    %get3A_9 = vector.load %arg1[%get3A_7, %get3A_8] : memref<2048x4xf32, #tpu.memory_space<vmem>>, vector<2048x4xf32>
    %mul3A_10 = vector.broadcast %get3A_1 : vector<2048x1xf32> to vector<2048x4xf32>
    %mul3A_11 = arith.mulf %get3A_9, %mul3A_10 : vector<2048x4xf32>
    %broadcast_in_dim3A = arith.constant 0.000000e+00 : f32
    %broadcast_in_dim3A_12 = vector.broadcast %broadcast_in_dim3A : f32 to vector<2048x7xf32>
    %broadcast_in_dim3A_13 = arith.constant 0.000000e+00 : f32
    %broadcast_in_dim3A_14 = vector.broadcast %broadcast_in_dim3A_13 : f32 to vector<2048x3xf32>
    %concatenate3A = tpu.concatenate %mul3A_11, %broadcast_in_dim3A_12, %convert_element_type3A_6, %broadcast_in_dim3A_14, %get3A_1 in 1 : vector<2048x4xf32>, vector<2048x7xf32>, vector<2048x1xf32>, vector<2048x3xf32>, vector<2048x1xf32> -> vector<2048x16xf32>
    %swap3A = arith.constant 0 : index
    %swap3A_15 = arith.constant 0 : index
    %swap3A_16 = vector.load %arg3[%swap3A, %swap3A_15] : memref<2048x16xf32, #tpu.memory_space<vmem>>, vector<2048x16xf32>
    tpu.vector_store %arg3[%swap3A, %swap3A_15], %concatenate3A {strides = array<i32>} : memref<2048x16xf32, #tpu.memory_space<vmem>>, vector<2048x16xf32>,
    return
  }
  func.func @transform_0(%arg0: i32) -> (i32, i32) {
    %c0_i32 = arith.constant 0 : i32
    %c0_i32_0 = arith.constant 0 : i32
    return %arg0, %c0_i32 : i32, i32
  }
  func.func @transform_1(%arg0: i32) -> (i32, i32) {
    %c0_i32 = arith.constant 0 : i32
    %c0_i32_0 = arith.constant 0 : i32
    return %arg0, %c0_i32 : i32, i32
  }
  func.func @transform_2(%arg0: i32) -> (i32, i32) {
    %c0_i32 = arith.constant 0 : i32
    %c0_i32_0 = arith.constant 0 : i32
    return %arg0, %c0_i32 : i32, i32
  }
}

module attributes {stable_mosaic.version = 14 : i64} {
  func.func @dense1(%arg0: i32, %arg1: memref<2x3128x16xf32, #tpu.memory_space<vmem>>, %arg2: memref<16x32xf32, #tpu.memory_space<vmem>>, %arg3: memref<1x32xf32, #tpu.memory_space<vmem>>, %arg4: memref<32x32xf32, #tpu.memory_space<vmem>>, %arg5: memref<1x32xf32, #tpu.memory_space<vmem>>, %arg6: memref<2x3128x16xf32, #tpu.memory_space<vmem>>, %arg7: memref<3128x1xf32, #tpu.memory_space<vmem>>) attributes {dimension_semantics = [#tpu.dimension_semantics<arbitrary>], iteration_bounds = array<i64: 32>, scalar_prefetch = 0 : i64, scratch_operands = 0 : i64, tpu.core_type = #tpu.core_type<tc>, window_params = [{transform_indices = @transform_0, window_bounds = array<i64: 2, 3128, 16>}, {pipeline_mode = #tpu.pipeline_mode<synchronous>, transform_indices = @transform_1, window_bounds = array<i64: 16, 32>}, {pipeline_mode = #tpu.pipeline_mode<synchronous>, transform_indices = @transform_2, window_bounds = array<i64: 1, 32>}, {pipeline_mode = #tpu.pipeline_mode<synchronous>, transform_indices = @transform_3, window_bounds = array<i64: 32, 32>}, {pipeline_mode = #tpu.pipeline_mode<synchronous>, transform_indices = @transform_4, window_bounds = array<i64: 1, 32>}, {transform_indices = @transform_5, window_bounds = array<i64: 2, 3128, 16>}, {transform_indices = @transform_6, window_bounds = array<i64: 3128, 1>}]} {
    %get3A = arith.constant 0 : index
    %get3A_0 = arith.constant 0 : index
    %get3A_1 = arith.constant 0 : index
    %get3A_2 = vector.load %arg1[%get3A, %get3A_0, %get3A_1] : memref<2x3128x16xf32, #tpu.memory_space<vmem>>, vector<1x3128x16xf32>
    %get3A_3 = vector.shape_cast %get3A_2 : vector<1x3128x16xf32> to vector<3128x16xf32>
    %get3A_4 = arith.constant 1 : index
    %get3A_5 = arith.constant 0 : index
    %get3A_6 = arith.constant 0 : index
    %get3A_7 = vector.load %arg1[%get3A_4, %get3A_5, %get3A_6] : memref<2x3128x16xf32, #tpu.memory_space<vmem>>, vector<1x3128x16xf32>
    %get3A_8 = vector.shape_cast %get3A_7 : vector<1x3128x16xf32> to vector<3128x16xf32>
    %add3A = arith.addf %get3A_3, %get3A_8 : vector<3128x16xf32>
    %slice3A = vector.extract_strided_slice %add3A {offsets = [0, 11], sizes = [3128, 1], strides = [1, 1]} : vector<3128x16xf32> to vector<3128x1xf32>
    %max3A = arith.constant 1.000000e+00 : f32
    %max3A_9 = vector.broadcast %max3A : f32 to vector<3128x1xf32>
    %max3A_10 = arith.maximumf %slice3A, %max3A_9 : vector<3128x1xf32>
    %div3A = arith.constant 1.000000e+00 : f32
    %div3A_11 = vector.broadcast %div3A : f32 to vector<3128x1xf32>
    %div3A_12 = arith.divf %div3A_11, %max3A_10 : vector<3128x1xf32>
    %mul3A = vector.broadcast %div3A_12 : vector<3128x1xf32> to vector<3128x16xf32>
    %mul3A_13 = arith.mulf %add3A, %mul3A : vector<3128x16xf32>
    %get3A_14 = arith.constant 0 : index
    %get3A_15 = arith.constant 0 : index
    %get3A_16 = vector.load %arg2[%get3A_14, %get3A_15] : memref<16x32xf32, #tpu.memory_space<vmem>>, vector<16x32xf32>
    %dot_general3A = arith.constant dense<0.000000e+00> : vector<3128x32xf32>
    %dot_general3A_17 = tpu.matmul %mul3A_13, %get3A_16, %dot_general3A {dimension_numbers = #tpu.dot_dimension_numbers<[1], [0], [0], [1], [0, 0, 1, 1], [], []>, transpose_lhs_hint = false} : vector<3128x16xf32>, vector<16x32xf32>, vector<3128x32xf32> -> vector<3128x32xf32>
    %get3A_18 = arith.constant 0 : index
    %get3A_19 = arith.constant 0 : index
    %get3A_20 = vector.load %arg3[%get3A_18, %get3A_19] : memref<1x32xf32, #tpu.memory_space<vmem>>, vector<1x32xf32>
    %add3A_21 = vector.broadcast %get3A_20 : vector<1x32xf32> to vector<3128x32xf32>
    %add3A_22 = arith.addf %dot_general3A_17, %add3A_21 : vector<3128x32xf32>
    %max3A_23 = arith.constant 0.000000e+00 : f32
    %max3A_24 = vector.broadcast %max3A_23 : f32 to vector<3128x32xf32>
    %max3A_25 = arith.maximumf %add3A_22, %max3A_24 : vector<3128x32xf32>
    %get3A_26 = arith.constant 0 : index
    %get3A_27 = arith.constant 0 : index
    %get3A_28 = vector.load %arg4[%get3A_26, %get3A_27] : memref<32x32xf32, #tpu.memory_space<vmem>>, vector<32x32xf32>
    %dot_general3A_29 = arith.constant dense<0.000000e+00> : vector<3128x32xf32>
    %dot_general3A_30 = tpu.matmul %max3A_25, %get3A_28, %dot_general3A_29 {dimension_numbers = #tpu.dot_dimension_numbers<[1], [0], [0], [1], [0, 0, 1, 1], [], []>, transpose_lhs_hint = false} : vector<3128x32xf32>, vector<32x32xf32>, vector<3128x32xf32> -> vector<3128x32xf32>
    %get3A_31 = arith.constant 0 : index
    %get3A_32 = arith.constant 0 : index
    %get3A_33 = vector.load %arg5[%get3A_31, %get3A_32] : memref<1x32xf32, #tpu.memory_space<vmem>>, vector<1x32xf32>
    %add3A_34 = vector.broadcast %get3A_33 : vector<1x32xf32> to vector<3128x32xf32>
    %add3A_35 = arith.addf %dot_general3A_30, %add3A_34 : vector<3128x32xf32>
    %max3A_36 = arith.constant 0.000000e+00 : f32
    %max3A_37 = vector.broadcast %max3A_36 : f32 to vector<3128x32xf32>
    %max3A_38 = arith.maximumf %add3A_35, %max3A_37 : vector<3128x32xf32>
    %slice3A_39 = vector.extract_strided_slice %max3A_38 {offsets = [0, 0], sizes = [3128, 16], strides = [1, 1]} : vector<3128x32xf32> to vector<3128x16xf32>
    %swap3A = arith.constant 0 : index
    %swap3A_40 = arith.constant 0 : index
    %swap3A_41 = arith.constant 0 : index
    %swap3A_42 = vector.load %arg6[%swap3A, %swap3A_40, %swap3A_41] : memref<2x3128x16xf32, #tpu.memory_space<vmem>>, vector<1x3128x16xf32>
    %swap3A_43 = vector.shape_cast %swap3A_42 : vector<1x3128x16xf32> to vector<3128x16xf32>
    %swap3A_44 = vector.shape_cast %slice3A_39 : vector<3128x16xf32> to vector<1x3128x16xf32>
    tpu.vector_store %arg6[%swap3A, %swap3A_40, %swap3A_41], %swap3A_44 {strides = array<i32>} : memref<2x3128x16xf32, #tpu.memory_space<vmem>>, vector<1x3128x16xf32>,
    %slice3A_45 = vector.extract_strided_slice %max3A_38 {offsets = [0, 16], sizes = [3128, 16], strides = [1, 1]} : vector<3128x32xf32> to vector<3128x16xf32>
    %swap3A_46 = arith.constant 1 : index
    %swap3A_47 = arith.constant 0 : index
    %swap3A_48 = arith.constant 0 : index
    %swap3A_49 = vector.load %arg6[%swap3A_46, %swap3A_47, %swap3A_48] : memref<2x3128x16xf32, #tpu.memory_space<vmem>>, vector<1x3128x16xf32>
    %swap3A_50 = vector.shape_cast %swap3A_49 : vector<1x3128x16xf32> to vector<3128x16xf32>
    %swap3A_51 = vector.shape_cast %slice3A_45 : vector<3128x16xf32> to vector<1x3128x16xf32>
    tpu.vector_store %arg6[%swap3A_46, %swap3A_47, %swap3A_48], %swap3A_51 {strides = array<i32>} : memref<2x3128x16xf32, #tpu.memory_space<vmem>>, vector<1x3128x16xf32>,
    %swap3A_52 = arith.constant 0 : index
    %swap3A_53 = arith.constant 0 : index
    %swap3A_54 = vector.load %arg7[%swap3A_52, %swap3A_53] : memref<3128x1xf32, #tpu.memory_space<vmem>>, vector<3128x1xf32>
    tpu.vector_store %arg7[%swap3A_52, %swap3A_53], %div3A_12 {strides = array<i32>} : memref<3128x1xf32, #tpu.memory_space<vmem>>, vector<3128x1xf32>,
    return
  }
  func.func @transform_0(%arg0: i32) -> (i32, i32, i32) {
    %c0_i32 = arith.constant 0 : i32
    %c0_i32_0 = arith.constant 0 : i32
    %c0_i32_1 = arith.constant 0 : i32
    return %c0_i32, %arg0, %c0_i32_0 : i32, i32, i32
  }
  func.func @transform_1(%arg0: i32) -> (i32, i32) {
    %c0_i32 = arith.constant 0 : i32
    %c0_i32_0 = arith.constant 0 : i32
    %c0_i32_1 = arith.constant 0 : i32
    return %c0_i32, %c0_i32_0 : i32, i32
  }
  func.func @transform_2(%arg0: i32) -> (i32, i32) {
    %c0_i32 = arith.constant 0 : i32
    %c0_i32_0 = arith.constant 0 : i32
    %c0_i32_1 = arith.constant 0 : i32
    return %c0_i32, %c0_i32_0 : i32, i32
  }
  func.func @transform_3(%arg0: i32) -> (i32, i32) {
    %c0_i32 = arith.constant 0 : i32
    %c0_i32_0 = arith.constant 0 : i32
    %c0_i32_1 = arith.constant 0 : i32
    return %c0_i32, %c0_i32_0 : i32, i32
  }
  func.func @transform_4(%arg0: i32) -> (i32, i32) {
    %c0_i32 = arith.constant 0 : i32
    %c0_i32_0 = arith.constant 0 : i32
    %c0_i32_1 = arith.constant 0 : i32
    return %c0_i32, %c0_i32_0 : i32, i32
  }
  func.func @transform_5(%arg0: i32) -> (i32, i32, i32) {
    %c0_i32 = arith.constant 0 : i32
    %c0_i32_0 = arith.constant 0 : i32
    %c0_i32_1 = arith.constant 0 : i32
    return %c0_i32, %arg0, %c0_i32_0 : i32, i32, i32
  }
  func.func @transform_6(%arg0: i32) -> (i32, i32) {
    %c0_i32 = arith.constant 0 : i32
    %c0_i32_0 = arith.constant 0 : i32
    return %arg0, %c0_i32 : i32, i32
  }
}

module attributes {stable_mosaic.version = 14 : i64} {
  func.func @dense2(%arg0: i32, %arg1: memref<2x3128x16xf32, #tpu.memory_space<vmem>>, %arg2: memref<3128x1xf32, #tpu.memory_space<vmem>>, %arg3: memref<32x32xf32, #tpu.memory_space<vmem>>, %arg4: memref<1x32xf32, #tpu.memory_space<vmem>>, %arg5: memref<32x32xf32, #tpu.memory_space<vmem>>, %arg6: memref<1x32xf32, #tpu.memory_space<vmem>>, %arg7: memref<32x16xf32, #tpu.memory_space<vmem>>, %arg8: memref<1x16xf32, #tpu.memory_space<vmem>>, %arg9: memref<16x2xf32, #tpu.memory_space<vmem>>, %arg10: memref<1x2xf32, #tpu.memory_space<vmem>>, %arg11: memref<1x2xf32, #tpu.memory_space<vmem>>, %arg12: memref<1x32xf32, #tpu.memory_space<vmem>>) attributes {dimension_semantics = [#tpu.dimension_semantics<arbitrary>], iteration_bounds = array<i64: 32>, scalar_prefetch = 0 : i64, scratch_operands = 1 : i64, tpu.core_type = #tpu.core_type<tc>, window_params = [{transform_indices = @transform_0, window_bounds = array<i64: 2, 3128, 16>}, {transform_indices = @transform_1, window_bounds = array<i64: 3128, 1>}, {pipeline_mode = #tpu.pipeline_mode<synchronous>, transform_indices = @transform_2, window_bounds = array<i64: 32, 32>}, {pipeline_mode = #tpu.pipeline_mode<synchronous>, transform_indices = @transform_3, window_bounds = array<i64: 1, 32>}, {pipeline_mode = #tpu.pipeline_mode<synchronous>, transform_indices = @transform_4, window_bounds = array<i64: 32, 32>}, {pipeline_mode = #tpu.pipeline_mode<synchronous>, transform_indices = @transform_5, window_bounds = array<i64: 1, 32>}, {pipeline_mode = #tpu.pipeline_mode<synchronous>, transform_indices = @transform_6, window_bounds = array<i64: 32, 16>}, {pipeline_mode = #tpu.pipeline_mode<synchronous>, transform_indices = @transform_7, window_bounds = array<i64: 1, 16>}, {pipeline_mode = #tpu.pipeline_mode<synchronous>, transform_indices = @transform_8, window_bounds = array<i64: 16, 2>}, {pipeline_mode = #tpu.pipeline_mode<synchronous>, transform_indices = @transform_9, window_bounds = array<i64: 1, 2>}, {pipeline_mode = #tpu.pipeline_mode<synchronous>, transform_indices = @transform_10, window_bounds = array<i64: 1, 2>}]} {
    %get3A = arith.constant 0 : index
    %get3A_0 = arith.constant 0 : index
    %get3A_1 = arith.constant 0 : index
    %get3A_2 = vector.load %arg1[%get3A, %get3A_0, %get3A_1] : memref<2x3128x16xf32, #tpu.memory_space<vmem>>, vector<1x3128x16xf32>
    %get3A_3 = vector.shape_cast %get3A_2 : vector<1x3128x16xf32> to vector<3128x16xf32>
    %get3A_4 = arith.constant 1 : index
    %get3A_5 = arith.constant 0 : index
    %get3A_6 = arith.constant 0 : index
    %get3A_7 = vector.load %arg1[%get3A_4, %get3A_5, %get3A_6] : memref<2x3128x16xf32, #tpu.memory_space<vmem>>, vector<1x3128x16xf32>
    %get3A_8 = vector.shape_cast %get3A_7 : vector<1x3128x16xf32> to vector<3128x16xf32>
    %concatenate3A = tpu.concatenate %get3A_3, %get3A_8 in 1 : vector<3128x16xf32>, vector<3128x16xf32> -> vector<3128x32xf32>
    %get3A_9 = arith.constant 0 : index
    %get3A_10 = arith.constant 0 : index
    %get3A_11 = vector.load %arg2[%get3A_9, %get3A_10] : memref<3128x1xf32, #tpu.memory_space<vmem>>, vector<3128x1xf32>
    %mul3A = vector.broadcast %get3A_11 : vector<3128x1xf32> to vector<3128x32xf32>
    %mul3A_12 = arith.mulf %concatenate3A, %mul3A : vector<3128x32xf32>
    %get3A_13 = arith.constant 0 : index
    %get3A_14 = arith.constant 0 : index
    %get3A_15 = vector.load %arg3[%get3A_13, %get3A_14] : memref<32x32xf32, #tpu.memory_space<vmem>>, vector<32x32xf32>
    %dot_general3A = arith.constant dense<0.000000e+00> : vector<3128x32xf32>
    %dot_general3A_16 = tpu.matmul %mul3A_12, %get3A_15, %dot_general3A {dimension_numbers = #tpu.dot_dimension_numbers<[1], [0], [0], [1], [0, 0, 1, 1], [], []>, transpose_lhs_hint = false} : vector<3128x32xf32>, vector<32x32xf32>, vector<3128x32xf32> -> vector<3128x32xf32>
    %get3A_17 = arith.constant 0 : index
    %get3A_18 = arith.constant 0 : index
    %get3A_19 = vector.load %arg4[%get3A_17, %get3A_18] : memref<1x32xf32, #tpu.memory_space<vmem>>, vector<1x32xf32>
    %add3A = vector.broadcast %get3A_19 : vector<1x32xf32> to vector<3128x32xf32>
    %add3A_20 = arith.addf %dot_general3A_16, %add3A : vector<3128x32xf32>
    %max3A = arith.constant 0.000000e+00 : f32
    %max3A_21 = vector.broadcast %max3A : f32 to vector<3128x32xf32>
    %max3A_22 = arith.maximumf %add3A_20, %max3A_21 : vector<3128x32xf32>
    %get3A_23 = arith.constant 0 : index
    %get3A_24 = arith.constant 0 : index
    %get3A_25 = vector.load %arg5[%get3A_23, %get3A_24] : memref<32x32xf32, #tpu.memory_space<vmem>>, vector<32x32xf32>
    %dot_general3A_26 = arith.constant dense<0.000000e+00> : vector<3128x32xf32>
    %dot_general3A_27 = tpu.matmul %max3A_22, %get3A_25, %dot_general3A_26 {dimension_numbers = #tpu.dot_dimension_numbers<[1], [0], [0], [1], [0, 0, 1, 1], [], []>, transpose_lhs_hint = false} : vector<3128x32xf32>, vector<32x32xf32>, vector<3128x32xf32> -> vector<3128x32xf32>
    %get3A_28 = arith.constant 0 : index
    %get3A_29 = arith.constant 0 : index
    %get3A_30 = vector.load %arg6[%get3A_28, %get3A_29] : memref<1x32xf32, #tpu.memory_space<vmem>>, vector<1x32xf32>
    %add3A_31 = vector.broadcast %get3A_30 : vector<1x32xf32> to vector<3128x32xf32>
    %add3A_32 = arith.addf %dot_general3A_27, %add3A_31 : vector<3128x32xf32>
    %max3A_33 = arith.constant 0.000000e+00 : f32
    %max3A_34 = vector.broadcast %max3A_33 : f32 to vector<3128x32xf32>
    %max3A_35 = arith.maximumf %add3A_32, %max3A_34 : vector<3128x32xf32>
    %iota3A = tpu.iota {dimensions = array<i32: 0>} : vector<3128x1xi32>
    %mul3A_36 = arith.constant 3128 : i32
    %mul3A_37 = arith.muli %arg0, %mul3A_36 : i32
    %add3A_38 = vector.broadcast %mul3A_37 : i32 to vector<3128x1xi32>
    %add3A_39 = arith.addi %iota3A, %add3A_38 : vector<3128x1xi32>
    %lt3A = arith.constant 100000 : i32
    %lt3A_40 = vector.broadcast %lt3A : i32 to vector<3128x1xi32>
    %lt3A_41 = arith.cmpi slt, %add3A_39, %lt3A_40 : vector<3128x1xi32>
    %jit3A = arith.constant 0xFF800000 : f32
    %broadcast_in_dim3A = vector.shape_cast %lt3A_41 : vector<3128x1xi1> to vector<3128x1xi1>
    %broadcast_in_dim3A_42 = vector.broadcast %broadcast_in_dim3A : vector<3128x1xi1> to vector<3128x32xi1>
    %broadcast_in_dim3A_43 = vector.broadcast %jit3A : f32 to vector<3128x32xf32>
    %select_n3A = arith.select %broadcast_in_dim3A_42, %max3A_35, %broadcast_in_dim3A_43 : vector<3128x32xi1>, vector<3128x32xf32>
    %reduce_max3A = arith.constant dense<0xFF800000> : vector<32xf32>
    %reduce_max3A_44 = vector.multi_reduction <maximumf>, %select_n3A, %reduce_max3A [0] : vector<3128x32xf32> to vector<32xf32>
    %broadcast_in_dim3A_45 = vector.shape_cast %reduce_max3A_44 : vector<32xf32> to vector<1x32xf32>
    %eq3A = arith.constant 0 : i32
    %eq3A_46 = arith.cmpi eq, %arg0, %eq3A : i32
    %convert_element_type3A = arith.extui %eq3A_46 : i1 to i32
    %cond3A = arith.constant 0 : i32
    %cond3A_47 = arith.cmpi ne, %convert_element_type3A, %cond3A : i32
    scf.if %cond3A_47 {
      %swap3A = arith.constant 0 : index
      %swap3A_57 = arith.constant 0 : index
      %swap3A_58 = vector.load %arg12[%swap3A, %swap3A_57] : memref<1x32xf32, #tpu.memory_space<vmem>>, vector<1x32xf32>
      tpu.vector_store %arg12[%swap3A, %swap3A_57], %broadcast_in_dim3A_45 {strides = array<i32>} : memref<1x32xf32, #tpu.memory_space<vmem>>, vector<1x32xf32>,
    } else {
    }
    %gt3A = arith.constant 0 : i32
    %gt3A_48 = arith.cmpi sgt, %arg0, %gt3A : i32
    %convert_element_type3A_49 = arith.extui %gt3A_48 : i1 to i32
    %cond3A_50 = arith.constant 0 : i32
    %cond3A_51 = arith.cmpi ne, %convert_element_type3A_49, %cond3A_50 : i32
    scf.if %cond3A_51 {
      %get3A_57 = arith.constant 0 : index
      %get3A_58 = arith.constant 0 : index
      %get3A_59 = vector.load %arg12[%get3A_57, %get3A_58] : memref<1x32xf32, #tpu.memory_space<vmem>>, vector<1x32xf32>
      %max3A_60 = arith.maximumf %get3A_59, %broadcast_in_dim3A_45 : vector<1x32xf32>
      %swap3A = arith.constant 0 : index
      %swap3A_61 = arith.constant 0 : index
      %swap3A_62 = vector.load %arg12[%swap3A, %swap3A_61] : memref<1x32xf32, #tpu.memory_space<vmem>>, vector<1x32xf32>
      tpu.vector_store %arg12[%swap3A, %swap3A_61], %max3A_60 {strides = array<i32>} : memref<1x32xf32, #tpu.memory_space<vmem>>, vector<1x32xf32>,
    } else {
    }
    %eq3A_52 = arith.constant 31 : i32
    %eq3A_53 = arith.cmpi eq, %arg0, %eq3A_52 : i32
    %convert_element_type3A_54 = arith.extui %eq3A_53 : i1 to i32
    %cond3A_55 = arith.constant 0 : i32
    %cond3A_56 = arith.cmpi ne, %convert_element_type3A_54, %cond3A_55 : i32
    scf.if %cond3A_56 {
      %get3A_57 = arith.constant 0 : index
      %get3A_58 = arith.constant 0 : index
      %get3A_59 = vector.load %arg12[%get3A_57, %get3A_58] : memref<1x32xf32, #tpu.memory_space<vmem>>, vector<1x32xf32>
      %get3A_60 = arith.constant 0 : index
      %get3A_61 = arith.constant 0 : index
      %get3A_62 = vector.load %arg7[%get3A_60, %get3A_61] : memref<32x16xf32, #tpu.memory_space<vmem>>, vector<32x16xf32>
      %dot_general3A_63 = arith.constant dense<0.000000e+00> : vector<1x16xf32>
      %dot_general3A_64 = tpu.matmul %get3A_59, %get3A_62, %dot_general3A_63 {dimension_numbers = #tpu.dot_dimension_numbers<[1], [0], [0], [1], [0, 0, 1, 1], [], []>, transpose_lhs_hint = false} : vector<1x32xf32>, vector<32x16xf32>, vector<1x16xf32> -> vector<1x16xf32>
      %get3A_65 = arith.constant 0 : index
      %get3A_66 = arith.constant 0 : index
      %get3A_67 = vector.load %arg8[%get3A_65, %get3A_66] : memref<1x16xf32, #tpu.memory_space<vmem>>, vector<1x16xf32>
      %add3A_68 = arith.addf %dot_general3A_64, %get3A_67 : vector<1x16xf32>
      %max3A_69 = arith.constant 0.000000e+00 : f32
      %max3A_70 = vector.broadcast %max3A_69 : f32 to vector<1x16xf32>
      %max3A_71 = arith.maximumf %add3A_68, %max3A_70 : vector<1x16xf32>
      %get3A_72 = arith.constant 0 : index
      %get3A_73 = arith.constant 0 : index
      %get3A_74 = vector.load %arg9[%get3A_72, %get3A_73] : memref<16x2xf32, #tpu.memory_space<vmem>>, vector<16x2xf32>
      %dot_general3A_75 = arith.constant dense<0.000000e+00> : vector<1x2xf32>
      %dot_general3A_76 = tpu.matmul %max3A_71, %get3A_74, %dot_general3A_75 {dimension_numbers = #tpu.dot_dimension_numbers<[1], [0], [0], [1], [0, 0, 1, 1], [], []>, transpose_lhs_hint = false} : vector<1x16xf32>, vector<16x2xf32>, vector<1x2xf32> -> vector<1x2xf32>
      %get3A_77 = arith.constant 0 : index
      %get3A_78 = arith.constant 0 : index
      %get3A_79 = vector.load %arg10[%get3A_77, %get3A_78] : memref<1x2xf32, #tpu.memory_space<vmem>>, vector<1x2xf32>
      %add3A_80 = arith.addf %dot_general3A_76, %get3A_79 : vector<1x2xf32>
      %reduce_max3A_81 = arith.constant dense<0xFF800000> : vector<1xf32>
      %reduce_max3A_82 = vector.multi_reduction <maximumf>, %add3A_80, %reduce_max3A_81 [1] : vector<1x2xf32> to vector<1xf32>
      %broadcast_in_dim3A_83 = vector.shape_cast %reduce_max3A_82 : vector<1xf32> to vector<1x1xf32>
      %sub3A = vector.broadcast %broadcast_in_dim3A_83 : vector<1x1xf32> to vector<1x2xf32>
      %sub3A_84 = arith.subf %add3A_80, %sub3A : vector<1x2xf32>
      %exp3A = math.exp %sub3A_84 : vector<1x2xf32>
      %reduce_sum3A = arith.constant dense<0.000000e+00> : vector<1xf32>
      %reduce_sum3A_85 = vector.multi_reduction <add>, %exp3A, %reduce_sum3A [1] : vector<1x2xf32> to vector<1xf32>
      %broadcast_in_dim3A_86 = vector.shape_cast %reduce_sum3A_85 : vector<1xf32> to vector<1x1xf32>
      %div3A = vector.broadcast %broadcast_in_dim3A_86 : vector<1x1xf32> to vector<1x2xf32>
      %div3A_87 = arith.divf %exp3A, %div3A : vector<1x2xf32>
      %swap3A = arith.constant 0 : index
      %swap3A_88 = arith.constant 0 : index
      %swap3A_89 = vector.load %arg11[%swap3A, %swap3A_88] : memref<1x2xf32, #tpu.memory_space<vmem>>, vector<1x2xf32>
      tpu.vector_store %arg11[%swap3A, %swap3A_88], %div3A_87 {strides = array<i32>} : memref<1x2xf32, #tpu.memory_space<vmem>>, vector<1x2xf32>,
    } else {
    }
    return
  }
  func.func @transform_0(%arg0: i32) -> (i32, i32, i32) {
    %c0_i32 = arith.constant 0 : i32
    %c0_i32_0 = arith.constant 0 : i32
    %c0_i32_1 = arith.constant 0 : i32
    return %c0_i32, %arg0, %c0_i32_0 : i32, i32, i32
  }
  func.func @transform_1(%arg0: i32) -> (i32, i32) {
    %c0_i32 = arith.constant 0 : i32
    %c0_i32_0 = arith.constant 0 : i32
    return %arg0, %c0_i32 : i32, i32
  }
  func.func @transform_2(%arg0: i32) -> (i32, i32) {
    %c0_i32 = arith.constant 0 : i32
    %c0_i32_0 = arith.constant 0 : i32
    %c0_i32_1 = arith.constant 0 : i32
    return %c0_i32, %c0_i32_0 : i32, i32
  }
  func.func @transform_3(%arg0: i32) -> (i32, i32) {
    %c0_i32 = arith.constant 0 : i32
    %c0_i32_0 = arith.constant 0 : i32
    %c0_i32_1 = arith.constant 0 : i32
    return %c0_i32, %c0_i32_0 : i32, i32
  }
  func.func @transform_4(%arg0: i32) -> (i32, i32) {
    %c0_i32 = arith.constant 0 : i32
    %c0_i32_0 = arith.constant 0 : i32
    %c0_i32_1 = arith.constant 0 : i32
    return %c0_i32, %c0_i32_0 : i32, i32
  }
  func.func @transform_5(%arg0: i32) -> (i32, i32) {
    %c0_i32 = arith.constant 0 : i32
    %c0_i32_0 = arith.constant 0 : i32
    %c0_i32_1 = arith.constant 0 : i32
    return %c0_i32, %c0_i32_0 : i32, i32
  }
  func.func @transform_6(%arg0: i32) -> (i32, i32) {
    %c0_i32 = arith.constant 0 : i32
    %c0_i32_0 = arith.constant 0 : i32
    %c0_i32_1 = arith.constant 0 : i32
    return %c0_i32, %c0_i32_0 : i32, i32
  }
  func.func @transform_7(%arg0: i32) -> (i32, i32) {
    %c0_i32 = arith.constant 0 : i32
    %c0_i32_0 = arith.constant 0 : i32
    %c0_i32_1 = arith.constant 0 : i32
    return %c0_i32, %c0_i32_0 : i32, i32
  }
  func.func @transform_8(%arg0: i32) -> (i32, i32) {
    %c0_i32 = arith.constant 0 : i32
    %c0_i32_0 = arith.constant 0 : i32
    %c0_i32_1 = arith.constant 0 : i32
    return %c0_i32, %c0_i32_0 : i32, i32
  }
  func.func @transform_9(%arg0: i32) -> (i32, i32) {
    %c0_i32 = arith.constant 0 : i32
    %c0_i32_0 = arith.constant 0 : i32
    %c0_i32_1 = arith.constant 0 : i32
    return %c0_i32, %c0_i32_0 : i32, i32
  }
  func.func @transform_10(%arg0: i32) -> (i32, i32) {
    %c0_i32 = arith.constant 0 : i32
    %c0_i32_0 = arith.constant 0 : i32
    %c0_i32_1 = arith.constant 0 : i32
    return %c0_i32, %c0_i32_0 : i32, i32
  }
}

</mosaic_0001>

<sc_bundles>
// kernel: kernel.10.cloned.1.call-start
scs
__scs_entry_jumppad:
0x0: {  	(pc) =	sbr.rel $0x88, $3  }
0x1: {  	(tag) =	ssettag $0x0;
	lr =	simm.s32 $0x1  }
0x2: {  	[smem:$0x3F91] =	sst lr;
	_ =	strace $0xD0000000  }
0x3: {  	_ = 	snop  }
0x4: {  	_ = 	snop  }
0x5: {  	_ = 	snop  }
0x6: {  	_ = 	snop  }
0x7: {  	_ = 	snop  }
__scs_overlays_trampoline_lowered:
0x8: {  	[smem:$0x3FA0] =	sst s0  }
0x9: {  	[smem:$0x3FA1] =	sst s1  }
0xa: {  	[smem:$0x3FA2] =	sst s2  }
0xb: {  	[smem:$0x3FA3] =	sst s3  }
0xc: {  	[smem:$0x3FA4] =	sst s4  }
0xd: {  	[smem:$0x3FA5] =	sst s5  }
0xe: {  	[smem:$0x3FA6] =	sst s6  }
0xf: {  	[smem:$0x3FA7] =	sst s7  }
0x10: {  	[smem:$0x3FA8] =	sst s8  }
0x11: {  	[smem:$0x3FA9] =	sst s9;
	s0 =	simm.s32 @!p0 $0x0  }
0x12: {  	s1 =	sld [smem:$0x3F8F];
	s0 =	simm.s32 @p0 $0x1  }
0x13: {  	[smem:$0x3FAA] =	sst s0;
	s0 =	simm.s32 @!p1 $0x0  }
0x14: {  	s2 =	sld [smem:$0x3F8E];
	s0 =	simm.s32 @p1 $0x1  }
0x15: {  	[smem:$0x3FAB] =	sst s0;
	s0 =	simm.s32 @!p2 $0x0  }
0x16: {  	s3 =	sld [smem:$0x3FDB];
	s0 =	simm.s32 @p2 $0x1  }
0x17: {  	s4 =	simm.s32 $0x1BF5;
	[smem:$0x3FAD] =	sst s0  }
0x18: {  	s0 =	sld [smem:$0x3F90];
	_ =	swait.ge [sflag:s4], $0x0  }
0x19: {  	s7 =	sld [smem:$0x3F91]  }
0x1a: {  	s8 =	sadd.s32 $0xFFFFE003, lr  }
0x1b: {  	s9 =	sadd.s32 $0xFFFFFEF7, lr;
	s5 =	simm.s32 $0xFFFFFFFF;
	p2 =	slt.u32 s8, $0xFFFFF086  }
0x1c: {  	p1 =	slt.u32 s9, $0xF7A;
	s5 =	simm.s32 @!p2 $0x0  }
0x1d: {  	s5 =	simm.s32 @p1 $0x1;
	p0 =	seq.s32 s7, s2  }
0x1e: {  	s7 =	smul.u32 @!p0 $0xF7A, s2;
	p2 =	seq.s32 @!p0 s5, $0x0  }
0x1f: {  	s9 =	smul.u32 $0xF7A, s1;
	s8 =	simm.s32 @!p0 $0x1BF5;
	p2 =	por !p2, p0  }
0x20: {  	[sflag:s8] =	ssyncset.s32 @!p0 $0xFFFFF086;
	s6 =	sadd.s32 @!p0 s3, s7;
	s7 =	simm.s32 @!p0 $0x108  }
0x21: {  	s3 =	sadd.s32 s3, s9;
	s6 =	sadd.s32 @!p0 $0x88, s6;
	s7 =	simm.s32 @p2 $0x1082  }
0x22: {  	[simem:s7], [sflag:s8] =	dma.local @!p0 [hbm:s6], $0xF7A  }
0x23: {  	s9 =	sor.u32 $0xD0000000, s2;
	s6 =	simm.s32 $0x108;
	_ =	swait.ge @!p0 [sflag:s8], $0x0  }
0x24: {  	s3 =	sadd.s32 $0x88, s3;
	s6 =	simm.s32 @!p1 $0x1082;
	[sflag:s4] =	ssyncset.s32 $0xFFFFF086  }
0x25: {  	[simem:s6], [sflag:s4] =	dma.local [hbm:s3], $0xF7A  }
0x26: {  	[smem:$0x3F91] =	sst s1;
	(tag) =	ssettag s2;
	_ =	strace s9  }
0x27: {  	s1 =	sld [smem:$0x3FA1]  }
0x28: {  	s2 =	sld [smem:$0x3FA2]  }
0x29: {  	s4 =	sld [smem:$0x3FA4]  }
0x2a: {  	p0 =	seq.s32 s5, $0x0;
	s5 =	sld [smem:$0x3FA5]  }
0x2b: {  	s6 =	sld [smem:$0x3FA6]  }
0x2c: {  	s7 =	sld [smem:$0x3FA7]  }
0x2d: {  	s3 =	simm.s32 $0x108;
	s8 =	sld [smem:$0x3FA8]  }
0x2e: {  	s3 =	simm.s32 @!p0 $0x1082;
	s9 =	sld [smem:$0x3FA9]  }
0x2f: {  	lr =	sadd.s32 s0, s3;
	s0 =	sld [smem:$0x3FA0]  }
0x30: {  	s3 =	sld [smem:$0x3FA3]  }
0x31: {  	[smem:$0x3FAC] =	sst s10  }
0x32: {  	s10 =	sld [smem:$0x3FAA];
	_ =	sdelay $0x3  }
0x33: {  	p0 =	seq.s32 s10, $0x1;
	s10 =	sld [smem:$0x3FAC];
	_ =	sdelay $0x3  }
0x34: {  	[smem:$0x3FAC] =	sst s10  }
0x35: {  	s10 =	sld [smem:$0x3FAB];
	_ =	sdelay $0x3  }
0x36: {  	p1 =	seq.s32 s10, $0x1;
	s10 =	sld [smem:$0x3FAC];
	_ =	sdelay $0x3  }
0x37: {  	[smem:$0x3FAC] =	sst s10  }
0x38: {  	s10 =	sld [smem:$0x3FAD]  }
0x39: {  	_ = 	snop;
	(pc) =	sbr.ind lr, $3  }
0x3a: {  	_ = 	snop  }
0x3b: {  	_ = 	snop  }
0x3c: {  	p2 =	seq.s32 s10, $0x1;
	s10 =	sld [smem:$0x3FAC]  }
0x3d: {  	_ =	shalt  }
0x3e: {  	_ =	shalt  }
0x3f: {  	_ =	shalt  }
0x40: {  	_ =	shalt  }
0x41: {  	_ =	shalt  }
0x42: {  	_ =	shalt  }
0x43: {  	_ =	shalt  }
0x44: {  	_ =	shalt  }
0x45: {  	_ =	shalt  }
0x46: {  	_ =	shalt  }
0x47: {  	_ =	shalt  }
0x48: {  	_ =	shalt  }
0x49: {  	_ =	shalt  }
0x4a: {  	_ =	shalt  }
0x4b: {  	_ =	shalt  }
0x4c: {  	_ =	shalt  }
0x4d: {  	_ =	shalt  }
0x4e: {  	_ =	shalt  }
0x4f: {  	_ =	shalt  }
0x50: {  	_ =	shalt  }
0x51: {  	_ =	shalt  }
0x52: {  	_ =	shalt  }
0x53: {  	_ =	shalt  }
0x54: {  	_ =	shalt  }
0x55: {  	_ =	shalt  }
0x56: {  	_ =	shalt  }
0x57: {  	_ =	shalt  }
0x58: {  	_ =	shalt  }
0x59: {  	_ =	shalt  }
0x5a: {  	_ =	shalt  }
0x5b: {  	_ =	shalt  }
0x5c: {  	_ =	shalt  }
0x5d: {  	_ =	shalt  }
0x5e: {  	_ =	shalt  }
0x5f: {  	_ =	shalt  }
0x60: {  	_ =	shalt  }
0x61: {  	_ =	shalt  }
0x62: {  	_ =	shalt  }
0x63: {  	_ =	shalt  }
0x64: {  	_ =	shalt  }
0x65: {  	_ =	shalt  }
0x66: {  	_ =	shalt  }
0x67: {  	_ =	shalt  }
0x68: {  	_ =	shalt  }
0x69: {  	_ =	shalt  }
0x6a: {  	_ =	shalt  }
0x6b: {  	_ =	shalt  }
0x6c: {  	_ =	shalt  }
0x6d: {  	_ =	shalt  }
0x6e: {  	_ =	shalt  }
0x6f: {  	_ =	shalt  }
0x70: {  	_ =	shalt  }
0x71: {  	_ =	shalt  }
0x72: {  	_ =	shalt  }
0x73: {  	_ =	shalt  }
0x74: {  	_ =	shalt  }
0x75: {  	_ =	shalt  }
0x76: {  	_ =	shalt  }
0x77: {  	_ =	shalt  }
0x78: {  	_ =	shalt  }
0x79: {  	_ =	shalt  }
0x7a: {  	_ =	shalt  }
0x7b: {  	_ =	shalt  }
0x7c: {  	_ =	shalt  }
0x7d: {  	_ =	shalt  }
0x7e: {  	_ =	shalt  }
0x7f: {  	_ =	shalt  }
0x80: {  	_ =	shalt  }
0x81: {  	_ =	shalt  }
0x82: {  	_ =	shalt  }
0x83: {  	_ =	shalt  }
0x84: {  	_ =	shalt  }
0x85: {  	_ =	shalt  }
0x86: {  	_ =	shalt  }
0x87: {  	_ =	shalt  }
.Lfunc_end0:
.L_simem_size_0:
called_computation.1_lowered:
.L_overlay_start_0:
0x88: {  	s2 =	sld [smem:$0x3FD9]  }
0x89: {  	s3 =	sld [smem:$0x3FFE];
	_ =	sdelay $0x1  }
0x8a: {  	s1 =	srdreg.scid  }
0x8b: {  	s0 =	sand.u32 $0x1, s1  }
0x8c: {  	s16 =	sshll.u32 s0, $0xA;
	s2 =	sadd.s32 s3, s2  }
0x8d: {  	s2 =	sadd.s32 s2, s16  }
0x8e: {  	[smem:$0x3FB8] =	sst s2  }
0x8f: {  	_ = 	snop  }
0x90: {  	(tm) =	ssettm $0x1  }
0x91: {  	s17 =	sld [smem:$0x3FFB];
	_ =	sdelay $0x3  }
0x92: {  	_ =	strace s17  }
0x93: {  	s2 =	sld [smem:$0x3FFC];
	_ =	sdelay $0x3  }
0x94: {  	_ =	strace s2  }
0x95: {  	s2 =	sld [smem:$0x3FFD];
	_ =	sdelay $0x3  }
0x96: {  	_ =	strace s2  }
0x97: {  	_ =	strace $0x8FFFFFFF  }
0x98: {  	s18 =	sld [smem:$0x3FDB];
	_ =	sdelay $0x1  }
0x99: {  	s19 =	simm.s32 $_scs_section_size  }
0x9a: {  	s4 =	simm.s32 $_size__tile_overlayer_lowered;
	s5 =	simm.s32 $_tile_overlayer_lowered  }
0x9b: {  	s22 =	simm.s32 $0x1BFF;
	s21 =	sshll.u32 s5, $0x1;
	s2 =	sadd.s32 s19, s18  }
0x9c: {  	s6 =	simm.s32 $0x0;
	s20 =	sshll.u32 s4, $0x1;
	s4 =	sadd.s32 s21, s2  }
0x9d: {  	[timem:s6], [sflag:s22] =	dma.local [hbm:s4], s20  }
0x9e: {  	_ =	swait.ge [sflag:s22], s20  }
0x9f: {  	s3 =	ssub.s32 $0x0, s20;
	[sflag:s22] =	ssyncset.done $0x0  }
0xa0: {  	[sflag:s22] =	ssyncadd.s32 s3;
	_ =	sdelay $0x1  }
0xa1: {  	s23 =	simm.s32 $0x1B8B  }
0xa2: {  	_ =	swait.ge [sflag:s23], $0x1  }
0xa3: {  	[sflag:s23] =	ssyncset.done $0x0  }
0xa4: {  	s25 =	simm.s32 $0x1B8E;
	s24 =	sld [smem:$0x3FFE];
	[sflag:s23] =	ssyncadd.s32 $0xFFFFFFFF  }
0xa5: {  	s26 =	simm.s32 $execute0_lowered;
	[smem:$0x3FD2] =	sst s25  }
0xa6: {  	s4 =	sshll.u32 s26, $0x1;
	_ =	strace $0x80000049;
	[dreg:$0x1] =	wrdreg $0xFFFFFFFF  }
0xa7: {  	s28 =	simm.s32 $_size_execute0_lowered;
	s2 =	sadd.s32 s2, s4;
	[dreg:$0x0] =	wrdreg $0x0  }
0xa8: {  	s4 =	sshll.u32 s28, $0x1;
	[dreg:$0x2] =	wrdreg s2  }
0xa9: {  	[dreg:$0x3] =	wrdreg s4  }
0xaa: {  	[dreg:$0x4] =	wrdreg $0xC0  }
0xab: {  	_ =	task [dreg:s6], $0x5FFFF  }
0xac: {  	[dreg:$0x1] =	wrdreg $0xFFFFFFFF  }
0xad: {  	[dreg:$0x0] =	wrdreg $0x60  }
0xae: {  	[dreg:$0x2] =	wrdreg s24  }
0xaf: {  	[dreg:$0x3] =	wrdreg $0x3D000  }
0xb0: {  	[dreg:$0x4] =	wrdreg $0x9  }
0xb1: {  	_ =	task.clear_ibuf [dreg:s6], $0x5FFFF;
	_ =	strace $0x90000049  }
0xb2: {  	s29 =	simm.s32 $0x9;
	_ =	strace $0x8000004B  }
0xb3: {  	_ =	swait.ge [sflag:s29], $0x1  }
0xb4: {  	[sflag:s29] =	ssyncadd.s32 $0xFFFFFFFF  }
0xb5: {  	_ =	strace $0x9000004B  }
0xb6: {  	_ =	sfence  }
0xb7: {  	s30 =	sld [smem:$0x0];
	_ =	sdelay $0x2  }
0xb8: {  	s31 =	sshll.u32 s1, $0xD;
	s1 =	sshrl.u32 s1, $0x2  }
0xb9: {  	s3 =	sand.u32 $0x4000, s31;
	s1 =	sadd.s32 s1, s30  }
0xba: {  	s0 =	sor.u32 s3, s0;
	s1 =	sshll.u32 s1, $0x11  }
0xbb: {  	s0 =	sor.u32 s1, s0  }
0xbc: {  	s0 =	sadd.s32 $0x8F2B, s0  }
0xbd: {  	[sflag:s0] =	ssyncadd.remote.s32 $0x1  }
0xbe: {  	_ =	sfence.sel $0xFFFF  }
0xbf: {  	[dreg:$0x0] =	wrdreg $0xFFFFFFFF;
	(pc) =	sbr.abs _section_cstart, $3  }
0xc0: {  	[dreg:$0x1] =	wrdreg $0xFFFFFFFF  }
0xc1: {  	_ =	task.clear_ibuf [dreg:s6], $0x2FFFF;
	_ =	strace $0x9FFFFFFF  }
0xc2: {  	(tm) =	ssettm $0x7FFFFFFF  }
0xc3: {  	_ =	shalt  }
tec
execute0_lowered:
.L_overlay_start_1:
0x0: {  	(tag) =	ssettag $0x1  }
0x1: {  	s0 =	rddreg [dreg:$0x0]  }
0x2: {  	s1 =	rddreg [dreg:$0x1];
	s12 =	stileid.u32  }
0x3: {  	s2 =	srdreg.scid;
	s13 =	simm.s32 $0x0;
	s9 =	smul.u32 $0x18700, s12  }
0x4: {  	s2 =	sand.u32 $0x1, s2;
	[smem:$0x7FF] =	sst s13;
	s7 =	smul.u32 $0x18800, s12  }
0x5: {  	s4 =	sadd.s32 $0x2000, s0;
	s5 =	sadd.s32 $0x33000, s0;
	s12 =	smul.u32 $0x61C00, s12  }
0x6: {  	s6 =	sadd.s32 $0x314E000, s0;
	s8 =	sadd.s32 $0x64000, s0;
	s3 =	smul.u32 $0x187000, s2  }
0x7: {  	_ =	strace $0x8000004A;
	s10 =	ssub.s32 $0x2, s2;
	s22 =	sshrl.u32 s7, $0x3  }
0x8: {  	s21 =	sshrl.u32 s10, $0x1;
	s3 =	sadd.s32 s9, s3;
	s11 =	sadd.s32 s6, s22  }
0x9: {  	s23 =	sor.u32 $0x10, s22;
	s14 =	sadd.s32 s4, s22;
	[dreg:$0x4] =	wrdreg s11  }
0xa: {  	s9 =	sadd.s32 s9, s1;
	[dreg:$0x5] =	wrdreg s14;
	s24 =	sadd.s32 s4, s23  }
0xb: {  	s3 =	sshrl.u32 s3, $0x3;
	s25 =	sadd.s32 s5, s23;
	[dreg:$0x7] =	wrdreg s24  }
0xc: {  	s18 =	sshrl.u32 s9, $0x3;
	s0 =	sadd.s32 s3, s0;
	[dreg:$0x8] =	wrdreg s25  }
0xd: {  	s3 =	ssub.s32 s10, s21;
	s10 =	sadd.s32 s5, s22;
	[dreg:$0x13] =	wrdreg s18  }
0xe: {  	[dreg:$0x6] =	wrdreg s10;
	s0 =	sadd.s32 $0xC5C00, s0  }
0xf: {  	s26 =	sshrl.u32 s12, $0x2;
	s3 =	smax.u32 s3, $0x1;
	[dreg:$0x9] =	wrdreg s0  }
0x10: {  	[dreg:$0xa] =	wrdreg s3;
	s0 =	sadd.s32 s26, s1  }
0x11: {  	s10 =	sadd.s32 $0x1700, s0;
	[dreg:$0xb] =	wrdreg s0  }
0x12: {  	s11 =	sadd.s32 $0x2E00, s0;
	[dreg:$0xc] =	wrdreg s10  }
0x13: {  	s12 =	sadd.s32 $0x4500, s0;
	[dreg:$0xd] =	wrdreg s11  }
0x14: {  	s14 =	sadd.s32 $0x5C00, s0;
	[dreg:$0xe] =	wrdreg s12  }
0x15: {  	s15 =	sadd.s32 $0x7300, s0;
	[dreg:$0xf] =	wrdreg s14  }
0x16: {  	s16 =	sadd.s32 $0x8A00, s0;
	[dreg:$0x10] =	wrdreg s15  }
0x17: {  	s17 =	sadd.s32 $0xA100, s0;
	[dreg:$0x11] =	wrdreg s16  }
0x18: {  	s19 =	sadd.s32 $0xB800, s0;
	[dreg:$0x12] =	wrdreg s17  }
0x19: {  	s20 =	sadd.s32 $0xCF00, s0;
	[dreg:$0x14] =	wrdreg s19  }
0x1a: {  	s21 =	sadd.s32 $0xE600, s0;
	[dreg:$0x15] =	wrdreg s20  }
0x1b: {  	s22 =	sadd.s32 $0xFD00, s0;
	[dreg:$0x16] =	wrdreg s21  }
0x1c: {  	s28 =	simm.s32 $0x1400;
	s23 =	sadd.s32 $0x11400, s0;
	[dreg:$0x17] =	wrdreg s22  }
0x1d: {  	s29 =	simm.s32 $0x1C00;
	s24 =	sadd.s32 $0x12B00, s0;
	[dreg:$0x18] =	wrdreg s23  }
0x1e: {  	s30 =	simm.s32 $0x4;
	s25 =	sadd.s32 $0x14200, s0;
	[dreg:$0x19] =	wrdreg s24  }
0x1f: {  	s31 =	simm.s32 $0x0;
	s26 =	sadd.s32 $0x15900, s0;
	[dreg:$0x1a] =	wrdreg s25  }
0x20: {  	s2 =	smul.u32 $0x18700, s2;
	s0 =	sadd.s32 $0x17000, s0;
	[dreg:$0x1b] =	wrdreg s26  }
0x21: {  	s18 =	simm.s32 $0x400;
	[dreg:$0x1c] =	wrdreg s0;
	s11 =	simm.s32 $0x5  }
0x22: {  	s12 =	simm.s32 $0x2400;
	s14 =	simm.s32 $0x80;
	s15 =	simm.s32 $0x280  }
0x23: {  	s17 =	simm.s32 $0x1;
	s19 =	simm.s32 $0xC00;
	s20 =	simm.s32 $0x2500  }
0x24: {  	v2 =	vimm.s32 $0x0;
	vm0 =	vcmask $0x300;
	s21 =	simm.s32 $0x100;
	s22 =	simm.s32 $0x300;
	s23 =	simm.s32 $0x180  }
0x25: {  	v1 =	vimm.f32 $0.0e+00;
	v2 =	vsel vm0, $0x3, v2;
	v0 =	vmov s2;
	s24 =	simm.s32 $0x380;
	s25 =	simm.s32 $0x3;
	s26 =	simm.s32 $0x2  }
.LBB2_1:
0x26: {  	[dreg:$0x3] =	wrdreg s13;
	s0 =	simm.s32 $0x40;
	s2 =	simm.s32 $0x0  }
.LBB2_2:
0x27: {  	p0 =	sne.s32 s0, $0x5BC0;
	[tilespmem:s2+$0x2600] =	vst v1;
	s2 =	smov.u32 s0;
	s0 =	sadd.s32 $0x40, s0  }
.Ltmp0:
0x28: {  	(pc) =	sbr.rel @p0 .LBB2_2-.Ltmp0, $2  }
0x29: {  	_ =	sdelay $0x2  }
0x2a: {  	s2 =	sshra.s32 s2, $0x2  }
0x2b: {  	[tilespmem:s2+$0x2600] =	vst v1;
	s0 =	rddreg [dreg:$0xb];
	s2 =	simm.s32 $0x2600  }
0x2c: {  	[spmem:s0] =	stream.linear.scatter [tilespmem:s2], [sflag:$0x5], $0x1700, $0x38;
	[tilespmem:$0x1C400] =	vst v63  }
0x2d: {  	_ =	swait.ge [sflag:s11], $0x1700  }
0x2e: {  	[sflag:s11] =	ssyncset.done $0x0  }
0x2f: {  	s16 =	rddreg [dreg:$0xc];
	[sflag:s11] =	ssyncadd.s32 $0xFFFFE900  }
0x30: {  	[spmem:s16] =	stream.linear.scatter [tilespmem:s2], [sflag:$0x5], $0x1700, $0x38;
	[tilespmem:$0x1C400] =	vst v63  }
0x31: {  	_ =	swait.ge [sflag:s11], $0x1700  }
0x32: {  	[sflag:s11] =	ssyncset.done $0x0  }
0x33: {  	s3 =	rddreg [dreg:$0xd];
	[sflag:s11] =	ssyncadd.s32 $0xFFFFE900  }
0x34: {  	[spmem:s3] =	stream.linear.scatter [tilespmem:s2], [sflag:$0x5], $0x1700, $0x38;
	[tilespmem:$0x1C400] =	vst v63  }
0x35: {  	_ =	swait.ge [sflag:s11], $0x1700  }
0x36: {  	[sflag:s11] =	ssyncset.done $0x0  }
0x37: {  	s9 =	rddreg [dreg:$0xe];
	[sflag:s11] =	ssyncadd.s32 $0xFFFFE900  }
0x38: {  	[spmem:s9] =	stream.linear.scatter [tilespmem:s2], [sflag:$0x5], $0x1700, $0x38;
	[tilespmem:$0x1C400] =	vst v63  }
0x39: {  	_ =	swait.ge [sflag:s11], $0x1700  }
0x3a: {  	[sflag:s11] =	ssyncset.done $0x0  }
0x3b: {  	s10 =	rddreg [dreg:$0xf];
	[sflag:s11] =	ssyncadd.s32 $0xFFFFE900  }
0x3c: {  	[spmem:s10] =	stream.linear.scatter [tilespmem:s2], [sflag:$0x5], $0x1700, $0x38;
	[tilespmem:$0x1C400] =	vst v63  }
0x3d: {  	_ =	swait.ge [sflag:s11], $0x1700  }
0x3e: {  	[sflag:s11] =	ssyncset.done $0x0  }
0x3f: {  	s13 =	rddreg [dreg:$0x10];
	[sflag:s11] =	ssyncadd.s32 $0xFFFFE900  }
0x40: {  	[spmem:s13] =	stream.linear.scatter [tilespmem:s2], [sflag:$0x5], $0x1700, $0x38;
	[tilespmem:$0x1C400] =	vst v63  }
0x41: {  	_ =	swait.ge [sflag:s11], $0x1700  }
0x42: {  	[sflag:s11] =	ssyncset.done $0x0  }
0x43: {  	s16 =	rddreg [dreg:$0x11];
	[sflag:s11] =	ssyncadd.s32 $0xFFFFE900  }
0x44: {  	[spmem:s16] =	stream.linear.scatter [tilespmem:s2], [sflag:$0x5], $0x1700, $0x38;
	[tilespmem:$0x1C400] =	vst v63  }
0x45: {  	_ =	swait.ge [sflag:s11], $0x1700  }
0x46: {  	[sflag:s11] =	ssyncset.done $0x0  }
0x47: {  	s3 =	rddreg [dreg:$0x12];
	[sflag:s11] =	ssyncadd.s32 $0xFFFFE900  }
0x48: {  	[spmem:s3] =	stream.linear.scatter [tilespmem:s2], [sflag:$0x5], $0x1700, $0x38;
	[tilespmem:$0x1C400] =	vst v63  }
0x49: {  	_ =	swait.ge [sflag:s11], $0x1700  }
0x4a: {  	[sflag:s11] =	ssyncset.done $0x0  }
0x4b: {  	s9 =	rddreg [dreg:$0x14];
	[sflag:s11] =	ssyncadd.s32 $0xFFFFE900  }
0x4c: {  	[spmem:s9] =	stream.linear.scatter [tilespmem:s2], [sflag:$0x5], $0x1700, $0x38;
	[tilespmem:$0x1C400] =	vst v63  }
0x4d: {  	_ =	swait.ge [sflag:s11], $0x1700  }
0x4e: {  	[sflag:s11] =	ssyncset.done $0x0  }
0x4f: {  	s10 =	rddreg [dreg:$0x15];
	[sflag:s11] =	ssyncadd.s32 $0xFFFFE900  }
0x50: {  	[spmem:s10] =	stream.linear.scatter [tilespmem:s2], [sflag:$0x5], $0x1700, $0x38;
	[tilespmem:$0x1C400] =	vst v63  }
0x51: {  	_ =	swait.ge [sflag:s11], $0x1700  }
0x52: {  	[sflag:s11] =	ssyncset.done $0x0  }
0x53: {  	s13 =	rddreg [dreg:$0x16];
	[sflag:s11] =	ssyncadd.s32 $0xFFFFE900  }
0x54: {  	[spmem:s13] =	stream.linear.scatter [tilespmem:s2], [sflag:$0x5], $0x1700, $0x38;
	[tilespmem:$0x1C400] =	vst v63  }
0x55: {  	_ =	swait.ge [sflag:s11], $0x1700  }
0x56: {  	[sflag:s11] =	ssyncset.done $0x0  }
0x57: {  	s16 =	rddreg [dreg:$0x17];
	[sflag:s11] =	ssyncadd.s32 $0xFFFFE900  }
0x58: {  	[spmem:s16] =	stream.linear.scatter [tilespmem:s2], [sflag:$0x5], $0x1700, $0x38;
	[tilespmem:$0x1C400] =	vst v63  }
0x59: {  	_ =	swait.ge [sflag:s11], $0x1700  }
0x5a: {  	[sflag:s11] =	ssyncset.done $0x0  }
0x5b: {  	s3 =	rddreg [dreg:$0x18];
	[sflag:s11] =	ssyncadd.s32 $0xFFFFE900  }
0x5c: {  	[spmem:s3] =	stream.linear.scatter [tilespmem:s2], [sflag:$0x5], $0x1700, $0x38;
	[tilespmem:$0x1C400] =	vst v63  }
0x5d: {  	_ =	swait.ge [sflag:s11], $0x1700  }
0x5e: {  	[sflag:s11] =	ssyncset.done $0x0  }
0x5f: {  	s9 =	rddreg [dreg:$0x19];
	[sflag:s11] =	ssyncadd.s32 $0xFFFFE900  }
0x60: {  	[spmem:s9] =	stream.linear.scatter [tilespmem:s2], [sflag:$0x5], $0x1700, $0x38;
	[tilespmem:$0x1C400] =	vst v63  }
0x61: {  	_ =	swait.ge [sflag:s11], $0x1700  }
0x62: {  	[sflag:s11] =	ssyncset.done $0x0  }
0x63: {  	s10 =	rddreg [dreg:$0x1a];
	[sflag:s11] =	ssyncadd.s32 $0xFFFFE900  }
0x64: {  	[spmem:s10] =	stream.linear.scatter [tilespmem:s2], [sflag:$0x5], $0x1700, $0x38;
	[tilespmem:$0x1C400] =	vst v63  }
0x65: {  	_ =	swait.ge [sflag:s11], $0x1700  }
0x66: {  	[sflag:s11] =	ssyncset.done $0x0  }
0x67: {  	s13 =	rddreg [dreg:$0x1b];
	[sflag:s11] =	ssyncadd.s32 $0xFFFFE900  }
0x68: {  	[spmem:s13] =	stream.linear.scatter [tilespmem:s2], [sflag:$0x5], $0x1700, $0x38;
	[tilespmem:$0x1C400] =	vst v63  }
0x69: {  	_ =	swait.ge [sflag:s11], $0x1700  }
0x6a: {  	[sflag:s11] =	ssyncset.done $0x0  }
0x6b: {  	s16 =	rddreg [dreg:$0x1c];
	[sflag:s11] =	ssyncadd.s32 $0xFFFFE900  }
0x6c: {  	[spmem:s16] =	stream.linear.scatter [tilespmem:s2], [sflag:$0x5], $0x1700, $0x38;
	[tilespmem:$0x1C400] =	vst v63  }
0x6d: {  	_ =	swait.ge [sflag:s11], $0x1700  }
0x6e: {  	[sflag:s11] =	ssyncset.done $0x0  }
0x6f: {  	[sflag:s11] =	ssyncadd.s32 $0xFFFFE900  }
0x70: {  	[bflag:$0x0] =	sbarrier.arrive $0xFFFF  }
0x71: {  	s2 =	rddreg [dreg:$0x4]  }
0x72: {  	[tilespmem:s12], [sflag:$0x1] =	stream.linear.gather [hbm4b:s2+s31], $0x100, $0x38;
	[tilespmem:$0x1C400] =	vst v63  }
0x73: {  	s3 =	rddreg [dreg:$0x5]  }
0x74: {  	[tilespmem:s31], [sflag:$0x1] =	stream.linear.gather [hbm4b:s3+s31], $0x80, $0x38;
	[tilespmem:$0x1C400] =	vst v63  }
0x75: {  	s10 =	simm.s32 $0x200;
	s9 =	rddreg [dreg:$0x6]  }
0x76: {  	[tilespmem:s10], [sflag:$0x1] =	stream.linear.gather [hbm4b:s9+s31], $0x80, $0x38;
	[tilespmem:$0x1C400] =	vst v63  }
0x77: {  	s13 =	rddreg [dreg:$0x7]  }
0x78: {  	[tilespmem:s14], [sflag:$0x1] =	stream.linear.gather [hbm4b:s13+s31], $0x80, $0x38;
	[tilespmem:$0x1C400] =	vst v63  }
0x79: {  	s0 =	simm.s32 $0x0;
	s16 =	rddreg [dreg:$0x8]  }
0x7a: {  	[tilespmem:s15], [sflag:$0x1] =	stream.linear.gather [hbm4b:s16+s31], $0x80, $0x38;
	[tilespmem:$0x1C400] =	vst v63  }
.LBB2_4:
0x7b: {  	_ =	swait.ge [sflag:s17], $0x100  }
0x7c: {  	[sflag:s17] =	ssyncset.done $0x0  }
0x7d: {  	[sflag:s17] =	ssyncadd.s32 $0xFFFFFF00  }
0x7e: {  	_ =	swait.ge [sflag:s17], $0x80  }
0x7f: {  	[sflag:s17] =	ssyncset.done $0x0  }
0x80: {  	[sflag:s17] =	ssyncadd.s32 $0xFFFFFF80  }
0x81: {  	_ =	swait.ge [sflag:s17], $0x80  }
0x82: {  	[sflag:s17] =	ssyncset.done $0x0  }
0x83: {  	[sflag:s17] =	ssyncadd.s32 $0xFFFFFF80  }
0x84: {  	_ =	swait.ge [sflag:s17], $0x80  }
0x85: {  	[sflag:s17] =	ssyncset.done $0x0  }
0x86: {  	[sflag:s17] =	ssyncadd.s32 $0xFFFFFF80  }
0x87: {  	_ =	swait.ge [sflag:s17], $0x80  }
0x88: {  	[sflag:s17] =	ssyncset.done $0x0  }
0x89: {  	[sflag:s17] =	ssyncadd.s32 $0xFFFFFF80  }
0x8a: {  	v3 =	vld [tilespmem:$0x0]  }
0x8b: {  	v4 =	vld [tilespmem:$0x10]  }
0x8c: {  	v5 =	vld [tilespmem:$0x20]  }
0x8d: {  	v6 =	vld [tilespmem:$0x30]  }
0x8e: {  	v7 =	vld [tilespmem:$0x40]  }
0x8f: {  	v8 =	vld [tilespmem:$0x50];
	v3 =	vadd.s32 v0, v3  }
0x90: {  	[tilespmem:$0x0] =	vst v3;
	v3 =	vadd.s32 v0, v4;
	v4 =	vld [tilespmem:$0x60]  }
0x91: {  	[tilespmem:$0x10] =	vst v3;
	v3 =	vadd.s32 v0, v5;
	v5 =	vld [tilespmem:$0x70]  }
0x92: {  	[tilespmem:$0x20] =	vst v3;
	v3 =	vadd.s32 v0, v6;
	v6 =	vld [tilespmem:$0x80]  }
0x93: {  	[tilespmem:$0x30] =	vst v3;
	v3 =	vadd.s32 v0, v7;
	v7 =	vld [tilespmem:$0x90]  }
0x94: {  	v62 =	vld [tilespmem:$0xA0];
	[tilespmem:$0x40] =	vst v3;
	v3 =	vadd.s32 v0, v8  }
0x95: {  	[tilespmem:$0x50] =	vst v3;
	v3 =	vadd.s32 v0, v4;
	v4 =	vld [tilespmem:$0xB0]  }
0x96: {  	[tilespmem:$0x60] =	vst v3;
	v3 =	vadd.s32 v0, v5;
	v5 =	vld [tilespmem:$0xC0]  }
0x97: {  	[tilespmem:$0x70] =	vst v3;
	v3 =	vadd.s32 v0, v6;
	v6 =	vld [tilespmem:$0xD0]  }
0x98: {  	[tilespmem:$0x80] =	vst v3;
	v3 =	vadd.s32 v0, v7;
	v7 =	vld [tilespmem:$0xE0]  }
0x99: {  	v63 =	vld [tilespmem:$0xF0];
	[tilespmem:$0x90] =	vst v3;
	v3 =	vadd.s32 v0, v62  }
0x9a: {  	[tilespmem:$0xA0] =	vst v3;
	v3 =	vadd.s32 v0, v4  }
0x9b: {  	[tilespmem:$0xB0] =	vst v3;
	v3 =	vadd.s32 v0, v5  }
0x9c: {  	[tilespmem:$0xC0] =	vst v3;
	v3 =	vadd.s32 v0, v6  }
0x9d: {  	s2 =	sshll.u32 s0, $0x9;
	[tilespmem:$0xD0] =	vst v3;
	v3 =	vadd.s32 v0, v7  }
0x9e: {  	s2 =	sadd.s32 s7, s2;
	[tilespmem:$0xE0] =	vst v3;
	v3 =	vadd.s32 v0, v63  }
0x9f: {  	s3 =	sshrl.u32 s2, $0x3;
	[tilespmem:$0xF0] =	vst v3  }
0xa0: {  	[tilespmem:s18], [sflag:$0x3] =	stream.indirect.gather [hbm4b:s8+s14], $0x10, s31, s14, $0xb8;
	[tilespmem:$0x1C400] =	vst v63  }
0xa1: {  	s9 =	sor.u32 $0x20, s3  }
0xa2: {  	[tilespmem:s19], [sflag:$0x3] =	stream.indirect.gather [hbm4b:s8+s14], $0x10, s14, s14, $0xb8;
	[tilespmem:$0x1C400] =	vst v63  }
0xa3: {  	s10 =	sadd.s32 s6, s9  }
0xa4: {  	[tilespmem:s20], [sflag:$0x2] =	stream.linear.gather [hbm4b:s10+s31], $0x100, $0x38;
	[tilespmem:$0x1C400] =	vst v63  }
0xa5: {  	s16 =	sadd.s32 s4, s9  }
0xa6: {  	[tilespmem:s21], [sflag:$0x2] =	stream.linear.gather [hbm4b:s16+s31], $0x80, $0x38;
	[tilespmem:$0x1C400] =	vst v63  }
0xa7: {  	s3 =	sor.u32 $0x30, s3;
	s9 =	sadd.s32 s5, s9  }
0xa8: {  	[tilespmem:s22], [sflag:$0x2] =	stream.linear.gather [hbm4b:s9+s31], $0x80, $0x38;
	[tilespmem:$0x1C400] =	vst v63  }
0xa9: {  	s13 =	sadd.s32 s4, s3  }
0xaa: {  	v3 =	vmov s31;
	[tilespmem:s23], [sflag:$0x2] =	stream.linear.gather [hbm4b:s13+s31], $0x80, $0x38;
	[tilespmem:$0x1C400] =	vst v63  }
0xab: {  	s3 =	sadd.s32 s5, s3;
	v3 =	vshrl.u32 v3, $0x3  }
0xac: {  	v3 =	vshll.u32 v3, v2;
	[tilespmem:s24], [sflag:$0x2] =	stream.linear.gather [hbm4b:s3+s31], $0x80, $0x38;
	[tilespmem:$0x1C400] =	vst v63  }
0xad: {  	v3 =	vbroadcast v3, $0x0;
	_ =	swait.ge [sflag:s25], $0x800  }
0xae: {  	[sflag:s25] =	ssyncset.done $0x0  }
0xaf: {  	[sflag:s25] =	ssyncadd.s32 $0xFFFFF800  }
0xb0: {  	_ =	swait.ge [sflag:s25], $0x800  }
0xb1: {  	s16 =	simm.s32 $0x1;
	[sflag:s25] =	ssyncset.done $0x0  }
0xb2: {  	v4 =	vmov s16;
	[sflag:s25] =	ssyncadd.s32 $0xFFFFF800  }
0xb3: {  	s16 =	simm.s32 $0x440;
	v4 =	vshrl.u32 v4, $0x3;
	v3 =	vld.idx.msk [tilespmem:v3+s12+$0x0], $0xffff  }
0xb4: {  	v4 =	vshll.u32 v4, v2;
	v5 =	vld [tilespmem:s16+$0xFFFFFFC0]  }
0xb5: {  	v4 =	vadd.s32 $0x1, v4  }
0xb6: {  	v4 =	vbroadcast v4, $0x0;
	_ =	sdelay $0x2  }
0xb7: {  	v3 =	vmul.f32 v5, v3  }
0xb8: {  	s9 =	simm.s32 $0x2  }
0xb9: {  	v5 =	vld [tilespmem:s16+$0xFFFFFFD0];
	[tilespmem:s16+$0xFFFFFFC0] =	vst v3;
	v3 =	vmov s9  }
0xba: {  	v4 =	vld.idx.msk [tilespmem:v4+s12+$0x0], $0xffff;
	v3 =	vshrl.u32 v3, $0x3  }
0xbb: {  	v3 =	vshll.u32 v3, v2  }
0xbc: {  	v3 =	vadd.s32 $0x2, v3  }
0xbd: {  	v3 =	vbroadcast v3, $0x0;
	_ =	sdelay $0x1  }
0xbe: {  	v4 =	vmul.f32 v5, v4  }
0xbf: {  	s10 =	simm.s32 $0x3  }
0xc0: {  	[tilespmem:s16+$0xFFFFFFD0] =	vst v4;
	v4 =	vmov s10  }
0xc1: {  	v5 =	vld [tilespmem:s16+$0xFFFFFFE0];
	v4 =	vshrl.u32 v4, $0x3  }
0xc2: {  	v3 =	vld.idx.msk [tilespmem:v3+s12+$0x0], $0xffff;
	v4 =	vshll.u32 v4, v2  }
0xc3: {  	v4 =	vadd.s32 $0x3, v4  }
0xc4: {  	v4 =	vbroadcast v4, $0x0;
	_ =	sdelay $0x2  }
0xc5: {  	v3 =	vmul.f32 v5, v3  }
0xc6: {  	s13 =	simm.s32 $0x4  }
0xc7: {  	v5 =	vld [tilespmem:s16+$0xFFFFFFF0];
	[tilespmem:s16+$0xFFFFFFE0] =	vst v3;
	v3 =	vmov s13  }
0xc8: {  	v4 =	vld.idx.msk [tilespmem:v4+s12+$0x0], $0xffff;
	v3 =	vshrl.u32 v3, $0x3  }
0xc9: {  	v3 =	vshll.u32 v3, v2  }
0xca: {  	v3 =	vadd.s32 $0x4, v3  }
0xcb: {  	v3 =	vbroadcast v3, $0x0;
	_ =	sdelay $0x1  }
0xcc: {  	v4 =	vmul.f32 v5, v4  }
0xcd: {  	s9 =	simm.s32 $0x5  }
0xce: {  	[tilespmem:s16+$0xFFFFFFF0] =	vst v4;
	v4 =	vmov s9  }
0xcf: {  	v5 =	vld [tilespmem:s16+$0x0];
	v4 =	vshrl.u32 v4, $0x3  }
0xd0: {  	v3 =	vld.idx.msk [tilespmem:v3+s12+$0x0], $0xffff;
	v4 =	vshll.u32 v4, v2  }
0xd1: {  	v4 =	vadd.s32 $0x5, v4  }
0xd2: {  	v4 =	vbroadcast v4, $0x0;
	_ =	sdelay $0x2  }
0xd3: {  	v3 =	vmul.f32 v5, v3  }
0xd4: {  	s10 =	simm.s32 $0x6  }
0xd5: {  	v5 =	vld [tilespmem:s16+$0x10];
	[tilespmem:s16+$0x0] =	vst v3;
	v3 =	vmov s10  }
0xd6: {  	v4 =	vld.idx.msk [tilespmem:v4+s12+$0x0], $0xffff;
	v3 =	vshrl.u32 v3, $0x3  }
0xd7: {  	v3 =	vshll.u32 v3, v2  }
0xd8: {  	v3 =	vadd.s32 $0x6, v3  }
0xd9: {  	v3 =	vbroadcast v3, $0x0;
	_ =	sdelay $0x1  }
0xda: {  	v4 =	vmul.f32 v5, v4  }
0xdb: {  	s13 =	simm.s32 $0x7  }
0xdc: {  	[tilespmem:s16+$0x10] =	vst v4;
	v4 =	vmov s13  }
0xdd: {  	v5 =	vld [tilespmem:s16+$0x20];
	v4 =	vshrl.u32 v4, $0x3  }
0xde: {  	v3 =	vld.idx.msk [tilespmem:v3+s12+$0x0], $0xffff;
	v4 =	vshll.u32 v4, v2  }
0xdf: {  	v4 =	vadd.s32 $0x7, v4  }
0xe0: {  	v6 =	vbroadcast v4, $0x0;
	_ =	sdelay $0x2  }
0xe1: {  	v3 =	vmul.f32 v5, v3;
	_ =	sdelay $0x1  }
0xe2: {  	s3 =	simm.s32 $0x8;
	[tilespmem:s16+$0x20] =	vst v3  }
0xe3: {  	s10 =	simm.s32 $0x10;
	v4 =	vmov s3;
	v3 =	vld.idx.msk [tilespmem:v6+s12+$0x0], $0xffff  }
.LBB2_5:
0xe4: {  	p0 =	slt.u32 s10, $0x78;
	v4 =	vshrl.u32 v4, $0x3;
	v5 =	vld [tilespmem:s16+$0x30]  }
0xe5: {  	v4 =	vshll.u32 v4, v2  }
0xe6: {  	v4 =	vbroadcast v4, $0x0;
	_ =	sdelay $0x2  }
0xe7: {  	v3 =	vmul.f32 v5, v3  }
0xe8: {  	s9 =	sadd.s32 $0x1, s3  }
0xe9: {  	v5 =	vmov s9;
	s9 =	simm.s32 $0xC40;
	[tilespmem:s16+$0x30] =	vst v3  }
0xea: {  	s16 =	sadd.s32 $0x80, s16;
	v3 =	vld.idx.msk [tilespmem:v4+s12+$0x0], $0xffff;
	v4 =	vshrl.u32 v5, $0x3  }
0xeb: {  	v5 =	vld [tilespmem:s16+$0xFFFFFFC0];
	v4 =	vshll.u32 v4, v2  }
0xec: {  	v4 =	vadd.s32 $0x1, v4  }
0xed: {  	v4 =	vbroadcast v4, $0x0;
	_ =	sdelay $0x2  }
0xee: {  	v3 =	vmul.f32 v5, v3  }
0xef: {  	s13 =	sadd.s32 $0x2, s3  }
0xf0: {  	[tilespmem:s16+$0xFFFFFFC0] =	vst v3;
	v3 =	vmov s13  }
0xf1: {  	v4 =	vld.idx.msk [tilespmem:v4+s12+$0x0], $0xffff;
	v3 =	vshrl.u32 v3, $0x3  }
0xf2: {  	v5 =	vld [tilespmem:s16+$0xFFFFFFD0];
	v3 =	vshll.u32 v3, v2  }
0xf3: {  	v3 =	vadd.s32 $0x2, v3  }
0xf4: {  	v3 =	vbroadcast v3, $0x0;
	_ =	sdelay $0x2  }
0xf5: {  	v4 =	vmul.f32 v5, v4  }
0xf6: {  	s13 =	sadd.s32 $0x3, s3  }
0xf7: {  	[tilespmem:s16+$0xFFFFFFD0] =	vst v4;
	v4 =	vmov s13  }
0xf8: {  	v3 =	vld.idx.msk [tilespmem:v3+s12+$0x0], $0xffff;
	v4 =	vshrl.u32 v4, $0x3  }
0xf9: {  	v5 =	vld [tilespmem:s16+$0xFFFFFFE0];
	v4 =	vshll.u32 v4, v2  }
0xfa: {  	v4 =	vadd.s32 $0x3, v4  }
0xfb: {  	v4 =	vbroadcast v4, $0x0;
	_ =	sdelay $0x2  }
0xfc: {  	v3 =	vmul.f32 v5, v3  }
0xfd: {  	s13 =	sadd.s32 $0x4, s3  }
0xfe: {  	[tilespmem:s16+$0xFFFFFFE0] =	vst v3;
	v3 =	vmov s13  }
0xff: {  	v4 =	vld.idx.msk [tilespmem:v4+s12+$0x0], $0xffff;
	v3 =	vshrl.u32 v3, $0x3  }
0x100: {  	v5 =	vld [tilespmem:s16+$0xFFFFFFF0];
	v3 =	vshll.u32 v3, v2  }
0x101: {  	v3 =	vadd.s32 $0x4, v3  }
0x102: {  	v3 =	vbroadcast v3, $0x0;
	_ =	sdelay $0x2  }
0x103: {  	v4 =	vmul.f32 v5, v4  }
0x104: {  	s13 =	sadd.s32 $0x5, s3  }
0x105: {  	[tilespmem:s16+$0xFFFFFFF0] =	vst v4;
	v4 =	vmov s13  }
0x106: {  	v3 =	vld.idx.msk [tilespmem:v3+s12+$0x0], $0xffff;
	v4 =	vshrl.u32 v4, $0x3  }
0x107: {  	v5 =	vld [tilespmem:s16+$0x0];
	v4 =	vshll.u32 v4, v2  }
0x108: {  	v4 =	vadd.s32 $0x5, v4  }
0x109: {  	v4 =	vbroadcast v4, $0x0;
	_ =	sdelay $0x2  }
0x10a: {  	v3 =	vmul.f32 v5, v3  }
0x10b: {  	s13 =	sadd.s32 $0x6, s3  }
0x10c: {  	[tilespmem:s16+$0x0] =	vst v3;
	v3 =	vmov s13  }
0x10d: {  	v4 =	vld.idx.msk [tilespmem:v4+s12+$0x0], $0xffff;
	v3 =	vshrl.u32 v3, $0x3  }
0x10e: {  	v5 =	vld [tilespmem:s16+$0x10];
	v3 =	vshll.u32 v3, v2  }
0x10f: {  	v3 =	vadd.s32 $0x6, v3  }
0x110: {  	v3 =	vbroadcast v3, $0x0;
	_ =	sdelay $0x2  }
0x111: {  	v4 =	vmul.f32 v5, v4  }
0x112: {  	s13 =	sadd.s32 $0x7, s3;
	s3 =	smov.u32 s10  }
0x113: {  	[tilespmem:s16+$0x10] =	vst v4;
	v4 =	vmov s13  }
0x114: {  	v3 =	vld.idx.msk [tilespmem:v3+s12+$0x0], $0xffff;
	v4 =	vshrl.u32 v4, $0x3  }
0x115: {  	v5 =	vld [tilespmem:s16+$0x20];
	v4 =	vshll.u32 v4, v2  }
0x116: {  	v4 =	vadd.s32 $0x7, v4  }
0x117: {  	v6 =	vbroadcast v4, $0x0;
	_ =	sdelay $0x1  }
.Ltmp1:
0x118: {  	(pc) =	sbr.rel @p0 .LBB2_5-.Ltmp1, $3  }
0x119: {  	v3 =	vmul.f32 v5, v3;
	_ =	sdelay $0x1  }
0x11a: {  	[tilespmem:s16+$0x20] =	vst v3  }
0x11b: {  	s10 =	sadd.s32 $0x8, s10;
	v4 =	vmov s3;
	v3 =	vld.idx.msk [tilespmem:v6+s12+$0x0], $0xffff  }
0x11c: {  	v4 =	vshrl.u32 v4, $0x3;
	v5 =	vld [tilespmem:s16+$0x30]  }
0x11d: {  	v4 =	vshll.u32 v4, v2  }
0x11e: {  	v4 =	vbroadcast v4, $0x0;
	_ =	sdelay $0x2  }
0x11f: {  	v3 =	vmul.f32 v5, v3  }
0x120: {  	s10 =	sadd.s32 $0x1, s3  }
0x121: {  	v5 =	vmov s10;
	[tilespmem:s16+$0x30] =	vst v3  }
0x122: {  	s10 =	sadd.s32 $0x80, s16;
	v3 =	vld.idx.msk [tilespmem:v4+s12+$0x0], $0xffff;
	v4 =	vshrl.u32 v5, $0x3  }
0x123: {  	v5 =	vld [tilespmem:s10+$0xFFFFFFC0];
	v4 =	vshll.u32 v4, v2  }
0x124: {  	v4 =	vadd.s32 $0x1, v4  }
0x125: {  	v4 =	vbroadcast v4, $0x0;
	_ =	sdelay $0x2  }
0x126: {  	v3 =	vmul.f32 v5, v3  }
0x127: {  	s13 =	sadd.s32 $0x2, s3  }
0x128: {  	v5 =	vld [tilespmem:s10+$0xFFFFFFD0];
	[tilespmem:s10+$0xFFFFFFC0] =	vst v3;
	v3 =	vmov s13  }
0x129: {  	v3 =	vshrl.u32 v3, $0x3;
	v4 =	vld.idx.msk [tilespmem:v4+s12+$0x0], $0xffff  }
0x12a: {  	v3 =	vshll.u32 v3, v2  }
0x12b: {  	v3 =	vadd.s32 $0x2, v3  }
0x12c: {  	v3 =	vbroadcast v3, $0x0;
	_ =	sdelay $0x1  }
0x12d: {  	v4 =	vmul.f32 v5, v4  }
0x12e: {  	s16 =	sadd.s32 $0x3, s3  }
0x12f: {  	[tilespmem:s10+$0xFFFFFFD0] =	vst v4;
	v4 =	vmov s16  }
0x130: {  	v5 =	vld [tilespmem:s10+$0xFFFFFFE0];
	v4 =	vshrl.u32 v4, $0x3  }
0x131: {  	v3 =	vld.idx.msk [tilespmem:v3+s12+$0x0], $0xffff;
	v4 =	vshll.u32 v4, v2  }
0x132: {  	v4 =	vadd.s32 $0x3, v4  }
0x133: {  	v4 =	vbroadcast v4, $0x0;
	_ =	sdelay $0x2  }
0x134: {  	v3 =	vmul.f32 v5, v3  }
0x135: {  	s16 =	sadd.s32 $0x4, s3  }
0x136: {  	v5 =	vld [tilespmem:s10+$0xFFFFFFF0];
	[tilespmem:s10+$0xFFFFFFE0] =	vst v3;
	v3 =	vmov s16  }
0x137: {  	v3 =	vshrl.u32 v3, $0x3;
	v4 =	vld.idx.msk [tilespmem:v4+s12+$0x0], $0xffff  }
0x138: {  	v3 =	vshll.u32 v3, v2  }
0x139: {  	v3 =	vadd.s32 $0x4, v3  }
0x13a: {  	v3 =	vbroadcast v3, $0x0;
	_ =	sdelay $0x1  }
0x13b: {  	v4 =	vmul.f32 v5, v4  }
0x13c: {  	s16 =	sadd.s32 $0x5, s3  }
0x13d: {  	[tilespmem:s10+$0xFFFFFFF0] =	vst v4;
	v4 =	vmov s16  }
0x13e: {  	v5 =	vld [tilespmem:s10+$0x0];
	v4 =	vshrl.u32 v4, $0x3  }
0x13f: {  	v3 =	vld.idx.msk [tilespmem:v3+s12+$0x0], $0xffff;
	v4 =	vshll.u32 v4, v2  }
0x140: {  	v4 =	vadd.s32 $0x5, v4  }
0x141: {  	v4 =	vbroadcast v4, $0x0;
	_ =	sdelay $0x2  }
0x142: {  	v3 =	vmul.f32 v5, v3  }
0x143: {  	s16 =	sadd.s32 $0x6, s3  }
0x144: {  	v5 =	vld [tilespmem:s10+$0x10];
	[tilespmem:s10+$0x0] =	vst v3;
	v3 =	vmov s16  }
0x145: {  	v3 =	vshrl.u32 v3, $0x3;
	v4 =	vld.idx.msk [tilespmem:v4+s12+$0x0], $0xffff  }
0x146: {  	v3 =	vshll.u32 v3, v2  }
0x147: {  	v3 =	vadd.s32 $0x6, v3  }
0x148: {  	v3 =	vbroadcast v3, $0x0;
	_ =	sdelay $0x1  }
0x149: {  	v4 =	vmul.f32 v5, v4  }
0x14a: {  	s16 =	sadd.s32 $0x7, s3  }
0x14b: {  	[tilespmem:s10+$0x10] =	vst v4;
	v4 =	vmov s16  }
0x14c: {  	v5 =	vld [tilespmem:s10+$0x20];
	v4 =	vshrl.u32 v4, $0x3  }
0x14d: {  	v3 =	vld.idx.msk [tilespmem:v3+s12+$0x0], $0xffff;
	v4 =	vshll.u32 v4, v2  }
0x14e: {  	v4 =	vadd.s32 $0x7, v4  }
0x14f: {  	v4 =	vbroadcast v4, $0x0;
	_ =	sdelay $0x2  }
0x150: {  	v3 =	vmul.f32 v5, v3;
	_ =	sdelay $0x1  }
0x151: {  	s13 =	simm.s32 $0x80;
	v5 =	vld [tilespmem:s10+$0x30];
	[tilespmem:s10+$0x20] =	vst v3  }
0x152: {  	v3 =	vld.idx.msk [tilespmem:v4+s12+$0x0], $0xffff;
	v4 =	vmov s13  }
0x153: {  	v4 =	vshrl.u32 v4, $0x3  }
0x154: {  	v4 =	vshll.u32 v4, v2  }
0x155: {  	v4 =	vbroadcast v4, $0x0;
	_ =	sdelay $0x1  }
0x156: {  	v3 =	vmul.f32 v5, v3  }
0x157: {  	s16 =	simm.s32 $0x81  }
0x158: {  	[tilespmem:s10+$0x30] =	vst v3;
	v3 =	vmov s16  }
0x159: {  	v3 =	vshrl.u32 v3, $0x3;
	v5 =	vld [tilespmem:s9+$0xFFFFFFC0]  }
0x15a: {  	v4 =	vld.idx.msk [tilespmem:v4+s12+$0x0], $0xffff;
	v3 =	vshll.u32 v3, v2  }
0x15b: {  	v3 =	vadd.s32 $0x1, v3  }
0x15c: {  	v3 =	vbroadcast v3, $0x0;
	_ =	sdelay $0x2  }
0x15d: {  	v4 =	vmul.f32 v5, v4  }
0x15e: {  	s10 =	simm.s32 $0x82  }
0x15f: {  	v5 =	vld [tilespmem:s9+$0xFFFFFFD0];
	[tilespmem:s9+$0xFFFFFFC0] =	vst v4;
	v4 =	vmov s10  }
0x160: {  	v3 =	vld.idx.msk [tilespmem:v3+s12+$0x0], $0xffff;
	v4 =	vshrl.u32 v4, $0x3  }
0x161: {  	v4 =	vshll.u32 v4, v2  }
0x162: {  	v4 =	vadd.s32 $0x2, v4  }
0x163: {  	v4 =	vbroadcast v4, $0x0;
	_ =	sdelay $0x1  }
0x164: {  	v3 =	vmul.f32 v5, v3  }
0x165: {  	s13 =	simm.s32 $0x83  }
0x166: {  	[tilespmem:s9+$0xFFFFFFD0] =	vst v3;
	v3 =	vmov s13  }
0x167: {  	v5 =	vld [tilespmem:s9+$0xFFFFFFE0];
	v3 =	vshrl.u32 v3, $0x3  }
0x168: {  	v4 =	vld.idx.msk [tilespmem:v4+s12+$0x0], $0xffff;
	v3 =	vshll.u32 v3, v2  }
0x169: {  	v3 =	vadd.s32 $0x3, v3  }
0x16a: {  	v3 =	vbroadcast v3, $0x0;
	_ =	sdelay $0x2  }
0x16b: {  	v4 =	vmul.f32 v5, v4  }
0x16c: {  	s16 =	simm.s32 $0x84  }
0x16d: {  	v5 =	vld [tilespmem:s9+$0xFFFFFFF0];
	[tilespmem:s9+$0xFFFFFFE0] =	vst v4;
	v4 =	vmov s16  }
0x16e: {  	v3 =	vld.idx.msk [tilespmem:v3+s12+$0x0], $0xffff;
	v4 =	vshrl.u32 v4, $0x3  }
0x16f: {  	v4 =	vshll.u32 v4, v2  }
0x170: {  	v4 =	vadd.s32 $0x4, v4  }
0x171: {  	v4 =	vbroadcast v4, $0x0;
	_ =	sdelay $0x1  }
0x172: {  	v3 =	vmul.f32 v5, v3  }
0x173: {  	s10 =	simm.s32 $0x85  }
0x174: {  	[tilespmem:s9+$0xFFFFFFF0] =	vst v3;
	v3 =	vmov s10  }
0x175: {  	v5 =	vld [tilespmem:s9+$0x0];
	v3 =	vshrl.u32 v3, $0x3  }
0x176: {  	v4 =	vld.idx.msk [tilespmem:v4+s12+$0x0], $0xffff;
	v3 =	vshll.u32 v3, v2  }
0x177: {  	v3 =	vadd.s32 $0x5, v3  }
0x178: {  	v3 =	vbroadcast v3, $0x0;
	_ =	sdelay $0x2  }
0x179: {  	v4 =	vmul.f32 v5, v4  }
0x17a: {  	s13 =	simm.s32 $0x86  }
0x17b: {  	v5 =	vld [tilespmem:s9+$0x10];
	[tilespmem:s9+$0x0] =	vst v4;
	v4 =	vmov s13  }
0x17c: {  	v3 =	vld.idx.msk [tilespmem:v3+s12+$0x0], $0xffff;
	v4 =	vshrl.u32 v4, $0x3  }
0x17d: {  	v4 =	vshll.u32 v4, v2  }
0x17e: {  	v4 =	vadd.s32 $0x6, v4  }
0x17f: {  	v4 =	vbroadcast v4, $0x0;
	_ =	sdelay $0x1  }
0x180: {  	v3 =	vmul.f32 v5, v3  }
0x181: {  	s16 =	simm.s32 $0x87  }
0x182: {  	[tilespmem:s9+$0x10] =	vst v3;
	v3 =	vmov s16  }
0x183: {  	v5 =	vld [tilespmem:s9+$0x20];
	v3 =	vshrl.u32 v3, $0x3  }
0x184: {  	v4 =	vld.idx.msk [tilespmem:v4+s12+$0x0], $0xffff;
	v3 =	vshll.u32 v3, v2  }
0x185: {  	v3 =	vadd.s32 $0x7, v3  }
0x186: {  	v3 =	vbroadcast v3, $0x0;
	_ =	sdelay $0x2  }
0x187: {  	s3 =	simm.s32 $0x0;
	v4 =	vmul.f32 v5, v4  }
.LBB2_7:
0x188: {  	_ = 	snop  }
0x189: {  	s13 =	sadd.s32 $0x88, s3;
	s10 =	smov.u32 s3;
	s3 =	sadd.s32 $0x8, s3;
	[tilespmem:s9+$0x20] =	vst v4  }
0x18a: {  	v4 =	vmov s13;
	p0 =	slt.u32 s3, $0x78;
	v3 =	vld.idx.msk [tilespmem:v3+s12+$0x0], $0xffff  }
0x18b: {  	v4 =	vshrl.u32 v4, $0x3;
	v5 =	vld [tilespmem:s9+$0x30]  }
0x18c: {  	v4 =	vshll.u32 v4, v2  }
0x18d: {  	v4 =	vbroadcast v4, $0x0;
	_ =	sdelay $0x2  }
0x18e: {  	v3 =	vmul.f32 v5, v3  }
0x18f: {  	s13 =	sadd.s32 $0x89, s10  }
0x190: {  	v5 =	vmov s13;
	[tilespmem:s9+$0x30] =	vst v3  }
0x191: {  	s9 =	sadd.s32 $0x80, s9;
	v3 =	vld.idx.msk [tilespmem:v4+s12+$0x0], $0xffff;
	v4 =	vshrl.u32 v5, $0x3  }
0x192: {  	v5 =	vld [tilespmem:s9+$0xFFFFFFC0];
	v4 =	vshll.u32 v4, v2  }
0x193: {  	v4 =	vadd.s32 $0x1, v4  }
0x194: {  	v4 =	vbroadcast v4, $0x0;
	_ =	sdelay $0x2  }
0x195: {  	v3 =	vmul.f32 v5, v3  }
0x196: {  	s13 =	sadd.s32 $0x8A, s10  }
0x197: {  	[tilespmem:s9+$0xFFFFFFC0] =	vst v3;
	v3 =	vmov s13  }
0x198: {  	v4 =	vld.idx.msk [tilespmem:v4+s12+$0x0], $0xffff;
	v3 =	vshrl.u32 v3, $0x3  }
0x199: {  	v5 =	vld [tilespmem:s9+$0xFFFFFFD0];
	v3 =	vshll.u32 v3, v2  }
0x19a: {  	v3 =	vadd.s32 $0x2, v3  }
0x19b: {  	v3 =	vbroadcast v3, $0x0;
	_ =	sdelay $0x2  }
0x19c: {  	v4 =	vmul.f32 v5, v4  }
0x19d: {  	s13 =	sadd.s32 $0x8B, s10  }
0x19e: {  	[tilespmem:s9+$0xFFFFFFD0] =	vst v4;
	v4 =	vmov s13  }
0x19f: {  	v3 =	vld.idx.msk [tilespmem:v3+s12+$0x0], $0xffff;
	v4 =	vshrl.u32 v4, $0x3  }
0x1a0: {  	v5 =	vld [tilespmem:s9+$0xFFFFFFE0];
	v4 =	vshll.u32 v4, v2  }
0x1a1: {  	v4 =	vadd.s32 $0x3, v4  }
0x1a2: {  	v4 =	vbroadcast v4, $0x0;
	_ =	sdelay $0x2  }
0x1a3: {  	v3 =	vmul.f32 v5, v3  }
0x1a4: {  	s13 =	sadd.s32 $0x8C, s10  }
0x1a5: {  	[tilespmem:s9+$0xFFFFFFE0] =	vst v3;
	v3 =	vmov s13  }
0x1a6: {  	v4 =	vld.idx.msk [tilespmem:v4+s12+$0x0], $0xffff;
	v3 =	vshrl.u32 v3, $0x3  }
0x1a7: {  	v5 =	vld [tilespmem:s9+$0xFFFFFFF0];
	v3 =	vshll.u32 v3, v2  }
0x1a8: {  	v3 =	vadd.s32 $0x4, v3  }
0x1a9: {  	v3 =	vbroadcast v3, $0x0;
	_ =	sdelay $0x2  }
0x1aa: {  	v4 =	vmul.f32 v5, v4  }
0x1ab: {  	s13 =	sadd.s32 $0x8D, s10  }
0x1ac: {  	[tilespmem:s9+$0xFFFFFFF0] =	vst v4;
	v4 =	vmov s13  }
0x1ad: {  	v3 =	vld.idx.msk [tilespmem:v3+s12+$0x0], $0xffff;
	v4 =	vshrl.u32 v4, $0x3  }
0x1ae: {  	v5 =	vld [tilespmem:s9+$0x0];
	v4 =	vshll.u32 v4, v2  }
0x1af: {  	v4 =	vadd.s32 $0x5, v4  }
0x1b0: {  	v4 =	vbroadcast v4, $0x0;
	_ =	sdelay $0x2  }
0x1b1: {  	v3 =	vmul.f32 v5, v3  }
0x1b2: {  	s13 =	sadd.s32 $0x8E, s10  }
0x1b3: {  	[tilespmem:s9+$0x0] =	vst v3;
	v3 =	vmov s13  }
0x1b4: {  	v4 =	vld.idx.msk [tilespmem:v4+s12+$0x0], $0xffff;
	v3 =	vshrl.u32 v3, $0x3  }
0x1b5: {  	v5 =	vld [tilespmem:s9+$0x10];
	v3 =	vshll.u32 v3, v2  }
0x1b6: {  	v3 =	vadd.s32 $0x6, v3  }
0x1b7: {  	v3 =	vbroadcast v3, $0x0;
	_ =	sdelay $0x2  }
0x1b8: {  	v4 =	vmul.f32 v5, v4  }
0x1b9: {  	s10 =	sadd.s32 $0x8F, s10  }
0x1ba: {  	[tilespmem:s9+$0x10] =	vst v4;
	v4 =	vmov s10  }
0x1bb: {  	v5 =	vld.idx.msk [tilespmem:v3+s12+$0x0], $0xffff;
	v3 =	vshrl.u32 v4, $0x3  }
0x1bc: {  	v4 =	vld [tilespmem:s9+$0x20];
	v3 =	vshll.u32 v3, v2  }
.Ltmp2:
0x1bd: {  	v3 =	vadd.s32 $0x7, v3;
	(pc) =	sbr.rel @p0 .LBB2_7-.Ltmp2, $2  }
0x1be: {  	v3 =	vbroadcast v3, $0x0;
	_ =	sdelay $0x2  }
0x1bf: {  	v4 =	vmul.f32 v4, v5  }
0x1c0: {  	_ =	sdelay $0x2  }
0x1c1: {  	[tilespmem:s9+$0x20] =	vst v4;
	v4 =	vld [tilespmem:s9+$0x30]  }
0x1c2: {  	v3 =	vld.idx.msk [tilespmem:v3+s12+$0x0], $0xffff;
	_ =	sdelay $0x4  }
0x1c3: {  	v3 =	vmul.f32 v4, v3;
	_ =	sdelay $0x1  }
0x1c4: {  	[tilespmem:s9+$0x30] =	vst v3  }
0x1c5: {  	_ =	swait.ge [sflag:s26], $0x100  }
0x1c6: {  	[sflag:s26] =	ssyncset.done $0x0  }
0x1c7: {  	[sflag:s26] =	ssyncadd.s32 $0xFFFFFF00  }
0x1c8: {  	_ =	swait.ge [sflag:s26], $0x80  }
0x1c9: {  	[sflag:s26] =	ssyncset.done $0x0  }
0x1ca: {  	[sflag:s26] =	ssyncadd.s32 $0xFFFFFF80  }
0x1cb: {  	_ =	swait.ge [sflag:s26], $0x80  }
0x1cc: {  	[sflag:s26] =	ssyncset.done $0x0  }
0x1cd: {  	[sflag:s26] =	ssyncadd.s32 $0xFFFFFF80  }
0x1ce: {  	_ =	swait.ge [sflag:s26], $0x80  }
0x1cf: {  	[sflag:s26] =	ssyncset.done $0x0  }
0x1d0: {  	[sflag:s26] =	ssyncadd.s32 $0xFFFFFF80  }
0x1d1: {  	_ =	swait.ge [sflag:s26], $0x80  }
0x1d2: {  	[sflag:s26] =	ssyncset.done $0x0  }
0x1d3: {  	[sflag:s26] =	ssyncadd.s32 $0xFFFFFF80  }
0x1d4: {  	v3 =	vld [tilespmem:$0x100]  }
0x1d5: {  	v4 =	vld [tilespmem:$0x110]  }
0x1d6: {  	v5 =	vld [tilespmem:$0x120]  }
0x1d7: {  	v6 =	vld [tilespmem:$0x130]  }
0x1d8: {  	v7 =	vld [tilespmem:$0x140]  }
0x1d9: {  	v8 =	vld [tilespmem:$0x150];
	v3 =	vadd.s32 v0, v3  }
0x1da: {  	[tilespmem:$0x100] =	vst v3;
	v3 =	vadd.s32 v0, v4;
	v4 =	vld [tilespmem:$0x160]  }
0x1db: {  	[tilespmem:$0x110] =	vst v3;
	v3 =	vadd.s32 v0, v5;
	v5 =	vld [tilespmem:$0x170]  }
0x1dc: {  	[tilespmem:$0x120] =	vst v3;
	v3 =	vadd.s32 v0, v6;
	v6 =	vld [tilespmem:$0x180]  }
0x1dd: {  	[tilespmem:$0x130] =	vst v3;
	v3 =	vadd.s32 v0, v7;
	v7 =	vld [tilespmem:$0x190]  }
0x1de: {  	v62 =	vld [tilespmem:$0x1A0];
	[tilespmem:$0x140] =	vst v3;
	v3 =	vadd.s32 v0, v8  }
0x1df: {  	[tilespmem:$0x150] =	vst v3;
	v3 =	vadd.s32 v0, v4;
	v4 =	vld [tilespmem:$0x1B0]  }
0x1e0: {  	[tilespmem:$0x160] =	vst v3;
	v3 =	vadd.s32 v0, v5;
	v5 =	vld [tilespmem:$0x1C0]  }
0x1e1: {  	[tilespmem:$0x170] =	vst v3;
	v3 =	vadd.s32 v0, v6;
	v6 =	vld [tilespmem:$0x1D0]  }
0x1e2: {  	[tilespmem:$0x180] =	vst v3;
	v3 =	vadd.s32 v0, v7;
	v7 =	vld [tilespmem:$0x1E0]  }
0x1e3: {  	v63 =	vld [tilespmem:$0x1F0];
	[tilespmem:$0x190] =	vst v3;
	v3 =	vadd.s32 v0, v62  }
0x1e4: {  	[tilespmem:$0x1A0] =	vst v3;
	v3 =	vadd.s32 v0, v4  }
0x1e5: {  	[tilespmem:$0x1B0] =	vst v3;
	v3 =	vadd.s32 v0, v5  }
0x1e6: {  	[tilespmem:$0x1C0] =	vst v3;
	v3 =	vadd.s32 v0, v6  }
0x1e7: {  	[tilespmem:$0x1D0] =	vst v3;
	v3 =	vadd.s32 v0, v7  }
0x1e8: {  	[tilespmem:$0x1E0] =	vst v3;
	v3 =	vadd.s32 v0, v63  }
0x1e9: {  	[tilespmem:$0x1F0] =	vst v3  }
0x1ea: {  	[tilespmem:s28], [sflag:$0x4] =	stream.indirect.gather [hbm4b:s8+s14], $0x10, s21, s14, $0xb8;
	[tilespmem:$0x1C400] =	vst v63  }
0x1eb: {  	_ = 	snop  }
0x1ec: {  	[tilespmem:s29], [sflag:$0x4] =	stream.indirect.gather [hbm4b:s8+s14], $0x10, s23, s14, $0xb8;
	[tilespmem:$0x1C400] =	vst v63  }
0x1ed: {  	s3 =	simm.s32 $0x200  }
0x1ee: {  	[spmem:s1] =	stream.indirect.scatter.add.f32 [tilespmem:s18], [sflag:$0x5], $0x10, s3, s14, $0xb8;
	[tilespmem:$0x1C400] =	vst v63  }
0x1ef: {  	_ =	swait.ge [sflag:s11], $0x800  }
0x1f0: {  	[sflag:s11] =	ssyncset.done $0x0  }
0x1f1: {  	p0 =	seq.s32 s0, $0xC3;
	[sflag:s11] =	ssyncadd.s32 $0xFFFFF800  }
0x1f2: {  	[spmem:s1] =	stream.indirect.scatter.add.f32 [tilespmem:s19], [sflag:$0x5], $0x10, s15, s14, $0xb8;
	[tilespmem:$0x1C400] =	vst v63  }
0x1f3: {  	s2 =	sshrl.u32 @!p0 s2, $0x3;
	_ =	swait.ge [sflag:s11], $0x800  }
0x1f4: {  	s10 =	simm.s32 @!p0 $0x0;
	s3 =	sadd.s32 @!p0 $0x40, s2;
	[sflag:s11] =	ssyncset.done $0x0  }
0x1f5: {  	s13 =	simm.s32 @!p0 $0x2400;
	s9 =	sadd.s32 @!p0 s6, s3;
	[sflag:s11] =	ssyncadd.s32 $0xFFFFF800  }
0x1f6: {  	[tilespmem:s13], [sflag:$0x1] =	stream.linear.gather @!p0 [hbm4b:s9+s10], $0x100, $0x38;
	[tilespmem:$0x1C400] =	vst v63  }
0x1f7: {  	s9 =	sadd.s32 @!p0 s4, s3  }
0x1f8: {  	[tilespmem:s10], [sflag:$0x1] =	stream.linear.gather @!p0 [hbm4b:s9+s10], $0x80, $0x38;
	[tilespmem:$0x1C400] =	vst v63  }
0x1f9: {  	s2 =	sadd.s32 @!p0 $0x50, s2;
	s3 =	sadd.s32 @!p0 s5, s3;
	s9 =	simm.s32 @!p0 $0x200  }
0x1fa: {  	[tilespmem:s9], [sflag:$0x1] =	stream.linear.gather @!p0 [hbm4b:s3+s10], $0x80, $0x38;
	[tilespmem:$0x1C400] =	vst v63  }
0x1fb: {  	s16 =	simm.s32 $0x0;
	s3 =	sadd.s32 @!p0 s4, s2;
	s9 =	simm.s32 @!p0 $0x80  }
0x1fc: {  	v3 =	vmov s16;
	[tilespmem:s9], [sflag:$0x1] =	stream.linear.gather @!p0 [hbm4b:s3+s10], $0x80, $0x38;
	[tilespmem:$0x1C400] =	vst v63  }
0x1fd: {  	v3 =	vshrl.u32 v3, $0x3;
	s2 =	sadd.s32 @!p0 s5, s2;
	s3 =	simm.s32 @!p0 $0x280  }
0x1fe: {  	v3 =	vshll.u32 v3, v2;
	[tilespmem:s3], [sflag:$0x1] =	stream.linear.gather @!p0 [hbm4b:s2+s10], $0x80, $0x38;
	[tilespmem:$0x1C400] =	vst v63  }
0x1ff: {  	v3 =	vbroadcast v3, $0x0;
	_ =	swait.ge [sflag:s30], $0x800  }
0x200: {  	[sflag:s30] =	ssyncset.done $0x0  }
0x201: {  	[sflag:s30] =	ssyncadd.s32 $0xFFFFF800  }
0x202: {  	_ =	swait.ge [sflag:s30], $0x800  }
0x203: {  	s10 =	simm.s32 $0x1;
	[sflag:s30] =	ssyncset.done $0x0  }
0x204: {  	v4 =	vmov s10;
	[sflag:s30] =	ssyncadd.s32 $0xFFFFF800  }
0x205: {  	s9 =	simm.s32 $0x1440;
	v4 =	vshrl.u32 v4, $0x3;
	v3 =	vld.idx.msk [tilespmem:v3+s20+$0x0], $0xffff  }
0x206: {  	v4 =	vshll.u32 v4, v2;
	v5 =	vld [tilespmem:s9+$0xFFFFFFC0]  }
0x207: {  	v4 =	vadd.s32 $0x1, v4  }
0x208: {  	v4 =	vbroadcast v4, $0x0;
	_ =	sdelay $0x2  }
0x209: {  	v3 =	vmul.f32 v5, v3  }
0x20a: {  	s13 =	simm.s32 $0x2  }
0x20b: {  	v5 =	vld [tilespmem:s9+$0xFFFFFFD0];
	[tilespmem:s9+$0xFFFFFFC0] =	vst v3;
	v3 =	vmov s13  }
0x20c: {  	v4 =	vld.idx.msk [tilespmem:v4+s20+$0x0], $0xffff;
	v3 =	vshrl.u32 v3, $0x3  }
0x20d: {  	v3 =	vshll.u32 v3, v2  }
0x20e: {  	v3 =	vadd.s32 $0x2, v3  }
0x20f: {  	v3 =	vbroadcast v3, $0x0;
	_ =	sdelay $0x1  }
0x210: {  	v4 =	vmul.f32 v5, v4  }
0x211: {  	s16 =	simm.s32 $0x3  }
0x212: {  	[tilespmem:s9+$0xFFFFFFD0] =	vst v4;
	v4 =	vmov s16  }
0x213: {  	v5 =	vld [tilespmem:s9+$0xFFFFFFE0];
	v4 =	vshrl.u32 v4, $0x3  }
0x214: {  	v3 =	vld.idx.msk [tilespmem:v3+s20+$0x0], $0xffff;
	v4 =	vshll.u32 v4, v2  }
0x215: {  	v4 =	vadd.s32 $0x3, v4  }
0x216: {  	v4 =	vbroadcast v4, $0x0;
	_ =	sdelay $0x2  }
0x217: {  	v3 =	vmul.f32 v5, v3  }
0x218: {  	s3 =	simm.s32 $0x4  }
0x219: {  	v5 =	vld [tilespmem:s9+$0xFFFFFFF0];
	[tilespmem:s9+$0xFFFFFFE0] =	vst v3;
	v3 =	vmov s3  }
0x21a: {  	v4 =	vld.idx.msk [tilespmem:v4+s20+$0x0], $0xffff;
	v3 =	vshrl.u32 v3, $0x3  }
0x21b: {  	v3 =	vshll.u32 v3, v2  }
0x21c: {  	v3 =	vadd.s32 $0x4, v3  }
0x21d: {  	v3 =	vbroadcast v3, $0x0;
	_ =	sdelay $0x1  }
0x21e: {  	v4 =	vmul.f32 v5, v4  }
0x21f: {  	s10 =	simm.s32 $0x5  }
0x220: {  	[tilespmem:s9+$0xFFFFFFF0] =	vst v4;
	v4 =	vmov s10  }
0x221: {  	v5 =	vld [tilespmem:s9+$0x0];
	v4 =	vshrl.u32 v4, $0x3  }
0x222: {  	v3 =	vld.idx.msk [tilespmem:v3+s20+$0x0], $0xffff;
	v4 =	vshll.u32 v4, v2  }
0x223: {  	v4 =	vadd.s32 $0x5, v4  }
0x224: {  	v4 =	vbroadcast v4, $0x0;
	_ =	sdelay $0x2  }
0x225: {  	v3 =	vmul.f32 v5, v3  }
0x226: {  	s13 =	simm.s32 $0x6  }
0x227: {  	v5 =	vld [tilespmem:s9+$0x10];
	[tilespmem:s9+$0x0] =	vst v3;
	v3 =	vmov s13  }
0x228: {  	v4 =	vld.idx.msk [tilespmem:v4+s20+$0x0], $0xffff;
	v3 =	vshrl.u32 v3, $0x3  }
0x229: {  	v3 =	vshll.u32 v3, v2  }
0x22a: {  	v3 =	vadd.s32 $0x6, v3  }
0x22b: {  	v3 =	vbroadcast v3, $0x0;
	_ =	sdelay $0x1  }
0x22c: {  	v4 =	vmul.f32 v5, v4  }
0x22d: {  	s16 =	simm.s32 $0x7  }
0x22e: {  	[tilespmem:s9+$0x10] =	vst v4;
	v4 =	vmov s16  }
0x22f: {  	v5 =	vld [tilespmem:s9+$0x20];
	v4 =	vshrl.u32 v4, $0x3  }
0x230: {  	v3 =	vld.idx.msk [tilespmem:v3+s20+$0x0], $0xffff;
	v4 =	vshll.u32 v4, v2  }
0x231: {  	v4 =	vadd.s32 $0x7, v4  }
0x232: {  	v6 =	vbroadcast v4, $0x0;
	_ =	sdelay $0x2  }
0x233: {  	v3 =	vmul.f32 v5, v3;
	_ =	sdelay $0x1  }
0x234: {  	s3 =	simm.s32 $0x8;
	[tilespmem:s9+$0x20] =	vst v3  }
0x235: {  	s10 =	simm.s32 $0x10;
	v4 =	vmov s3;
	v3 =	vld.idx.msk [tilespmem:v6+s20+$0x0], $0xffff  }
.LBB2_9:
0x236: {  	p0 =	slt.u32 s10, $0x78;
	v4 =	vshrl.u32 v4, $0x3;
	v5 =	vld [tilespmem:s9+$0x30]  }
0x237: {  	v4 =	vshll.u32 v4, v2  }
0x238: {  	v4 =	vbroadcast v4, $0x0;
	_ =	sdelay $0x2  }
0x239: {  	v3 =	vmul.f32 v5, v3  }
0x23a: {  	s2 =	sadd.s32 $0x1, s3  }
0x23b: {  	v5 =	vmov s2;
	s2 =	simm.s32 $0x1C40;
	[tilespmem:s9+$0x30] =	vst v3  }
0x23c: {  	s9 =	sadd.s32 $0x80, s9;
	v3 =	vld.idx.msk [tilespmem:v4+s20+$0x0], $0xffff;
	v4 =	vshrl.u32 v5, $0x3  }
0x23d: {  	v5 =	vld [tilespmem:s9+$0xFFFFFFC0];
	v4 =	vshll.u32 v4, v2  }
0x23e: {  	v4 =	vadd.s32 $0x1, v4  }
0x23f: {  	v4 =	vbroadcast v4, $0x0;
	_ =	sdelay $0x2  }
0x240: {  	v3 =	vmul.f32 v5, v3  }
0x241: {  	s13 =	sadd.s32 $0x2, s3  }
0x242: {  	[tilespmem:s9+$0xFFFFFFC0] =	vst v3;
	v3 =	vmov s13  }
0x243: {  	v4 =	vld.idx.msk [tilespmem:v4+s20+$0x0], $0xffff;
	v3 =	vshrl.u32 v3, $0x3  }
0x244: {  	v5 =	vld [tilespmem:s9+$0xFFFFFFD0];
	v3 =	vshll.u32 v3, v2  }
0x245: {  	v3 =	vadd.s32 $0x2, v3  }
0x246: {  	v3 =	vbroadcast v3, $0x0;
	_ =	sdelay $0x2  }
0x247: {  	v4 =	vmul.f32 v5, v4  }
0x248: {  	s13 =	sadd.s32 $0x3, s3  }
0x249: {  	[tilespmem:s9+$0xFFFFFFD0] =	vst v4;
	v4 =	vmov s13  }
0x24a: {  	v3 =	vld.idx.msk [tilespmem:v3+s20+$0x0], $0xffff;
	v4 =	vshrl.u32 v4, $0x3  }
0x24b: {  	v5 =	vld [tilespmem:s9+$0xFFFFFFE0];
	v4 =	vshll.u32 v4, v2  }
0x24c: {  	v4 =	vadd.s32 $0x3, v4  }
0x24d: {  	v4 =	vbroadcast v4, $0x0;
	_ =	sdelay $0x2  }
0x24e: {  	v3 =	vmul.f32 v5, v3  }
0x24f: {  	s13 =	sadd.s32 $0x4, s3  }
0x250: {  	[tilespmem:s9+$0xFFFFFFE0] =	vst v3;
	v3 =	vmov s13  }
0x251: {  	v4 =	vld.idx.msk [tilespmem:v4+s20+$0x0], $0xffff;
	v3 =	vshrl.u32 v3, $0x3  }
0x252: {  	v5 =	vld [tilespmem:s9+$0xFFFFFFF0];
	v3 =	vshll.u32 v3, v2  }
0x253: {  	v3 =	vadd.s32 $0x4, v3  }
0x254: {  	v3 =	vbroadcast v3, $0x0;
	_ =	sdelay $0x2  }
0x255: {  	v4 =	vmul.f32 v5, v4  }
0x256: {  	s13 =	sadd.s32 $0x5, s3  }
0x257: {  	[tilespmem:s9+$0xFFFFFFF0] =	vst v4;
	v4 =	vmov s13  }
0x258: {  	v3 =	vld.idx.msk [tilespmem:v3+s20+$0x0], $0xffff;
	v4 =	vshrl.u32 v4, $0x3  }
0x259: {  	v5 =	vld [tilespmem:s9+$0x0];
	v4 =	vshll.u32 v4, v2  }
0x25a: {  	v4 =	vadd.s32 $0x5, v4  }
0x25b: {  	v4 =	vbroadcast v4, $0x0;
	_ =	sdelay $0x2  }
0x25c: {  	v3 =	vmul.f32 v5, v3  }
0x25d: {  	s13 =	sadd.s32 $0x6, s3  }
0x25e: {  	[tilespmem:s9+$0x0] =	vst v3;
	v3 =	vmov s13  }
0x25f: {  	v4 =	vld.idx.msk [tilespmem:v4+s20+$0x0], $0xffff;
	v3 =	vshrl.u32 v3, $0x3  }
0x260: {  	v5 =	vld [tilespmem:s9+$0x10];
	v3 =	vshll.u32 v3, v2  }
0x261: {  	v3 =	vadd.s32 $0x6, v3  }
0x262: {  	v3 =	vbroadcast v3, $0x0;
	_ =	sdelay $0x2  }
0x263: {  	v4 =	vmul.f32 v5, v4  }
0x264: {  	s13 =	sadd.s32 $0x7, s3;
	s3 =	smov.u32 s10  }
0x265: {  	[tilespmem:s9+$0x10] =	vst v4;
	v4 =	vmov s13  }
0x266: {  	v3 =	vld.idx.msk [tilespmem:v3+s20+$0x0], $0xffff;
	v4 =	vshrl.u32 v4, $0x3  }
0x267: {  	v5 =	vld [tilespmem:s9+$0x20];
	v4 =	vshll.u32 v4, v2  }
0x268: {  	v4 =	vadd.s32 $0x7, v4  }
0x269: {  	v6 =	vbroadcast v4, $0x0;
	_ =	sdelay $0x1  }
.Ltmp3:
0x26a: {  	(pc) =	sbr.rel @p0 .LBB2_9-.Ltmp3, $3  }
0x26b: {  	v3 =	vmul.f32 v5, v3;
	_ =	sdelay $0x1  }
0x26c: {  	[tilespmem:s9+$0x20] =	vst v3  }
0x26d: {  	s10 =	sadd.s32 $0x8, s10;
	v4 =	vmov s3;
	v3 =	vld.idx.msk [tilespmem:v6+s20+$0x0], $0xffff  }
0x26e: {  	v4 =	vshrl.u32 v4, $0x3;
	v5 =	vld [tilespmem:s9+$0x30]  }
0x26f: {  	v4 =	vshll.u32 v4, v2  }
0x270: {  	v4 =	vbroadcast v4, $0x0;
	_ =	sdelay $0x2  }
0x271: {  	v3 =	vmul.f32 v5, v3  }
0x272: {  	s10 =	sadd.s32 $0x1, s3  }
0x273: {  	v5 =	vmov s10;
	[tilespmem:s9+$0x30] =	vst v3  }
0x274: {  	s9 =	sadd.s32 $0x80, s9;
	v3 =	vld.idx.msk [tilespmem:v4+s20+$0x0], $0xffff;
	v4 =	vshrl.u32 v5, $0x3  }
0x275: {  	v5 =	vld [tilespmem:s9+$0xFFFFFFC0];
	v4 =	vshll.u32 v4, v2  }
0x276: {  	v4 =	vadd.s32 $0x1, v4  }
0x277: {  	v4 =	vbroadcast v4, $0x0;
	_ =	sdelay $0x2  }
0x278: {  	v3 =	vmul.f32 v5, v3  }
0x279: {  	s16 =	sadd.s32 $0x2, s3  }
0x27a: {  	v5 =	vld [tilespmem:s9+$0xFFFFFFD0];
	[tilespmem:s9+$0xFFFFFFC0] =	vst v3;
	v3 =	vmov s16  }
0x27b: {  	v3 =	vshrl.u32 v3, $0x3;
	v4 =	vld.idx.msk [tilespmem:v4+s20+$0x0], $0xffff  }
0x27c: {  	v3 =	vshll.u32 v3, v2  }
0x27d: {  	v3 =	vadd.s32 $0x2, v3  }
0x27e: {  	v3 =	vbroadcast v3, $0x0;
	_ =	sdelay $0x1  }
0x27f: {  	v4 =	vmul.f32 v5, v4  }
0x280: {  	s13 =	sadd.s32 $0x3, s3  }
0x281: {  	[tilespmem:s9+$0xFFFFFFD0] =	vst v4;
	v4 =	vmov s13  }
0x282: {  	v5 =	vld [tilespmem:s9+$0xFFFFFFE0];
	v4 =	vshrl.u32 v4, $0x3  }
0x283: {  	v3 =	vld.idx.msk [tilespmem:v3+s20+$0x0], $0xffff;
	v4 =	vshll.u32 v4, v2  }
0x284: {  	v4 =	vadd.s32 $0x3, v4  }
0x285: {  	v4 =	vbroadcast v4, $0x0;
	_ =	sdelay $0x2  }
0x286: {  	v3 =	vmul.f32 v5, v3  }
0x287: {  	s16 =	sadd.s32 $0x4, s3  }
0x288: {  	v5 =	vld [tilespmem:s9+$0xFFFFFFF0];
	[tilespmem:s9+$0xFFFFFFE0] =	vst v3;
	v3 =	vmov s16  }
0x289: {  	v3 =	vshrl.u32 v3, $0x3;
	v4 =	vld.idx.msk [tilespmem:v4+s20+$0x0], $0xffff  }
0x28a: {  	v3 =	vshll.u32 v3, v2  }
0x28b: {  	v3 =	vadd.s32 $0x4, v3  }
0x28c: {  	v3 =	vbroadcast v3, $0x0;
	_ =	sdelay $0x1  }
0x28d: {  	v4 =	vmul.f32 v5, v4  }
0x28e: {  	s13 =	sadd.s32 $0x5, s3  }
0x28f: {  	[tilespmem:s9+$0xFFFFFFF0] =	vst v4;
	v4 =	vmov s13  }
0x290: {  	v5 =	vld [tilespmem:s9+$0x0];
	v4 =	vshrl.u32 v4, $0x3  }
0x291: {  	v3 =	vld.idx.msk [tilespmem:v3+s20+$0x0], $0xffff;
	v4 =	vshll.u32 v4, v2  }
0x292: {  	v4 =	vadd.s32 $0x5, v4  }
0x293: {  	v4 =	vbroadcast v4, $0x0;
	_ =	sdelay $0x2  }
0x294: {  	v3 =	vmul.f32 v5, v3  }
0x295: {  	s16 =	sadd.s32 $0x6, s3  }
0x296: {  	v5 =	vld [tilespmem:s9+$0x10];
	[tilespmem:s9+$0x0] =	vst v3;
	v3 =	vmov s16  }
0x297: {  	v3 =	vshrl.u32 v3, $0x3;
	v4 =	vld.idx.msk [tilespmem:v4+s20+$0x0], $0xffff  }
0x298: {  	v3 =	vshll.u32 v3, v2  }
0x299: {  	v3 =	vadd.s32 $0x6, v3  }
0x29a: {  	v3 =	vbroadcast v3, $0x0;
	_ =	sdelay $0x1  }
0x29b: {  	v4 =	vmul.f32 v5, v4  }
0x29c: {  	s13 =	sadd.s32 $0x7, s3  }
0x29d: {  	[tilespmem:s9+$0x10] =	vst v4;
	v4 =	vmov s13  }
0x29e: {  	v5 =	vld [tilespmem:s9+$0x20];
	v4 =	vshrl.u32 v4, $0x3  }
0x29f: {  	v3 =	vld.idx.msk [tilespmem:v3+s20+$0x0], $0xffff;
	v4 =	vshll.u32 v4, v2  }
0x2a0: {  	v4 =	vadd.s32 $0x7, v4  }
0x2a1: {  	v4 =	vbroadcast v4, $0x0;
	_ =	sdelay $0x2  }
0x2a2: {  	v3 =	vmul.f32 v5, v3;
	_ =	sdelay $0x1  }
0x2a3: {  	s16 =	simm.s32 $0x80;
	v5 =	vld [tilespmem:s9+$0x30];
	[tilespmem:s9+$0x20] =	vst v3  }
0x2a4: {  	v3 =	vld.idx.msk [tilespmem:v4+s20+$0x0], $0xffff;
	v4 =	vmov s16  }
0x2a5: {  	v4 =	vshrl.u32 v4, $0x3  }
0x2a6: {  	v4 =	vshll.u32 v4, v2  }
0x2a7: {  	v4 =	vbroadcast v4, $0x0;
	_ =	sdelay $0x1  }
0x2a8: {  	v3 =	vmul.f32 v5, v3  }
0x2a9: {  	s10 =	simm.s32 $0x81  }
0x2aa: {  	[tilespmem:s9+$0x30] =	vst v3;
	v3 =	vmov s10  }
0x2ab: {  	v3 =	vshrl.u32 v3, $0x3;
	v5 =	vld [tilespmem:s2+$0xFFFFFFC0]  }
0x2ac: {  	v4 =	vld.idx.msk [tilespmem:v4+s20+$0x0], $0xffff;
	v3 =	vshll.u32 v3, v2  }
0x2ad: {  	v3 =	vadd.s32 $0x1, v3  }
0x2ae: {  	v3 =	vbroadcast v3, $0x0;
	_ =	sdelay $0x2  }
0x2af: {  	v4 =	vmul.f32 v5, v4  }
0x2b0: {  	s13 =	simm.s32 $0x82  }
0x2b1: {  	v5 =	vld [tilespmem:s2+$0xFFFFFFD0];
	[tilespmem:s2+$0xFFFFFFC0] =	vst v4;
	v4 =	vmov s13  }
0x2b2: {  	v3 =	vld.idx.msk [tilespmem:v3+s20+$0x0], $0xffff;
	v4 =	vshrl.u32 v4, $0x3  }
0x2b3: {  	v4 =	vshll.u32 v4, v2  }
0x2b4: {  	v4 =	vadd.s32 $0x2, v4  }
0x2b5: {  	v4 =	vbroadcast v4, $0x0;
	_ =	sdelay $0x1  }
0x2b6: {  	v3 =	vmul.f32 v5, v3  }
0x2b7: {  	s16 =	simm.s32 $0x83  }
0x2b8: {  	[tilespmem:s2+$0xFFFFFFD0] =	vst v3;
	v3 =	vmov s16  }
0x2b9: {  	v5 =	vld [tilespmem:s2+$0xFFFFFFE0];
	v3 =	vshrl.u32 v3, $0x3  }
0x2ba: {  	v4 =	vld.idx.msk [tilespmem:v4+s20+$0x0], $0xffff;
	v3 =	vshll.u32 v3, v2  }
0x2bb: {  	v3 =	vadd.s32 $0x3, v3  }
0x2bc: {  	v3 =	vbroadcast v3, $0x0;
	_ =	sdelay $0x2  }
0x2bd: {  	v4 =	vmul.f32 v5, v4  }
0x2be: {  	s9 =	simm.s32 $0x84  }
0x2bf: {  	v5 =	vld [tilespmem:s2+$0xFFFFFFF0];
	[tilespmem:s2+$0xFFFFFFE0] =	vst v4;
	v4 =	vmov s9  }
0x2c0: {  	v3 =	vld.idx.msk [tilespmem:v3+s20+$0x0], $0xffff;
	v4 =	vshrl.u32 v4, $0x3  }
0x2c1: {  	v4 =	vshll.u32 v4, v2  }
0x2c2: {  	v4 =	vadd.s32 $0x4, v4  }
0x2c3: {  	v4 =	vbroadcast v4, $0x0;
	_ =	sdelay $0x1  }
0x2c4: {  	v3 =	vmul.f32 v5, v3  }
0x2c5: {  	s10 =	simm.s32 $0x85  }
0x2c6: {  	[tilespmem:s2+$0xFFFFFFF0] =	vst v3;
	v3 =	vmov s10  }
0x2c7: {  	v5 =	vld [tilespmem:s2+$0x0];
	v3 =	vshrl.u32 v3, $0x3  }
0x2c8: {  	v4 =	vld.idx.msk [tilespmem:v4+s20+$0x0], $0xffff;
	v3 =	vshll.u32 v3, v2  }
0x2c9: {  	v3 =	vadd.s32 $0x5, v3  }
0x2ca: {  	v3 =	vbroadcast v3, $0x0;
	_ =	sdelay $0x2  }
0x2cb: {  	v4 =	vmul.f32 v5, v4  }
0x2cc: {  	s13 =	simm.s32 $0x86  }
0x2cd: {  	v5 =	vld [tilespmem:s2+$0x10];
	[tilespmem:s2+$0x0] =	vst v4;
	v4 =	vmov s13  }
0x2ce: {  	v3 =	vld.idx.msk [tilespmem:v3+s20+$0x0], $0xffff;
	v4 =	vshrl.u32 v4, $0x3  }
0x2cf: {  	v4 =	vshll.u32 v4, v2  }
0x2d0: {  	v4 =	vadd.s32 $0x6, v4  }
0x2d1: {  	v4 =	vbroadcast v4, $0x0;
	_ =	sdelay $0x1  }
0x2d2: {  	v3 =	vmul.f32 v5, v3  }
0x2d3: {  	s16 =	simm.s32 $0x87  }
0x2d4: {  	[tilespmem:s2+$0x10] =	vst v3;
	v3 =	vmov s16  }
0x2d5: {  	v5 =	vld [tilespmem:s2+$0x20];
	v3 =	vshrl.u32 v3, $0x3  }
0x2d6: {  	v4 =	vld.idx.msk [tilespmem:v4+s20+$0x0], $0xffff;
	v3 =	vshll.u32 v3, v2  }
0x2d7: {  	v3 =	vadd.s32 $0x7, v3  }
0x2d8: {  	v3 =	vbroadcast v3, $0x0;
	_ =	sdelay $0x2  }
0x2d9: {  	s3 =	simm.s32 $0x0;
	v4 =	vmul.f32 v5, v4  }
.LBB2_11:
0x2da: {  	_ = 	snop  }
0x2db: {  	s10 =	sadd.s32 $0x88, s3;
	s9 =	smov.u32 s3;
	s3 =	sadd.s32 $0x8, s3;
	[tilespmem:s2+$0x20] =	vst v4  }
0x2dc: {  	v4 =	vmov s10;
	p0 =	slt.u32 s3, $0x78;
	v3 =	vld.idx.msk [tilespmem:v3+s20+$0x0], $0xffff  }
0x2dd: {  	v4 =	vshrl.u32 v4, $0x3;
	v5 =	vld [tilespmem:s2+$0x30]  }
0x2de: {  	v4 =	vshll.u32 v4, v2  }
0x2df: {  	v4 =	vbroadcast v4, $0x0;
	_ =	sdelay $0x2  }
0x2e0: {  	v3 =	vmul.f32 v5, v3  }
0x2e1: {  	s10 =	sadd.s32 $0x89, s9  }
0x2e2: {  	v5 =	vmov s10;
	[tilespmem:s2+$0x30] =	vst v3  }
0x2e3: {  	s2 =	sadd.s32 $0x80, s2;
	v3 =	vld.idx.msk [tilespmem:v4+s20+$0x0], $0xffff;
	v4 =	vshrl.u32 v5, $0x3  }
0x2e4: {  	v5 =	vld [tilespmem:s2+$0xFFFFFFC0];
	v4 =	vshll.u32 v4, v2  }
0x2e5: {  	v4 =	vadd.s32 $0x1, v4  }
0x2e6: {  	v4 =	vbroadcast v4, $0x0;
	_ =	sdelay $0x2  }
0x2e7: {  	v3 =	vmul.f32 v5, v3  }
0x2e8: {  	s10 =	sadd.s32 $0x8A, s9  }
0x2e9: {  	[tilespmem:s2+$0xFFFFFFC0] =	vst v3;
	v3 =	vmov s10  }
0x2ea: {  	v4 =	vld.idx.msk [tilespmem:v4+s20+$0x0], $0xffff;
	v3 =	vshrl.u32 v3, $0x3  }
0x2eb: {  	v5 =	vld [tilespmem:s2+$0xFFFFFFD0];
	v3 =	vshll.u32 v3, v2  }
0x2ec: {  	v3 =	vadd.s32 $0x2, v3  }
0x2ed: {  	v3 =	vbroadcast v3, $0x0;
	_ =	sdelay $0x2  }
0x2ee: {  	v4 =	vmul.f32 v5, v4  }
0x2ef: {  	s10 =	sadd.s32 $0x8B, s9  }
0x2f0: {  	[tilespmem:s2+$0xFFFFFFD0] =	vst v4;
	v4 =	vmov s10  }
0x2f1: {  	v3 =	vld.idx.msk [tilespmem:v3+s20+$0x0], $0xffff;
	v4 =	vshrl.u32 v4, $0x3  }
0x2f2: {  	v5 =	vld [tilespmem:s2+$0xFFFFFFE0];
	v4 =	vshll.u32 v4, v2  }
0x2f3: {  	v4 =	vadd.s32 $0x3, v4  }
0x2f4: {  	v4 =	vbroadcast v4, $0x0;
	_ =	sdelay $0x2  }
0x2f5: {  	v3 =	vmul.f32 v5, v3  }
0x2f6: {  	s10 =	sadd.s32 $0x8C, s9  }
0x2f7: {  	[tilespmem:s2+$0xFFFFFFE0] =	vst v3;
	v3 =	vmov s10  }
0x2f8: {  	v4 =	vld.idx.msk [tilespmem:v4+s20+$0x0], $0xffff;
	v3 =	vshrl.u32 v3, $0x3  }
0x2f9: {  	v5 =	vld [tilespmem:s2+$0xFFFFFFF0];
	v3 =	vshll.u32 v3, v2  }
0x2fa: {  	v3 =	vadd.s32 $0x4, v3  }
0x2fb: {  	v3 =	vbroadcast v3, $0x0;
	_ =	sdelay $0x2  }
0x2fc: {  	v4 =	vmul.f32 v5, v4  }
0x2fd: {  	s10 =	sadd.s32 $0x8D, s9  }
0x2fe: {  	[tilespmem:s2+$0xFFFFFFF0] =	vst v4;
	v4 =	vmov s10  }
0x2ff: {  	v3 =	vld.idx.msk [tilespmem:v3+s20+$0x0], $0xffff;
	v4 =	vshrl.u32 v4, $0x3  }
0x300: {  	v5 =	vld [tilespmem:s2+$0x0];
	v4 =	vshll.u32 v4, v2  }
0x301: {  	v4 =	vadd.s32 $0x5, v4  }
0x302: {  	v4 =	vbroadcast v4, $0x0;
	_ =	sdelay $0x2  }
0x303: {  	v3 =	vmul.f32 v5, v3  }
0x304: {  	s10 =	sadd.s32 $0x8E, s9  }
0x305: {  	[tilespmem:s2+$0x0] =	vst v3;
	v3 =	vmov s10  }
0x306: {  	v4 =	vld.idx.msk [tilespmem:v4+s20+$0x0], $0xffff;
	v3 =	vshrl.u32 v3, $0x3  }
0x307: {  	v5 =	vld [tilespmem:s2+$0x10];
	v3 =	vshll.u32 v3, v2  }
0x308: {  	v3 =	vadd.s32 $0x6, v3  }
0x309: {  	v3 =	vbroadcast v3, $0x0;
	_ =	sdelay $0x2  }
0x30a: {  	v4 =	vmul.f32 v5, v4  }
0x30b: {  	s9 =	sadd.s32 $0x8F, s9  }
0x30c: {  	[tilespmem:s2+$0x10] =	vst v4;
	v4 =	vmov s9  }
0x30d: {  	v5 =	vld.idx.msk [tilespmem:v3+s20+$0x0], $0xffff;
	v3 =	vshrl.u32 v4, $0x3  }
0x30e: {  	v4 =	vld [tilespmem:s2+$0x20];
	v3 =	vshll.u32 v3, v2  }
.Ltmp4:
0x30f: {  	v3 =	vadd.s32 $0x7, v3;
	(pc) =	sbr.rel @p0 .LBB2_11-.Ltmp4, $2  }
0x310: {  	v3 =	vbroadcast v3, $0x0;
	_ =	sdelay $0x2  }
0x311: {  	v4 =	vmul.f32 v4, v5  }
0x312: {  	_ =	sdelay $0x2  }
0x313: {  	v63 =	vld [tilespmem:s2+$0x30];
	[tilespmem:s2+$0x20] =	vst v4  }
0x314: {  	v3 =	vld.idx.msk [tilespmem:v3+s20+$0x0], $0xffff;
	_ =	sdelay $0x4  }
0x315: {  	v3 =	vmul.f32 v63, v3;
	_ =	sdelay $0x1  }
0x316: {  	[tilespmem:s2+$0x30] =	vst v3  }
0x317: {  	[spmem:s1] =	stream.indirect.scatter.add.f32 [tilespmem:s28], [sflag:$0x5], $0x10, s22, s14, $0xb8;
	[tilespmem:$0x1C400] =	vst v63  }
0x318: {  	s0 =	sadd.s32 $0x1, s0;
	_ =	swait.ge [sflag:s11], $0x800  }
0x319: {  	p0 =	sne.s32 s0, $0xC4;
	[sflag:s11] =	ssyncset.done $0x0  }
.Ltmp5:
0x31a: {  	[sflag:s11] =	ssyncadd.s32 $0xFFFFF800;
	(pc) =	sbr.rel @p0 .LBB2_4-.Ltmp5, $4  }
0x31b: {  	[spmem:s1] =	stream.indirect.scatter.add.f32 [tilespmem:s29], [sflag:$0x5], $0x10, s24, s14, $0xb8;
	[tilespmem:$0x1C400] =	vst v63  }
0x31c: {  	_ =	swait.ge [sflag:s11], $0x800  }
0x31d: {  	[sflag:s11] =	ssyncset.done $0x0  }
0x31e: {  	[sflag:s11] =	ssyncadd.s32 $0xFFFFF800  }
0x31f: {  	s0 =	stileid.u32;
	[bflag:$0x0] =	sbarrier.arrive $0xFFFF  }
0x320: {  	s0 =	sshll.u32 s0, $0x6;
	s2 =	rddreg [dreg:$0x9]  }
0x321: {  	s3 =	rddreg [dreg:$0x13];
	s0 =	sor.u32 $0x1C05, s0  }
0x322: {  	[hbm:s2], [sflag:s0] =	dma.local [spmem:s3], $0x30E0  }
0x323: {  	_ =	swait.ge [sflag:s11], $0x30E0  }
0x324: {  	s13 =	rddreg [dreg:$0x3]  }
0x325: {  	s16 =	rddreg [dreg:$0xa];
	s13 =	sadd.s32 $0x1, s13  }
0x326: {  	p0 =	sne.s32 s13, s16  }
.Ltmp6:
0x327: {  	_ = 	snop;
	(pc) =	sbr.rel @p0 .LBB2_1-.Ltmp6, $3  }
0x328: {  	_ =	sdelay $0x1  }
0x329: {  	[sflag:s11] =	ssyncset.done $0x0  }
0x32a: {  	[sflag:s11] =	ssyncadd.s32 $0xFFFFCF20  }
0x32b: {  	_ =	sfence.sel $0x180000  }
0x32c: {  	[bflag:$0x0] =	sbarrier.arrive $0xFFFF  }
0x32d: {  	_ =	strace $0x9000004A  }
0x32e: {  	s0 =	stileid.u32;
	[bflag:$0x2] =	sbarrier.arrive $0xFFFF  }
0x32f: {  	p0 =	sne.s32 s0, $0x0;
	s0 =	rddreg [dreg:$0x2]  }
0x330: {  	s0 =	sadd.s32 @!p0 $0x100000, s0  }
0x331: {  	[sflag:s0] =	ssyncadd.tile.s32 @!p0 $0x1;
	_ =	shalt  }
.Lfunc_end2:
_tile_overlayer_lowered:
.L_overlay_start_2:
0x332: {  	(tag) =	ssettag $0x2  }
0x333: {  	s0 =	rddreg [dreg:$0x0];
	s2 =	stileid.u32  }
0x334: {  	s1 =	rddreg [dreg:$0x1];
	p0 =	sne.s32 s2, $0x0  }
0x335: {  	s3 =	rddreg [dreg:$0x2];
	[bflag:$0x3] =	sbarrier.arrive $0xFFFF;
	s2 =	simm.s32 @!p0 $0x1C05  }
0x336: {  	[timem:s3], [sflag:s2] =	dma.local @!p0 [hbm:s0], s1  }
0x337: {  	s0 =	simm.s32 @!p0 $0x5  }
0x338: {  	_ =	swait.ge @!p0 [sflag:s0], s1  }
0x339: {  	s1 =	ssub.s32 @!p0 $0x0, s1;
	[sflag:s0] =	ssyncset.done @!p0 $0x0  }
0x33a: {  	[sflag:s0] =	ssyncadd.s32 @!p0 s1  }
0x33b: {  	[bflag:$0x3] =	sbarrier.arrive $0xFFFF  }
0x33c: {  	_ =	shalt  }

// kernel: kernel.7.cloned.1.call-start
scs
__scs_entry_jumppad:
0x0: {  	(pc) =	sbr.rel $0x88, $3  }
0x1: {  	(tag) =	ssettag $0x0;
	lr =	simm.s32 $0x1  }
0x2: {  	[smem:$0x3F91] =	sst lr;
	_ =	strace $0xD0000000  }
0x3: {  	_ = 	snop  }
0x4: {  	_ = 	snop  }
0x5: {  	_ = 	snop  }
0x6: {  	_ = 	snop  }
0x7: {  	_ = 	snop  }
__scs_overlays_trampoline_lowered:
0x8: {  	[smem:$0x3FA0] =	sst s0  }
0x9: {  	[smem:$0x3FA1] =	sst s1  }
0xa: {  	[smem:$0x3FA2] =	sst s2  }
0xb: {  	[smem:$0x3FA3] =	sst s3  }
0xc: {  	[smem:$0x3FA4] =	sst s4  }
0xd: {  	[smem:$0x3FA5] =	sst s5  }
0xe: {  	[smem:$0x3FA6] =	sst s6  }
0xf: {  	[smem:$0x3FA7] =	sst s7  }
0x10: {  	[smem:$0x3FA8] =	sst s8  }
0x11: {  	[smem:$0x3FA9] =	sst s9;
	s0 =	simm.s32 @!p0 $0x0  }
0x12: {  	s1 =	sld [smem:$0x3F8F];
	s0 =	simm.s32 @p0 $0x1  }
0x13: {  	[smem:$0x3FAA] =	sst s0;
	s0 =	simm.s32 @!p1 $0x0  }
0x14: {  	s2 =	sld [smem:$0x3F8E];
	s0 =	simm.s32 @p1 $0x1  }
0x15: {  	[smem:$0x3FAB] =	sst s0;
	s0 =	simm.s32 @!p2 $0x0  }
0x16: {  	s3 =	sld [smem:$0x3FDB];
	s0 =	simm.s32 @p2 $0x1  }
0x17: {  	s4 =	simm.s32 $0x1BF5;
	[smem:$0x3FAD] =	sst s0  }
0x18: {  	s0 =	sld [smem:$0x3F90];
	_ =	swait.ge [sflag:s4], $0x0  }
0x19: {  	s7 =	sld [smem:$0x3F91]  }
0x1a: {  	s8 =	sadd.s32 $0xFFFFE003, lr  }
0x1b: {  	s9 =	sadd.s32 $0xFFFFFEF7, lr;
	s5 =	simm.s32 $0xFFFFFFFF;
	p2 =	slt.u32 s8, $0xFFFFF086  }
0x1c: {  	p1 =	slt.u32 s9, $0xF7A;
	s5 =	simm.s32 @!p2 $0x0  }
0x1d: {  	s5 =	simm.s32 @p1 $0x1;
	p0 =	seq.s32 s7, s2  }
0x1e: {  	s7 =	smul.u32 @!p0 $0xF7A, s2;
	p2 =	seq.s32 @!p0 s5, $0x0  }
0x1f: {  	s9 =	smul.u32 $0xF7A, s1;
	s8 =	simm.s32 @!p0 $0x1BF5;
	p2 =	por !p2, p0  }
0x20: {  	[sflag:s8] =	ssyncset.s32 @!p0 $0xFFFFF086;
	s6 =	sadd.s32 @!p0 s3, s7;
	s7 =	simm.s32 @!p0 $0x108  }
0x21: {  	s3 =	sadd.s32 s3, s9;
	s6 =	sadd.s32 @!p0 $0x88, s6;
	s7 =	simm.s32 @p2 $0x1082  }
0x22: {  	[simem:s7], [sflag:s8] =	dma.local @!p0 [hbm:s6], $0xF7A  }
0x23: {  	s9 =	sor.u32 $0xD0000000, s2;
	s6 =	simm.s32 $0x108;
	_ =	swait.ge @!p0 [sflag:s8], $0x0  }
0x24: {  	s3 =	sadd.s32 $0x88, s3;
	s6 =	simm.s32 @!p1 $0x1082;
	[sflag:s4] =	ssyncset.s32 $0xFFFFF086  }
0x25: {  	[simem:s6], [sflag:s4] =	dma.local [hbm:s3], $0xF7A  }
0x26: {  	[smem:$0x3F91] =	sst s1;
	(tag) =	ssettag s2;
	_ =	strace s9  }
0x27: {  	s1 =	sld [smem:$0x3FA1]  }
0x28: {  	s2 =	sld [smem:$0x3FA2]  }
0x29: {  	s4 =	sld [smem:$0x3FA4]  }
0x2a: {  	p0 =	seq.s32 s5, $0x0;
	s5 =	sld [smem:$0x3FA5]  }
0x2b: {  	s6 =	sld [smem:$0x3FA6]  }
0x2c: {  	s7 =	sld [smem:$0x3FA7]  }
0x2d: {  	s3 =	simm.s32 $0x108;
	s8 =	sld [smem:$0x3FA8]  }
0x2e: {  	s3 =	simm.s32 @!p0 $0x1082;
	s9 =	sld [smem:$0x3FA9]  }
0x2f: {  	lr =	sadd.s32 s0, s3;
	s0 =	sld [smem:$0x3FA0]  }
0x30: {  	s3 =	sld [smem:$0x3FA3]  }
0x31: {  	[smem:$0x3FAC] =	sst s10  }
0x32: {  	s10 =	sld [smem:$0x3FAA];
	_ =	sdelay $0x3  }
0x33: {  	p0 =	seq.s32 s10, $0x1;
	s10 =	sld [smem:$0x3FAC];
	_ =	sdelay $0x3  }
0x34: {  	[smem:$0x3FAC] =	sst s10  }
0x35: {  	s10 =	sld [smem:$0x3FAB];
	_ =	sdelay $0x3  }
0x36: {  	p1 =	seq.s32 s10, $0x1;
	s10 =	sld [smem:$0x3FAC];
	_ =	sdelay $0x3  }
0x37: {  	[smem:$0x3FAC] =	sst s10  }
0x38: {  	s10 =	sld [smem:$0x3FAD]  }
0x39: {  	_ = 	snop;
	(pc) =	sbr.ind lr, $3  }
0x3a: {  	_ = 	snop  }
0x3b: {  	_ = 	snop  }
0x3c: {  	p2 =	seq.s32 s10, $0x1;
	s10 =	sld [smem:$0x3FAC]  }
0x3d: {  	_ =	shalt  }
0x3e: {  	_ =	shalt  }
0x3f: {  	_ =	shalt  }
0x40: {  	_ =	shalt  }
0x41: {  	_ =	shalt  }
0x42: {  	_ =	shalt  }
0x43: {  	_ =	shalt  }
0x44: {  	_ =	shalt  }
0x45: {  	_ =	shalt  }
0x46: {  	_ =	shalt  }
0x47: {  	_ =	shalt  }
0x48: {  	_ =	shalt  }
0x49: {  	_ =	shalt  }
0x4a: {  	_ =	shalt  }
0x4b: {  	_ =	shalt  }
0x4c: {  	_ =	shalt  }
0x4d: {  	_ =	shalt  }
0x4e: {  	_ =	shalt  }
0x4f: {  	_ =	shalt  }
0x50: {  	_ =	shalt  }
0x51: {  	_ =	shalt  }
0x52: {  	_ =	shalt  }
0x53: {  	_ =	shalt  }
0x54: {  	_ =	shalt  }
0x55: {  	_ =	shalt  }
0x56: {  	_ =	shalt  }
0x57: {  	_ =	shalt  }
0x58: {  	_ =	shalt  }
0x59: {  	_ =	shalt  }
0x5a: {  	_ =	shalt  }
0x5b: {  	_ =	shalt  }
0x5c: {  	_ =	shalt  }
0x5d: {  	_ =	shalt  }
0x5e: {  	_ =	shalt  }
0x5f: {  	_ =	shalt  }
0x60: {  	_ =	shalt  }
0x61: {  	_ =	shalt  }
0x62: {  	_ =	shalt  }
0x63: {  	_ =	shalt  }
0x64: {  	_ =	shalt  }
0x65: {  	_ =	shalt  }
0x66: {  	_ =	shalt  }
0x67: {  	_ =	shalt  }
0x68: {  	_ =	shalt  }
0x69: {  	_ =	shalt  }
0x6a: {  	_ =	shalt  }
0x6b: {  	_ =	shalt  }
0x6c: {  	_ =	shalt  }
0x6d: {  	_ =	shalt  }
0x6e: {  	_ =	shalt  }
0x6f: {  	_ =	shalt  }
0x70: {  	_ =	shalt  }
0x71: {  	_ =	shalt  }
0x72: {  	_ =	shalt  }
0x73: {  	_ =	shalt  }
0x74: {  	_ =	shalt  }
0x75: {  	_ =	shalt  }
0x76: {  	_ =	shalt  }
0x77: {  	_ =	shalt  }
0x78: {  	_ =	shalt  }
0x79: {  	_ =	shalt  }
0x7a: {  	_ =	shalt  }
0x7b: {  	_ =	shalt  }
0x7c: {  	_ =	shalt  }
0x7d: {  	_ =	shalt  }
0x7e: {  	_ =	shalt  }
0x7f: {  	_ =	shalt  }
0x80: {  	_ =	shalt  }
0x81: {  	_ =	shalt  }
0x82: {  	_ =	shalt  }
0x83: {  	_ =	shalt  }
0x84: {  	_ =	shalt  }
0x85: {  	_ =	shalt  }
0x86: {  	_ =	shalt  }
0x87: {  	_ =	shalt  }
.Lfunc_end0:
.L_simem_size_0:
called_computation_lowered:
.L_overlay_start_0:
0x88: {  	s2 =	sld [smem:$0x3FD9]  }
0x89: {  	s3 =	sld [smem:$0x3FFE];
	_ =	sdelay $0x1  }
0x8a: {  	s1 =	srdreg.scid  }
0x8b: {  	s0 =	sand.u32 $0x1, s1  }
0x8c: {  	s16 =	sshll.u32 s0, $0xA;
	s2 =	sadd.s32 s3, s2  }
0x8d: {  	s2 =	sadd.s32 s2, s16  }
0x8e: {  	[smem:$0x3FB8] =	sst s2  }
0x8f: {  	_ = 	snop  }
0x90: {  	(tm) =	ssettm $0x1  }
0x91: {  	s17 =	sld [smem:$0x3FFB];
	_ =	sdelay $0x3  }
0x92: {  	_ =	strace s17  }
0x93: {  	s2 =	sld [smem:$0x3FFC];
	_ =	sdelay $0x3  }
0x94: {  	_ =	strace s2  }
0x95: {  	s2 =	sld [smem:$0x3FFD];
	_ =	sdelay $0x3  }
0x96: {  	_ =	strace s2  }
0x97: {  	_ =	strace $0x8FFFFFFF  }
0x98: {  	s18 =	sld [smem:$0x3FDB];
	_ =	sdelay $0x1  }
0x99: {  	s19 =	simm.s32 $_scs_section_size  }
0x9a: {  	s4 =	simm.s32 $_size__tile_overlayer_lowered;
	s5 =	simm.s32 $_tile_overlayer_lowered  }
0x9b: {  	s22 =	simm.s32 $0x1BFF;
	s21 =	sshll.u32 s5, $0x1;
	s2 =	sadd.s32 s19, s18  }
0x9c: {  	s6 =	simm.s32 $0x0;
	s20 =	sshll.u32 s4, $0x1;
	s4 =	sadd.s32 s21, s2  }
0x9d: {  	[timem:s6], [sflag:s22] =	dma.local [hbm:s4], s20  }
0x9e: {  	_ =	swait.ge [sflag:s22], s20  }
0x9f: {  	s3 =	ssub.s32 $0x0, s20;
	[sflag:s22] =	ssyncset.done $0x0  }
0xa0: {  	[sflag:s22] =	ssyncadd.s32 s3;
	_ =	sdelay $0x1  }
0xa1: {  	s23 =	simm.s32 $0x1B8B  }
0xa2: {  	_ =	swait.ge [sflag:s23], $0x1  }
0xa3: {  	[sflag:s23] =	ssyncset.done $0x0  }
0xa4: {  	s25 =	simm.s32 $0x1B8E;
	s24 =	sld [smem:$0x3FFE];
	[sflag:s23] =	ssyncadd.s32 $0xFFFFFFFF  }
0xa5: {  	s26 =	simm.s32 $execute0_lowered;
	[smem:$0x3FD2] =	sst s25  }
0xa6: {  	s4 =	sshll.u32 s26, $0x1;
	_ =	strace $0x80000046;
	[dreg:$0x1] =	wrdreg $0xFFFFFFFF  }
0xa7: {  	s28 =	simm.s32 $_size_execute0_lowered;
	s2 =	sadd.s32 s2, s4;
	[dreg:$0x0] =	wrdreg $0x0  }
0xa8: {  	s4 =	sshll.u32 s28, $0x1;
	[dreg:$0x2] =	wrdreg s2  }
0xa9: {  	[dreg:$0x3] =	wrdreg s4  }
0xaa: {  	[dreg:$0x4] =	wrdreg $0xC0  }
0xab: {  	_ =	task [dreg:s6], $0x5FFFF  }
0xac: {  	[dreg:$0x1] =	wrdreg $0xFFFFFFFF  }
0xad: {  	[dreg:$0x0] =	wrdreg $0x60  }
0xae: {  	[dreg:$0x2] =	wrdreg s24  }
0xaf: {  	[dreg:$0x3] =	wrdreg $0x5B000  }
0xb0: {  	[dreg:$0x4] =	wrdreg $0x9  }
0xb1: {  	_ =	task.clear_ibuf [dreg:s6], $0x5FFFF;
	_ =	strace $0x90000046  }
0xb2: {  	s29 =	simm.s32 $0x9;
	_ =	strace $0x80000048  }
0xb3: {  	_ =	swait.ge [sflag:s29], $0x1  }
0xb4: {  	[sflag:s29] =	ssyncadd.s32 $0xFFFFFFFF  }
0xb5: {  	_ =	strace $0x90000048  }
0xb6: {  	_ =	sfence  }
0xb7: {  	s30 =	sld [smem:$0x0];
	_ =	sdelay $0x2  }
0xb8: {  	s31 =	sshll.u32 s1, $0xD;
	s1 =	sshrl.u32 s1, $0x2  }
0xb9: {  	s3 =	sand.u32 $0x4000, s31;
	s1 =	sadd.s32 s1, s30  }
0xba: {  	s0 =	sor.u32 s3, s0;
	s1 =	sshll.u32 s1, $0x11  }
0xbb: {  	s0 =	sor.u32 s1, s0  }
0xbc: {  	s0 =	sadd.s32 $0x8F2B, s0  }
0xbd: {  	[sflag:s0] =	ssyncadd.remote.s32 $0x1  }
0xbe: {  	_ =	sfence.sel $0xFFFF  }
0xbf: {  	[dreg:$0x0] =	wrdreg $0xFFFFFFFF;
	(pc) =	sbr.abs _section_cstart, $3  }
0xc0: {  	[dreg:$0x1] =	wrdreg $0xFFFFFFFF  }
0xc1: {  	_ =	task.clear_ibuf [dreg:s6], $0x2FFFF;
	_ =	strace $0x9FFFFFFF  }
0xc2: {  	(tm) =	ssettm $0x7FFFFFFF  }
0xc3: {  	_ =	shalt  }
tec
execute0_lowered:
.L_overlay_start_1:
0x0: {  	(tag) =	ssettag $0x1  }
0x1: {  	s0 =	rddreg [dreg:$0x0]  }
0x2: {  	s1 =	rddreg [dreg:$0x1];
	s13 =	simm.s32 $0x0;
	s2 =	srdreg.scid  }
0x3: {  	s11 =	stileid.u32;
	[smem:$0x7FF] =	sst s13;
	s2 =	sand.u32 $0x1, s2  }
0x4: {  	s4 =	sadd.s32 $0x2000, s0;
	s8 =	smul.u32 $0x18700, s11;
	s9 =	sshll.u32 s11, $0x1  }
0x5: {  	s5 =	sadd.s32 $0x33000, s0;
	s3 =	smul.u32 $0x187000, s2;
	s9 =	sor.u32 s2, s9  }
0x6: {  	s6 =	sadd.s32 $0x317F000, s0;
	s2 =	ssub.s32 $0x2, s2;
	s12 =	smul.u32 $0xC400, s9  }
0x7: {  	s7 =	sadd.s32 $0x64000, s0;
	s10 =	sshrl.u32 s2, $0x1;
	s9 =	smul.u32 $0x18800, s9  }
0x8: {  	_ =	strace $0x80000047;
	s3 =	sadd.s32 s8, s3;
	s2 =	ssub.s32 s2, s10  }
0x9: {  	s3 =	sshrl.u32 s3, $0x3;
	[dreg:$0x4] =	wrdreg s12;
	s9 =	sadd.s32 s6, s9  }
0xa: {  	s21 =	sshrl.u32 s12, $0x3;
	s2 =	smax.u32 s2, $0x1;
	[dreg:$0x5] =	wrdreg s9  }
0xb: {  	s0 =	sadd.s32 s3, s0;
	s24 =	sadd.s32 s4, s21;
	[dreg:$0xb] =	wrdreg s2  }
0xc: {  	s22 =	sor.u32 $0x10, s21;
	s3 =	sadd.s32 s5, s21;
	[dreg:$0x6] =	wrdreg s24  }
0xd: {  	[dreg:$0x7] =	wrdreg s3;
	s25 =	sadd.s32 s4, s22  }
0xe: {  	s23 =	smul.u32 $0x61C00, s11;
	s26 =	sadd.s32 s5, s22;
	[dreg:$0x8] =	wrdreg s25  }
0xf: {  	s9 =	sadd.s32 s8, s1;
	s0 =	sadd.s32 $0x94E00, s0;
	[dreg:$0x9] =	wrdreg s26  }
0x10: {  	s3 =	sshrl.u32 s23, $0x2;
	s19 =	sshrl.u32 s9, $0x3;
	[dreg:$0xa] =	wrdreg s0  }
0x11: {  	s0 =	sadd.s32 s3, s1;
	[dreg:$0x15] =	wrdreg s19  }
0x12: {  	s10 =	sadd.s32 $0x1700, s0;
	[dreg:$0xc] =	wrdreg s0  }
0x13: {  	s11 =	sadd.s32 $0x2E00, s0;
	[dreg:$0xd] =	wrdreg s10  }
0x14: {  	s12 =	sadd.s32 $0x4500, s0;
	[dreg:$0xe] =	wrdreg s11  }
0x15: {  	s14 =	sadd.s32 $0x5C00, s0;
	[dreg:$0xf] =	wrdreg s12  }
0x16: {  	s15 =	sadd.s32 $0x7300, s0;
	[dreg:$0x10] =	wrdreg s14  }
0x17: {  	s16 =	sadd.s32 $0x8A00, s0;
	[dreg:$0x11] =	wrdreg s15  }
0x18: {  	s17 =	sadd.s32 $0xA100, s0;
	[dreg:$0x12] =	wrdreg s16  }
0x19: {  	s18 =	sadd.s32 $0xB800, s0;
	[dreg:$0x13] =	wrdreg s17  }
0x1a: {  	s20 =	sadd.s32 $0xCF00, s0;
	[dreg:$0x14] =	wrdreg s18  }
0x1b: {  	s21 =	sadd.s32 $0xE600, s0;
	[dreg:$0x16] =	wrdreg s20  }
0x1c: {  	s22 =	sadd.s32 $0xFD00, s0;
	[dreg:$0x17] =	wrdreg s21  }
0x1d: {  	s23 =	sadd.s32 $0x11400, s0;
	[dreg:$0x18] =	wrdreg s22  }
0x1e: {  	s24 =	sadd.s32 $0x12B00, s0;
	[dreg:$0x19] =	wrdreg s23  }
0x1f: {  	s28 =	simm.s32 $0x1400;
	s25 =	sadd.s32 $0x14200, s0;
	[dreg:$0x1a] =	wrdreg s24  }
0x20: {  	s29 =	simm.s32 $0x1C00;
	s26 =	sadd.s32 $0x15900, s0;
	[dreg:$0x1b] =	wrdreg s25  }
0x21: {  	s30 =	simm.s32 $0x4;
	s0 =	sadd.s32 $0x17000, s0;
	[dreg:$0x1c] =	wrdreg s26  }
0x22: {  	s31 =	simm.s32 $0x0;
	s19 =	simm.s32 $0xC00;
	[dreg:$0x1d] =	wrdreg s0  }
0x23: {  	s11 =	simm.s32 $0x5;
	s12 =	simm.s32 $0x2400;
	s14 =	simm.s32 $0x80  }
0x24: {  	s17 =	simm.s32 $0x1;
	s18 =	simm.s32 $0x400;
	s20 =	simm.s32 $0x3400  }
0x25: {  	s21 =	simm.s32 $0x100;
	s22 =	simm.s32 $0x300;
	s23 =	simm.s32 $0x180  }
0x26: {  	v0 =	vimm.f32 $0.0e+00;
	s24 =	simm.s32 $0x380;
	s25 =	simm.s32 $0x3;
	s26 =	simm.s32 $0x2  }
.LBB2_1:
0x27: {  	[dreg:$0x3] =	wrdreg s13;
	s0 =	simm.s32 $0x40;
	s2 =	simm.s32 $0x0  }
.LBB2_2:
0x28: {  	p0 =	sne.s32 s0, $0x5BC0;
	[tilespmem:s2+$0x4400] =	vst v0;
	s2 =	smov.u32 s0;
	s0 =	sadd.s32 $0x40, s0  }
.Ltmp0:
0x29: {  	(pc) =	sbr.rel @p0 .LBB2_2-.Ltmp0, $2  }
0x2a: {  	_ =	sdelay $0x2  }
0x2b: {  	s2 =	sshra.s32 s2, $0x2  }
0x2c: {  	[tilespmem:s2+$0x4400] =	vst v0;
	s0 =	rddreg [dreg:$0xc];
	s2 =	simm.s32 $0x4400  }
0x2d: {  	[spmem:s0] =	stream.linear.scatter [tilespmem:s2], [sflag:$0x5], $0x1700, $0x38;
	[tilespmem:$0x1E200] =	vst v63  }
0x2e: {  	_ =	swait.ge [sflag:s11], $0x1700  }
0x2f: {  	[sflag:s11] =	ssyncset.done $0x0  }
0x30: {  	s15 =	rddreg [dreg:$0xd];
	[sflag:s11] =	ssyncadd.s32 $0xFFFFE900  }
0x31: {  	[spmem:s15] =	stream.linear.scatter [tilespmem:s2], [sflag:$0x5], $0x1700, $0x38;
	[tilespmem:$0x1E200] =	vst v63  }
0x32: {  	_ =	swait.ge [sflag:s11], $0x1700  }
0x33: {  	[sflag:s11] =	ssyncset.done $0x0  }
0x34: {  	s16 =	rddreg [dreg:$0xe];
	[sflag:s11] =	ssyncadd.s32 $0xFFFFE900  }
0x35: {  	[spmem:s16] =	stream.linear.scatter [tilespmem:s2], [sflag:$0x5], $0x1700, $0x38;
	[tilespmem:$0x1E200] =	vst v63  }
0x36: {  	_ =	swait.ge [sflag:s11], $0x1700  }
0x37: {  	[sflag:s11] =	ssyncset.done $0x0  }
0x38: {  	s3 =	rddreg [dreg:$0xf];
	[sflag:s11] =	ssyncadd.s32 $0xFFFFE900  }
0x39: {  	[spmem:s3] =	stream.linear.scatter [tilespmem:s2], [sflag:$0x5], $0x1700, $0x38;
	[tilespmem:$0x1E200] =	vst v63  }
0x3a: {  	_ =	swait.ge [sflag:s11], $0x1700  }
0x3b: {  	[sflag:s11] =	ssyncset.done $0x0  }
0x3c: {  	s8 =	rddreg [dreg:$0x10];
	[sflag:s11] =	ssyncadd.s32 $0xFFFFE900  }
0x3d: {  	[spmem:s8] =	stream.linear.scatter [tilespmem:s2], [sflag:$0x5], $0x1700, $0x38;
	[tilespmem:$0x1E200] =	vst v63  }
0x3e: {  	_ =	swait.ge [sflag:s11], $0x1700  }
0x3f: {  	[sflag:s11] =	ssyncset.done $0x0  }
0x40: {  	s9 =	rddreg [dreg:$0x11];
	[sflag:s11] =	ssyncadd.s32 $0xFFFFE900  }
0x41: {  	[spmem:s9] =	stream.linear.scatter [tilespmem:s2], [sflag:$0x5], $0x1700, $0x38;
	[tilespmem:$0x1E200] =	vst v63  }
0x42: {  	_ =	swait.ge [sflag:s11], $0x1700  }
0x43: {  	[sflag:s11] =	ssyncset.done $0x0  }
0x44: {  	s10 =	rddreg [dreg:$0x12];
	[sflag:s11] =	ssyncadd.s32 $0xFFFFE900  }
0x45: {  	[spmem:s10] =	stream.linear.scatter [tilespmem:s2], [sflag:$0x5], $0x1700, $0x38;
	[tilespmem:$0x1E200] =	vst v63  }
0x46: {  	_ =	swait.ge [sflag:s11], $0x1700  }
0x47: {  	[sflag:s11] =	ssyncset.done $0x0  }
0x48: {  	s13 =	rddreg [dreg:$0x13];
	[sflag:s11] =	ssyncadd.s32 $0xFFFFE900  }
0x49: {  	[spmem:s13] =	stream.linear.scatter [tilespmem:s2], [sflag:$0x5], $0x1700, $0x38;
	[tilespmem:$0x1E200] =	vst v63  }
0x4a: {  	_ =	swait.ge [sflag:s11], $0x1700  }
0x4b: {  	[sflag:s11] =	ssyncset.done $0x0  }
0x4c: {  	s15 =	rddreg [dreg:$0x14];
	[sflag:s11] =	ssyncadd.s32 $0xFFFFE900  }
0x4d: {  	[spmem:s15] =	stream.linear.scatter [tilespmem:s2], [sflag:$0x5], $0x1700, $0x38;
	[tilespmem:$0x1E200] =	vst v63  }
0x4e: {  	_ =	swait.ge [sflag:s11], $0x1700  }
0x4f: {  	[sflag:s11] =	ssyncset.done $0x0  }
0x50: {  	s16 =	rddreg [dreg:$0x16];
	[sflag:s11] =	ssyncadd.s32 $0xFFFFE900  }
0x51: {  	[spmem:s16] =	stream.linear.scatter [tilespmem:s2], [sflag:$0x5], $0x1700, $0x38;
	[tilespmem:$0x1E200] =	vst v63  }
0x52: {  	_ =	swait.ge [sflag:s11], $0x1700  }
0x53: {  	[sflag:s11] =	ssyncset.done $0x0  }
0x54: {  	s3 =	rddreg [dreg:$0x17];
	[sflag:s11] =	ssyncadd.s32 $0xFFFFE900  }
0x55: {  	[spmem:s3] =	stream.linear.scatter [tilespmem:s2], [sflag:$0x5], $0x1700, $0x38;
	[tilespmem:$0x1E200] =	vst v63  }
0x56: {  	_ =	swait.ge [sflag:s11], $0x1700  }
0x57: {  	[sflag:s11] =	ssyncset.done $0x0  }
0x58: {  	s8 =	rddreg [dreg:$0x18];
	[sflag:s11] =	ssyncadd.s32 $0xFFFFE900  }
0x59: {  	[spmem:s8] =	stream.linear.scatter [tilespmem:s2], [sflag:$0x5], $0x1700, $0x38;
	[tilespmem:$0x1E200] =	vst v63  }
0x5a: {  	_ =	swait.ge [sflag:s11], $0x1700  }
0x5b: {  	[sflag:s11] =	ssyncset.done $0x0  }
0x5c: {  	s9 =	rddreg [dreg:$0x19];
	[sflag:s11] =	ssyncadd.s32 $0xFFFFE900  }
0x5d: {  	[spmem:s9] =	stream.linear.scatter [tilespmem:s2], [sflag:$0x5], $0x1700, $0x38;
	[tilespmem:$0x1E200] =	vst v63  }
0x5e: {  	_ =	swait.ge [sflag:s11], $0x1700  }
0x5f: {  	[sflag:s11] =	ssyncset.done $0x0  }
0x60: {  	s10 =	rddreg [dreg:$0x1a];
	[sflag:s11] =	ssyncadd.s32 $0xFFFFE900  }
0x61: {  	[spmem:s10] =	stream.linear.scatter [tilespmem:s2], [sflag:$0x5], $0x1700, $0x38;
	[tilespmem:$0x1E200] =	vst v63  }
0x62: {  	_ =	swait.ge [sflag:s11], $0x1700  }
0x63: {  	[sflag:s11] =	ssyncset.done $0x0  }
0x64: {  	s13 =	rddreg [dreg:$0x1b];
	[sflag:s11] =	ssyncadd.s32 $0xFFFFE900  }
0x65: {  	[spmem:s13] =	stream.linear.scatter [tilespmem:s2], [sflag:$0x5], $0x1700, $0x38;
	[tilespmem:$0x1E200] =	vst v63  }
0x66: {  	_ =	swait.ge [sflag:s11], $0x1700  }
0x67: {  	[sflag:s11] =	ssyncset.done $0x0  }
0x68: {  	s15 =	rddreg [dreg:$0x1c];
	[sflag:s11] =	ssyncadd.s32 $0xFFFFE900  }
0x69: {  	[spmem:s15] =	stream.linear.scatter [tilespmem:s2], [sflag:$0x5], $0x1700, $0x38;
	[tilespmem:$0x1E200] =	vst v63  }
0x6a: {  	_ =	swait.ge [sflag:s11], $0x1700  }
0x6b: {  	[sflag:s11] =	ssyncset.done $0x0  }
0x6c: {  	s16 =	rddreg [dreg:$0x1d];
	[sflag:s11] =	ssyncadd.s32 $0xFFFFE900  }
0x6d: {  	[spmem:s16] =	stream.linear.scatter [tilespmem:s2], [sflag:$0x5], $0x1700, $0x38;
	[tilespmem:$0x1E200] =	vst v63  }
0x6e: {  	_ =	swait.ge [sflag:s11], $0x1700  }
0x6f: {  	[sflag:s11] =	ssyncset.done $0x0  }
0x70: {  	[sflag:s11] =	ssyncadd.s32 $0xFFFFE900  }
0x71: {  	[bflag:$0x0] =	sbarrier.arrive $0xFFFF  }
0x72: {  	s3 =	rddreg [dreg:$0x5]  }
0x73: {  	[tilespmem:s12], [sflag:$0x1] =	stream.linear.gather [hbm4b:s3+s31], $0x1000, $0x38;
	[tilespmem:$0x1E200] =	vst v63  }
0x74: {  	s8 =	rddreg [dreg:$0x6]  }
0x75: {  	[tilespmem:s31], [sflag:$0x1] =	stream.linear.gather [hbm4b:s8+s31], $0x80, $0x38;
	[tilespmem:$0x1E200] =	vst v63  }
0x76: {  	s10 =	simm.s32 $0x200;
	s9 =	rddreg [dreg:$0x7]  }
0x77: {  	[tilespmem:s10], [sflag:$0x1] =	stream.linear.gather [hbm4b:s9+s31], $0x80, $0x38;
	[tilespmem:$0x1E200] =	vst v63  }
0x78: {  	s13 =	rddreg [dreg:$0x8]  }
0x79: {  	[tilespmem:s14], [sflag:$0x1] =	stream.linear.gather [hbm4b:s13+s31], $0x80, $0x38;
	[tilespmem:$0x1E200] =	vst v63  }
0x7a: {  	s0 =	simm.s32 $0x0;
	s16 =	simm.s32 $0x280;
	s15 =	rddreg [dreg:$0x9]  }
0x7b: {  	[tilespmem:s16], [sflag:$0x1] =	stream.linear.gather [hbm4b:s15+s31], $0x80, $0x38;
	[tilespmem:$0x1E200] =	vst v63  }
.LBB2_4:
0x7c: {  	_ =	swait.ge [sflag:s17], $0x1000  }
0x7d: {  	[sflag:s17] =	ssyncset.done $0x0  }
0x7e: {  	[sflag:s17] =	ssyncadd.s32 $0xFFFFF000  }
0x7f: {  	_ =	swait.ge [sflag:s17], $0x80  }
0x80: {  	[sflag:s17] =	ssyncset.done $0x0  }
0x81: {  	[sflag:s17] =	ssyncadd.s32 $0xFFFFFF80  }
0x82: {  	_ =	swait.ge [sflag:s17], $0x80  }
0x83: {  	[sflag:s17] =	ssyncset.done $0x0  }
0x84: {  	[sflag:s17] =	ssyncadd.s32 $0xFFFFFF80  }
0x85: {  	_ =	swait.ge [sflag:s17], $0x80  }
0x86: {  	[sflag:s17] =	ssyncset.done $0x0  }
0x87: {  	[sflag:s17] =	ssyncadd.s32 $0xFFFFFF80  }
0x88: {  	_ =	swait.ge [sflag:s17], $0x80  }
0x89: {  	s2 =	sshll.u32 s0, $0x9;
	[sflag:s17] =	ssyncset.done $0x0;
	s3 =	rddreg [dreg:$0x4]  }
0x8a: {  	[sflag:s17] =	ssyncadd.s32 $0xFFFFFF80;
	s3 =	sadd.s32 s3, s2  }
0x8b: {  	[tilespmem:s18], [sflag:$0x3] =	stream.indirect.gather [hbm4b:s7+s14], $0x10, s31, s14, $0xb8;
	[tilespmem:$0x1E200] =	vst v63  }
0x8c: {  	s2 =	sor.u32 $0x100, s3  }
0x8d: {  	s8 =	sshll.u32 s2, $0x1  }
0x8e: {  	[tilespmem:s19], [sflag:$0x3] =	stream.indirect.gather [hbm4b:s7+s14], $0x10, s14, s14, $0xb8;
	[tilespmem:$0x1E200] =	vst v63  }
0x8f: {  	s8 =	sand.u32 $0x1FFFFE00, s8  }
0x90: {  	s2 =	sshrl.u32 s2, $0x3;
	s8 =	sadd.s32 s6, s8  }
0x91: {  	[tilespmem:s20], [sflag:$0x2] =	stream.linear.gather [hbm4b:s8+s31], $0x1000, $0x38;
	[tilespmem:$0x1E200] =	vst v63  }
0x92: {  	s9 =	sadd.s32 s4, s2  }
0x93: {  	[tilespmem:s21], [sflag:$0x2] =	stream.linear.gather [hbm4b:s9+s31], $0x80, $0x38;
	[tilespmem:$0x1E200] =	vst v63  }
0x94: {  	s10 =	sshrl.u32 s3, $0x3;
	s2 =	sadd.s32 s5, s2  }
0x95: {  	[tilespmem:s22], [sflag:$0x2] =	stream.linear.gather [hbm4b:s2+s31], $0x80, $0x38;
	[tilespmem:$0x1E200] =	vst v63  }
0x96: {  	s2 =	sor.u32 $0x30, s10  }
0x97: {  	s13 =	sadd.s32 s4, s2  }
0x98: {  	[tilespmem:s23], [sflag:$0x2] =	stream.linear.gather [hbm4b:s13+s31], $0x80, $0x38;
	[tilespmem:$0x1E200] =	vst v63  }
0x99: {  	s15 =	simm.s32 $0x0;
	s2 =	sadd.s32 s5, s2  }
0x9a: {  	v1 =	vmov s15;
	[tilespmem:s24], [sflag:$0x2] =	stream.linear.gather [hbm4b:s2+s31], $0x80, $0x38;
	[tilespmem:$0x1E200] =	vst v63  }
0x9b: {  	v1 =	vor.u32 $0xF, v1;
	_ =	swait.ge [sflag:s25], $0x800  }
0x9c: {  	v1 =	vbroadcast v1, $0x0;
	[sflag:s25] =	ssyncset.done $0x0  }
0x9d: {  	[sflag:s25] =	ssyncadd.s32 $0xFFFFF800  }
0x9e: {  	_ =	swait.ge [sflag:s25], $0x800  }
0x9f: {  	[sflag:s25] =	ssyncset.done $0x0  }
0xa0: {  	s10 =	simm.s32 $0x440;
	[sflag:s25] =	ssyncadd.s32 $0xFFFFF800  }
0xa1: {  	v2 =	vld [tilespmem:s10+$0xFFFFFFC0]  }
0xa2: {  	v1 =	vld.idx.msk [tilespmem:v1+s12+$0x0], $0xffff  }
0xa3: {  	s16 =	simm.s32 $0x10;
	s2 =	simm.s32 $0x2440  }
0xa4: {  	v4 =	vmov s16;
	v3 =	vld [tilespmem:s2+$0xFFFFFFC0]  }
0xa5: {  	v4 =	vor.u32 $0xF, v4  }
0xa6: {  	v4 =	vbroadcast v4, $0x0  }
0xa7: {  	v1 =	vmul.f32 v2, v1;
	_ =	sdelay $0x1  }
0xa8: {  	v1 =	vadd.f32 v3, v1;
	_ =	sdelay $0x1  }
0xa9: {  	v2 =	vld [tilespmem:s10+$0xFFFFFFD0];
	[tilespmem:s10+$0xFFFFFFC0] =	vst v1  }
0xaa: {  	v1 =	vld.idx.msk [tilespmem:v4+s12+$0x0], $0xffff  }
0xab: {  	s18 =	simm.s32 $0x20  }
0xac: {  	v3 =	vld [tilespmem:s2+$0xFFFFFFD0];
	v4 =	vmov s18  }
0xad: {  	v4 =	vor.u32 $0xF, v4  }
0xae: {  	v4 =	vbroadcast v4, $0x0  }
0xaf: {  	v1 =	vmul.f32 v2, v1;
	_ =	sdelay $0x1  }
0xb0: {  	v1 =	vadd.f32 v3, v1;
	_ =	sdelay $0x1  }
0xb1: {  	v2 =	vld [tilespmem:s10+$0xFFFFFFE0];
	[tilespmem:s10+$0xFFFFFFD0] =	vst v1  }
0xb2: {  	v1 =	vld.idx.msk [tilespmem:v4+s12+$0x0], $0xffff  }
0xb3: {  	s9 =	simm.s32 $0x30  }
0xb4: {  	v3 =	vld [tilespmem:s2+$0xFFFFFFE0];
	v4 =	vmov s9  }
0xb5: {  	v4 =	vor.u32 $0xF, v4  }
0xb6: {  	v4 =	vbroadcast v4, $0x0  }
0xb7: {  	v1 =	vmul.f32 v2, v1;
	_ =	sdelay $0x1  }
0xb8: {  	v1 =	vadd.f32 v3, v1;
	_ =	sdelay $0x1  }
0xb9: {  	v2 =	vld [tilespmem:s10+$0xFFFFFFF0];
	[tilespmem:s10+$0xFFFFFFE0] =	vst v1  }
0xba: {  	v1 =	vld.idx.msk [tilespmem:v4+s12+$0x0], $0xffff  }
0xbb: {  	s13 =	simm.s32 $0x40  }
0xbc: {  	v3 =	vld [tilespmem:s2+$0xFFFFFFF0];
	v4 =	vmov s13  }
0xbd: {  	v4 =	vor.u32 $0xF, v4  }
0xbe: {  	v4 =	vbroadcast v4, $0x0  }
0xbf: {  	v1 =	vmul.f32 v2, v1;
	_ =	sdelay $0x1  }
0xc0: {  	v1 =	vadd.f32 v3, v1;
	_ =	sdelay $0x1  }
0xc1: {  	v2 =	vld [tilespmem:s10+$0x0];
	[tilespmem:s10+$0xFFFFFFF0] =	vst v1  }
0xc2: {  	v1 =	vld.idx.msk [tilespmem:v4+s12+$0x0], $0xffff  }
0xc3: {  	s15 =	simm.s32 $0x50  }
0xc4: {  	v3 =	vld [tilespmem:s2+$0x0];
	v4 =	vmov s15  }
0xc5: {  	v4 =	vor.u32 $0xF, v4  }
0xc6: {  	v4 =	vbroadcast v4, $0x0  }
0xc7: {  	v1 =	vmul.f32 v2, v1;
	_ =	sdelay $0x1  }
0xc8: {  	v1 =	vadd.f32 v3, v1;
	_ =	sdelay $0x1  }
0xc9: {  	v2 =	vld [tilespmem:s10+$0x10];
	[tilespmem:s10+$0x0] =	vst v1  }
0xca: {  	v1 =	vld.idx.msk [tilespmem:v4+s12+$0x0], $0xffff  }
0xcb: {  	s16 =	simm.s32 $0x60  }
0xcc: {  	v3 =	vld [tilespmem:s2+$0x10];
	v4 =	vmov s16  }
0xcd: {  	v4 =	vor.u32 $0xF, v4  }
0xce: {  	v4 =	vbroadcast v4, $0x0  }
0xcf: {  	v1 =	vmul.f32 v2, v1;
	_ =	sdelay $0x1  }
0xd0: {  	v1 =	vadd.f32 v3, v1;
	_ =	sdelay $0x1  }
0xd1: {  	v2 =	vld [tilespmem:s10+$0x20];
	[tilespmem:s10+$0x10] =	vst v1  }
0xd2: {  	v1 =	vld.idx.msk [tilespmem:v4+s12+$0x0], $0xffff  }
0xd3: {  	s18 =	simm.s32 $0x70  }
0xd4: {  	v3 =	vld [tilespmem:s2+$0x20];
	v4 =	vmov s18  }
0xd5: {  	v4 =	vor.u32 $0xF, v4  }
0xd6: {  	v4 =	vbroadcast v4, $0x0  }
0xd7: {  	v1 =	vmul.f32 v2, v1;
	_ =	sdelay $0x1  }
0xd8: {  	v1 =	vadd.f32 v3, v1;
	_ =	sdelay $0x1  }
0xd9: {  	[tilespmem:s10+$0x20] =	vst v1;
	v1 =	vld [tilespmem:s10+$0x30]  }
0xda: {  	v3 =	vld.idx.msk [tilespmem:v4+s12+$0x0], $0xffff  }
0xdb: {  	s8 =	simm.s32 $0x10;
	s13 =	simm.s32 $0x80;
	s15 =	simm.s32 $0x440;
	v2 =	vld [tilespmem:s2+$0x30]  }
.LBB2_5:
0xdc: {  	p0 =	slt.u32 s8, $0x78;
	v4 =	vmov s13  }
0xdd: {  	v4 =	vor.u32 $0xF, v4  }
0xde: {  	v4 =	vbroadcast v4, $0x0  }
0xdf: {  	v1 =	vmul.f32 v1, v3;
	_ =	sdelay $0x1  }
0xe0: {  	v1 =	vadd.f32 v2, v1  }
0xe1: {  	s10 =	sadd.s32 $0x80, s10  }
0xe2: {  	s16 =	simm.s32 $0xC40;
	s9 =	simm.s32 $0x2C70;
	v2 =	vld [tilespmem:s10+$0xFFFFFFC0];
	[tilespmem:s15+$0x30] =	vst v1  }
0xe3: {  	s2 =	sadd.s32 $0x80, s2;
	s15 =	smov.u32 s10;
	v1 =	vld.idx.msk [tilespmem:v4+s12+$0x0], $0xffff  }
0xe4: {  	v3 =	vld [tilespmem:s2+$0xFFFFFFC0]  }
0xe5: {  	s18 =	sadd.s32 $0x10, s13  }
0xe6: {  	v4 =	vmov s18  }
0xe7: {  	v4 =	vor.u32 $0xF, v4  }
0xe8: {  	v4 =	vbroadcast v4, $0x0  }
0xe9: {  	v1 =	vmul.f32 v2, v1;
	_ =	sdelay $0x1  }
0xea: {  	v1 =	vadd.f32 v3, v1;
	_ =	sdelay $0x1  }
0xeb: {  	[tilespmem:s10+$0xFFFFFFC0] =	vst v1  }
0xec: {  	v1 =	vld.idx.msk [tilespmem:v4+s12+$0x0], $0xffff  }
0xed: {  	v2 =	vld [tilespmem:s10+$0xFFFFFFD0]  }
0xee: {  	s18 =	sadd.s32 $0x20, s13  }
0xef: {  	v4 =	vmov s18;
	v3 =	vld [tilespmem:s2+$0xFFFFFFD0]  }
0xf0: {  	v4 =	vor.u32 $0xF, v4  }
0xf1: {  	v4 =	vbroadcast v4, $0x0  }
0xf2: {  	v1 =	vmul.f32 v2, v1;
	_ =	sdelay $0x1  }
0xf3: {  	v1 =	vadd.f32 v3, v1;
	_ =	sdelay $0x1  }
0xf4: {  	[tilespmem:s10+$0xFFFFFFD0] =	vst v1  }
0xf5: {  	v1 =	vld.idx.msk [tilespmem:v4+s12+$0x0], $0xffff  }
0xf6: {  	v2 =	vld [tilespmem:s10+$0xFFFFFFE0]  }
0xf7: {  	s18 =	sadd.s32 $0x30, s13  }
0xf8: {  	v4 =	vmov s18;
	v3 =	vld [tilespmem:s2+$0xFFFFFFE0]  }
0xf9: {  	v4 =	vor.u32 $0xF, v4  }
0xfa: {  	v4 =	vbroadcast v4, $0x0  }
0xfb: {  	v1 =	vmul.f32 v2, v1;
	_ =	sdelay $0x1  }
0xfc: {  	v1 =	vadd.f32 v3, v1;
	_ =	sdelay $0x1  }
0xfd: {  	[tilespmem:s10+$0xFFFFFFE0] =	vst v1  }
0xfe: {  	v1 =	vld.idx.msk [tilespmem:v4+s12+$0x0], $0xffff  }
0xff: {  	v2 =	vld [tilespmem:s10+$0xFFFFFFF0]  }
0x100: {  	s18 =	sadd.s32 $0x40, s13  }
0x101: {  	v4 =	vmov s18;
	v3 =	vld [tilespmem:s2+$0xFFFFFFF0]  }
0x102: {  	v4 =	vor.u32 $0xF, v4  }
0x103: {  	v4 =	vbroadcast v4, $0x0  }
0x104: {  	v1 =	vmul.f32 v2, v1;
	_ =	sdelay $0x1  }
0x105: {  	v1 =	vadd.f32 v3, v1;
	_ =	sdelay $0x1  }
0x106: {  	[tilespmem:s10+$0xFFFFFFF0] =	vst v1  }
0x107: {  	v1 =	vld.idx.msk [tilespmem:v4+s12+$0x0], $0xffff  }
0x108: {  	v2 =	vld [tilespmem:s10+$0x0]  }
0x109: {  	s18 =	sadd.s32 $0x50, s13  }
0x10a: {  	v4 =	vmov s18;
	v3 =	vld [tilespmem:s2+$0x0]  }
0x10b: {  	v4 =	vor.u32 $0xF, v4  }
0x10c: {  	v4 =	vbroadcast v4, $0x0  }
0x10d: {  	v1 =	vmul.f32 v2, v1;
	_ =	sdelay $0x1  }
0x10e: {  	v1 =	vadd.f32 v3, v1;
	_ =	sdelay $0x1  }
0x10f: {  	[tilespmem:s10+$0x0] =	vst v1  }
0x110: {  	v1 =	vld.idx.msk [tilespmem:v4+s12+$0x0], $0xffff  }
0x111: {  	v2 =	vld [tilespmem:s10+$0x10]  }
0x112: {  	s18 =	sadd.s32 $0x60, s13  }
0x113: {  	v4 =	vmov s18;
	v3 =	vld [tilespmem:s2+$0x10]  }
0x114: {  	v4 =	vor.u32 $0xF, v4  }
0x115: {  	v4 =	vbroadcast v4, $0x0  }
0x116: {  	v1 =	vmul.f32 v2, v1;
	_ =	sdelay $0x1  }
0x117: {  	v1 =	vadd.f32 v3, v1;
	_ =	sdelay $0x1  }
0x118: {  	[tilespmem:s10+$0x10] =	vst v1  }
0x119: {  	v1 =	vld.idx.msk [tilespmem:v4+s12+$0x0], $0xffff  }
0x11a: {  	v2 =	vld [tilespmem:s10+$0x20]  }
0x11b: {  	s13 =	sadd.s32 $0x70, s13;
	v3 =	vld [tilespmem:s2+$0x20]  }
0x11c: {  	v4 =	vmov s13  }
0x11d: {  	v4 =	vor.u32 $0xF, v4  }
0x11e: {  	v4 =	vbroadcast v4, $0x0  }
0x11f: {  	v1 =	vmul.f32 v2, v1;
	_ =	sdelay $0x1  }
0x120: {  	v1 =	vadd.f32 v3, v1  }
.Ltmp1:
0x121: {  	(pc) =	sbr.rel @p0 .LBB2_5-.Ltmp1, $4  }
0x122: {  	[tilespmem:s10+$0x20] =	vst v1;
	v1 =	vld [tilespmem:s10+$0x30]  }
0x123: {  	v3 =	vld.idx.msk [tilespmem:v4+s12+$0x0], $0xffff  }
0x124: {  	v2 =	vld [tilespmem:s2+$0x30]  }
0x125: {  	s13 =	sshll.u32 s8, $0x4;
	s8 =	sadd.s32 $0x8, s8  }
0x126: {  	v4 =	vmov s13  }
0x127: {  	v4 =	vor.u32 $0xF, v4  }
0x128: {  	v4 =	vbroadcast v4, $0x0  }
0x129: {  	v1 =	vmul.f32 v1, v3;
	_ =	sdelay $0x1  }
0x12a: {  	v1 =	vadd.f32 v2, v1  }
0x12b: {  	s8 =	sadd.s32 $0x80, s10  }
0x12c: {  	v2 =	vld [tilespmem:s8+$0xFFFFFFC0];
	[tilespmem:s15+$0x30] =	vst v1  }
0x12d: {  	v1 =	vld.idx.msk [tilespmem:v4+s12+$0x0], $0xffff  }
0x12e: {  	s2 =	sadd.s32 $0x80, s2;
	s18 =	sadd.s32 $0x10, s13  }
0x12f: {  	v49 =	vmov s18;
	v3 =	vld [tilespmem:s2+$0xFFFFFFC0]  }
0x130: {  	v4 =	vor.u32 $0xF, v49  }
0x131: {  	v4 =	vbroadcast v4, $0x0  }
0x132: {  	v1 =	vmul.f32 v2, v1;
	_ =	sdelay $0x1  }
0x133: {  	v1 =	vadd.f32 v3, v1;
	_ =	sdelay $0x1  }
0x134: {  	v2 =	vld [tilespmem:s8+$0xFFFFFFD0];
	[tilespmem:s8+$0xFFFFFFC0] =	vst v1  }
0x135: {  	v1 =	vld.idx.msk [tilespmem:v4+s12+$0x0], $0xffff  }
0x136: {  	s15 =	sadd.s32 $0x20, s13  }
0x137: {  	v50 =	vmov s15;
	v3 =	vld [tilespmem:s2+$0xFFFFFFD0]  }
0x138: {  	v4 =	vor.u32 $0xF, v50  }
0x139: {  	v4 =	vbroadcast v4, $0x0  }
0x13a: {  	v1 =	vmul.f32 v2, v1;
	_ =	sdelay $0x1  }
0x13b: {  	v1 =	vadd.f32 v3, v1;
	_ =	sdelay $0x1  }
0x13c: {  	v2 =	vld [tilespmem:s8+$0xFFFFFFE0];
	[tilespmem:s8+$0xFFFFFFD0] =	vst v1  }
0x13d: {  	v1 =	vld.idx.msk [tilespmem:v4+s12+$0x0], $0xffff  }
0x13e: {  	s18 =	sadd.s32 $0x30, s13  }
0x13f: {  	v51 =	vmov s18;
	v3 =	vld [tilespmem:s2+$0xFFFFFFE0]  }
0x140: {  	v4 =	vor.u32 $0xF, v51  }
0x141: {  	v4 =	vbroadcast v4, $0x0  }
0x142: {  	v1 =	vmul.f32 v2, v1;
	_ =	sdelay $0x1  }
0x143: {  	v1 =	vadd.f32 v3, v1;
	_ =	sdelay $0x1  }
0x144: {  	v2 =	vld [tilespmem:s8+$0xFFFFFFF0];
	[tilespmem:s8+$0xFFFFFFE0] =	vst v1  }
0x145: {  	v1 =	vld.idx.msk [tilespmem:v4+s12+$0x0], $0xffff  }
0x146: {  	s15 =	sadd.s32 $0x40, s13  }
0x147: {  	v52 =	vmov s15;
	v3 =	vld [tilespmem:s2+$0xFFFFFFF0]  }
0x148: {  	v4 =	vor.u32 $0xF, v52  }
0x149: {  	v4 =	vbroadcast v4, $0x0  }
0x14a: {  	v1 =	vmul.f32 v2, v1;
	_ =	sdelay $0x1  }
0x14b: {  	v1 =	vadd.f32 v3, v1;
	_ =	sdelay $0x1  }
0x14c: {  	v2 =	vld [tilespmem:s8+$0x0];
	[tilespmem:s8+$0xFFFFFFF0] =	vst v1  }
0x14d: {  	v1 =	vld.idx.msk [tilespmem:v4+s12+$0x0], $0xffff  }
0x14e: {  	s18 =	sadd.s32 $0x50, s13  }
0x14f: {  	v53 =	vmov s18;
	v3 =	vld [tilespmem:s2+$0x0]  }
0x150: {  	v4 =	vor.u32 $0xF, v53  }
0x151: {  	v4 =	vbroadcast v4, $0x0  }
0x152: {  	v1 =	vmul.f32 v2, v1;
	_ =	sdelay $0x1  }
0x153: {  	v1 =	vadd.f32 v3, v1;
	_ =	sdelay $0x1  }
0x154: {  	v2 =	vld [tilespmem:s8+$0x10];
	[tilespmem:s8+$0x0] =	vst v1  }
0x155: {  	v1 =	vld.idx.msk [tilespmem:v4+s12+$0x0], $0xffff  }
0x156: {  	s15 =	sadd.s32 $0x60, s13  }
0x157: {  	v54 =	vmov s15;
	v3 =	vld [tilespmem:s2+$0x10]  }
0x158: {  	v4 =	vor.u32 $0xF, v54  }
0x159: {  	v4 =	vbroadcast v4, $0x0  }
0x15a: {  	v1 =	vmul.f32 v2, v1;
	_ =	sdelay $0x1  }
0x15b: {  	v1 =	vadd.f32 v3, v1;
	_ =	sdelay $0x1  }
0x15c: {  	v2 =	vld [tilespmem:s8+$0x20];
	[tilespmem:s8+$0x10] =	vst v1  }
0x15d: {  	v1 =	vld.idx.msk [tilespmem:v4+s12+$0x0], $0xffff  }
0x15e: {  	s18 =	sadd.s32 $0x70, s13  }
0x15f: {  	v55 =	vmov s18;
	v3 =	vld [tilespmem:s2+$0x20]  }
0x160: {  	v4 =	vor.u32 $0xF, v55  }
0x161: {  	v4 =	vbroadcast v4, $0x0  }
0x162: {  	v1 =	vmul.f32 v2, v1;
	_ =	sdelay $0x1  }
0x163: {  	v1 =	vadd.f32 v3, v1;
	_ =	sdelay $0x1  }
0x164: {  	[tilespmem:s8+$0x20] =	vst v1;
	v1 =	vld [tilespmem:s8+$0x30]  }
0x165: {  	v2 =	vld.idx.msk [tilespmem:v4+s12+$0x0], $0xffff;
	_ =	sdelay $0x1  }
0x166: {  	s13 =	simm.s32 $0x800;
	v3 =	vld [tilespmem:s2+$0x30]  }
0x167: {  	v56 =	vmov s13  }
0x168: {  	v4 =	vor.u32 $0xF, v56  }
0x169: {  	v1 =	vmul.f32 v1, v2;
	v2 =	vbroadcast v4, $0x0;
	_ =	sdelay $0x1  }
0x16a: {  	v1 =	vadd.f32 v3, v1;
	_ =	sdelay $0x1  }
0x16b: {  	[tilespmem:s8+$0x30] =	vst v1  }
0x16c: {  	v1 =	vld [tilespmem:s16+$0xFFFFFFC0]  }
0x16d: {  	v2 =	vld.idx.msk [tilespmem:v2+s12+$0x0], $0xffff  }
0x16e: {  	s15 =	simm.s32 $0x810  }
0x16f: {  	v57 =	vmov s15;
	v3 =	vld [tilespmem:s9+$0xFFFFFF90]  }
0x170: {  	v4 =	vor.u32 $0xF, v57  }
0x171: {  	v4 =	vbroadcast v4, $0x0  }
0x172: {  	v1 =	vmul.f32 v1, v2;
	_ =	sdelay $0x1  }
0x173: {  	v1 =	vadd.f32 v3, v1;
	_ =	sdelay $0x1  }
0x174: {  	v2 =	vld [tilespmem:s16+$0xFFFFFFD0];
	[tilespmem:s16+$0xFFFFFFC0] =	vst v1  }
0x175: {  	v1 =	vld.idx.msk [tilespmem:v4+s12+$0x0], $0xffff  }
0x176: {  	s18 =	simm.s32 $0x820  }
0x177: {  	v58 =	vmov s18;
	v3 =	vld [tilespmem:s9+$0xFFFFFFA0]  }
0x178: {  	v4 =	vor.u32 $0xF, v58  }
0x179: {  	v4 =	vbroadcast v4, $0x0  }
0x17a: {  	v1 =	vmul.f32 v2, v1;
	_ =	sdelay $0x1  }
0x17b: {  	v1 =	vadd.f32 v3, v1;
	_ =	sdelay $0x1  }
0x17c: {  	v2 =	vld [tilespmem:s16+$0xFFFFFFE0];
	[tilespmem:s16+$0xFFFFFFD0] =	vst v1  }
0x17d: {  	v1 =	vld.idx.msk [tilespmem:v4+s12+$0x0], $0xffff  }
0x17e: {  	s8 =	simm.s32 $0x830  }
0x17f: {  	v59 =	vmov s8;
	v3 =	vld [tilespmem:s9+$0xFFFFFFB0]  }
0x180: {  	v4 =	vor.u32 $0xF, v59  }
0x181: {  	v4 =	vbroadcast v4, $0x0  }
0x182: {  	v1 =	vmul.f32 v2, v1;
	_ =	sdelay $0x1  }
0x183: {  	v1 =	vadd.f32 v3, v1;
	_ =	sdelay $0x1  }
0x184: {  	v2 =	vld [tilespmem:s16+$0xFFFFFFF0];
	[tilespmem:s16+$0xFFFFFFE0] =	vst v1  }
0x185: {  	v1 =	vld.idx.msk [tilespmem:v4+s12+$0x0], $0xffff  }
0x186: {  	s10 =	simm.s32 $0x840  }
0x187: {  	v60 =	vmov s10;
	v3 =	vld [tilespmem:s9+$0xFFFFFFC0]  }
0x188: {  	v4 =	vor.u32 $0xF, v60  }
0x189: {  	v4 =	vbroadcast v4, $0x0  }
0x18a: {  	v1 =	vmul.f32 v2, v1;
	_ =	sdelay $0x1  }
0x18b: {  	v1 =	vadd.f32 v3, v1;
	_ =	sdelay $0x1  }
0x18c: {  	v2 =	vld [tilespmem:s16+$0x0];
	[tilespmem:s16+$0xFFFFFFF0] =	vst v1  }
0x18d: {  	v1 =	vld.idx.msk [tilespmem:v4+s12+$0x0], $0xffff  }
0x18e: {  	s13 =	simm.s32 $0x850  }
0x18f: {  	v61 =	vmov s13;
	v3 =	vld [tilespmem:s9+$0xFFFFFFD0]  }
0x190: {  	v4 =	vor.u32 $0xF, v61  }
0x191: {  	v4 =	vbroadcast v4, $0x0  }
0x192: {  	v1 =	vmul.f32 v2, v1;
	_ =	sdelay $0x1  }
0x193: {  	v1 =	vadd.f32 v3, v1;
	_ =	sdelay $0x1  }
0x194: {  	v2 =	vld [tilespmem:s16+$0x10];
	[tilespmem:s16+$0x0] =	vst v1  }
0x195: {  	v1 =	vld.idx.msk [tilespmem:v4+s12+$0x0], $0xffff  }
0x196: {  	s15 =	simm.s32 $0x860  }
0x197: {  	v62 =	vmov s15;
	v3 =	vld [tilespmem:s9+$0xFFFFFFE0]  }
0x198: {  	v4 =	vor.u32 $0xF, v62  }
0x199: {  	v4 =	vbroadcast v4, $0x0  }
0x19a: {  	v1 =	vmul.f32 v2, v1;
	_ =	sdelay $0x1  }
0x19b: {  	v1 =	vadd.f32 v3, v1;
	_ =	sdelay $0x1  }
0x19c: {  	v2 =	vld [tilespmem:s16+$0x20];
	[tilespmem:s16+$0x10] =	vst v1  }
0x19d: {  	v1 =	vld.idx.msk [tilespmem:v4+s12+$0x0], $0xffff  }
0x19e: {  	s18 =	simm.s32 $0x870  }
0x19f: {  	v63 =	vmov s18;
	v3 =	vld [tilespmem:s9+$0xFFFFFFF0]  }
0x1a0: {  	v4 =	vor.u32 $0xF, v63  }
0x1a1: {  	v4 =	vbroadcast v4, $0x0  }
0x1a2: {  	v1 =	vmul.f32 v2, v1;
	_ =	sdelay $0x1  }
0x1a3: {  	v1 =	vadd.f32 v3, v1;
	_ =	sdelay $0x1  }
0x1a4: {  	[tilespmem:s16+$0x20] =	vst v1;
	v1 =	vld [tilespmem:s16+$0x30]  }
0x1a5: {  	s2 =	simm.s32 $0xC40;
	s8 =	simm.s32 $0x0;
	v2 =	vld.idx.msk [tilespmem:v4+s12+$0x0], $0xffff  }
.LBB2_7:
0x1a6: {  	s10 =	sshll.u32 s8, $0x4;
	s8 =	sadd.s32 $0x8, s8;
	v3 =	vld [tilespmem:s9+$0x0]  }
0x1a7: {  	s13 =	sadd.s32 $0x880, s10;
	p0 =	slt.u32 s8, $0x78  }
0x1a8: {  	v4 =	vmov s13  }
0x1a9: {  	v4 =	vor.u32 $0xF, v4  }
0x1aa: {  	v4 =	vbroadcast v4, $0x0  }
0x1ab: {  	v1 =	vmul.f32 v1, v2;
	_ =	sdelay $0x1  }
0x1ac: {  	v1 =	vadd.f32 v3, v1  }
0x1ad: {  	s16 =	sadd.s32 $0x80, s16  }
0x1ae: {  	v2 =	vld [tilespmem:s16+$0xFFFFFFC0];
	[tilespmem:s2+$0x30] =	vst v1;
	s2 =	smov.u32 s16  }
0x1af: {  	s9 =	sadd.s32 $0x80, s9;
	v1 =	vld.idx.msk [tilespmem:v4+s12+$0x0], $0xffff  }
0x1b0: {  	v3 =	vld [tilespmem:s9+$0xFFFFFF90]  }
0x1b1: {  	s13 =	sadd.s32 $0x890, s10  }
0x1b2: {  	v4 =	vmov s13  }
0x1b3: {  	v4 =	vor.u32 $0xF, v4  }
0x1b4: {  	v4 =	vbroadcast v4, $0x0  }
0x1b5: {  	v1 =	vmul.f32 v2, v1;
	_ =	sdelay $0x1  }
0x1b6: {  	v1 =	vadd.f32 v3, v1;
	_ =	sdelay $0x1  }
0x1b7: {  	[tilespmem:s16+$0xFFFFFFC0] =	vst v1  }
0x1b8: {  	v1 =	vld.idx.msk [tilespmem:v4+s12+$0x0], $0xffff  }
0x1b9: {  	v2 =	vld [tilespmem:s16+$0xFFFFFFD0]  }
0x1ba: {  	s13 =	sadd.s32 $0x8A0, s10  }
0x1bb: {  	v4 =	vmov s13;
	v3 =	vld [tilespmem:s9+$0xFFFFFFA0]  }
0x1bc: {  	v4 =	vor.u32 $0xF, v4  }
0x1bd: {  	v4 =	vbroadcast v4, $0x0  }
0x1be: {  	v1 =	vmul.f32 v2, v1;
	_ =	sdelay $0x1  }
0x1bf: {  	v1 =	vadd.f32 v3, v1;
	_ =	sdelay $0x1  }
0x1c0: {  	[tilespmem:s16+$0xFFFFFFD0] =	vst v1  }
0x1c1: {  	v1 =	vld.idx.msk [tilespmem:v4+s12+$0x0], $0xffff  }
0x1c2: {  	v2 =	vld [tilespmem:s16+$0xFFFFFFE0]  }
0x1c3: {  	s13 =	sadd.s32 $0x8B0, s10  }
0x1c4: {  	v4 =	vmov s13;
	v3 =	vld [tilespmem:s9+$0xFFFFFFB0]  }
0x1c5: {  	v4 =	vor.u32 $0xF, v4  }
0x1c6: {  	v4 =	vbroadcast v4, $0x0  }
0x1c7: {  	v1 =	vmul.f32 v2, v1;
	_ =	sdelay $0x1  }
0x1c8: {  	v1 =	vadd.f32 v3, v1;
	_ =	sdelay $0x1  }
0x1c9: {  	[tilespmem:s16+$0xFFFFFFE0] =	vst v1  }
0x1ca: {  	v1 =	vld.idx.msk [tilespmem:v4+s12+$0x0], $0xffff  }
0x1cb: {  	v2 =	vld [tilespmem:s16+$0xFFFFFFF0]  }
0x1cc: {  	s13 =	sadd.s32 $0x8C0, s10  }
0x1cd: {  	v4 =	vmov s13;
	v3 =	vld [tilespmem:s9+$0xFFFFFFC0]  }
0x1ce: {  	v4 =	vor.u32 $0xF, v4  }
0x1cf: {  	v4 =	vbroadcast v4, $0x0  }
0x1d0: {  	v1 =	vmul.f32 v2, v1;
	_ =	sdelay $0x1  }
0x1d1: {  	v1 =	vadd.f32 v3, v1;
	_ =	sdelay $0x1  }
0x1d2: {  	[tilespmem:s16+$0xFFFFFFF0] =	vst v1  }
0x1d3: {  	v1 =	vld.idx.msk [tilespmem:v4+s12+$0x0], $0xffff  }
0x1d4: {  	v2 =	vld [tilespmem:s16+$0x0]  }
0x1d5: {  	s13 =	sadd.s32 $0x8D0, s10  }
0x1d6: {  	v4 =	vmov s13;
	v3 =	vld [tilespmem:s9+$0xFFFFFFD0]  }
0x1d7: {  	v4 =	vor.u32 $0xF, v4  }
0x1d8: {  	v4 =	vbroadcast v4, $0x0  }
0x1d9: {  	v1 =	vmul.f32 v2, v1;
	_ =	sdelay $0x1  }
0x1da: {  	v1 =	vadd.f32 v3, v1;
	_ =	sdelay $0x1  }
0x1db: {  	[tilespmem:s16+$0x0] =	vst v1  }
0x1dc: {  	v1 =	vld.idx.msk [tilespmem:v4+s12+$0x0], $0xffff  }
0x1dd: {  	v2 =	vld [tilespmem:s16+$0x10]  }
0x1de: {  	s13 =	sadd.s32 $0x8E0, s10  }
0x1df: {  	v4 =	vmov s13;
	v3 =	vld [tilespmem:s9+$0xFFFFFFE0]  }
0x1e0: {  	v4 =	vor.u32 $0xF, v4  }
0x1e1: {  	v4 =	vbroadcast v4, $0x0  }
0x1e2: {  	v1 =	vmul.f32 v2, v1;
	_ =	sdelay $0x1  }
0x1e3: {  	v1 =	vadd.f32 v3, v1;
	_ =	sdelay $0x1  }
0x1e4: {  	[tilespmem:s16+$0x10] =	vst v1  }
0x1e5: {  	v1 =	vld.idx.msk [tilespmem:v4+s12+$0x0], $0xffff  }
0x1e6: {  	v2 =	vld [tilespmem:s16+$0x20]  }
0x1e7: {  	s10 =	sadd.s32 $0x8F0, s10;
	v3 =	vld [tilespmem:s9+$0xFFFFFFF0]  }
0x1e8: {  	v4 =	vmov s10  }
0x1e9: {  	v4 =	vor.u32 $0xF, v4  }
0x1ea: {  	v4 =	vbroadcast v4, $0x0  }
0x1eb: {  	v1 =	vmul.f32 v2, v1  }
.Ltmp2:
0x1ec: {  	(pc) =	sbr.rel @p0 .LBB2_7-.Ltmp2, $3  }
0x1ed: {  	v1 =	vadd.f32 v3, v1;
	_ =	sdelay $0x1  }
0x1ee: {  	[tilespmem:s16+$0x20] =	vst v1;
	v1 =	vld [tilespmem:s16+$0x30]  }
0x1ef: {  	v2 =	vld.idx.msk [tilespmem:v4+s12+$0x0], $0xffff  }
0x1f0: {  	_ = 	snop  }
0x1f1: {  	v3 =	vld [tilespmem:s9+$0x0];
	_ =	sdelay $0x2  }
0x1f2: {  	v1 =	vmul.f32 v1, v2;
	_ =	sdelay $0x1  }
0x1f3: {  	v1 =	vadd.f32 v3, v1;
	_ =	sdelay $0x1  }
0x1f4: {  	[tilespmem:s2+$0x30] =	vst v1  }
0x1f5: {  	_ =	swait.ge [sflag:s26], $0x1000  }
0x1f6: {  	[sflag:s26] =	ssyncset.done $0x0  }
0x1f7: {  	[sflag:s26] =	ssyncadd.s32 $0xFFFFF000  }
0x1f8: {  	_ =	swait.ge [sflag:s26], $0x80  }
0x1f9: {  	[sflag:s26] =	ssyncset.done $0x0  }
0x1fa: {  	[sflag:s26] =	ssyncadd.s32 $0xFFFFFF80  }
0x1fb: {  	_ =	swait.ge [sflag:s26], $0x80  }
0x1fc: {  	[sflag:s26] =	ssyncset.done $0x0  }
0x1fd: {  	[sflag:s26] =	ssyncadd.s32 $0xFFFFFF80  }
0x1fe: {  	_ =	swait.ge [sflag:s26], $0x80  }
0x1ff: {  	[sflag:s26] =	ssyncset.done $0x0  }
0x200: {  	[sflag:s26] =	ssyncadd.s32 $0xFFFFFF80  }
0x201: {  	_ =	swait.ge [sflag:s26], $0x80  }
0x202: {  	[sflag:s26] =	ssyncset.done $0x0  }
0x203: {  	[sflag:s26] =	ssyncadd.s32 $0xFFFFFF80  }
0x204: {  	[tilespmem:s28], [sflag:$0x4] =	stream.indirect.gather [hbm4b:s7+s14], $0x10, s21, s14, $0xb8;
	[tilespmem:$0x1E200] =	vst v63  }
0x205: {  	_ = 	snop  }
0x206: {  	[tilespmem:s29], [sflag:$0x4] =	stream.indirect.gather [hbm4b:s7+s14], $0x10, s23, s14, $0xb8;
	[tilespmem:$0x1E200] =	vst v63  }
0x207: {  	s9 =	simm.s32 $0x200;
	s18 =	simm.s32 $0x400  }
0x208: {  	[spmem:s1] =	stream.indirect.scatter.add.f32 [tilespmem:s18], [sflag:$0x5], $0x10, s9, s14, $0xb8;
	[tilespmem:$0x1E200] =	vst v63  }
0x209: {  	p0 =	seq.s32 s0, $0x61;
	_ =	swait.ge [sflag:s11], $0x800  }
0x20a: {  	s2 =	sadd.s32 @!p0 $0x200, s3;
	[sflag:s11] =	ssyncset.done $0x0  }
0x20b: {  	s10 =	simm.s32 $0x280;
	s8 =	sshll.u32 @!p0 s2, $0x1;
	[sflag:s11] =	ssyncadd.s32 $0xFFFFF800  }
0x20c: {  	[spmem:s1] =	stream.indirect.scatter.add.f32 [tilespmem:s19], [sflag:$0x5], $0x10, s10, s14, $0xb8;
	[tilespmem:$0x1E200] =	vst v63  }
0x20d: {  	s8 =	sand.u32 @!p0 $0x1FFFFC00, s8;
	_ =	swait.ge [sflag:s11], $0x800  }
0x20e: {  	s2 =	sshrl.u32 @!p0 s2, $0x3;
	s8 =	sadd.s32 @!p0 s6, s8;
	[sflag:s11] =	ssyncset.done $0x0  }
0x20f: {  	s9 =	simm.s32 @!p0 $0x0;
	s10 =	simm.s32 @!p0 $0x2400;
	[sflag:s11] =	ssyncadd.s32 $0xFFFFF800  }
0x210: {  	[tilespmem:s10], [sflag:$0x1] =	stream.linear.gather @!p0 [hbm4b:s8+s9], $0x1000, $0x38;
	[tilespmem:$0x1E200] =	vst v63  }
0x211: {  	s8 =	sadd.s32 @!p0 s4, s2  }
0x212: {  	[tilespmem:s9], [sflag:$0x1] =	stream.linear.gather @!p0 [hbm4b:s8+s9], $0x80, $0x38;
	[tilespmem:$0x1E200] =	vst v63  }
0x213: {  	s2 =	sadd.s32 @!p0 s5, s2;
	s8 =	simm.s32 @!p0 $0x200  }
0x214: {  	[tilespmem:s8], [sflag:$0x1] =	stream.linear.gather @!p0 [hbm4b:s2+s9], $0x80, $0x38;
	[tilespmem:$0x1E200] =	vst v63  }
0x215: {  	s2 =	sshrl.u32 @!p0 s3, $0x3  }
0x216: {  	s2 =	sadd.s32 @!p0 $0x50, s2  }
0x217: {  	s8 =	simm.s32 @!p0 $0x80;
	s3 =	sadd.s32 @!p0 s4, s2  }
0x218: {  	[tilespmem:s8], [sflag:$0x1] =	stream.linear.gather @!p0 [hbm4b:s3+s9], $0x80, $0x38;
	[tilespmem:$0x1E200] =	vst v63  }
0x219: {  	s13 =	simm.s32 $0x0;
	s2 =	sadd.s32 @!p0 s5, s2;
	s3 =	simm.s32 @!p0 $0x280  }
0x21a: {  	v1 =	vmov s13;
	[tilespmem:s3], [sflag:$0x1] =	stream.linear.gather @!p0 [hbm4b:s2+s9], $0x80, $0x38;
	[tilespmem:$0x1E200] =	vst v63  }
0x21b: {  	v1 =	vor.u32 $0xF, v1;
	_ =	swait.ge [sflag:s30], $0x800  }
0x21c: {  	v1 =	vbroadcast v1, $0x0;
	[sflag:s30] =	ssyncset.done $0x0  }
0x21d: {  	[sflag:s30] =	ssyncadd.s32 $0xFFFFF800  }
0x21e: {  	_ =	swait.ge [sflag:s30], $0x800  }
0x21f: {  	[sflag:s30] =	ssyncset.done $0x0  }
0x220: {  	s10 =	simm.s32 $0x1440;
	[sflag:s30] =	ssyncadd.s32 $0xFFFFF800  }
0x221: {  	v2 =	vld [tilespmem:s10+$0xFFFFFFC0]  }
0x222: {  	v1 =	vld.idx.msk [tilespmem:v1+s20+$0x0], $0xffff  }
0x223: {  	s15 =	simm.s32 $0x10;
	s2 =	simm.s32 $0x3440  }
0x224: {  	v4 =	vmov s15;
	v3 =	vld [tilespmem:s2+$0xFFFFFFC0]  }
0x225: {  	v4 =	vor.u32 $0xF, v4  }
0x226: {  	v4 =	vbroadcast v4, $0x0  }
0x227: {  	v1 =	vmul.f32 v2, v1;
	_ =	sdelay $0x1  }
0x228: {  	v1 =	vadd.f32 v3, v1;
	_ =	sdelay $0x1  }
0x229: {  	v2 =	vld [tilespmem:s10+$0xFFFFFFD0];
	[tilespmem:s10+$0xFFFFFFC0] =	vst v1  }
0x22a: {  	v1 =	vld.idx.msk [tilespmem:v4+s20+$0x0], $0xffff  }
0x22b: {  	s16 =	simm.s32 $0x20  }
0x22c: {  	v3 =	vld [tilespmem:s2+$0xFFFFFFD0];
	v4 =	vmov s16  }
0x22d: {  	v4 =	vor.u32 $0xF, v4  }
0x22e: {  	v4 =	vbroadcast v4, $0x0  }
0x22f: {  	v1 =	vmul.f32 v2, v1;
	_ =	sdelay $0x1  }
0x230: {  	v1 =	vadd.f32 v3, v1;
	_ =	sdelay $0x1  }
0x231: {  	v2 =	vld [tilespmem:s10+$0xFFFFFFE0];
	[tilespmem:s10+$0xFFFFFFD0] =	vst v1  }
0x232: {  	v1 =	vld.idx.msk [tilespmem:v4+s20+$0x0], $0xffff  }
0x233: {  	s8 =	simm.s32 $0x30  }
0x234: {  	v3 =	vld [tilespmem:s2+$0xFFFFFFE0];
	v4 =	vmov s8  }
0x235: {  	v4 =	vor.u32 $0xF, v4  }
0x236: {  	v4 =	vbroadcast v4, $0x0  }
0x237: {  	v1 =	vmul.f32 v2, v1;
	_ =	sdelay $0x1  }
0x238: {  	v1 =	vadd.f32 v3, v1;
	_ =	sdelay $0x1  }
0x239: {  	v2 =	vld [tilespmem:s10+$0xFFFFFFF0];
	[tilespmem:s10+$0xFFFFFFE0] =	vst v1  }
0x23a: {  	v1 =	vld.idx.msk [tilespmem:v4+s20+$0x0], $0xffff  }
0x23b: {  	s9 =	simm.s32 $0x40  }
0x23c: {  	v3 =	vld [tilespmem:s2+$0xFFFFFFF0];
	v4 =	vmov s9  }
0x23d: {  	v4 =	vor.u32 $0xF, v4  }
0x23e: {  	v4 =	vbroadcast v4, $0x0  }
0x23f: {  	v1 =	vmul.f32 v2, v1;
	_ =	sdelay $0x1  }
0x240: {  	v1 =	vadd.f32 v3, v1;
	_ =	sdelay $0x1  }
0x241: {  	v2 =	vld [tilespmem:s10+$0x0];
	[tilespmem:s10+$0xFFFFFFF0] =	vst v1  }
0x242: {  	v1 =	vld.idx.msk [tilespmem:v4+s20+$0x0], $0xffff  }
0x243: {  	s13 =	simm.s32 $0x50  }
0x244: {  	v3 =	vld [tilespmem:s2+$0x0];
	v4 =	vmov s13  }
0x245: {  	v4 =	vor.u32 $0xF, v4  }
0x246: {  	v4 =	vbroadcast v4, $0x0  }
0x247: {  	v1 =	vmul.f32 v2, v1;
	_ =	sdelay $0x1  }
0x248: {  	v1 =	vadd.f32 v3, v1;
	_ =	sdelay $0x1  }
0x249: {  	v2 =	vld [tilespmem:s10+$0x10];
	[tilespmem:s10+$0x0] =	vst v1  }
0x24a: {  	v1 =	vld.idx.msk [tilespmem:v4+s20+$0x0], $0xffff  }
0x24b: {  	s15 =	simm.s32 $0x60  }
0x24c: {  	v3 =	vld [tilespmem:s2+$0x10];
	v4 =	vmov s15  }
0x24d: {  	v4 =	vor.u32 $0xF, v4  }
0x24e: {  	v4 =	vbroadcast v4, $0x0  }
0x24f: {  	v1 =	vmul.f32 v2, v1;
	_ =	sdelay $0x1  }
0x250: {  	v1 =	vadd.f32 v3, v1;
	_ =	sdelay $0x1  }
0x251: {  	v2 =	vld [tilespmem:s10+$0x20];
	[tilespmem:s10+$0x10] =	vst v1  }
0x252: {  	v1 =	vld.idx.msk [tilespmem:v4+s20+$0x0], $0xffff  }
0x253: {  	s16 =	simm.s32 $0x70  }
0x254: {  	v3 =	vld [tilespmem:s2+$0x20];
	v4 =	vmov s16  }
0x255: {  	v4 =	vor.u32 $0xF, v4  }
0x256: {  	v4 =	vbroadcast v4, $0x0  }
0x257: {  	v1 =	vmul.f32 v2, v1;
	_ =	sdelay $0x1  }
0x258: {  	v1 =	vadd.f32 v3, v1;
	_ =	sdelay $0x1  }
0x259: {  	[tilespmem:s10+$0x20] =	vst v1;
	v1 =	vld [tilespmem:s10+$0x30]  }
0x25a: {  	v3 =	vld.idx.msk [tilespmem:v4+s20+$0x0], $0xffff  }
0x25b: {  	s8 =	simm.s32 $0x10;
	s13 =	simm.s32 $0x80;
	s15 =	simm.s32 $0x1440;
	v2 =	vld [tilespmem:s2+$0x30]  }
.LBB2_9:
0x25c: {  	p0 =	slt.u32 s8, $0x78;
	v4 =	vmov s13  }
0x25d: {  	v4 =	vor.u32 $0xF, v4  }
0x25e: {  	v4 =	vbroadcast v4, $0x0  }
0x25f: {  	v1 =	vmul.f32 v1, v3;
	_ =	sdelay $0x1  }
0x260: {  	v1 =	vadd.f32 v2, v1  }
0x261: {  	s10 =	sadd.s32 $0x80, s10  }
0x262: {  	s9 =	simm.s32 $0x1C40;
	s3 =	simm.s32 $0x3C70;
	v2 =	vld [tilespmem:s10+$0xFFFFFFC0];
	[tilespmem:s15+$0x30] =	vst v1  }
0x263: {  	s2 =	sadd.s32 $0x80, s2;
	s15 =	smov.u32 s10;
	v1 =	vld.idx.msk [tilespmem:v4+s20+$0x0], $0xffff  }
0x264: {  	v3 =	vld [tilespmem:s2+$0xFFFFFFC0]  }
0x265: {  	s16 =	sadd.s32 $0x10, s13  }
0x266: {  	v4 =	vmov s16  }
0x267: {  	v4 =	vor.u32 $0xF, v4  }
0x268: {  	v4 =	vbroadcast v4, $0x0  }
0x269: {  	v1 =	vmul.f32 v2, v1;
	_ =	sdelay $0x1  }
0x26a: {  	v1 =	vadd.f32 v3, v1;
	_ =	sdelay $0x1  }
0x26b: {  	[tilespmem:s10+$0xFFFFFFC0] =	vst v1  }
0x26c: {  	v1 =	vld.idx.msk [tilespmem:v4+s20+$0x0], $0xffff  }
0x26d: {  	v2 =	vld [tilespmem:s10+$0xFFFFFFD0]  }
0x26e: {  	s16 =	sadd.s32 $0x20, s13  }
0x26f: {  	v4 =	vmov s16;
	v3 =	vld [tilespmem:s2+$0xFFFFFFD0]  }
0x270: {  	v4 =	vor.u32 $0xF, v4  }
0x271: {  	v4 =	vbroadcast v4, $0x0  }
0x272: {  	v1 =	vmul.f32 v2, v1;
	_ =	sdelay $0x1  }
0x273: {  	v1 =	vadd.f32 v3, v1;
	_ =	sdelay $0x1  }
0x274: {  	[tilespmem:s10+$0xFFFFFFD0] =	vst v1  }
0x275: {  	v1 =	vld.idx.msk [tilespmem:v4+s20+$0x0], $0xffff  }
0x276: {  	v2 =	vld [tilespmem:s10+$0xFFFFFFE0]  }
0x277: {  	s16 =	sadd.s32 $0x30, s13  }
0x278: {  	v4 =	vmov s16;
	v3 =	vld [tilespmem:s2+$0xFFFFFFE0]  }
0x279: {  	v4 =	vor.u32 $0xF, v4  }
0x27a: {  	v4 =	vbroadcast v4, $0x0  }
0x27b: {  	v1 =	vmul.f32 v2, v1;
	_ =	sdelay $0x1  }
0x27c: {  	v1 =	vadd.f32 v3, v1;
	_ =	sdelay $0x1  }
0x27d: {  	[tilespmem:s10+$0xFFFFFFE0] =	vst v1  }
0x27e: {  	v1 =	vld.idx.msk [tilespmem:v4+s20+$0x0], $0xffff  }
0x27f: {  	v2 =	vld [tilespmem:s10+$0xFFFFFFF0]  }
0x280: {  	s16 =	sadd.s32 $0x40, s13  }
0x281: {  	v4 =	vmov s16;
	v3 =	vld [tilespmem:s2+$0xFFFFFFF0]  }
0x282: {  	v4 =	vor.u32 $0xF, v4  }
0x283: {  	v4 =	vbroadcast v4, $0x0  }
0x284: {  	v1 =	vmul.f32 v2, v1;
	_ =	sdelay $0x1  }
0x285: {  	v1 =	vadd.f32 v3, v1;
	_ =	sdelay $0x1  }
0x286: {  	[tilespmem:s10+$0xFFFFFFF0] =	vst v1  }
0x287: {  	v1 =	vld.idx.msk [tilespmem:v4+s20+$0x0], $0xffff  }
0x288: {  	v2 =	vld [tilespmem:s10+$0x0]  }
0x289: {  	s16 =	sadd.s32 $0x50, s13  }
0x28a: {  	v4 =	vmov s16;
	v3 =	vld [tilespmem:s2+$0x0]  }
0x28b: {  	v4 =	vor.u32 $0xF, v4  }
0x28c: {  	v4 =	vbroadcast v4, $0x0  }
0x28d: {  	v1 =	vmul.f32 v2, v1;
	_ =	sdelay $0x1  }
0x28e: {  	v1 =	vadd.f32 v3, v1;
	_ =	sdelay $0x1  }
0x28f: {  	[tilespmem:s10+$0x0] =	vst v1  }
0x290: {  	v1 =	vld.idx.msk [tilespmem:v4+s20+$0x0], $0xffff  }
0x291: {  	v2 =	vld [tilespmem:s10+$0x10]  }
0x292: {  	s16 =	sadd.s32 $0x60, s13  }
0x293: {  	v4 =	vmov s16;
	v3 =	vld [tilespmem:s2+$0x10]  }
0x294: {  	v4 =	vor.u32 $0xF, v4  }
0x295: {  	v4 =	vbroadcast v4, $0x0  }
0x296: {  	v1 =	vmul.f32 v2, v1;
	_ =	sdelay $0x1  }
0x297: {  	v1 =	vadd.f32 v3, v1;
	_ =	sdelay $0x1  }
0x298: {  	[tilespmem:s10+$0x10] =	vst v1  }
0x299: {  	v1 =	vld.idx.msk [tilespmem:v4+s20+$0x0], $0xffff  }
0x29a: {  	v2 =	vld [tilespmem:s10+$0x20]  }
0x29b: {  	s13 =	sadd.s32 $0x70, s13;
	v3 =	vld [tilespmem:s2+$0x20]  }
0x29c: {  	v4 =	vmov s13  }
0x29d: {  	v4 =	vor.u32 $0xF, v4  }
0x29e: {  	v4 =	vbroadcast v4, $0x0  }
0x29f: {  	v1 =	vmul.f32 v2, v1;
	_ =	sdelay $0x1  }
0x2a0: {  	v1 =	vadd.f32 v3, v1  }
.Ltmp3:
0x2a1: {  	(pc) =	sbr.rel @p0 .LBB2_9-.Ltmp3, $4  }
0x2a2: {  	[tilespmem:s10+$0x20] =	vst v1;
	v1 =	vld [tilespmem:s10+$0x30]  }
0x2a3: {  	v3 =	vld.idx.msk [tilespmem:v4+s20+$0x0], $0xffff  }
0x2a4: {  	v2 =	vld [tilespmem:s2+$0x30]  }
0x2a5: {  	s13 =	sshll.u32 s8, $0x4;
	s8 =	sadd.s32 $0x8, s8  }
0x2a6: {  	v4 =	vmov s13  }
0x2a7: {  	v4 =	vor.u32 $0xF, v4  }
0x2a8: {  	v4 =	vbroadcast v4, $0x0  }
0x2a9: {  	v1 =	vmul.f32 v1, v3;
	_ =	sdelay $0x1  }
0x2aa: {  	v1 =	vadd.f32 v2, v1  }
0x2ab: {  	s8 =	sadd.s32 $0x80, s10  }
0x2ac: {  	v2 =	vld [tilespmem:s8+$0xFFFFFFC0];
	[tilespmem:s15+$0x30] =	vst v1  }
0x2ad: {  	v1 =	vld.idx.msk [tilespmem:v4+s20+$0x0], $0xffff  }
0x2ae: {  	s2 =	sadd.s32 $0x80, s2;
	s16 =	sadd.s32 $0x10, s13  }
0x2af: {  	v49 =	vmov s16;
	v3 =	vld [tilespmem:s2+$0xFFFFFFC0]  }
0x2b0: {  	v4 =	vor.u32 $0xF, v49  }
0x2b1: {  	v4 =	vbroadcast v4, $0x0  }
0x2b2: {  	v1 =	vmul.f32 v2, v1;
	_ =	sdelay $0x1  }
0x2b3: {  	v1 =	vadd.f32 v3, v1;
	_ =	sdelay $0x1  }
0x2b4: {  	v2 =	vld [tilespmem:s8+$0xFFFFFFD0];
	[tilespmem:s8+$0xFFFFFFC0] =	vst v1  }
0x2b5: {  	v1 =	vld.idx.msk [tilespmem:v4+s20+$0x0], $0xffff  }
0x2b6: {  	s15 =	sadd.s32 $0x20, s13  }
0x2b7: {  	v50 =	vmov s15;
	v3 =	vld [tilespmem:s2+$0xFFFFFFD0]  }
0x2b8: {  	v4 =	vor.u32 $0xF, v50  }
0x2b9: {  	v4 =	vbroadcast v4, $0x0  }
0x2ba: {  	v1 =	vmul.f32 v2, v1;
	_ =	sdelay $0x1  }
0x2bb: {  	v1 =	vadd.f32 v3, v1;
	_ =	sdelay $0x1  }
0x2bc: {  	v2 =	vld [tilespmem:s8+$0xFFFFFFE0];
	[tilespmem:s8+$0xFFFFFFD0] =	vst v1  }
0x2bd: {  	v1 =	vld.idx.msk [tilespmem:v4+s20+$0x0], $0xffff  }
0x2be: {  	s16 =	sadd.s32 $0x30, s13  }
0x2bf: {  	v51 =	vmov s16;
	v3 =	vld [tilespmem:s2+$0xFFFFFFE0]  }
0x2c0: {  	v4 =	vor.u32 $0xF, v51  }
0x2c1: {  	v4 =	vbroadcast v4, $0x0  }
0x2c2: {  	v1 =	vmul.f32 v2, v1;
	_ =	sdelay $0x1  }
0x2c3: {  	v1 =	vadd.f32 v3, v1;
	_ =	sdelay $0x1  }
0x2c4: {  	v2 =	vld [tilespmem:s8+$0xFFFFFFF0];
	[tilespmem:s8+$0xFFFFFFE0] =	vst v1  }
0x2c5: {  	v1 =	vld.idx.msk [tilespmem:v4+s20+$0x0], $0xffff  }
0x2c6: {  	s15 =	sadd.s32 $0x40, s13  }
0x2c7: {  	v52 =	vmov s15;
	v3 =	vld [tilespmem:s2+$0xFFFFFFF0]  }
0x2c8: {  	v4 =	vor.u32 $0xF, v52  }
0x2c9: {  	v4 =	vbroadcast v4, $0x0  }
0x2ca: {  	v1 =	vmul.f32 v2, v1;
	_ =	sdelay $0x1  }
0x2cb: {  	v1 =	vadd.f32 v3, v1;
	_ =	sdelay $0x1  }
0x2cc: {  	v2 =	vld [tilespmem:s8+$0x0];
	[tilespmem:s8+$0xFFFFFFF0] =	vst v1  }
0x2cd: {  	v1 =	vld.idx.msk [tilespmem:v4+s20+$0x0], $0xffff  }
0x2ce: {  	s16 =	sadd.s32 $0x50, s13  }
0x2cf: {  	v53 =	vmov s16;
	v3 =	vld [tilespmem:s2+$0x0]  }
0x2d0: {  	v4 =	vor.u32 $0xF, v53  }
0x2d1: {  	v4 =	vbroadcast v4, $0x0  }
0x2d2: {  	v1 =	vmul.f32 v2, v1;
	_ =	sdelay $0x1  }
0x2d3: {  	v1 =	vadd.f32 v3, v1;
	_ =	sdelay $0x1  }
0x2d4: {  	v2 =	vld [tilespmem:s8+$0x10];
	[tilespmem:s8+$0x0] =	vst v1  }
0x2d5: {  	v1 =	vld.idx.msk [tilespmem:v4+s20+$0x0], $0xffff  }
0x2d6: {  	s15 =	sadd.s32 $0x60, s13  }
0x2d7: {  	v54 =	vmov s15;
	v3 =	vld [tilespmem:s2+$0x10]  }
0x2d8: {  	v4 =	vor.u32 $0xF, v54  }
0x2d9: {  	v4 =	vbroadcast v4, $0x0  }
0x2da: {  	v1 =	vmul.f32 v2, v1;
	_ =	sdelay $0x1  }
0x2db: {  	v1 =	vadd.f32 v3, v1;
	_ =	sdelay $0x1  }
0x2dc: {  	v2 =	vld [tilespmem:s8+$0x20];
	[tilespmem:s8+$0x10] =	vst v1  }
0x2dd: {  	v1 =	vld.idx.msk [tilespmem:v4+s20+$0x0], $0xffff  }
0x2de: {  	s16 =	sadd.s32 $0x70, s13  }
0x2df: {  	v55 =	vmov s16;
	v3 =	vld [tilespmem:s2+$0x20]  }
0x2e0: {  	v4 =	vor.u32 $0xF, v55  }
0x2e1: {  	v4 =	vbroadcast v4, $0x0  }
0x2e2: {  	v1 =	vmul.f32 v2, v1;
	_ =	sdelay $0x1  }
0x2e3: {  	v1 =	vadd.f32 v3, v1;
	_ =	sdelay $0x1  }
0x2e4: {  	[tilespmem:s8+$0x20] =	vst v1;
	v1 =	vld [tilespmem:s8+$0x30]  }
0x2e5: {  	v2 =	vld.idx.msk [tilespmem:v4+s20+$0x0], $0xffff;
	_ =	sdelay $0x1  }
0x2e6: {  	s13 =	simm.s32 $0x800;
	v3 =	vld [tilespmem:s2+$0x30]  }
0x2e7: {  	v56 =	vmov s13  }
0x2e8: {  	v4 =	vor.u32 $0xF, v56  }
0x2e9: {  	v1 =	vmul.f32 v1, v2;
	v2 =	vbroadcast v4, $0x0;
	_ =	sdelay $0x1  }
0x2ea: {  	v1 =	vadd.f32 v3, v1;
	_ =	sdelay $0x1  }
0x2eb: {  	[tilespmem:s8+$0x30] =	vst v1  }
0x2ec: {  	v1 =	vld [tilespmem:s9+$0xFFFFFFC0]  }
0x2ed: {  	v2 =	vld.idx.msk [tilespmem:v2+s20+$0x0], $0xffff  }
0x2ee: {  	s15 =	simm.s32 $0x810  }
0x2ef: {  	v57 =	vmov s15;
	v3 =	vld [tilespmem:s3+$0xFFFFFF90]  }
0x2f0: {  	v4 =	vor.u32 $0xF, v57  }
0x2f1: {  	v4 =	vbroadcast v4, $0x0  }
0x2f2: {  	v1 =	vmul.f32 v1, v2;
	_ =	sdelay $0x1  }
0x2f3: {  	v1 =	vadd.f32 v3, v1;
	_ =	sdelay $0x1  }
0x2f4: {  	v2 =	vld [tilespmem:s9+$0xFFFFFFD0];
	[tilespmem:s9+$0xFFFFFFC0] =	vst v1  }
0x2f5: {  	v1 =	vld.idx.msk [tilespmem:v4+s20+$0x0], $0xffff  }
0x2f6: {  	s16 =	simm.s32 $0x820  }
0x2f7: {  	v58 =	vmov s16;
	v3 =	vld [tilespmem:s3+$0xFFFFFFA0]  }
0x2f8: {  	v4 =	vor.u32 $0xF, v58  }
0x2f9: {  	v4 =	vbroadcast v4, $0x0  }
0x2fa: {  	v1 =	vmul.f32 v2, v1;
	_ =	sdelay $0x1  }
0x2fb: {  	v1 =	vadd.f32 v3, v1;
	_ =	sdelay $0x1  }
0x2fc: {  	v2 =	vld [tilespmem:s9+$0xFFFFFFE0];
	[tilespmem:s9+$0xFFFFFFD0] =	vst v1  }
0x2fd: {  	v1 =	vld.idx.msk [tilespmem:v4+s20+$0x0], $0xffff  }
0x2fe: {  	s8 =	simm.s32 $0x830  }
0x2ff: {  	v59 =	vmov s8;
	v3 =	vld [tilespmem:s3+$0xFFFFFFB0]  }
0x300: {  	v4 =	vor.u32 $0xF, v59  }
0x301: {  	v4 =	vbroadcast v4, $0x0  }
0x302: {  	v1 =	vmul.f32 v2, v1;
	_ =	sdelay $0x1  }
0x303: {  	v1 =	vadd.f32 v3, v1;
	_ =	sdelay $0x1  }
0x304: {  	v2 =	vld [tilespmem:s9+$0xFFFFFFF0];
	[tilespmem:s9+$0xFFFFFFE0] =	vst v1  }
0x305: {  	v1 =	vld.idx.msk [tilespmem:v4+s20+$0x0], $0xffff  }
0x306: {  	s10 =	simm.s32 $0x840  }
0x307: {  	v60 =	vmov s10;
	v3 =	vld [tilespmem:s3+$0xFFFFFFC0]  }
0x308: {  	v4 =	vor.u32 $0xF, v60  }
0x309: {  	v4 =	vbroadcast v4, $0x0  }
0x30a: {  	v1 =	vmul.f32 v2, v1;
	_ =	sdelay $0x1  }
0x30b: {  	v1 =	vadd.f32 v3, v1;
	_ =	sdelay $0x1  }
0x30c: {  	v2 =	vld [tilespmem:s9+$0x0];
	[tilespmem:s9+$0xFFFFFFF0] =	vst v1  }
0x30d: {  	v1 =	vld.idx.msk [tilespmem:v4+s20+$0x0], $0xffff  }
0x30e: {  	s13 =	simm.s32 $0x850  }
0x30f: {  	v61 =	vmov s13;
	v3 =	vld [tilespmem:s3+$0xFFFFFFD0]  }
0x310: {  	v4 =	vor.u32 $0xF, v61  }
0x311: {  	v4 =	vbroadcast v4, $0x0  }
0x312: {  	v1 =	vmul.f32 v2, v1;
	_ =	sdelay $0x1  }
0x313: {  	v1 =	vadd.f32 v3, v1;
	_ =	sdelay $0x1  }
0x314: {  	v2 =	vld [tilespmem:s9+$0x10];
	[tilespmem:s9+$0x0] =	vst v1  }
0x315: {  	v1 =	vld.idx.msk [tilespmem:v4+s20+$0x0], $0xffff  }
0x316: {  	s15 =	simm.s32 $0x860  }
0x317: {  	v62 =	vmov s15;
	v3 =	vld [tilespmem:s3+$0xFFFFFFE0]  }
0x318: {  	v4 =	vor.u32 $0xF, v62  }
0x319: {  	v4 =	vbroadcast v4, $0x0  }
0x31a: {  	v1 =	vmul.f32 v2, v1;
	_ =	sdelay $0x1  }
0x31b: {  	v1 =	vadd.f32 v3, v1;
	_ =	sdelay $0x1  }
0x31c: {  	v2 =	vld [tilespmem:s9+$0x20];
	[tilespmem:s9+$0x10] =	vst v1  }
0x31d: {  	v1 =	vld.idx.msk [tilespmem:v4+s20+$0x0], $0xffff  }
0x31e: {  	s16 =	simm.s32 $0x870  }
0x31f: {  	v63 =	vmov s16;
	v3 =	vld [tilespmem:s3+$0xFFFFFFF0]  }
0x320: {  	v4 =	vor.u32 $0xF, v63  }
0x321: {  	v4 =	vbroadcast v4, $0x0  }
0x322: {  	v1 =	vmul.f32 v2, v1;
	_ =	sdelay $0x1  }
0x323: {  	v1 =	vadd.f32 v3, v1;
	_ =	sdelay $0x1  }
0x324: {  	[tilespmem:s9+$0x20] =	vst v1;
	v1 =	vld [tilespmem:s9+$0x30]  }
0x325: {  	s2 =	simm.s32 $0x1C40;
	s8 =	simm.s32 $0x0;
	v2 =	vld.idx.msk [tilespmem:v4+s20+$0x0], $0xffff  }
.LBB2_11:
0x326: {  	s10 =	sshll.u32 s8, $0x4;
	s8 =	sadd.s32 $0x8, s8;
	v3 =	vld [tilespmem:s3+$0x0]  }
0x327: {  	s13 =	sadd.s32 $0x880, s10;
	p0 =	slt.u32 s8, $0x78  }
0x328: {  	v4 =	vmov s13  }
0x329: {  	v4 =	vor.u32 $0xF, v4  }
0x32a: {  	v4 =	vbroadcast v4, $0x0  }
0x32b: {  	v1 =	vmul.f32 v1, v2;
	_ =	sdelay $0x1  }
0x32c: {  	v1 =	vadd.f32 v3, v1  }
0x32d: {  	s9 =	sadd.s32 $0x80, s9  }
0x32e: {  	v2 =	vld [tilespmem:s9+$0xFFFFFFC0];
	[tilespmem:s2+$0x30] =	vst v1;
	s2 =	smov.u32 s9  }
0x32f: {  	s3 =	sadd.s32 $0x80, s3;
	v1 =	vld.idx.msk [tilespmem:v4+s20+$0x0], $0xffff  }
0x330: {  	v3 =	vld [tilespmem:s3+$0xFFFFFF90]  }
0x331: {  	s13 =	sadd.s32 $0x890, s10  }
0x332: {  	v4 =	vmov s13  }
0x333: {  	v4 =	vor.u32 $0xF, v4  }
0x334: {  	v4 =	vbroadcast v4, $0x0  }
0x335: {  	v1 =	vmul.f32 v2, v1;
	_ =	sdelay $0x1  }
0x336: {  	v1 =	vadd.f32 v3, v1;
	_ =	sdelay $0x1  }
0x337: {  	[tilespmem:s9+$0xFFFFFFC0] =	vst v1  }
0x338: {  	v1 =	vld.idx.msk [tilespmem:v4+s20+$0x0], $0xffff  }
0x339: {  	v2 =	vld [tilespmem:s9+$0xFFFFFFD0]  }
0x33a: {  	s13 =	sadd.s32 $0x8A0, s10  }
0x33b: {  	v4 =	vmov s13;
	v3 =	vld [tilespmem:s3+$0xFFFFFFA0]  }
0x33c: {  	v4 =	vor.u32 $0xF, v4  }
0x33d: {  	v4 =	vbroadcast v4, $0x0  }
0x33e: {  	v1 =	vmul.f32 v2, v1;
	_ =	sdelay $0x1  }
0x33f: {  	v1 =	vadd.f32 v3, v1;
	_ =	sdelay $0x1  }
0x340: {  	[tilespmem:s9+$0xFFFFFFD0] =	vst v1  }
0x341: {  	v1 =	vld.idx.msk [tilespmem:v4+s20+$0x0], $0xffff  }
0x342: {  	v2 =	vld [tilespmem:s9+$0xFFFFFFE0]  }
0x343: {  	s13 =	sadd.s32 $0x8B0, s10  }
0x344: {  	v4 =	vmov s13;
	v3 =	vld [tilespmem:s3+$0xFFFFFFB0]  }
0x345: {  	v4 =	vor.u32 $0xF, v4  }
0x346: {  	v4 =	vbroadcast v4, $0x0  }
0x347: {  	v1 =	vmul.f32 v2, v1;
	_ =	sdelay $0x1  }
0x348: {  	v1 =	vadd.f32 v3, v1;
	_ =	sdelay $0x1  }
0x349: {  	[tilespmem:s9+$0xFFFFFFE0] =	vst v1  }
0x34a: {  	v1 =	vld.idx.msk [tilespmem:v4+s20+$0x0], $0xffff  }
0x34b: {  	v2 =	vld [tilespmem:s9+$0xFFFFFFF0]  }
0x34c: {  	s13 =	sadd.s32 $0x8C0, s10  }
0x34d: {  	v4 =	vmov s13;
	v3 =	vld [tilespmem:s3+$0xFFFFFFC0]  }
0x34e: {  	v4 =	vor.u32 $0xF, v4  }
0x34f: {  	v4 =	vbroadcast v4, $0x0  }
0x350: {  	v1 =	vmul.f32 v2, v1;
	_ =	sdelay $0x1  }
0x351: {  	v1 =	vadd.f32 v3, v1;
	_ =	sdelay $0x1  }
0x352: {  	[tilespmem:s9+$0xFFFFFFF0] =	vst v1  }
0x353: {  	v1 =	vld.idx.msk [tilespmem:v4+s20+$0x0], $0xffff  }
0x354: {  	v2 =	vld [tilespmem:s9+$0x0]  }
0x355: {  	s13 =	sadd.s32 $0x8D0, s10  }
0x356: {  	v4 =	vmov s13;
	v3 =	vld [tilespmem:s3+$0xFFFFFFD0]  }
0x357: {  	v4 =	vor.u32 $0xF, v4  }
0x358: {  	v4 =	vbroadcast v4, $0x0  }
0x359: {  	v1 =	vmul.f32 v2, v1;
	_ =	sdelay $0x1  }
0x35a: {  	v1 =	vadd.f32 v3, v1;
	_ =	sdelay $0x1  }
0x35b: {  	[tilespmem:s9+$0x0] =	vst v1  }
0x35c: {  	v1 =	vld.idx.msk [tilespmem:v4+s20+$0x0], $0xffff  }
0x35d: {  	v2 =	vld [tilespmem:s9+$0x10]  }
0x35e: {  	s13 =	sadd.s32 $0x8E0, s10  }
0x35f: {  	v4 =	vmov s13;
	v3 =	vld [tilespmem:s3+$0xFFFFFFE0]  }
0x360: {  	v4 =	vor.u32 $0xF, v4  }
0x361: {  	v4 =	vbroadcast v4, $0x0  }
0x362: {  	v1 =	vmul.f32 v2, v1;
	_ =	sdelay $0x1  }
0x363: {  	v1 =	vadd.f32 v3, v1;
	_ =	sdelay $0x1  }
0x364: {  	[tilespmem:s9+$0x10] =	vst v1  }
0x365: {  	v1 =	vld.idx.msk [tilespmem:v4+s20+$0x0], $0xffff  }
0x366: {  	v2 =	vld [tilespmem:s9+$0x20]  }
0x367: {  	s10 =	sadd.s32 $0x8F0, s10;
	v3 =	vld [tilespmem:s3+$0xFFFFFFF0]  }
0x368: {  	v4 =	vmov s10  }
0x369: {  	v4 =	vor.u32 $0xF, v4  }
0x36a: {  	v4 =	vbroadcast v4, $0x0  }
0x36b: {  	v1 =	vmul.f32 v2, v1  }
.Ltmp4:
0x36c: {  	(pc) =	sbr.rel @p0 .LBB2_11-.Ltmp4, $3  }
0x36d: {  	v1 =	vadd.f32 v3, v1;
	_ =	sdelay $0x1  }
0x36e: {  	[tilespmem:s9+$0x20] =	vst v1;
	v1 =	vld [tilespmem:s9+$0x30]  }
0x36f: {  	v2 =	vld.idx.msk [tilespmem:v4+s20+$0x0], $0xffff  }
0x370: {  	_ = 	snop  }
0x371: {  	v3 =	vld [tilespmem:s3+$0x0];
	_ =	sdelay $0x2  }
0x372: {  	v1 =	vmul.f32 v1, v2;
	_ =	sdelay $0x1  }
0x373: {  	v1 =	vadd.f32 v3, v1;
	_ =	sdelay $0x1  }
0x374: {  	[tilespmem:s2+$0x30] =	vst v1  }
0x375: {  	[spmem:s1] =	stream.indirect.scatter.add.f32 [tilespmem:s28], [sflag:$0x5], $0x10, s22, s14, $0xb8;
	[tilespmem:$0x1E200] =	vst v63  }
0x376: {  	s0 =	sadd.s32 $0x1, s0;
	_ =	swait.ge [sflag:s11], $0x800  }
0x377: {  	p0 =	sne.s32 s0, $0x62;
	[sflag:s11] =	ssyncset.done $0x0  }
.Ltmp5:
0x378: {  	[sflag:s11] =	ssyncadd.s32 $0xFFFFF800;
	(pc) =	sbr.rel @p0 .LBB2_4-.Ltmp5, $4  }
0x379: {  	[spmem:s1] =	stream.indirect.scatter.add.f32 [tilespmem:s29], [sflag:$0x5], $0x10, s24, s14, $0xb8;
	[tilespmem:$0x1E200] =	vst v63  }
0x37a: {  	_ =	swait.ge [sflag:s11], $0x800  }
0x37b: {  	[sflag:s11] =	ssyncset.done $0x0  }
0x37c: {  	[sflag:s11] =	ssyncadd.s32 $0xFFFFF800  }
0x37d: {  	s0 =	stileid.u32;
	[bflag:$0x0] =	sbarrier.arrive $0xFFFF  }
0x37e: {  	s0 =	sshll.u32 s0, $0x6;
	s2 =	rddreg [dreg:$0xa]  }
0x37f: {  	s3 =	rddreg [dreg:$0x15];
	s0 =	sor.u32 $0x1C05, s0  }
0x380: {  	[hbm:s2], [sflag:s0] =	dma.local [spmem:s3], $0x30E0  }
0x381: {  	_ =	swait.ge [sflag:s11], $0x30E0  }
0x382: {  	s13 =	rddreg [dreg:$0x3]  }
0x383: {  	s16 =	rddreg [dreg:$0xb];
	s13 =	sadd.s32 $0x1, s13  }
0x384: {  	p0 =	sne.s32 s13, s16  }
.Ltmp6:
0x385: {  	_ = 	snop;
	(pc) =	sbr.rel @p0 .LBB2_1-.Ltmp6, $3  }
0x386: {  	_ =	sdelay $0x1  }
0x387: {  	[sflag:s11] =	ssyncset.done $0x0  }
0x388: {  	[sflag:s11] =	ssyncadd.s32 $0xFFFFCF20  }
0x389: {  	_ =	sfence.sel $0x180000  }
0x38a: {  	[bflag:$0x0] =	sbarrier.arrive $0xFFFF  }
0x38b: {  	_ =	strace $0x90000047  }
0x38c: {  	s0 =	stileid.u32;
	[bflag:$0x2] =	sbarrier.arrive $0xFFFF  }
0x38d: {  	p0 =	sne.s32 s0, $0x0;
	s0 =	rddreg [dreg:$0x2]  }
0x38e: {  	s0 =	sadd.s32 @!p0 $0x100000, s0  }
0x38f: {  	[sflag:s0] =	ssyncadd.tile.s32 @!p0 $0x1;
	_ =	shalt  }
.Lfunc_end2:
_tile_overlayer_lowered:
.L_overlay_start_2:
0x390: {  	(tag) =	ssettag $0x2  }
0x391: {  	s0 =	rddreg [dreg:$0x0];
	s2 =	stileid.u32  }
0x392: {  	s1 =	rddreg [dreg:$0x1];
	p0 =	sne.s32 s2, $0x0  }
0x393: {  	s3 =	rddreg [dreg:$0x2];
	[bflag:$0x3] =	sbarrier.arrive $0xFFFF;
	s2 =	simm.s32 @!p0 $0x1C05  }
0x394: {  	[timem:s3], [sflag:s2] =	dma.local @!p0 [hbm:s0], s1  }
0x395: {  	s0 =	simm.s32 @!p0 $0x5  }
0x396: {  	_ =	swait.ge @!p0 [sflag:s0], s1  }
0x397: {  	s1 =	ssub.s32 @!p0 $0x0, s1;
	[sflag:s0] =	ssyncset.done @!p0 $0x0  }
0x398: {  	[sflag:s0] =	ssyncadd.s32 @!p0 s1  }
0x399: {  	[bflag:$0x3] =	sbarrier.arrive $0xFFFF  }
0x39a: {  	_ =	shalt  }

</sc_bundles>
